<compile_context>
chip_gen: v7x
topology: tpu7x:2x2x1
jax: 0.10.2.dev20260603
libtpu: 0.0.44.dev20260713+nightly
codegen_flags: <defaults>
</compile_context>

<pallas_src>
import functools

import jax
import jax.numpy as jnp
from jax import lax
from jax.experimental import pallas as pl
from jax.experimental.pallas import tpu as pltpu
from jax.experimental.pallas import tpu_sc as plsc

N = 10000
E = 320000
NC = 2
NS = 16
NW = NC * NS
EPT = E // NW
B = 80
NP = 10240
RPT = NP // NS


NCH = EPT // B
U = 4


def _sc_scatter_add(F):
  mesh = plsc.VectorSubcoreMesh(core_axis_name="c", subcore_axis_name="s")

  @functools.partial(
      pl.kernel,
      out_type=jax.ShapeDtypeStruct((NC * NP, F), jnp.float32),
      mesh=mesh,
      scratch_types=[
          [pltpu.VMEM((B,), jnp.int32)] * U,
          [pltpu.VMEM((B,), jnp.int32)] * U,
          [pltpu.VMEM((B, F), jnp.float32)] * U,
          pltpu.VMEM_SHARED((NP, F), jnp.float32),
          [pltpu.SemaphoreType.DMA] * U,
      ],
  )
  def k(hp_hbm, src_hbm, dst_hbm, zeros_hbm, out_hbm,
        sidx, didx, rows, acc, gsem):
    cid = lax.axis_index("c")
    sid = lax.axis_index("s")
    base = (cid * NS + sid) * EPT
    pltpu.sync_copy(zeros_hbm.at[pl.ds(sid * RPT, RPT)],
                    acc.at[pl.ds(sid * RPT, RPT)])
    plsc.subcore_barrier()

    def load_idx(u, off):
      pltpu.sync_copy(src_hbm.at[pl.ds(off, B)], sidx[u])
      pltpu.sync_copy(dst_hbm.at[pl.ds(off, B)], didx[u])

    def gather(u):
      return pltpu.async_copy(hp_hbm.at[sidx[u]], rows[u], gsem[u])

    def scatter(u):
      pltpu.sync_copy(rows[u], acc.at[didx[u]], add=True)

    def body(j, carry):
      off = base + j * (U * B)
      load_idx(0, off)
      cp = gather(0)
      for u in range(1, U):
        load_idx(u, off + u * B)
        cp.wait()
        cp = gather(u)
        scatter(u - 1)
      cp.wait()
      scatter(U - 1)
      return carry

    lax.fori_loop(0, NCH // U, body, 0)
    for t in range(NCH - NCH % U, NCH):
      load_idx(0, base + t * B)
      gather(0).wait()
      scatter(0)
    plsc.subcore_barrier()
    pltpu.sync_copy(acc.at[pl.ds(sid * RPT, RPT)],
                    out_hbm.at[pl.ds(cid * NP + sid * RPT, RPT)])

  return k


def _leaky(v):
  return jnp.where(v >= 0, v, 0.1 * v)


def _tc_prescale(deg_slabs, x, W1):
  def body(deg_ref, x_ref, w_ref, dinv_ref, hp_ref):
    deg = deg_ref[0:N, 0:1] + deg_ref[NP:NP + N, 0:1] + 1.0
    dinv = lax.rsqrt(deg)
    dinv_ref[...] = dinv
    hp_ref[...] = jnp.dot(x_ref[...], w_ref[...],
                          preferred_element_type=jnp.float32) * dinv

  return pl.pallas_call(
      body,
      out_shape=(jax.ShapeDtypeStruct((N, 1), jnp.float32),
                 jax.ShapeDtypeStruct((N, W1.shape[1]), jnp.float32)),
  )(deg_slabs, x, W1)


def _tc_fuse(slabs, hp, dinv, b, Wn):
  nslab = len(slabs)
  Fin = hp.shape[1]
  Fout = Wn.shape[1]

  def body(*refs):
    slab_refs = refs[:nslab]
    hp_ref, dinv_ref, b_ref, w_ref, out_ref = refs[nslab:]
    halves = [sr[0:N, :] + sr[NP:NP + N, :] for sr in slab_refs]
    S = halves[0] if nslab == 1 else jnp.concatenate(halves, axis=1)
    dinv = dinv_ref[...]
    act = _leaky(dinv * (S + hp_ref[...]) + b_ref[...])
    out_ref[...] = jnp.dot(act, w_ref[...],
                           preferred_element_type=jnp.float32) * dinv

  return pl.pallas_call(
      body,
      out_shape=jax.ShapeDtypeStruct((N, Fout), jnp.float32),
  )(*slabs, hp, dinv, b, Wn)


def _tc_act(slabs, hp, dinv, b):
  nslab = len(slabs)

  def body(*refs):
    slab_refs = refs[:nslab]
    hp_ref, dinv_ref, b_ref, out_ref = refs[nslab:]
    halves = [sr[0:N, :] + sr[NP:NP + N, :] for sr in slab_refs]
    S = halves[0] if nslab == 1 else jnp.concatenate(halves, axis=1)
    out_ref[...] = _leaky(dinv_ref[...] * (S + hp_ref[...]) + b_ref[...])

  return pl.pallas_call(
      body,
      out_shape=jax.ShapeDtypeStruct(hp.shape, jnp.float32),
  )(*slabs, hp, dinv, b)


def _tc_head(g, Wl1, bl1, Wl2, bl2, Wl3, bl3):
  def body(g_ref, w1_ref, b1_ref, w2_ref, b2_ref, w3_ref, b3_ref, out_ref):
    h = _leaky(jnp.dot(g_ref[...], w1_ref[...],
                       preferred_element_type=jnp.float32) + b1_ref[...])
    h = _leaky(jnp.dot(h, w2_ref[...],
                       preferred_element_type=jnp.float32) + b2_ref[...])
    h = jnp.dot(h, w3_ref[...], preferred_element_type=jnp.float32) + b3_ref[...]
    out_ref[...] = 1.0 / (1.0 + jnp.exp(-h))

  return pl.pallas_call(
      body,
      out_shape=jax.ShapeDtypeStruct((g.shape[0], Wl3.shape[1]), jnp.float32),
  )(g, Wl1, bl1, Wl2, bl2, Wl3, bl3)


def kernel(x, edge_index, W1, b1, W2, b2, W3, b3, Wl1, bl1, Wl2, bl2, Wl3, bl3):
  src = edge_index[0].astype(jnp.int32)
  dst = edge_index[1].astype(jnp.int32)
  zeros_w = jnp.zeros((NP, 128), jnp.float32)

  scat128 = _sc_scatter_add(128)

  ones_n = jnp.ones((N, 128), jnp.float32)
  deg_slabs = scat128(ones_n, src, dst, zeros_w)
  dinv, hp1 = _tc_prescale(deg_slabs, x, W1)

  s1 = scat128(hp1, src, dst, zeros_w)
  hp2 = _tc_fuse([s1], hp1, dinv, b1.reshape(1, -1), W2)

  s2a = scat128(hp2[:, :128], src, dst, zeros_w)
  s2b = scat128(hp2[:, 128:], src, dst, zeros_w)
  hp3 = _tc_fuse([s2a, s2b], hp2, dinv, b2.reshape(1, -1), W3)

  s3 = scat128(hp3, src, dst, zeros_w)
  act3 = _tc_act([s3], hp3, dinv, b3.reshape(1, -1))

  g = act3.reshape(N // 40, 40 * 128)
  return _tc_head(g, Wl1, bl1.reshape(1, -1), Wl2, bl2.reshape(1, -1),
                  Wl3, bl3.reshape(1, -1))

# --- scband reference (transcript-rebuilt; emitter-appended) ---
"""Pipeline reference for scband-gcn-10694468567643 (READ-ONLY COPY).

The authoritative reference and input builder live on the scoring server;
editing this copy changes nothing except your own understanding.
"""

import jax, jax.numpy as jnp
import numpy as np

N = 10000
E = 320000
IN = 128
H1 = 128
H2 = 256
H3 = 128
L1 = 512
L2 = 128
OUT = 1
NODES_PER_GRAPH = 40


def setup_inputs(seed: int = 0) -> dict:
    key = jax.random.key(seed)
    ks = jax.random.split(key, 16)
    x = jax.random.normal(ks[0], (N, IN), dtype=jnp.float32)
    edge_index = jax.random.randint(ks[1], (2, E), 0, N)
    def lin(k, fan_in, fan_out):
        kw, kb = jax.random.split(k)
        lim = 1.0 / np.sqrt(fan_in)
        W = jax.random.uniform(kw, (fan_in, fan_out), minval=-lim, maxval=lim, dtype=jnp.float32)
        b = jax.random.uniform(kb, (fan_out,), minval=-lim, maxval=lim, dtype=jnp.float32)
        return W, b
    W1, b1 = lin(ks[2], IN, H1)
    W2, b2 = lin(ks[3], H1, H2)
    W3, b3 = lin(ks[4], H2, H3)
    Wl1, bl1 = lin(ks[5], NODES_PER_GRAPH * H3, L1)
    Wl2, bl2 = lin(ks[6], L1, L2)
    Wl3, bl3 = lin(ks[7], L2, OUT)
    return {"x": x, "edge_index": edge_index,
            "W1": W1, "b1": b1, "W2": W2, "b2": b2, "W3": W3, "b3": b3,
            "Wl1": Wl1, "bl1": bl1, "Wl2": Wl2, "bl2": bl2, "Wl3": Wl3, "bl3": bl3}


def _gcn_conv(x, edge_index, W, b):
    # PyG GCNConv: add self-loops, symmetric normalization, aggregate, add bias
    n = x.shape[0]
    loop = jnp.arange(n, dtype=edge_index.dtype)
    src = jnp.concatenate([edge_index[0], loop])
    dst = jnp.concatenate([edge_index[1], loop])
    deg = jnp.zeros((n,), dtype=x.dtype).at[dst].add(1.0)
    dinv = jnp.where(deg > 0, jax.lax.rsqrt(deg), 0.0)
    norm = dinv[src] * dinv[dst]
    h = x @ W
    msg = h[src] * norm[:, None]
    out = jnp.zeros((n, W.shape[1]), dtype=x.dtype).at[dst].add(msg)
    return out + b


def _leaky(v):
    return jnp.where(v >= 0, v, 0.1 * v)


def reference(x, edge_index, W1, b1, W2, b2, W3, b3, Wl1, bl1, Wl2, bl2, Wl3, bl3):
    # dropout is identity in eval/deterministic reference
    h = _leaky(_gcn_conv(x, edge_index, W1, b1))
    h = _leaky(_gcn_conv(h, edge_index, W2, b2))
    h = _leaky(_gcn_conv(h, edge_index, W3, b3))
    g = h.reshape(h.shape[0] // NODES_PER_GRAPH, NODES_PER_GRAPH * H3)
    g = _leaky(g @ Wl1 + bl1)
    g = _leaky(g @ Wl2 + bl2)
    g = g @ Wl3 + bl3
    return jax.nn.sigmoid(g)

if __name__ == "__main__":
    import jax
    _d = setup_inputs()
    print(jax.jit(kernel)(*tuple(_d.values())))

</pallas_src>

<mosaic_0001>
#map = affine_map<(d0, d1) -> (0, 0)>
#map1 = affine_map<(d0, d1) -> (0)>
module attributes {stable_mosaic.version = 14 : i64} {
  func.func @k(%arg0: i32, %arg1: i32, %arg2: memref<10000x128xf32, #tpu.memory_space<hbm>>, %arg3: memref<320000xi32, #tpu.memory_space<hbm>>, %arg4: memref<320000xi32, #tpu.memory_space<hbm>>, %arg5: memref<10240x128xf32, #tpu.memory_space<hbm>>, %arg6: memref<20480x128xf32, #tpu.memory_space<hbm>>, %arg7: memref<80xi32, #tpu.memory_space<vmem>>, %arg8: memref<80xi32, #tpu.memory_space<vmem>>, %arg9: memref<80xi32, #tpu.memory_space<vmem>>, %arg10: memref<80xi32, #tpu.memory_space<vmem>>, %arg11: memref<80xi32, #tpu.memory_space<vmem>>, %arg12: memref<80xi32, #tpu.memory_space<vmem>>, %arg13: memref<80xi32, #tpu.memory_space<vmem>>, %arg14: memref<80xi32, #tpu.memory_space<vmem>>, %arg15: memref<80x128xf32, #tpu.memory_space<vmem>>, %arg16: memref<80x128xf32, #tpu.memory_space<vmem>>, %arg17: memref<80x128xf32, #tpu.memory_space<vmem>>, %arg18: memref<80x128xf32, #tpu.memory_space<vmem>>, %arg19: memref<10240x128xf32, #tpu.memory_space<vmem_shared>>, %arg20: memref<!tpu.dma_semaphore, #tpu.memory_space<semaphore_mem>>, %arg21: memref<!tpu.dma_semaphore, #tpu.memory_space<semaphore_mem>>, %arg22: memref<!tpu.dma_semaphore, #tpu.memory_space<semaphore_mem>>, %arg23: memref<!tpu.dma_semaphore, #tpu.memory_space<semaphore_mem>>) attributes {dimension_semantics = [#tpu.dimension_semantics<core_parallel>, #tpu.dimension_semantics<subcore_parallel>], iteration_bounds = array<i64: 2, 16>, scalar_prefetch = 0 : i64, scratch_operands = 17 : i64, tpu.core_type = #tpu.core_type<sc_vector_subcore>, window_params = [{transform_indices = #map}, {transform_indices = #map1}, {transform_indices = #map1}, {transform_indices = #map}, {transform_indices = #map}]} {
    %mul3A = arith.constant 16 : i32
    %mul3A_0 = arith.muli %arg0, %mul3A : i32
    %add3A = arith.addi %mul3A_0, %arg1 : i32
    %mul3A_1 = arith.constant 10000 : i32
    %mul3A_2 = arith.muli %add3A, %mul3A_1 : i32
    %mul3A_3 = arith.constant 640 : i32
    %mul3A_4 = arith.muli %arg1, %mul3A_3 : i32
    %mul3A_5 = arith.constant 640 : i32
    %mul3A_6 = arith.muli %arg1, %mul3A_5 : i32
    "tpu.region"() ({
      %run_scoped3A = tpu.sem_alloc : memref<!tpu.dma_semaphore, #tpu.memory_space<semaphore_mem>>
      %dma_start3A_26 = arith.constant 0 : i32
      %dma_start3A_27 = tpu.memref_slice %arg19[%mul3A_6, %dma_start3A_26] : memref<10240x128xf32, #tpu.memory_space<vmem_shared>> -> memref<640x128xf32, #tpu.memory_space<vmem_shared>>
      %dma_start3A_28 = arith.constant 0 : i32
      %dma_start3A_29 = tpu.memref_slice %arg5[%mul3A_4, %dma_start3A_28] : memref<10240x128xf32, #tpu.memory_space<hbm>> -> memref<640x128xf32, #tpu.memory_space<hbm>>
      tpu.enqueue_dma source(%dma_start3A_29 : memref<640x128xf32, #tpu.memory_space<hbm>>) target(%dma_start3A_27 : memref<640x128xf32, #tpu.memory_space<vmem_shared>>) target_semaphore(%run_scoped3A : memref<!tpu.dma_semaphore, #tpu.memory_space<semaphore_mem>>)
      %dma_wait3A_30 = arith.constant 0 : i32
      %dma_wait3A_31 = tpu.memref_slice %arg19[%mul3A_6, %dma_wait3A_30] : memref<10240x128xf32, #tpu.memory_space<vmem_shared>> -> memref<640x128xf32, #tpu.memory_space<vmem_shared>>
      %dma_wait3A_32 = arith.constant 0 : i32
      %dma_wait3A_33 = tpu.memref_slice %arg5[%mul3A_4, %dma_wait3A_32] : memref<10240x128xf32, #tpu.memory_space<hbm>> -> memref<640x128xf32, #tpu.memory_space<hbm>>
      tpu.wait_dma2 semaphore(%run_scoped3A : memref<!tpu.dma_semaphore, #tpu.memory_space<semaphore_mem>>) src(%dma_wait3A_33 : memref<640x128xf32, #tpu.memory_space<hbm>>) dst(%dma_wait3A_31 : memref<640x128xf32, #tpu.memory_space<vmem_shared>>)
      tpu.yield
    }) : () -> ()
    %barrier3A = arith.constant 0 : index
    tpu.barrier barrier_id(%barrier3A)
    %scan3A = arith.constant 0 : i32
    %scan3A_7 = arith.constant 0 : i32
    %scan3A_8 = arith.constant 31 : i32
    %scan3A_9 = arith.addi %scan3A_7, %scan3A_8 : i32
    %scan3A_10 = arith.constant 1 : i32
    scf.for %scan3A_26 = %scan3A_7 to %scan3A_9 step %scan3A_10  : i32 {
      %mul3A_27 = arith.constant 320 : i32
      %mul3A_28 = arith.muli %scan3A_26, %mul3A_27 : i32
      %add3A_29 = arith.addi %mul3A_2, %mul3A_28 : i32
      "tpu.region"() ({
        %run_scoped3A = tpu.sem_alloc : memref<!tpu.dma_semaphore, #tpu.memory_space<semaphore_mem>>
        %dma_start3A_60 = tpu.memref_slice %arg3[%add3A_29] : memref<320000xi32, #tpu.memory_space<hbm>> -> memref<80xi32, #tpu.memory_space<hbm>>
        %dma_start3A_61 = tpu.memref_slice %arg3[%add3A_29] : memref<320000xi32, #tpu.memory_space<hbm>> -> memref<80xi32, #tpu.memory_space<hbm>>
        tpu.enqueue_dma source(%dma_start3A_61 : memref<80xi32, #tpu.memory_space<hbm>>) target(%arg7 : memref<80xi32, #tpu.memory_space<vmem>>) target_semaphore(%run_scoped3A : memref<!tpu.dma_semaphore, #tpu.memory_space<semaphore_mem>>)
        %dma_wait3A_62 = tpu.memref_slice %arg3[%add3A_29] : memref<320000xi32, #tpu.memory_space<hbm>> -> memref<80xi32, #tpu.memory_space<hbm>>
        %dma_wait3A_63 = tpu.memref_slice %arg3[%add3A_29] : memref<320000xi32, #tpu.memory_space<hbm>> -> memref<80xi32, #tpu.memory_space<hbm>>
        tpu.wait_dma2 semaphore(%run_scoped3A : memref<!tpu.dma_semaphore, #tpu.memory_space<semaphore_mem>>) src(%dma_wait3A_63 : memref<80xi32, #tpu.memory_space<hbm>>) dst(%arg7 : memref<80xi32, #tpu.memory_space<vmem>>)
        tpu.yield
      }) : () -> ()
      "tpu.region"() ({
        %run_scoped3A = tpu.sem_alloc : memref<!tpu.dma_semaphore, #tpu.memory_space<semaphore_mem>>
        %dma_start3A_60 = tpu.memref_slice %arg4[%add3A_29] : memref<320000xi32, #tpu.memory_space<hbm>> -> memref<80xi32, #tpu.memory_space<hbm>>
        %dma_start3A_61 = tpu.memref_slice %arg4[%add3A_29] : memref<320000xi32, #tpu.memory_space<hbm>> -> memref<80xi32, #tpu.memory_space<hbm>>
        tpu.enqueue_dma source(%dma_start3A_61 : memref<80xi32, #tpu.memory_space<hbm>>) target(%arg11 : memref<80xi32, #tpu.memory_space<vmem>>) target_semaphore(%run_scoped3A : memref<!tpu.dma_semaphore, #tpu.memory_space<semaphore_mem>>)
        %dma_wait3A_62 = tpu.memref_slice %arg4[%add3A_29] : memref<320000xi32, #tpu.memory_space<hbm>> -> memref<80xi32, #tpu.memory_space<hbm>>
        %dma_wait3A_63 = tpu.memref_slice %arg4[%add3A_29] : memref<320000xi32, #tpu.memory_space<hbm>> -> memref<80xi32, #tpu.memory_space<hbm>>
        tpu.wait_dma2 semaphore(%run_scoped3A : memref<!tpu.dma_semaphore, #tpu.memory_space<semaphore_mem>>) src(%dma_wait3A_63 : memref<80xi32, #tpu.memory_space<hbm>>) dst(%arg11 : memref<80xi32, #tpu.memory_space<vmem>>)
        tpu.yield
      }) : () -> ()
      %dma_start3A_30 = arith.constant 0 : i32
      %dma_start3A_31 = arith.constant 0 : i32
      %dma_start3A_32 = tpu.memref_slice %arg2[%dma_start3A_30, %dma_start3A_31] : memref<10000x128xf32, #tpu.memory_space<hbm>> -> memref<10000x128xf32, #tpu.memory_space<hbm>>
      tpu.enqueue_indirect_dma source(%dma_start3A_32 : memref<10000x128xf32, #tpu.memory_space<hbm>>) target(%arg15 : memref<80x128xf32, #tpu.memory_space<vmem>>) offsets(%arg7 : memref<80xi32, #tpu.memory_space<vmem>>) semaphore(%arg20 : memref<!tpu.dma_semaphore, #tpu.memory_space<semaphore_mem>>)
      %add3A_33 = arith.constant 80 : i32
      %add3A_34 = arith.addi %add3A_29, %add3A_33 : i32
      "tpu.region"() ({
        %run_scoped3A = tpu.sem_alloc : memref<!tpu.dma_semaphore, #tpu.memory_space<semaphore_mem>>
        %dma_start3A_60 = tpu.memref_slice %arg3[%add3A_34] : memref<320000xi32, #tpu.memory_space<hbm>> -> memref<80xi32, #tpu.memory_space<hbm>>
        %dma_start3A_61 = tpu.memref_slice %arg3[%add3A_34] : memref<320000xi32, #tpu.memory_space<hbm>> -> memref<80xi32, #tpu.memory_space<hbm>>
        tpu.enqueue_dma source(%dma_start3A_61 : memref<80xi32, #tpu.memory_space<hbm>>) target(%arg8 : memref<80xi32, #tpu.memory_space<vmem>>) target_semaphore(%run_scoped3A : memref<!tpu.dma_semaphore, #tpu.memory_space<semaphore_mem>>)
        %dma_wait3A_62 = tpu.memref_slice %arg3[%add3A_34] : memref<320000xi32, #tpu.memory_space<hbm>> -> memref<80xi32, #tpu.memory_space<hbm>>
        %dma_wait3A_63 = tpu.memref_slice %arg3[%add3A_34] : memref<320000xi32, #tpu.memory_space<hbm>> -> memref<80xi32, #tpu.memory_space<hbm>>
        tpu.wait_dma2 semaphore(%run_scoped3A : memref<!tpu.dma_semaphore, #tpu.memory_space<semaphore_mem>>) src(%dma_wait3A_63 : memref<80xi32, #tpu.memory_space<hbm>>) dst(%arg8 : memref<80xi32, #tpu.memory_space<vmem>>)
        tpu.yield
      }) : () -> ()
      "tpu.region"() ({
        %run_scoped3A = tpu.sem_alloc : memref<!tpu.dma_semaphore, #tpu.memory_space<semaphore_mem>>
        %dma_start3A_60 = tpu.memref_slice %arg4[%add3A_34] : memref<320000xi32, #tpu.memory_space<hbm>> -> memref<80xi32, #tpu.memory_space<hbm>>
        %dma_start3A_61 = tpu.memref_slice %arg4[%add3A_34] : memref<320000xi32, #tpu.memory_space<hbm>> -> memref<80xi32, #tpu.memory_space<hbm>>
        tpu.enqueue_dma source(%dma_start3A_61 : memref<80xi32, #tpu.memory_space<hbm>>) target(%arg12 : memref<80xi32, #tpu.memory_space<vmem>>) target_semaphore(%run_scoped3A : memref<!tpu.dma_semaphore, #tpu.memory_space<semaphore_mem>>)
        %dma_wait3A_62 = tpu.memref_slice %arg4[%add3A_34] : memref<320000xi32, #tpu.memory_space<hbm>> -> memref<80xi32, #tpu.memory_space<hbm>>
        %dma_wait3A_63 = tpu.memref_slice %arg4[%add3A_34] : memref<320000xi32, #tpu.memory_space<hbm>> -> memref<80xi32, #tpu.memory_space<hbm>>
        tpu.wait_dma2 semaphore(%run_scoped3A : memref<!tpu.dma_semaphore, #tpu.memory_space<semaphore_mem>>) src(%dma_wait3A_63 : memref<80xi32, #tpu.memory_space<hbm>>) dst(%arg12 : memref<80xi32, #tpu.memory_space<vmem>>)
        tpu.yield
      }) : () -> ()
      %dma_wait3A_35 = arith.constant 0 : i32
      %dma_wait3A_36 = arith.constant 0 : i32
      %dma_wait3A_37 = tpu.memref_slice %arg2[%dma_wait3A_35, %dma_wait3A_36] : memref<10000x128xf32, #tpu.memory_space<hbm>> -> memref<10000x128xf32, #tpu.memory_space<hbm>>
      tpu.wait_indirect_dma semaphore(%arg20 : memref<!tpu.dma_semaphore, #tpu.memory_space<semaphore_mem>>) src(%dma_wait3A_37 : memref<10000x128xf32, #tpu.memory_space<hbm>>) dst(%arg15 : memref<80x128xf32, #tpu.memory_space<vmem>>)
      %dma_start3A_38 = arith.constant 0 : i32
      %dma_start3A_39 = arith.constant 0 : i32
      %dma_start3A_40 = tpu.memref_slice %arg2[%dma_start3A_38, %dma_start3A_39] : memref<10000x128xf32, #tpu.memory_space<hbm>> -> memref<10000x128xf32, #tpu.memory_space<hbm>>
      tpu.enqueue_indirect_dma source(%dma_start3A_40 : memref<10000x128xf32, #tpu.memory_space<hbm>>) target(%arg16 : memref<80x128xf32, #tpu.memory_space<vmem>>) offsets(%arg8 : memref<80xi32, #tpu.memory_space<vmem>>) semaphore(%arg21 : memref<!tpu.dma_semaphore, #tpu.memory_space<semaphore_mem>>)
      "tpu.region"() ({
        %run_scoped3A = tpu.sem_alloc : memref<!tpu.dma_semaphore, #tpu.memory_space<semaphore_mem>>
        %dma_start3A_60 = arith.constant 0 : i32
        %dma_start3A_61 = arith.constant 0 : i32
        %dma_start3A_62 = tpu.memref_slice %arg19[%dma_start3A_60, %dma_start3A_61] : memref<10240x128xf32, #tpu.memory_space<vmem_shared>> -> memref<10240x128xf32, #tpu.memory_space<vmem_shared>>
        tpu.enqueue_indirect_dma source(%arg15 : memref<80x128xf32, #tpu.memory_space<vmem>>) target(%dma_start3A_62 : memref<10240x128xf32, #tpu.memory_space<vmem_shared>>) offsets(%arg11 : memref<80xi32, #tpu.memory_space<vmem>>) semaphore(%run_scoped3A : memref<!tpu.dma_semaphore, #tpu.memory_space<semaphore_mem>>) {add = true}
        %dma_wait3A_63 = arith.constant 0 : i32
        %dma_wait3A_64 = arith.constant 0 : i32
        %dma_wait3A_65 = tpu.memref_slice %arg19[%dma_wait3A_63, %dma_wait3A_64] : memref<10240x128xf32, #tpu.memory_space<vmem_shared>> -> memref<10240x128xf32, #tpu.memory_space<vmem_shared>>
        tpu.wait_indirect_dma semaphore(%run_scoped3A : memref<!tpu.dma_semaphore, #tpu.memory_space<semaphore_mem>>) src(%arg15 : memref<80x128xf32, #tpu.memory_space<vmem>>) dst(%dma_wait3A_65 : memref<10240x128xf32, #tpu.memory_space<vmem_shared>>)
        tpu.yield
      }) : () -> ()
      %add3A_41 = arith.constant 160 : i32
      %add3A_42 = arith.addi %add3A_29, %add3A_41 : i32
      "tpu.region"() ({
        %run_scoped3A = tpu.sem_alloc : memref<!tpu.dma_semaphore, #tpu.memory_space<semaphore_mem>>
        %dma_start3A_60 = tpu.memref_slice %arg3[%add3A_42] : memref<320000xi32, #tpu.memory_space<hbm>> -> memref<80xi32, #tpu.memory_space<hbm>>
        %dma_start3A_61 = tpu.memref_slice %arg3[%add3A_42] : memref<320000xi32, #tpu.memory_space<hbm>> -> memref<80xi32, #tpu.memory_space<hbm>>
        tpu.enqueue_dma source(%dma_start3A_61 : memref<80xi32, #tpu.memory_space<hbm>>) target(%arg9 : memref<80xi32, #tpu.memory_space<vmem>>) target_semaphore(%run_scoped3A : memref<!tpu.dma_semaphore, #tpu.memory_space<semaphore_mem>>)
        %dma_wait3A_62 = tpu.memref_slice %arg3[%add3A_42] : memref<320000xi32, #tpu.memory_space<hbm>> -> memref<80xi32, #tpu.memory_space<hbm>>
        %dma_wait3A_63 = tpu.memref_slice %arg3[%add3A_42] : memref<320000xi32, #tpu.memory_space<hbm>> -> memref<80xi32, #tpu.memory_space<hbm>>
        tpu.wait_dma2 semaphore(%run_scoped3A : memref<!tpu.dma_semaphore, #tpu.memory_space<semaphore_mem>>) src(%dma_wait3A_63 : memref<80xi32, #tpu.memory_space<hbm>>) dst(%arg9 : memref<80xi32, #tpu.memory_space<vmem>>)
        tpu.yield
      }) : () -> ()
      "tpu.region"() ({
        %run_scoped3A = tpu.sem_alloc : memref<!tpu.dma_semaphore, #tpu.memory_space<semaphore_mem>>
        %dma_start3A_60 = tpu.memref_slice %arg4[%add3A_42] : memref<320000xi32, #tpu.memory_space<hbm>> -> memref<80xi32, #tpu.memory_space<hbm>>
        %dma_start3A_61 = tpu.memref_slice %arg4[%add3A_42] : memref<320000xi32, #tpu.memory_space<hbm>> -> memref<80xi32, #tpu.memory_space<hbm>>
        tpu.enqueue_dma source(%dma_start3A_61 : memref<80xi32, #tpu.memory_space<hbm>>) target(%arg13 : memref<80xi32, #tpu.memory_space<vmem>>) target_semaphore(%run_scoped3A : memref<!tpu.dma_semaphore, #tpu.memory_space<semaphore_mem>>)
        %dma_wait3A_62 = tpu.memref_slice %arg4[%add3A_42] : memref<320000xi32, #tpu.memory_space<hbm>> -> memref<80xi32, #tpu.memory_space<hbm>>
        %dma_wait3A_63 = tpu.memref_slice %arg4[%add3A_42] : memref<320000xi32, #tpu.memory_space<hbm>> -> memref<80xi32, #tpu.memory_space<hbm>>
        tpu.wait_dma2 semaphore(%run_scoped3A : memref<!tpu.dma_semaphore, #tpu.memory_space<semaphore_mem>>) src(%dma_wait3A_63 : memref<80xi32, #tpu.memory_space<hbm>>) dst(%arg13 : memref<80xi32, #tpu.memory_space<vmem>>)
        tpu.yield
      }) : () -> ()
      %dma_wait3A_43 = arith.constant 0 : i32
      %dma_wait3A_44 = arith.constant 0 : i32
      %dma_wait3A_45 = tpu.memref_slice %arg2[%dma_wait3A_43, %dma_wait3A_44] : memref<10000x128xf32, #tpu.memory_space<hbm>> -> memref<10000x128xf32, #tpu.memory_space<hbm>>
      tpu.wait_indirect_dma semaphore(%arg21 : memref<!tpu.dma_semaphore, #tpu.memory_space<semaphore_mem>>) src(%dma_wait3A_45 : memref<10000x128xf32, #tpu.memory_space<hbm>>) dst(%arg16 : memref<80x128xf32, #tpu.memory_space<vmem>>)
      %dma_start3A_46 = arith.constant 0 : i32
      %dma_start3A_47 = arith.constant 0 : i32
      %dma_start3A_48 = tpu.memref_slice %arg2[%dma_start3A_46, %dma_start3A_47] : memref<10000x128xf32, #tpu.memory_space<hbm>> -> memref<10000x128xf32, #tpu.memory_space<hbm>>
      tpu.enqueue_indirect_dma source(%dma_start3A_48 : memref<10000x128xf32, #tpu.memory_space<hbm>>) target(%arg17 : memref<80x128xf32, #tpu.memory_space<vmem>>) offsets(%arg9 : memref<80xi32, #tpu.memory_space<vmem>>) semaphore(%arg22 : memref<!tpu.dma_semaphore, #tpu.memory_space<semaphore_mem>>)
      "tpu.region"() ({
        %run_scoped3A = tpu.sem_alloc : memref<!tpu.dma_semaphore, #tpu.memory_space<semaphore_mem>>
        %dma_start3A_60 = arith.constant 0 : i32
        %dma_start3A_61 = arith.constant 0 : i32
        %dma_start3A_62 = tpu.memref_slice %arg19[%dma_start3A_60, %dma_start3A_61] : memref<10240x128xf32, #tpu.memory_space<vmem_shared>> -> memref<10240x128xf32, #tpu.memory_space<vmem_shared>>
        tpu.enqueue_indirect_dma source(%arg16 : memref<80x128xf32, #tpu.memory_space<vmem>>) target(%dma_start3A_62 : memref<10240x128xf32, #tpu.memory_space<vmem_shared>>) offsets(%arg12 : memref<80xi32, #tpu.memory_space<vmem>>) semaphore(%run_scoped3A : memref<!tpu.dma_semaphore, #tpu.memory_space<semaphore_mem>>) {add = true}
        %dma_wait3A_63 = arith.constant 0 : i32
        %dma_wait3A_64 = arith.constant 0 : i32
        %dma_wait3A_65 = tpu.memref_slice %arg19[%dma_wait3A_63, %dma_wait3A_64] : memref<10240x128xf32, #tpu.memory_space<vmem_shared>> -> memref<10240x128xf32, #tpu.memory_space<vmem_shared>>
        tpu.wait_indirect_dma semaphore(%run_scoped3A : memref<!tpu.dma_semaphore, #tpu.memory_space<semaphore_mem>>) src(%arg16 : memref<80x128xf32, #tpu.memory_space<vmem>>) dst(%dma_wait3A_65 : memref<10240x128xf32, #tpu.memory_space<vmem_shared>>)
        tpu.yield
      }) : () -> ()
      %add3A_49 = arith.constant 240 : i32
      %add3A_50 = arith.addi %add3A_29, %add3A_49 : i32
      "tpu.region"() ({
        %run_scoped3A = tpu.sem_alloc : memref<!tpu.dma_semaphore, #tpu.memory_space<semaphore_mem>>
        %dma_start3A_60 = tpu.memref_slice %arg3[%add3A_50] : memref<320000xi32, #tpu.memory_space<hbm>> -> memref<80xi32, #tpu.memory_space<hbm>>
        %dma_start3A_61 = tpu.memref_slice %arg3[%add3A_50] : memref<320000xi32, #tpu.memory_space<hbm>> -> memref<80xi32, #tpu.memory_space<hbm>>
        tpu.enqueue_dma source(%dma_start3A_61 : memref<80xi32, #tpu.memory_space<hbm>>) target(%arg10 : memref<80xi32, #tpu.memory_space<vmem>>) target_semaphore(%run_scoped3A : memref<!tpu.dma_semaphore, #tpu.memory_space<semaphore_mem>>)
        %dma_wait3A_62 = tpu.memref_slice %arg3[%add3A_50] : memref<320000xi32, #tpu.memory_space<hbm>> -> memref<80xi32, #tpu.memory_space<hbm>>
        %dma_wait3A_63 = tpu.memref_slice %arg3[%add3A_50] : memref<320000xi32, #tpu.memory_space<hbm>> -> memref<80xi32, #tpu.memory_space<hbm>>
        tpu.wait_dma2 semaphore(%run_scoped3A : memref<!tpu.dma_semaphore, #tpu.memory_space<semaphore_mem>>) src(%dma_wait3A_63 : memref<80xi32, #tpu.memory_space<hbm>>) dst(%arg10 : memref<80xi32, #tpu.memory_space<vmem>>)
        tpu.yield
      }) : () -> ()
      "tpu.region"() ({
        %run_scoped3A = tpu.sem_alloc : memref<!tpu.dma_semaphore, #tpu.memory_space<semaphore_mem>>
        %dma_start3A_60 = tpu.memref_slice %arg4[%add3A_50] : memref<320000xi32, #tpu.memory_space<hbm>> -> memref<80xi32, #tpu.memory_space<hbm>>
        %dma_start3A_61 = tpu.memref_slice %arg4[%add3A_50] : memref<320000xi32, #tpu.memory_space<hbm>> -> memref<80xi32, #tpu.memory_space<hbm>>
        tpu.enqueue_dma source(%dma_start3A_61 : memref<80xi32, #tpu.memory_space<hbm>>) target(%arg14 : memref<80xi32, #tpu.memory_space<vmem>>) target_semaphore(%run_scoped3A : memref<!tpu.dma_semaphore, #tpu.memory_space<semaphore_mem>>)
        %dma_wait3A_62 = tpu.memref_slice %arg4[%add3A_50] : memref<320000xi32, #tpu.memory_space<hbm>> -> memref<80xi32, #tpu.memory_space<hbm>>
        %dma_wait3A_63 = tpu.memref_slice %arg4[%add3A_50] : memref<320000xi32, #tpu.memory_space<hbm>> -> memref<80xi32, #tpu.memory_space<hbm>>
        tpu.wait_dma2 semaphore(%run_scoped3A : memref<!tpu.dma_semaphore, #tpu.memory_space<semaphore_mem>>) src(%dma_wait3A_63 : memref<80xi32, #tpu.memory_space<hbm>>) dst(%arg14 : memref<80xi32, #tpu.memory_space<vmem>>)
        tpu.yield
      }) : () -> ()
      %dma_wait3A_51 = arith.constant 0 : i32
      %dma_wait3A_52 = arith.constant 0 : i32
      %dma_wait3A_53 = tpu.memref_slice %arg2[%dma_wait3A_51, %dma_wait3A_52] : memref<10000x128xf32, #tpu.memory_space<hbm>> -> memref<10000x128xf32, #tpu.memory_space<hbm>>
      tpu.wait_indirect_dma semaphore(%arg22 : memref<!tpu.dma_semaphore, #tpu.memory_space<semaphore_mem>>) src(%dma_wait3A_53 : memref<10000x128xf32, #tpu.memory_space<hbm>>) dst(%arg17 : memref<80x128xf32, #tpu.memory_space<vmem>>)
      %dma_start3A_54 = arith.constant 0 : i32
      %dma_start3A_55 = arith.constant 0 : i32
      %dma_start3A_56 = tpu.memref_slice %arg2[%dma_start3A_54, %dma_start3A_55] : memref<10000x128xf32, #tpu.memory_space<hbm>> -> memref<10000x128xf32, #tpu.memory_space<hbm>>
      tpu.enqueue_indirect_dma source(%dma_start3A_56 : memref<10000x128xf32, #tpu.memory_space<hbm>>) target(%arg18 : memref<80x128xf32, #tpu.memory_space<vmem>>) offsets(%arg10 : memref<80xi32, #tpu.memory_space<vmem>>) semaphore(%arg23 : memref<!tpu.dma_semaphore, #tpu.memory_space<semaphore_mem>>)
      "tpu.region"() ({
        %run_scoped3A = tpu.sem_alloc : memref<!tpu.dma_semaphore, #tpu.memory_space<semaphore_mem>>
        %dma_start3A_60 = arith.constant 0 : i32
        %dma_start3A_61 = arith.constant 0 : i32
        %dma_start3A_62 = tpu.memref_slice %arg19[%dma_start3A_60, %dma_start3A_61] : memref<10240x128xf32, #tpu.memory_space<vmem_shared>> -> memref<10240x128xf32, #tpu.memory_space<vmem_shared>>
        tpu.enqueue_indirect_dma source(%arg17 : memref<80x128xf32, #tpu.memory_space<vmem>>) target(%dma_start3A_62 : memref<10240x128xf32, #tpu.memory_space<vmem_shared>>) offsets(%arg13 : memref<80xi32, #tpu.memory_space<vmem>>) semaphore(%run_scoped3A : memref<!tpu.dma_semaphore, #tpu.memory_space<semaphore_mem>>) {add = true}
        %dma_wait3A_63 = arith.constant 0 : i32
        %dma_wait3A_64 = arith.constant 0 : i32
        %dma_wait3A_65 = tpu.memref_slice %arg19[%dma_wait3A_63, %dma_wait3A_64] : memref<10240x128xf32, #tpu.memory_space<vmem_shared>> -> memref<10240x128xf32, #tpu.memory_space<vmem_shared>>
        tpu.wait_indirect_dma semaphore(%run_scoped3A : memref<!tpu.dma_semaphore, #tpu.memory_space<semaphore_mem>>) src(%arg17 : memref<80x128xf32, #tpu.memory_space<vmem>>) dst(%dma_wait3A_65 : memref<10240x128xf32, #tpu.memory_space<vmem_shared>>)
        tpu.yield
      }) : () -> ()
      %dma_wait3A_57 = arith.constant 0 : i32
      %dma_wait3A_58 = arith.constant 0 : i32
      %dma_wait3A_59 = tpu.memref_slice %arg2[%dma_wait3A_57, %dma_wait3A_58] : memref<10000x128xf32, #tpu.memory_space<hbm>> -> memref<10000x128xf32, #tpu.memory_space<hbm>>
      tpu.wait_indirect_dma semaphore(%arg23 : memref<!tpu.dma_semaphore, #tpu.memory_space<semaphore_mem>>) src(%dma_wait3A_59 : memref<10000x128xf32, #tpu.memory_space<hbm>>) dst(%arg18 : memref<80x128xf32, #tpu.memory_space<vmem>>)
      "tpu.region"() ({
        %run_scoped3A = tpu.sem_alloc : memref<!tpu.dma_semaphore, #tpu.memory_space<semaphore_mem>>
        %dma_start3A_60 = arith.constant 0 : i32
        %dma_start3A_61 = arith.constant 0 : i32
        %dma_start3A_62 = tpu.memref_slice %arg19[%dma_start3A_60, %dma_start3A_61] : memref<10240x128xf32, #tpu.memory_space<vmem_shared>> -> memref<10240x128xf32, #tpu.memory_space<vmem_shared>>
        tpu.enqueue_indirect_dma source(%arg18 : memref<80x128xf32, #tpu.memory_space<vmem>>) target(%dma_start3A_62 : memref<10240x128xf32, #tpu.memory_space<vmem_shared>>) offsets(%arg14 : memref<80xi32, #tpu.memory_space<vmem>>) semaphore(%run_scoped3A : memref<!tpu.dma_semaphore, #tpu.memory_space<semaphore_mem>>) {add = true}
        %dma_wait3A_63 = arith.constant 0 : i32
        %dma_wait3A_64 = arith.constant 0 : i32
        %dma_wait3A_65 = tpu.memref_slice %arg19[%dma_wait3A_63, %dma_wait3A_64] : memref<10240x128xf32, #tpu.memory_space<vmem_shared>> -> memref<10240x128xf32, #tpu.memory_space<vmem_shared>>
        tpu.wait_indirect_dma semaphore(%run_scoped3A : memref<!tpu.dma_semaphore, #tpu.memory_space<semaphore_mem>>) src(%arg18 : memref<80x128xf32, #tpu.memory_space<vmem>>) dst(%dma_wait3A_65 : memref<10240x128xf32, #tpu.memory_space<vmem_shared>>)
        tpu.yield
      }) : () -> ()
    }
    %scan3A_11 = arith.constant 31 : i32
    %add3A_12 = arith.constant 9920 : i32
    %add3A_13 = arith.addi %mul3A_2, %add3A_12 : i32
    "tpu.region"() ({
      %run_scoped3A = tpu.sem_alloc : memref<!tpu.dma_semaphore, #tpu.memory_space<semaphore_mem>>
      %dma_start3A_26 = tpu.memref_slice %arg3[%add3A_13] : memref<320000xi32, #tpu.memory_space<hbm>> -> memref<80xi32, #tpu.memory_space<hbm>>
      %dma_start3A_27 = tpu.memref_slice %arg3[%add3A_13] : memref<320000xi32, #tpu.memory_space<hbm>> -> memref<80xi32, #tpu.memory_space<hbm>>
      tpu.enqueue_dma source(%dma_start3A_27 : memref<80xi32, #tpu.memory_space<hbm>>) target(%arg7 : memref<80xi32, #tpu.memory_space<vmem>>) target_semaphore(%run_scoped3A : memref<!tpu.dma_semaphore, #tpu.memory_space<semaphore_mem>>)
      %dma_wait3A_28 = tpu.memref_slice %arg3[%add3A_13] : memref<320000xi32, #tpu.memory_space<hbm>> -> memref<80xi32, #tpu.memory_space<hbm>>
      %dma_wait3A_29 = tpu.memref_slice %arg3[%add3A_13] : memref<320000xi32, #tpu.memory_space<hbm>> -> memref<80xi32, #tpu.memory_space<hbm>>
      tpu.wait_dma2 semaphore(%run_scoped3A : memref<!tpu.dma_semaphore, #tpu.memory_space<semaphore_mem>>) src(%dma_wait3A_29 : memref<80xi32, #tpu.memory_space<hbm>>) dst(%arg7 : memref<80xi32, #tpu.memory_space<vmem>>)
      tpu.yield
    }) : () -> ()
    "tpu.region"() ({
      %run_scoped3A = tpu.sem_alloc : memref<!tpu.dma_semaphore, #tpu.memory_space<semaphore_mem>>
      %dma_start3A_26 = tpu.memref_slice %arg4[%add3A_13] : memref<320000xi32, #tpu.memory_space<hbm>> -> memref<80xi32, #tpu.memory_space<hbm>>
      %dma_start3A_27 = tpu.memref_slice %arg4[%add3A_13] : memref<320000xi32, #tpu.memory_space<hbm>> -> memref<80xi32, #tpu.memory_space<hbm>>
      tpu.enqueue_dma source(%dma_start3A_27 : memref<80xi32, #tpu.memory_space<hbm>>) target(%arg11 : memref<80xi32, #tpu.memory_space<vmem>>) target_semaphore(%run_scoped3A : memref<!tpu.dma_semaphore, #tpu.memory_space<semaphore_mem>>)
      %dma_wait3A_28 = tpu.memref_slice %arg4[%add3A_13] : memref<320000xi32, #tpu.memory_space<hbm>> -> memref<80xi32, #tpu.memory_space<hbm>>
      %dma_wait3A_29 = tpu.memref_slice %arg4[%add3A_13] : memref<320000xi32, #tpu.memory_space<hbm>> -> memref<80xi32, #tpu.memory_space<hbm>>
      tpu.wait_dma2 semaphore(%run_scoped3A : memref<!tpu.dma_semaphore, #tpu.memory_space<semaphore_mem>>) src(%dma_wait3A_29 : memref<80xi32, #tpu.memory_space<hbm>>) dst(%arg11 : memref<80xi32, #tpu.memory_space<vmem>>)
      tpu.yield
    }) : () -> ()
    %dma_start3A = arith.constant 0 : i32
    %dma_start3A_14 = arith.constant 0 : i32
    %dma_start3A_15 = tpu.memref_slice %arg2[%dma_start3A, %dma_start3A_14] : memref<10000x128xf32, #tpu.memory_space<hbm>> -> memref<10000x128xf32, #tpu.memory_space<hbm>>
    tpu.enqueue_indirect_dma source(%dma_start3A_15 : memref<10000x128xf32, #tpu.memory_space<hbm>>) target(%arg15 : memref<80x128xf32, #tpu.memory_space<vmem>>) offsets(%arg7 : memref<80xi32, #tpu.memory_space<vmem>>) semaphore(%arg20 : memref<!tpu.dma_semaphore, #tpu.memory_space<semaphore_mem>>)
    %dma_wait3A = arith.constant 0 : i32
    %dma_wait3A_16 = arith.constant 0 : i32
    %dma_wait3A_17 = tpu.memref_slice %arg2[%dma_wait3A, %dma_wait3A_16] : memref<10000x128xf32, #tpu.memory_space<hbm>> -> memref<10000x128xf32, #tpu.memory_space<hbm>>
    tpu.wait_indirect_dma semaphore(%arg20 : memref<!tpu.dma_semaphore, #tpu.memory_space<semaphore_mem>>) src(%dma_wait3A_17 : memref<10000x128xf32, #tpu.memory_space<hbm>>) dst(%arg15 : memref<80x128xf32, #tpu.memory_space<vmem>>)
    "tpu.region"() ({
      %run_scoped3A = tpu.sem_alloc : memref<!tpu.dma_semaphore, #tpu.memory_space<semaphore_mem>>
      %dma_start3A_26 = arith.constant 0 : i32
      %dma_start3A_27 = arith.constant 0 : i32
      %dma_start3A_28 = tpu.memref_slice %arg19[%dma_start3A_26, %dma_start3A_27] : memref<10240x128xf32, #tpu.memory_space<vmem_shared>> -> memref<10240x128xf32, #tpu.memory_space<vmem_shared>>
      tpu.enqueue_indirect_dma source(%arg15 : memref<80x128xf32, #tpu.memory_space<vmem>>) target(%dma_start3A_28 : memref<10240x128xf32, #tpu.memory_space<vmem_shared>>) offsets(%arg11 : memref<80xi32, #tpu.memory_space<vmem>>) semaphore(%run_scoped3A : memref<!tpu.dma_semaphore, #tpu.memory_space<semaphore_mem>>) {add = true}
      %dma_wait3A_29 = arith.constant 0 : i32
      %dma_wait3A_30 = arith.constant 0 : i32
      %dma_wait3A_31 = tpu.memref_slice %arg19[%dma_wait3A_29, %dma_wait3A_30] : memref<10240x128xf32, #tpu.memory_space<vmem_shared>> -> memref<10240x128xf32, #tpu.memory_space<vmem_shared>>
      tpu.wait_indirect_dma semaphore(%run_scoped3A : memref<!tpu.dma_semaphore, #tpu.memory_space<semaphore_mem>>) src(%arg15 : memref<80x128xf32, #tpu.memory_space<vmem>>) dst(%dma_wait3A_31 : memref<10240x128xf32, #tpu.memory_space<vmem_shared>>)
      tpu.yield
    }) : () -> ()
    %barrier3A_18 = arith.constant 0 : index
    tpu.barrier barrier_id(%barrier3A_18)
    %mul3A_19 = arith.constant 640 : i32
    %mul3A_20 = arith.muli %arg1, %mul3A_19 : i32
    %mul3A_21 = arith.constant 10240 : i32
    %mul3A_22 = arith.muli %arg0, %mul3A_21 : i32
    %mul3A_23 = arith.constant 640 : i32
    %mul3A_24 = arith.muli %arg1, %mul3A_23 : i32
    %add3A_25 = arith.addi %mul3A_22, %mul3A_24 : i32
    "tpu.region"() ({
      %run_scoped3A = tpu.sem_alloc : memref<!tpu.dma_semaphore, #tpu.memory_space<semaphore_mem>>
      %dma_start3A_26 = arith.constant 0 : i32
      %dma_start3A_27 = tpu.memref_slice %arg6[%add3A_25, %dma_start3A_26] : memref<20480x128xf32, #tpu.memory_space<hbm>> -> memref<640x128xf32, #tpu.memory_space<hbm>>
      %dma_start3A_28 = arith.constant 0 : i32
      %dma_start3A_29 = tpu.memref_slice %arg19[%mul3A_20, %dma_start3A_28] : memref<10240x128xf32, #tpu.memory_space<vmem_shared>> -> memref<640x128xf32, #tpu.memory_space<vmem_shared>>
      tpu.enqueue_dma source(%dma_start3A_29 : memref<640x128xf32, #tpu.memory_space<vmem_shared>>) target(%dma_start3A_27 : memref<640x128xf32, #tpu.memory_space<hbm>>) target_semaphore(%run_scoped3A : memref<!tpu.dma_semaphore, #tpu.memory_space<semaphore_mem>>)
      %dma_wait3A_30 = arith.constant 0 : i32
      %dma_wait3A_31 = tpu.memref_slice %arg6[%add3A_25, %dma_wait3A_30] : memref<20480x128xf32, #tpu.memory_space<hbm>> -> memref<640x128xf32, #tpu.memory_space<hbm>>
      %dma_wait3A_32 = arith.constant 0 : i32
      %dma_wait3A_33 = tpu.memref_slice %arg19[%mul3A_20, %dma_wait3A_32] : memref<10240x128xf32, #tpu.memory_space<vmem_shared>> -> memref<640x128xf32, #tpu.memory_space<vmem_shared>>
      tpu.wait_dma2 semaphore(%run_scoped3A : memref<!tpu.dma_semaphore, #tpu.memory_space<semaphore_mem>>) src(%dma_wait3A_33 : memref<640x128xf32, #tpu.memory_space<vmem_shared>>) dst(%dma_wait3A_31 : memref<640x128xf32, #tpu.memory_space<hbm>>)
      tpu.yield
    }) : () -> ()
    return
  }
}

#map = affine_map<(d0, d1) -> (0, 0)>
#map1 = affine_map<(d0, d1) -> (0)>
module attributes {stable_mosaic.version = 14 : i64} {
  func.func @k(%arg0: i32, %arg1: i32, %arg2: memref<10000x128xf32, #tpu.memory_space<hbm>>, %arg3: memref<320000xi32, #tpu.memory_space<hbm>>, %arg4: memref<320000xi32, #tpu.memory_space<hbm>>, %arg5: memref<10240x128xf32, #tpu.memory_space<hbm>>, %arg6: memref<20480x128xf32, #tpu.memory_space<hbm>>, %arg7: memref<80xi32, #tpu.memory_space<vmem>>, %arg8: memref<80xi32, #tpu.memory_space<vmem>>, %arg9: memref<80xi32, #tpu.memory_space<vmem>>, %arg10: memref<80xi32, #tpu.memory_space<vmem>>, %arg11: memref<80xi32, #tpu.memory_space<vmem>>, %arg12: memref<80xi32, #tpu.memory_space<vmem>>, %arg13: memref<80xi32, #tpu.memory_space<vmem>>, %arg14: memref<80xi32, #tpu.memory_space<vmem>>, %arg15: memref<80x128xf32, #tpu.memory_space<vmem>>, %arg16: memref<80x128xf32, #tpu.memory_space<vmem>>, %arg17: memref<80x128xf32, #tpu.memory_space<vmem>>, %arg18: memref<80x128xf32, #tpu.memory_space<vmem>>, %arg19: memref<10240x128xf32, #tpu.memory_space<vmem_shared>>, %arg20: memref<!tpu.dma_semaphore, #tpu.memory_space<semaphore_mem>>, %arg21: memref<!tpu.dma_semaphore, #tpu.memory_space<semaphore_mem>>, %arg22: memref<!tpu.dma_semaphore, #tpu.memory_space<semaphore_mem>>, %arg23: memref<!tpu.dma_semaphore, #tpu.memory_space<semaphore_mem>>) attributes {dimension_semantics = [#tpu.dimension_semantics<core_parallel>, #tpu.dimension_semantics<subcore_parallel>], iteration_bounds = array<i64: 2, 16>, scalar_prefetch = 0 : i64, scratch_operands = 17 : i64, tpu.core_type = #tpu.core_type<sc_vector_subcore>, window_params = [{transform_indices = #map}, {transform_indices = #map1}, {transform_indices = #map1}, {transform_indices = #map}, {transform_indices = #map}]} {
    %mul3A = arith.constant 16 : i32
    %mul3A_0 = arith.muli %arg0, %mul3A : i32
    %add3A = arith.addi %mul3A_0, %arg1 : i32
    %mul3A_1 = arith.constant 10000 : i32
    %mul3A_2 = arith.muli %add3A, %mul3A_1 : i32
    %mul3A_3 = arith.constant 640 : i32
    %mul3A_4 = arith.muli %arg1, %mul3A_3 : i32
    %mul3A_5 = arith.constant 640 : i32
    %mul3A_6 = arith.muli %arg1, %mul3A_5 : i32
    "tpu.region"() ({
      %run_scoped3A = tpu.sem_alloc : memref<!tpu.dma_semaphore, #tpu.memory_space<semaphore_mem>>
      %dma_start3A_26 = arith.constant 0 : i32
      %dma_start3A_27 = tpu.memref_slice %arg19[%mul3A_6, %dma_start3A_26] : memref<10240x128xf32, #tpu.memory_space<vmem_shared>> -> memref<640x128xf32, #tpu.memory_space<vmem_shared>>
      %dma_start3A_28 = arith.constant 0 : i32
      %dma_start3A_29 = tpu.memref_slice %arg5[%mul3A_4, %dma_start3A_28] : memref<10240x128xf32, #tpu.memory_space<hbm>> -> memref<640x128xf32, #tpu.memory_space<hbm>>
      tpu.enqueue_dma source(%dma_start3A_29 : memref<640x128xf32, #tpu.memory_space<hbm>>) target(%dma_start3A_27 : memref<640x128xf32, #tpu.memory_space<vmem_shared>>) target_semaphore(%run_scoped3A : memref<!tpu.dma_semaphore, #tpu.memory_space<semaphore_mem>>)
      %dma_wait3A_30 = arith.constant 0 : i32
      %dma_wait3A_31 = tpu.memref_slice %arg19[%mul3A_6, %dma_wait3A_30] : memref<10240x128xf32, #tpu.memory_space<vmem_shared>> -> memref<640x128xf32, #tpu.memory_space<vmem_shared>>
      %dma_wait3A_32 = arith.constant 0 : i32
      %dma_wait3A_33 = tpu.memref_slice %arg5[%mul3A_4, %dma_wait3A_32] : memref<10240x128xf32, #tpu.memory_space<hbm>> -> memref<640x128xf32, #tpu.memory_space<hbm>>
      tpu.wait_dma2 semaphore(%run_scoped3A : memref<!tpu.dma_semaphore, #tpu.memory_space<semaphore_mem>>) src(%dma_wait3A_33 : memref<640x128xf32, #tpu.memory_space<hbm>>) dst(%dma_wait3A_31 : memref<640x128xf32, #tpu.memory_space<vmem_shared>>)
      tpu.yield
    }) : () -> ()
    %barrier3A = arith.constant 0 : index
    tpu.barrier barrier_id(%barrier3A)
    %scan3A = arith.constant 0 : i32
    %scan3A_7 = arith.constant 0 : i32
    %scan3A_8 = arith.constant 31 : i32
    %scan3A_9 = arith.addi %scan3A_7, %scan3A_8 : i32
    %scan3A_10 = arith.constant 1 : i32
    scf.for %scan3A_26 = %scan3A_7 to %scan3A_9 step %scan3A_10  : i32 {
      %mul3A_27 = arith.constant 320 : i32
      %mul3A_28 = arith.muli %scan3A_26, %mul3A_27 : i32
      %add3A_29 = arith.addi %mul3A_2, %mul3A_28 : i32
      "tpu.region"() ({
        %run_scoped3A = tpu.sem_alloc : memref<!tpu.dma_semaphore, #tpu.memory_space<semaphore_mem>>
        %dma_start3A_60 = tpu.memref_slice %arg3[%add3A_29] : memref<320000xi32, #tpu.memory_space<hbm>> -> memref<80xi32, #tpu.memory_space<hbm>>
        %dma_start3A_61 = tpu.memref_slice %arg3[%add3A_29] : memref<320000xi32, #tpu.memory_space<hbm>> -> memref<80xi32, #tpu.memory_space<hbm>>
        tpu.enqueue_dma source(%dma_start3A_61 : memref<80xi32, #tpu.memory_space<hbm>>) target(%arg7 : memref<80xi32, #tpu.memory_space<vmem>>) target_semaphore(%run_scoped3A : memref<!tpu.dma_semaphore, #tpu.memory_space<semaphore_mem>>)
        %dma_wait3A_62 = tpu.memref_slice %arg3[%add3A_29] : memref<320000xi32, #tpu.memory_space<hbm>> -> memref<80xi32, #tpu.memory_space<hbm>>
        %dma_wait3A_63 = tpu.memref_slice %arg3[%add3A_29] : memref<320000xi32, #tpu.memory_space<hbm>> -> memref<80xi32, #tpu.memory_space<hbm>>
        tpu.wait_dma2 semaphore(%run_scoped3A : memref<!tpu.dma_semaphore, #tpu.memory_space<semaphore_mem>>) src(%dma_wait3A_63 : memref<80xi32, #tpu.memory_space<hbm>>) dst(%arg7 : memref<80xi32, #tpu.memory_space<vmem>>)
        tpu.yield
      }) : () -> ()
      "tpu.region"() ({
        %run_scoped3A = tpu.sem_alloc : memref<!tpu.dma_semaphore, #tpu.memory_space<semaphore_mem>>
        %dma_start3A_60 = tpu.memref_slice %arg4[%add3A_29] : memref<320000xi32, #tpu.memory_space<hbm>> -> memref<80xi32, #tpu.memory_space<hbm>>
        %dma_start3A_61 = tpu.memref_slice %arg4[%add3A_29] : memref<320000xi32, #tpu.memory_space<hbm>> -> memref<80xi32, #tpu.memory_space<hbm>>
        tpu.enqueue_dma source(%dma_start3A_61 : memref<80xi32, #tpu.memory_space<hbm>>) target(%arg11 : memref<80xi32, #tpu.memory_space<vmem>>) target_semaphore(%run_scoped3A : memref<!tpu.dma_semaphore, #tpu.memory_space<semaphore_mem>>)
        %dma_wait3A_62 = tpu.memref_slice %arg4[%add3A_29] : memref<320000xi32, #tpu.memory_space<hbm>> -> memref<80xi32, #tpu.memory_space<hbm>>
        %dma_wait3A_63 = tpu.memref_slice %arg4[%add3A_29] : memref<320000xi32, #tpu.memory_space<hbm>> -> memref<80xi32, #tpu.memory_space<hbm>>
        tpu.wait_dma2 semaphore(%run_scoped3A : memref<!tpu.dma_semaphore, #tpu.memory_space<semaphore_mem>>) src(%dma_wait3A_63 : memref<80xi32, #tpu.memory_space<hbm>>) dst(%arg11 : memref<80xi32, #tpu.memory_space<vmem>>)
        tpu.yield
      }) : () -> ()
      %dma_start3A_30 = arith.constant 0 : i32
      %dma_start3A_31 = arith.constant 0 : i32
      %dma_start3A_32 = tpu.memref_slice %arg2[%dma_start3A_30, %dma_start3A_31] : memref<10000x128xf32, #tpu.memory_space<hbm>> -> memref<10000x128xf32, #tpu.memory_space<hbm>>
      tpu.enqueue_indirect_dma source(%dma_start3A_32 : memref<10000x128xf32, #tpu.memory_space<hbm>>) target(%arg15 : memref<80x128xf32, #tpu.memory_space<vmem>>) offsets(%arg7 : memref<80xi32, #tpu.memory_space<vmem>>) semaphore(%arg20 : memref<!tpu.dma_semaphore, #tpu.memory_space<semaphore_mem>>)
      %add3A_33 = arith.constant 80 : i32
      %add3A_34 = arith.addi %add3A_29, %add3A_33 : i32
      "tpu.region"() ({
        %run_scoped3A = tpu.sem_alloc : memref<!tpu.dma_semaphore, #tpu.memory_space<semaphore_mem>>
        %dma_start3A_60 = tpu.memref_slice %arg3[%add3A_34] : memref<320000xi32, #tpu.memory_space<hbm>> -> memref<80xi32, #tpu.memory_space<hbm>>
        %dma_start3A_61 = tpu.memref_slice %arg3[%add3A_34] : memref<320000xi32, #tpu.memory_space<hbm>> -> memref<80xi32, #tpu.memory_space<hbm>>
        tpu.enqueue_dma source(%dma_start3A_61 : memref<80xi32, #tpu.memory_space<hbm>>) target(%arg8 : memref<80xi32, #tpu.memory_space<vmem>>) target_semaphore(%run_scoped3A : memref<!tpu.dma_semaphore, #tpu.memory_space<semaphore_mem>>)
        %dma_wait3A_62 = tpu.memref_slice %arg3[%add3A_34] : memref<320000xi32, #tpu.memory_space<hbm>> -> memref<80xi32, #tpu.memory_space<hbm>>
        %dma_wait3A_63 = tpu.memref_slice %arg3[%add3A_34] : memref<320000xi32, #tpu.memory_space<hbm>> -> memref<80xi32, #tpu.memory_space<hbm>>
        tpu.wait_dma2 semaphore(%run_scoped3A : memref<!tpu.dma_semaphore, #tpu.memory_space<semaphore_mem>>) src(%dma_wait3A_63 : memref<80xi32, #tpu.memory_space<hbm>>) dst(%arg8 : memref<80xi32, #tpu.memory_space<vmem>>)
        tpu.yield
      }) : () -> ()
      "tpu.region"() ({
        %run_scoped3A = tpu.sem_alloc : memref<!tpu.dma_semaphore, #tpu.memory_space<semaphore_mem>>
        %dma_start3A_60 = tpu.memref_slice %arg4[%add3A_34] : memref<320000xi32, #tpu.memory_space<hbm>> -> memref<80xi32, #tpu.memory_space<hbm>>
        %dma_start3A_61 = tpu.memref_slice %arg4[%add3A_34] : memref<320000xi32, #tpu.memory_space<hbm>> -> memref<80xi32, #tpu.memory_space<hbm>>
        tpu.enqueue_dma source(%dma_start3A_61 : memref<80xi32, #tpu.memory_space<hbm>>) target(%arg12 : memref<80xi32, #tpu.memory_space<vmem>>) target_semaphore(%run_scoped3A : memref<!tpu.dma_semaphore, #tpu.memory_space<semaphore_mem>>)
        %dma_wait3A_62 = tpu.memref_slice %arg4[%add3A_34] : memref<320000xi32, #tpu.memory_space<hbm>> -> memref<80xi32, #tpu.memory_space<hbm>>
        %dma_wait3A_63 = tpu.memref_slice %arg4[%add3A_34] : memref<320000xi32, #tpu.memory_space<hbm>> -> memref<80xi32, #tpu.memory_space<hbm>>
        tpu.wait_dma2 semaphore(%run_scoped3A : memref<!tpu.dma_semaphore, #tpu.memory_space<semaphore_mem>>) src(%dma_wait3A_63 : memref<80xi32, #tpu.memory_space<hbm>>) dst(%arg12 : memref<80xi32, #tpu.memory_space<vmem>>)
        tpu.yield
      }) : () -> ()
      %dma_wait3A_35 = arith.constant 0 : i32
      %dma_wait3A_36 = arith.constant 0 : i32
      %dma_wait3A_37 = tpu.memref_slice %arg2[%dma_wait3A_35, %dma_wait3A_36] : memref<10000x128xf32, #tpu.memory_space<hbm>> -> memref<10000x128xf32, #tpu.memory_space<hbm>>
      tpu.wait_indirect_dma semaphore(%arg20 : memref<!tpu.dma_semaphore, #tpu.memory_space<semaphore_mem>>) src(%dma_wait3A_37 : memref<10000x128xf32, #tpu.memory_space<hbm>>) dst(%arg15 : memref<80x128xf32, #tpu.memory_space<vmem>>)
      %dma_start3A_38 = arith.constant 0 : i32
      %dma_start3A_39 = arith.constant 0 : i32
      %dma_start3A_40 = tpu.memref_slice %arg2[%dma_start3A_38, %dma_start3A_39] : memref<10000x128xf32, #tpu.memory_space<hbm>> -> memref<10000x128xf32, #tpu.memory_space<hbm>>
      tpu.enqueue_indirect_dma source(%dma_start3A_40 : memref<10000x128xf32, #tpu.memory_space<hbm>>) target(%arg16 : memref<80x128xf32, #tpu.memory_space<vmem>>) offsets(%arg8 : memref<80xi32, #tpu.memory_space<vmem>>) semaphore(%arg21 : memref<!tpu.dma_semaphore, #tpu.memory_space<semaphore_mem>>)
      "tpu.region"() ({
        %run_scoped3A = tpu.sem_alloc : memref<!tpu.dma_semaphore, #tpu.memory_space<semaphore_mem>>
        %dma_start3A_60 = arith.constant 0 : i32
        %dma_start3A_61 = arith.constant 0 : i32
        %dma_start3A_62 = tpu.memref_slice %arg19[%dma_start3A_60, %dma_start3A_61] : memref<10240x128xf32, #tpu.memory_space<vmem_shared>> -> memref<10240x128xf32, #tpu.memory_space<vmem_shared>>
        tpu.enqueue_indirect_dma source(%arg15 : memref<80x128xf32, #tpu.memory_space<vmem>>) target(%dma_start3A_62 : memref<10240x128xf32, #tpu.memory_space<vmem_shared>>) offsets(%arg11 : memref<80xi32, #tpu.memory_space<vmem>>) semaphore(%run_scoped3A : memref<!tpu.dma_semaphore, #tpu.memory_space<semaphore_mem>>) {add = true}
        %dma_wait3A_63 = arith.constant 0 : i32
        %dma_wait3A_64 = arith.constant 0 : i32
        %dma_wait3A_65 = tpu.memref_slice %arg19[%dma_wait3A_63, %dma_wait3A_64] : memref<10240x128xf32, #tpu.memory_space<vmem_shared>> -> memref<10240x128xf32, #tpu.memory_space<vmem_shared>>
        tpu.wait_indirect_dma semaphore(%run_scoped3A : memref<!tpu.dma_semaphore, #tpu.memory_space<semaphore_mem>>) src(%arg15 : memref<80x128xf32, #tpu.memory_space<vmem>>) dst(%dma_wait3A_65 : memref<10240x128xf32, #tpu.memory_space<vmem_shared>>)
        tpu.yield
      }) : () -> ()
      %add3A_41 = arith.constant 160 : i32
      %add3A_42 = arith.addi %add3A_29, %add3A_41 : i32
      "tpu.region"() ({
        %run_scoped3A = tpu.sem_alloc : memref<!tpu.dma_semaphore, #tpu.memory_space<semaphore_mem>>
        %dma_start3A_60 = tpu.memref_slice %arg3[%add3A_42] : memref<320000xi32, #tpu.memory_space<hbm>> -> memref<80xi32, #tpu.memory_space<hbm>>
        %dma_start3A_61 = tpu.memref_slice %arg3[%add3A_42] : memref<320000xi32, #tpu.memory_space<hbm>> -> memref<80xi32, #tpu.memory_space<hbm>>
        tpu.enqueue_dma source(%dma_start3A_61 : memref<80xi32, #tpu.memory_space<hbm>>) target(%arg9 : memref<80xi32, #tpu.memory_space<vmem>>) target_semaphore(%run_scoped3A : memref<!tpu.dma_semaphore, #tpu.memory_space<semaphore_mem>>)
        %dma_wait3A_62 = tpu.memref_slice %arg3[%add3A_42] : memref<320000xi32, #tpu.memory_space<hbm>> -> memref<80xi32, #tpu.memory_space<hbm>>
        %dma_wait3A_63 = tpu.memref_slice %arg3[%add3A_42] : memref<320000xi32, #tpu.memory_space<hbm>> -> memref<80xi32, #tpu.memory_space<hbm>>
        tpu.wait_dma2 semaphore(%run_scoped3A : memref<!tpu.dma_semaphore, #tpu.memory_space<semaphore_mem>>) src(%dma_wait3A_63 : memref<80xi32, #tpu.memory_space<hbm>>) dst(%arg9 : memref<80xi32, #tpu.memory_space<vmem>>)
        tpu.yield
      }) : () -> ()
      "tpu.region"() ({
        %run_scoped3A = tpu.sem_alloc : memref<!tpu.dma_semaphore, #tpu.memory_space<semaphore_mem>>
        %dma_start3A_60 = tpu.memref_slice %arg4[%add3A_42] : memref<320000xi32, #tpu.memory_space<hbm>> -> memref<80xi32, #tpu.memory_space<hbm>>
        %dma_start3A_61 = tpu.memref_slice %arg4[%add3A_42] : memref<320000xi32, #tpu.memory_space<hbm>> -> memref<80xi32, #tpu.memory_space<hbm>>
        tpu.enqueue_dma source(%dma_start3A_61 : memref<80xi32, #tpu.memory_space<hbm>>) target(%arg13 : memref<80xi32, #tpu.memory_space<vmem>>) target_semaphore(%run_scoped3A : memref<!tpu.dma_semaphore, #tpu.memory_space<semaphore_mem>>)
        %dma_wait3A_62 = tpu.memref_slice %arg4[%add3A_42] : memref<320000xi32, #tpu.memory_space<hbm>> -> memref<80xi32, #tpu.memory_space<hbm>>
        %dma_wait3A_63 = tpu.memref_slice %arg4[%add3A_42] : memref<320000xi32, #tpu.memory_space<hbm>> -> memref<80xi32, #tpu.memory_space<hbm>>
        tpu.wait_dma2 semaphore(%run_scoped3A : memref<!tpu.dma_semaphore, #tpu.memory_space<semaphore_mem>>) src(%dma_wait3A_63 : memref<80xi32, #tpu.memory_space<hbm>>) dst(%arg13 : memref<80xi32, #tpu.memory_space<vmem>>)
        tpu.yield
      }) : () -> ()
      %dma_wait3A_43 = arith.constant 0 : i32
      %dma_wait3A_44 = arith.constant 0 : i32
      %dma_wait3A_45 = tpu.memref_slice %arg2[%dma_wait3A_43, %dma_wait3A_44] : memref<10000x128xf32, #tpu.memory_space<hbm>> -> memref<10000x128xf32, #tpu.memory_space<hbm>>
      tpu.wait_indirect_dma semaphore(%arg21 : memref<!tpu.dma_semaphore, #tpu.memory_space<semaphore_mem>>) src(%dma_wait3A_45 : memref<10000x128xf32, #tpu.memory_space<hbm>>) dst(%arg16 : memref<80x128xf32, #tpu.memory_space<vmem>>)
      %dma_start3A_46 = arith.constant 0 : i32
      %dma_start3A_47 = arith.constant 0 : i32
      %dma_start3A_48 = tpu.memref_slice %arg2[%dma_start3A_46, %dma_start3A_47] : memref<10000x128xf32, #tpu.memory_space<hbm>> -> memref<10000x128xf32, #tpu.memory_space<hbm>>
      tpu.enqueue_indirect_dma source(%dma_start3A_48 : memref<10000x128xf32, #tpu.memory_space<hbm>>) target(%arg17 : memref<80x128xf32, #tpu.memory_space<vmem>>) offsets(%arg9 : memref<80xi32, #tpu.memory_space<vmem>>) semaphore(%arg22 : memref<!tpu.dma_semaphore, #tpu.memory_space<semaphore_mem>>)
      "tpu.region"() ({
        %run_scoped3A = tpu.sem_alloc : memref<!tpu.dma_semaphore, #tpu.memory_space<semaphore_mem>>
        %dma_start3A_60 = arith.constant 0 : i32
        %dma_start3A_61 = arith.constant 0 : i32
        %dma_start3A_62 = tpu.memref_slice %arg19[%dma_start3A_60, %dma_start3A_61] : memref<10240x128xf32, #tpu.memory_space<vmem_shared>> -> memref<10240x128xf32, #tpu.memory_space<vmem_shared>>
        tpu.enqueue_indirect_dma source(%arg16 : memref<80x128xf32, #tpu.memory_space<vmem>>) target(%dma_start3A_62 : memref<10240x128xf32, #tpu.memory_space<vmem_shared>>) offsets(%arg12 : memref<80xi32, #tpu.memory_space<vmem>>) semaphore(%run_scoped3A : memref<!tpu.dma_semaphore, #tpu.memory_space<semaphore_mem>>) {add = true}
        %dma_wait3A_63 = arith.constant 0 : i32
        %dma_wait3A_64 = arith.constant 0 : i32
        %dma_wait3A_65 = tpu.memref_slice %arg19[%dma_wait3A_63, %dma_wait3A_64] : memref<10240x128xf32, #tpu.memory_space<vmem_shared>> -> memref<10240x128xf32, #tpu.memory_space<vmem_shared>>
        tpu.wait_indirect_dma semaphore(%run_scoped3A : memref<!tpu.dma_semaphore, #tpu.memory_space<semaphore_mem>>) src(%arg16 : memref<80x128xf32, #tpu.memory_space<vmem>>) dst(%dma_wait3A_65 : memref<10240x128xf32, #tpu.memory_space<vmem_shared>>)
        tpu.yield
      }) : () -> ()
      %add3A_49 = arith.constant 240 : i32
      %add3A_50 = arith.addi %add3A_29, %add3A_49 : i32
      "tpu.region"() ({
        %run_scoped3A = tpu.sem_alloc : memref<!tpu.dma_semaphore, #tpu.memory_space<semaphore_mem>>
        %dma_start3A_60 = tpu.memref_slice %arg3[%add3A_50] : memref<320000xi32, #tpu.memory_space<hbm>> -> memref<80xi32, #tpu.memory_space<hbm>>
        %dma_start3A_61 = tpu.memref_slice %arg3[%add3A_50] : memref<320000xi32, #tpu.memory_space<hbm>> -> memref<80xi32, #tpu.memory_space<hbm>>
        tpu.enqueue_dma source(%dma_start3A_61 : memref<80xi32, #tpu.memory_space<hbm>>) target(%arg10 : memref<80xi32, #tpu.memory_space<vmem>>) target_semaphore(%run_scoped3A : memref<!tpu.dma_semaphore, #tpu.memory_space<semaphore_mem>>)
        %dma_wait3A_62 = tpu.memref_slice %arg3[%add3A_50] : memref<320000xi32, #tpu.memory_space<hbm>> -> memref<80xi32, #tpu.memory_space<hbm>>
        %dma_wait3A_63 = tpu.memref_slice %arg3[%add3A_50] : memref<320000xi32, #tpu.memory_space<hbm>> -> memref<80xi32, #tpu.memory_space<hbm>>
        tpu.wait_dma2 semaphore(%run_scoped3A : memref<!tpu.dma_semaphore, #tpu.memory_space<semaphore_mem>>) src(%dma_wait3A_63 : memref<80xi32, #tpu.memory_space<hbm>>) dst(%arg10 : memref<80xi32, #tpu.memory_space<vmem>>)
        tpu.yield
      }) : () -> ()
      "tpu.region"() ({
        %run_scoped3A = tpu.sem_alloc : memref<!tpu.dma_semaphore, #tpu.memory_space<semaphore_mem>>
        %dma_start3A_60 = tpu.memref_slice %arg4[%add3A_50] : memref<320000xi32, #tpu.memory_space<hbm>> -> memref<80xi32, #tpu.memory_space<hbm>>
        %dma_start3A_61 = tpu.memref_slice %arg4[%add3A_50] : memref<320000xi32, #tpu.memory_space<hbm>> -> memref<80xi32, #tpu.memory_space<hbm>>
        tpu.enqueue_dma source(%dma_start3A_61 : memref<80xi32, #tpu.memory_space<hbm>>) target(%arg14 : memref<80xi32, #tpu.memory_space<vmem>>) target_semaphore(%run_scoped3A : memref<!tpu.dma_semaphore, #tpu.memory_space<semaphore_mem>>)
        %dma_wait3A_62 = tpu.memref_slice %arg4[%add3A_50] : memref<320000xi32, #tpu.memory_space<hbm>> -> memref<80xi32, #tpu.memory_space<hbm>>
        %dma_wait3A_63 = tpu.memref_slice %arg4[%add3A_50] : memref<320000xi32, #tpu.memory_space<hbm>> -> memref<80xi32, #tpu.memory_space<hbm>>
        tpu.wait_dma2 semaphore(%run_scoped3A : memref<!tpu.dma_semaphore, #tpu.memory_space<semaphore_mem>>) src(%dma_wait3A_63 : memref<80xi32, #tpu.memory_space<hbm>>) dst(%arg14 : memref<80xi32, #tpu.memory_space<vmem>>)
        tpu.yield
      }) : () -> ()
      %dma_wait3A_51 = arith.constant 0 : i32
      %dma_wait3A_52 = arith.constant 0 : i32
      %dma_wait3A_53 = tpu.memref_slice %arg2[%dma_wait3A_51, %dma_wait3A_52] : memref<10000x128xf32, #tpu.memory_space<hbm>> -> memref<10000x128xf32, #tpu.memory_space<hbm>>
      tpu.wait_indirect_dma semaphore(%arg22 : memref<!tpu.dma_semaphore, #tpu.memory_space<semaphore_mem>>) src(%dma_wait3A_53 : memref<10000x128xf32, #tpu.memory_space<hbm>>) dst(%arg17 : memref<80x128xf32, #tpu.memory_space<vmem>>)
      %dma_start3A_54 = arith.constant 0 : i32
      %dma_start3A_55 = arith.constant 0 : i32
      %dma_start3A_56 = tpu.memref_slice %arg2[%dma_start3A_54, %dma_start3A_55] : memref<10000x128xf32, #tpu.memory_space<hbm>> -> memref<10000x128xf32, #tpu.memory_space<hbm>>
      tpu.enqueue_indirect_dma source(%dma_start3A_56 : memref<10000x128xf32, #tpu.memory_space<hbm>>) target(%arg18 : memref<80x128xf32, #tpu.memory_space<vmem>>) offsets(%arg10 : memref<80xi32, #tpu.memory_space<vmem>>) semaphore(%arg23 : memref<!tpu.dma_semaphore, #tpu.memory_space<semaphore_mem>>)
      "tpu.region"() ({
        %run_scoped3A = tpu.sem_alloc : memref<!tpu.dma_semaphore, #tpu.memory_space<semaphore_mem>>
        %dma_start3A_60 = arith.constant 0 : i32
        %dma_start3A_61 = arith.constant 0 : i32
        %dma_start3A_62 = tpu.memref_slice %arg19[%dma_start3A_60, %dma_start3A_61] : memref<10240x128xf32, #tpu.memory_space<vmem_shared>> -> memref<10240x128xf32, #tpu.memory_space<vmem_shared>>
        tpu.enqueue_indirect_dma source(%arg17 : memref<80x128xf32, #tpu.memory_space<vmem>>) target(%dma_start3A_62 : memref<10240x128xf32, #tpu.memory_space<vmem_shared>>) offsets(%arg13 : memref<80xi32, #tpu.memory_space<vmem>>) semaphore(%run_scoped3A : memref<!tpu.dma_semaphore, #tpu.memory_space<semaphore_mem>>) {add = true}
        %dma_wait3A_63 = arith.constant 0 : i32
        %dma_wait3A_64 = arith.constant 0 : i32
        %dma_wait3A_65 = tpu.memref_slice %arg19[%dma_wait3A_63, %dma_wait3A_64] : memref<10240x128xf32, #tpu.memory_space<vmem_shared>> -> memref<10240x128xf32, #tpu.memory_space<vmem_shared>>
        tpu.wait_indirect_dma semaphore(%run_scoped3A : memref<!tpu.dma_semaphore, #tpu.memory_space<semaphore_mem>>) src(%arg17 : memref<80x128xf32, #tpu.memory_space<vmem>>) dst(%dma_wait3A_65 : memref<10240x128xf32, #tpu.memory_space<vmem_shared>>)
        tpu.yield
      }) : () -> ()
      %dma_wait3A_57 = arith.constant 0 : i32
      %dma_wait3A_58 = arith.constant 0 : i32
      %dma_wait3A_59 = tpu.memref_slice %arg2[%dma_wait3A_57, %dma_wait3A_58] : memref<10000x128xf32, #tpu.memory_space<hbm>> -> memref<10000x128xf32, #tpu.memory_space<hbm>>
      tpu.wait_indirect_dma semaphore(%arg23 : memref<!tpu.dma_semaphore, #tpu.memory_space<semaphore_mem>>) src(%dma_wait3A_59 : memref<10000x128xf32, #tpu.memory_space<hbm>>) dst(%arg18 : memref<80x128xf32, #tpu.memory_space<vmem>>)
      "tpu.region"() ({
        %run_scoped3A = tpu.sem_alloc : memref<!tpu.dma_semaphore, #tpu.memory_space<semaphore_mem>>
        %dma_start3A_60 = arith.constant 0 : i32
        %dma_start3A_61 = arith.constant 0 : i32
        %dma_start3A_62 = tpu.memref_slice %arg19[%dma_start3A_60, %dma_start3A_61] : memref<10240x128xf32, #tpu.memory_space<vmem_shared>> -> memref<10240x128xf32, #tpu.memory_space<vmem_shared>>
        tpu.enqueue_indirect_dma source(%arg18 : memref<80x128xf32, #tpu.memory_space<vmem>>) target(%dma_start3A_62 : memref<10240x128xf32, #tpu.memory_space<vmem_shared>>) offsets(%arg14 : memref<80xi32, #tpu.memory_space<vmem>>) semaphore(%run_scoped3A : memref<!tpu.dma_semaphore, #tpu.memory_space<semaphore_mem>>) {add = true}
        %dma_wait3A_63 = arith.constant 0 : i32
        %dma_wait3A_64 = arith.constant 0 : i32
        %dma_wait3A_65 = tpu.memref_slice %arg19[%dma_wait3A_63, %dma_wait3A_64] : memref<10240x128xf32, #tpu.memory_space<vmem_shared>> -> memref<10240x128xf32, #tpu.memory_space<vmem_shared>>
        tpu.wait_indirect_dma semaphore(%run_scoped3A : memref<!tpu.dma_semaphore, #tpu.memory_space<semaphore_mem>>) src(%arg18 : memref<80x128xf32, #tpu.memory_space<vmem>>) dst(%dma_wait3A_65 : memref<10240x128xf32, #tpu.memory_space<vmem_shared>>)
        tpu.yield
      }) : () -> ()
    }
    %scan3A_11 = arith.constant 31 : i32
    %add3A_12 = arith.constant 9920 : i32
    %add3A_13 = arith.addi %mul3A_2, %add3A_12 : i32
    "tpu.region"() ({
      %run_scoped3A = tpu.sem_alloc : memref<!tpu.dma_semaphore, #tpu.memory_space<semaphore_mem>>
      %dma_start3A_26 = tpu.memref_slice %arg3[%add3A_13] : memref<320000xi32, #tpu.memory_space<hbm>> -> memref<80xi32, #tpu.memory_space<hbm>>
      %dma_start3A_27 = tpu.memref_slice %arg3[%add3A_13] : memref<320000xi32, #tpu.memory_space<hbm>> -> memref<80xi32, #tpu.memory_space<hbm>>
      tpu.enqueue_dma source(%dma_start3A_27 : memref<80xi32, #tpu.memory_space<hbm>>) target(%arg7 : memref<80xi32, #tpu.memory_space<vmem>>) target_semaphore(%run_scoped3A : memref<!tpu.dma_semaphore, #tpu.memory_space<semaphore_mem>>)
      %dma_wait3A_28 = tpu.memref_slice %arg3[%add3A_13] : memref<320000xi32, #tpu.memory_space<hbm>> -> memref<80xi32, #tpu.memory_space<hbm>>
      %dma_wait3A_29 = tpu.memref_slice %arg3[%add3A_13] : memref<320000xi32, #tpu.memory_space<hbm>> -> memref<80xi32, #tpu.memory_space<hbm>>
      tpu.wait_dma2 semaphore(%run_scoped3A : memref<!tpu.dma_semaphore, #tpu.memory_space<semaphore_mem>>) src(%dma_wait3A_29 : memref<80xi32, #tpu.memory_space<hbm>>) dst(%arg7 : memref<80xi32, #tpu.memory_space<vmem>>)
      tpu.yield
    }) : () -> ()
    "tpu.region"() ({
      %run_scoped3A = tpu.sem_alloc : memref<!tpu.dma_semaphore, #tpu.memory_space<semaphore_mem>>
      %dma_start3A_26 = tpu.memref_slice %arg4[%add3A_13] : memref<320000xi32, #tpu.memory_space<hbm>> -> memref<80xi32, #tpu.memory_space<hbm>>
      %dma_start3A_27 = tpu.memref_slice %arg4[%add3A_13] : memref<320000xi32, #tpu.memory_space<hbm>> -> memref<80xi32, #tpu.memory_space<hbm>>
      tpu.enqueue_dma source(%dma_start3A_27 : memref<80xi32, #tpu.memory_space<hbm>>) target(%arg11 : memref<80xi32, #tpu.memory_space<vmem>>) target_semaphore(%run_scoped3A : memref<!tpu.dma_semaphore, #tpu.memory_space<semaphore_mem>>)
      %dma_wait3A_28 = tpu.memref_slice %arg4[%add3A_13] : memref<320000xi32, #tpu.memory_space<hbm>> -> memref<80xi32, #tpu.memory_space<hbm>>
      %dma_wait3A_29 = tpu.memref_slice %arg4[%add3A_13] : memref<320000xi32, #tpu.memory_space<hbm>> -> memref<80xi32, #tpu.memory_space<hbm>>
      tpu.wait_dma2 semaphore(%run_scoped3A : memref<!tpu.dma_semaphore, #tpu.memory_space<semaphore_mem>>) src(%dma_wait3A_29 : memref<80xi32, #tpu.memory_space<hbm>>) dst(%arg11 : memref<80xi32, #tpu.memory_space<vmem>>)
      tpu.yield
    }) : () -> ()
    %dma_start3A = arith.constant 0 : i32
    %dma_start3A_14 = arith.constant 0 : i32
    %dma_start3A_15 = tpu.memref_slice %arg2[%dma_start3A, %dma_start3A_14] : memref<10000x128xf32, #tpu.memory_space<hbm>> -> memref<10000x128xf32, #tpu.memory_space<hbm>>
    tpu.enqueue_indirect_dma source(%dma_start3A_15 : memref<10000x128xf32, #tpu.memory_space<hbm>>) target(%arg15 : memref<80x128xf32, #tpu.memory_space<vmem>>) offsets(%arg7 : memref<80xi32, #tpu.memory_space<vmem>>) semaphore(%arg20 : memref<!tpu.dma_semaphore, #tpu.memory_space<semaphore_mem>>)
    %dma_wait3A = arith.constant 0 : i32
    %dma_wait3A_16 = arith.constant 0 : i32
    %dma_wait3A_17 = tpu.memref_slice %arg2[%dma_wait3A, %dma_wait3A_16] : memref<10000x128xf32, #tpu.memory_space<hbm>> -> memref<10000x128xf32, #tpu.memory_space<hbm>>
    tpu.wait_indirect_dma semaphore(%arg20 : memref<!tpu.dma_semaphore, #tpu.memory_space<semaphore_mem>>) src(%dma_wait3A_17 : memref<10000x128xf32, #tpu.memory_space<hbm>>) dst(%arg15 : memref<80x128xf32, #tpu.memory_space<vmem>>)
    "tpu.region"() ({
      %run_scoped3A = tpu.sem_alloc : memref<!tpu.dma_semaphore, #tpu.memory_space<semaphore_mem>>
      %dma_start3A_26 = arith.constant 0 : i32
      %dma_start3A_27 = arith.constant 0 : i32
      %dma_start3A_28 = tpu.memref_slice %arg19[%dma_start3A_26, %dma_start3A_27] : memref<10240x128xf32, #tpu.memory_space<vmem_shared>> -> memref<10240x128xf32, #tpu.memory_space<vmem_shared>>
      tpu.enqueue_indirect_dma source(%arg15 : memref<80x128xf32, #tpu.memory_space<vmem>>) target(%dma_start3A_28 : memref<10240x128xf32, #tpu.memory_space<vmem_shared>>) offsets(%arg11 : memref<80xi32, #tpu.memory_space<vmem>>) semaphore(%run_scoped3A : memref<!tpu.dma_semaphore, #tpu.memory_space<semaphore_mem>>) {add = true}
      %dma_wait3A_29 = arith.constant 0 : i32
      %dma_wait3A_30 = arith.constant 0 : i32
      %dma_wait3A_31 = tpu.memref_slice %arg19[%dma_wait3A_29, %dma_wait3A_30] : memref<10240x128xf32, #tpu.memory_space<vmem_shared>> -> memref<10240x128xf32, #tpu.memory_space<vmem_shared>>
      tpu.wait_indirect_dma semaphore(%run_scoped3A : memref<!tpu.dma_semaphore, #tpu.memory_space<semaphore_mem>>) src(%arg15 : memref<80x128xf32, #tpu.memory_space<vmem>>) dst(%dma_wait3A_31 : memref<10240x128xf32, #tpu.memory_space<vmem_shared>>)
      tpu.yield
    }) : () -> ()
    %barrier3A_18 = arith.constant 0 : index
    tpu.barrier barrier_id(%barrier3A_18)
    %mul3A_19 = arith.constant 640 : i32
    %mul3A_20 = arith.muli %arg1, %mul3A_19 : i32
    %mul3A_21 = arith.constant 10240 : i32
    %mul3A_22 = arith.muli %arg0, %mul3A_21 : i32
    %mul3A_23 = arith.constant 640 : i32
    %mul3A_24 = arith.muli %arg1, %mul3A_23 : i32
    %add3A_25 = arith.addi %mul3A_22, %mul3A_24 : i32
    "tpu.region"() ({
      %run_scoped3A = tpu.sem_alloc : memref<!tpu.dma_semaphore, #tpu.memory_space<semaphore_mem>>
      %dma_start3A_26 = arith.constant 0 : i32
      %dma_start3A_27 = tpu.memref_slice %arg6[%add3A_25, %dma_start3A_26] : memref<20480x128xf32, #tpu.memory_space<hbm>> -> memref<640x128xf32, #tpu.memory_space<hbm>>
      %dma_start3A_28 = arith.constant 0 : i32
      %dma_start3A_29 = tpu.memref_slice %arg19[%mul3A_20, %dma_start3A_28] : memref<10240x128xf32, #tpu.memory_space<vmem_shared>> -> memref<640x128xf32, #tpu.memory_space<vmem_shared>>
      tpu.enqueue_dma source(%dma_start3A_29 : memref<640x128xf32, #tpu.memory_space<vmem_shared>>) target(%dma_start3A_27 : memref<640x128xf32, #tpu.memory_space<hbm>>) target_semaphore(%run_scoped3A : memref<!tpu.dma_semaphore, #tpu.memory_space<semaphore_mem>>)
      %dma_wait3A_30 = arith.constant 0 : i32
      %dma_wait3A_31 = tpu.memref_slice %arg6[%add3A_25, %dma_wait3A_30] : memref<20480x128xf32, #tpu.memory_space<hbm>> -> memref<640x128xf32, #tpu.memory_space<hbm>>
      %dma_wait3A_32 = arith.constant 0 : i32
      %dma_wait3A_33 = tpu.memref_slice %arg19[%mul3A_20, %dma_wait3A_32] : memref<10240x128xf32, #tpu.memory_space<vmem_shared>> -> memref<640x128xf32, #tpu.memory_space<vmem_shared>>
      tpu.wait_dma2 semaphore(%run_scoped3A : memref<!tpu.dma_semaphore, #tpu.memory_space<semaphore_mem>>) src(%dma_wait3A_33 : memref<640x128xf32, #tpu.memory_space<vmem_shared>>) dst(%dma_wait3A_31 : memref<640x128xf32, #tpu.memory_space<hbm>>)
      tpu.yield
    }) : () -> ()
    return
  }
}

#map = affine_map<(d0, d1) -> (0, 0)>
#map1 = affine_map<(d0, d1) -> (0)>
module attributes {stable_mosaic.version = 14 : i64} {
  func.func @k(%arg0: i32, %arg1: i32, %arg2: memref<10000x128xf32, #tpu.memory_space<hbm>>, %arg3: memref<320000xi32, #tpu.memory_space<hbm>>, %arg4: memref<320000xi32, #tpu.memory_space<hbm>>, %arg5: memref<10240x128xf32, #tpu.memory_space<hbm>>, %arg6: memref<20480x128xf32, #tpu.memory_space<hbm>>, %arg7: memref<80xi32, #tpu.memory_space<vmem>>, %arg8: memref<80xi32, #tpu.memory_space<vmem>>, %arg9: memref<80xi32, #tpu.memory_space<vmem>>, %arg10: memref<80xi32, #tpu.memory_space<vmem>>, %arg11: memref<80xi32, #tpu.memory_space<vmem>>, %arg12: memref<80xi32, #tpu.memory_space<vmem>>, %arg13: memref<80xi32, #tpu.memory_space<vmem>>, %arg14: memref<80xi32, #tpu.memory_space<vmem>>, %arg15: memref<80x128xf32, #tpu.memory_space<vmem>>, %arg16: memref<80x128xf32, #tpu.memory_space<vmem>>, %arg17: memref<80x128xf32, #tpu.memory_space<vmem>>, %arg18: memref<80x128xf32, #tpu.memory_space<vmem>>, %arg19: memref<10240x128xf32, #tpu.memory_space<vmem_shared>>, %arg20: memref<!tpu.dma_semaphore, #tpu.memory_space<semaphore_mem>>, %arg21: memref<!tpu.dma_semaphore, #tpu.memory_space<semaphore_mem>>, %arg22: memref<!tpu.dma_semaphore, #tpu.memory_space<semaphore_mem>>, %arg23: memref<!tpu.dma_semaphore, #tpu.memory_space<semaphore_mem>>) attributes {dimension_semantics = [#tpu.dimension_semantics<core_parallel>, #tpu.dimension_semantics<subcore_parallel>], iteration_bounds = array<i64: 2, 16>, scalar_prefetch = 0 : i64, scratch_operands = 17 : i64, tpu.core_type = #tpu.core_type<sc_vector_subcore>, window_params = [{transform_indices = #map}, {transform_indices = #map1}, {transform_indices = #map1}, {transform_indices = #map}, {transform_indices = #map}]} {
    %mul3A = arith.constant 16 : i32
    %mul3A_0 = arith.muli %arg0, %mul3A : i32
    %add3A = arith.addi %mul3A_0, %arg1 : i32
    %mul3A_1 = arith.constant 10000 : i32
    %mul3A_2 = arith.muli %add3A, %mul3A_1 : i32
    %mul3A_3 = arith.constant 640 : i32
    %mul3A_4 = arith.muli %arg1, %mul3A_3 : i32
    %mul3A_5 = arith.constant 640 : i32
    %mul3A_6 = arith.muli %arg1, %mul3A_5 : i32
    "tpu.region"() ({
      %run_scoped3A = tpu.sem_alloc : memref<!tpu.dma_semaphore, #tpu.memory_space<semaphore_mem>>
      %dma_start3A_26 = arith.constant 0 : i32
      %dma_start3A_27 = tpu.memref_slice %arg19[%mul3A_6, %dma_start3A_26] : memref<10240x128xf32, #tpu.memory_space<vmem_shared>> -> memref<640x128xf32, #tpu.memory_space<vmem_shared>>
      %dma_start3A_28 = arith.constant 0 : i32
      %dma_start3A_29 = tpu.memref_slice %arg5[%mul3A_4, %dma_start3A_28] : memref<10240x128xf32, #tpu.memory_space<hbm>> -> memref<640x128xf32, #tpu.memory_space<hbm>>
      tpu.enqueue_dma source(%dma_start3A_29 : memref<640x128xf32, #tpu.memory_space<hbm>>) target(%dma_start3A_27 : memref<640x128xf32, #tpu.memory_space<vmem_shared>>) target_semaphore(%run_scoped3A : memref<!tpu.dma_semaphore, #tpu.memory_space<semaphore_mem>>)
      %dma_wait3A_30 = arith.constant 0 : i32
      %dma_wait3A_31 = tpu.memref_slice %arg19[%mul3A_6, %dma_wait3A_30] : memref<10240x128xf32, #tpu.memory_space<vmem_shared>> -> memref<640x128xf32, #tpu.memory_space<vmem_shared>>
      %dma_wait3A_32 = arith.constant 0 : i32
      %dma_wait3A_33 = tpu.memref_slice %arg5[%mul3A_4, %dma_wait3A_32] : memref<10240x128xf32, #tpu.memory_space<hbm>> -> memref<640x128xf32, #tpu.memory_space<hbm>>
      tpu.wait_dma2 semaphore(%run_scoped3A : memref<!tpu.dma_semaphore, #tpu.memory_space<semaphore_mem>>) src(%dma_wait3A_33 : memref<640x128xf32, #tpu.memory_space<hbm>>) dst(%dma_wait3A_31 : memref<640x128xf32, #tpu.memory_space<vmem_shared>>)
      tpu.yield
    }) : () -> ()
    %barrier3A = arith.constant 0 : index
    tpu.barrier barrier_id(%barrier3A)
    %scan3A = arith.constant 0 : i32
    %scan3A_7 = arith.constant 0 : i32
    %scan3A_8 = arith.constant 31 : i32
    %scan3A_9 = arith.addi %scan3A_7, %scan3A_8 : i32
    %scan3A_10 = arith.constant 1 : i32
    scf.for %scan3A_26 = %scan3A_7 to %scan3A_9 step %scan3A_10  : i32 {
      %mul3A_27 = arith.constant 320 : i32
      %mul3A_28 = arith.muli %scan3A_26, %mul3A_27 : i32
      %add3A_29 = arith.addi %mul3A_2, %mul3A_28 : i32
      "tpu.region"() ({
        %run_scoped3A = tpu.sem_alloc : memref<!tpu.dma_semaphore, #tpu.memory_space<semaphore_mem>>
        %dma_start3A_60 = tpu.memref_slice %arg3[%add3A_29] : memref<320000xi32, #tpu.memory_space<hbm>> -> memref<80xi32, #tpu.memory_space<hbm>>
        %dma_start3A_61 = tpu.memref_slice %arg3[%add3A_29] : memref<320000xi32, #tpu.memory_space<hbm>> -> memref<80xi32, #tpu.memory_space<hbm>>
        tpu.enqueue_dma source(%dma_start3A_61 : memref<80xi32, #tpu.memory_space<hbm>>) target(%arg7 : memref<80xi32, #tpu.memory_space<vmem>>) target_semaphore(%run_scoped3A : memref<!tpu.dma_semaphore, #tpu.memory_space<semaphore_mem>>)
        %dma_wait3A_62 = tpu.memref_slice %arg3[%add3A_29] : memref<320000xi32, #tpu.memory_space<hbm>> -> memref<80xi32, #tpu.memory_space<hbm>>
        %dma_wait3A_63 = tpu.memref_slice %arg3[%add3A_29] : memref<320000xi32, #tpu.memory_space<hbm>> -> memref<80xi32, #tpu.memory_space<hbm>>
        tpu.wait_dma2 semaphore(%run_scoped3A : memref<!tpu.dma_semaphore, #tpu.memory_space<semaphore_mem>>) src(%dma_wait3A_63 : memref<80xi32, #tpu.memory_space<hbm>>) dst(%arg7 : memref<80xi32, #tpu.memory_space<vmem>>)
        tpu.yield
      }) : () -> ()
      "tpu.region"() ({
        %run_scoped3A = tpu.sem_alloc : memref<!tpu.dma_semaphore, #tpu.memory_space<semaphore_mem>>
        %dma_start3A_60 = tpu.memref_slice %arg4[%add3A_29] : memref<320000xi32, #tpu.memory_space<hbm>> -> memref<80xi32, #tpu.memory_space<hbm>>
        %dma_start3A_61 = tpu.memref_slice %arg4[%add3A_29] : memref<320000xi32, #tpu.memory_space<hbm>> -> memref<80xi32, #tpu.memory_space<hbm>>
        tpu.enqueue_dma source(%dma_start3A_61 : memref<80xi32, #tpu.memory_space<hbm>>) target(%arg11 : memref<80xi32, #tpu.memory_space<vmem>>) target_semaphore(%run_scoped3A : memref<!tpu.dma_semaphore, #tpu.memory_space<semaphore_mem>>)
        %dma_wait3A_62 = tpu.memref_slice %arg4[%add3A_29] : memref<320000xi32, #tpu.memory_space<hbm>> -> memref<80xi32, #tpu.memory_space<hbm>>
        %dma_wait3A_63 = tpu.memref_slice %arg4[%add3A_29] : memref<320000xi32, #tpu.memory_space<hbm>> -> memref<80xi32, #tpu.memory_space<hbm>>
        tpu.wait_dma2 semaphore(%run_scoped3A : memref<!tpu.dma_semaphore, #tpu.memory_space<semaphore_mem>>) src(%dma_wait3A_63 : memref<80xi32, #tpu.memory_space<hbm>>) dst(%arg11 : memref<80xi32, #tpu.memory_space<vmem>>)
        tpu.yield
      }) : () -> ()
      %dma_start3A_30 = arith.constant 0 : i32
      %dma_start3A_31 = arith.constant 0 : i32
      %dma_start3A_32 = tpu.memref_slice %arg2[%dma_start3A_30, %dma_start3A_31] : memref<10000x128xf32, #tpu.memory_space<hbm>> -> memref<10000x128xf32, #tpu.memory_space<hbm>>
      tpu.enqueue_indirect_dma source(%dma_start3A_32 : memref<10000x128xf32, #tpu.memory_space<hbm>>) target(%arg15 : memref<80x128xf32, #tpu.memory_space<vmem>>) offsets(%arg7 : memref<80xi32, #tpu.memory_space<vmem>>) semaphore(%arg20 : memref<!tpu.dma_semaphore, #tpu.memory_space<semaphore_mem>>)
      %add3A_33 = arith.constant 80 : i32
      %add3A_34 = arith.addi %add3A_29, %add3A_33 : i32
      "tpu.region"() ({
        %run_scoped3A = tpu.sem_alloc : memref<!tpu.dma_semaphore, #tpu.memory_space<semaphore_mem>>
        %dma_start3A_60 = tpu.memref_slice %arg3[%add3A_34] : memref<320000xi32, #tpu.memory_space<hbm>> -> memref<80xi32, #tpu.memory_space<hbm>>
        %dma_start3A_61 = tpu.memref_slice %arg3[%add3A_34] : memref<320000xi32, #tpu.memory_space<hbm>> -> memref<80xi32, #tpu.memory_space<hbm>>
        tpu.enqueue_dma source(%dma_start3A_61 : memref<80xi32, #tpu.memory_space<hbm>>) target(%arg8 : memref<80xi32, #tpu.memory_space<vmem>>) target_semaphore(%run_scoped3A : memref<!tpu.dma_semaphore, #tpu.memory_space<semaphore_mem>>)
        %dma_wait3A_62 = tpu.memref_slice %arg3[%add3A_34] : memref<320000xi32, #tpu.memory_space<hbm>> -> memref<80xi32, #tpu.memory_space<hbm>>
        %dma_wait3A_63 = tpu.memref_slice %arg3[%add3A_34] : memref<320000xi32, #tpu.memory_space<hbm>> -> memref<80xi32, #tpu.memory_space<hbm>>
        tpu.wait_dma2 semaphore(%run_scoped3A : memref<!tpu.dma_semaphore, #tpu.memory_space<semaphore_mem>>) src(%dma_wait3A_63 : memref<80xi32, #tpu.memory_space<hbm>>) dst(%arg8 : memref<80xi32, #tpu.memory_space<vmem>>)
        tpu.yield
      }) : () -> ()
      "tpu.region"() ({
        %run_scoped3A = tpu.sem_alloc : memref<!tpu.dma_semaphore, #tpu.memory_space<semaphore_mem>>
        %dma_start3A_60 = tpu.memref_slice %arg4[%add3A_34] : memref<320000xi32, #tpu.memory_space<hbm>> -> memref<80xi32, #tpu.memory_space<hbm>>
        %dma_start3A_61 = tpu.memref_slice %arg4[%add3A_34] : memref<320000xi32, #tpu.memory_space<hbm>> -> memref<80xi32, #tpu.memory_space<hbm>>
        tpu.enqueue_dma source(%dma_start3A_61 : memref<80xi32, #tpu.memory_space<hbm>>) target(%arg12 : memref<80xi32, #tpu.memory_space<vmem>>) target_semaphore(%run_scoped3A : memref<!tpu.dma_semaphore, #tpu.memory_space<semaphore_mem>>)
        %dma_wait3A_62 = tpu.memref_slice %arg4[%add3A_34] : memref<320000xi32, #tpu.memory_space<hbm>> -> memref<80xi32, #tpu.memory_space<hbm>>
        %dma_wait3A_63 = tpu.memref_slice %arg4[%add3A_34] : memref<320000xi32, #tpu.memory_space<hbm>> -> memref<80xi32, #tpu.memory_space<hbm>>
        tpu.wait_dma2 semaphore(%run_scoped3A : memref<!tpu.dma_semaphore, #tpu.memory_space<semaphore_mem>>) src(%dma_wait3A_63 : memref<80xi32, #tpu.memory_space<hbm>>) dst(%arg12 : memref<80xi32, #tpu.memory_space<vmem>>)
        tpu.yield
      }) : () -> ()
      %dma_wait3A_35 = arith.constant 0 : i32
      %dma_wait3A_36 = arith.constant 0 : i32
      %dma_wait3A_37 = tpu.memref_slice %arg2[%dma_wait3A_35, %dma_wait3A_36] : memref<10000x128xf32, #tpu.memory_space<hbm>> -> memref<10000x128xf32, #tpu.memory_space<hbm>>
      tpu.wait_indirect_dma semaphore(%arg20 : memref<!tpu.dma_semaphore, #tpu.memory_space<semaphore_mem>>) src(%dma_wait3A_37 : memref<10000x128xf32, #tpu.memory_space<hbm>>) dst(%arg15 : memref<80x128xf32, #tpu.memory_space<vmem>>)
      %dma_start3A_38 = arith.constant 0 : i32
      %dma_start3A_39 = arith.constant 0 : i32
      %dma_start3A_40 = tpu.memref_slice %arg2[%dma_start3A_38, %dma_start3A_39] : memref<10000x128xf32, #tpu.memory_space<hbm>> -> memref<10000x128xf32, #tpu.memory_space<hbm>>
      tpu.enqueue_indirect_dma source(%dma_start3A_40 : memref<10000x128xf32, #tpu.memory_space<hbm>>) target(%arg16 : memref<80x128xf32, #tpu.memory_space<vmem>>) offsets(%arg8 : memref<80xi32, #tpu.memory_space<vmem>>) semaphore(%arg21 : memref<!tpu.dma_semaphore, #tpu.memory_space<semaphore_mem>>)
      "tpu.region"() ({
        %run_scoped3A = tpu.sem_alloc : memref<!tpu.dma_semaphore, #tpu.memory_space<semaphore_mem>>
        %dma_start3A_60 = arith.constant 0 : i32
        %dma_start3A_61 = arith.constant 0 : i32
        %dma_start3A_62 = tpu.memref_slice %arg19[%dma_start3A_60, %dma_start3A_61] : memref<10240x128xf32, #tpu.memory_space<vmem_shared>> -> memref<10240x128xf32, #tpu.memory_space<vmem_shared>>
        tpu.enqueue_indirect_dma source(%arg15 : memref<80x128xf32, #tpu.memory_space<vmem>>) target(%dma_start3A_62 : memref<10240x128xf32, #tpu.memory_space<vmem_shared>>) offsets(%arg11 : memref<80xi32, #tpu.memory_space<vmem>>) semaphore(%run_scoped3A : memref<!tpu.dma_semaphore, #tpu.memory_space<semaphore_mem>>) {add = true}
        %dma_wait3A_63 = arith.constant 0 : i32
        %dma_wait3A_64 = arith.constant 0 : i32
        %dma_wait3A_65 = tpu.memref_slice %arg19[%dma_wait3A_63, %dma_wait3A_64] : memref<10240x128xf32, #tpu.memory_space<vmem_shared>> -> memref<10240x128xf32, #tpu.memory_space<vmem_shared>>
        tpu.wait_indirect_dma semaphore(%run_scoped3A : memref<!tpu.dma_semaphore, #tpu.memory_space<semaphore_mem>>) src(%arg15 : memref<80x128xf32, #tpu.memory_space<vmem>>) dst(%dma_wait3A_65 : memref<10240x128xf32, #tpu.memory_space<vmem_shared>>)
        tpu.yield
      }) : () -> ()
      %add3A_41 = arith.constant 160 : i32
      %add3A_42 = arith.addi %add3A_29, %add3A_41 : i32
      "tpu.region"() ({
        %run_scoped3A = tpu.sem_alloc : memref<!tpu.dma_semaphore, #tpu.memory_space<semaphore_mem>>
        %dma_start3A_60 = tpu.memref_slice %arg3[%add3A_42] : memref<320000xi32, #tpu.memory_space<hbm>> -> memref<80xi32, #tpu.memory_space<hbm>>
        %dma_start3A_61 = tpu.memref_slice %arg3[%add3A_42] : memref<320000xi32, #tpu.memory_space<hbm>> -> memref<80xi32, #tpu.memory_space<hbm>>
        tpu.enqueue_dma source(%dma_start3A_61 : memref<80xi32, #tpu.memory_space<hbm>>) target(%arg9 : memref<80xi32, #tpu.memory_space<vmem>>) target_semaphore(%run_scoped3A : memref<!tpu.dma_semaphore, #tpu.memory_space<semaphore_mem>>)
        %dma_wait3A_62 = tpu.memref_slice %arg3[%add3A_42] : memref<320000xi32, #tpu.memory_space<hbm>> -> memref<80xi32, #tpu.memory_space<hbm>>
        %dma_wait3A_63 = tpu.memref_slice %arg3[%add3A_42] : memref<320000xi32, #tpu.memory_space<hbm>> -> memref<80xi32, #tpu.memory_space<hbm>>
        tpu.wait_dma2 semaphore(%run_scoped3A : memref<!tpu.dma_semaphore, #tpu.memory_space<semaphore_mem>>) src(%dma_wait3A_63 : memref<80xi32, #tpu.memory_space<hbm>>) dst(%arg9 : memref<80xi32, #tpu.memory_space<vmem>>)
        tpu.yield
      }) : () -> ()
      "tpu.region"() ({
        %run_scoped3A = tpu.sem_alloc : memref<!tpu.dma_semaphore, #tpu.memory_space<semaphore_mem>>
        %dma_start3A_60 = tpu.memref_slice %arg4[%add3A_42] : memref<320000xi32, #tpu.memory_space<hbm>> -> memref<80xi32, #tpu.memory_space<hbm>>
        %dma_start3A_61 = tpu.memref_slice %arg4[%add3A_42] : memref<320000xi32, #tpu.memory_space<hbm>> -> memref<80xi32, #tpu.memory_space<hbm>>
        tpu.enqueue_dma source(%dma_start3A_61 : memref<80xi32, #tpu.memory_space<hbm>>) target(%arg13 : memref<80xi32, #tpu.memory_space<vmem>>) target_semaphore(%run_scoped3A : memref<!tpu.dma_semaphore, #tpu.memory_space<semaphore_mem>>)
        %dma_wait3A_62 = tpu.memref_slice %arg4[%add3A_42] : memref<320000xi32, #tpu.memory_space<hbm>> -> memref<80xi32, #tpu.memory_space<hbm>>
        %dma_wait3A_63 = tpu.memref_slice %arg4[%add3A_42] : memref<320000xi32, #tpu.memory_space<hbm>> -> memref<80xi32, #tpu.memory_space<hbm>>
        tpu.wait_dma2 semaphore(%run_scoped3A : memref<!tpu.dma_semaphore, #tpu.memory_space<semaphore_mem>>) src(%dma_wait3A_63 : memref<80xi32, #tpu.memory_space<hbm>>) dst(%arg13 : memref<80xi32, #tpu.memory_space<vmem>>)
        tpu.yield
      }) : () -> ()
      %dma_wait3A_43 = arith.constant 0 : i32
      %dma_wait3A_44 = arith.constant 0 : i32
      %dma_wait3A_45 = tpu.memref_slice %arg2[%dma_wait3A_43, %dma_wait3A_44] : memref<10000x128xf32, #tpu.memory_space<hbm>> -> memref<10000x128xf32, #tpu.memory_space<hbm>>
      tpu.wait_indirect_dma semaphore(%arg21 : memref<!tpu.dma_semaphore, #tpu.memory_space<semaphore_mem>>) src(%dma_wait3A_45 : memref<10000x128xf32, #tpu.memory_space<hbm>>) dst(%arg16 : memref<80x128xf32, #tpu.memory_space<vmem>>)
      %dma_start3A_46 = arith.constant 0 : i32
      %dma_start3A_47 = arith.constant 0 : i32
      %dma_start3A_48 = tpu.memref_slice %arg2[%dma_start3A_46, %dma_start3A_47] : memref<10000x128xf32, #tpu.memory_space<hbm>> -> memref<10000x128xf32, #tpu.memory_space<hbm>>
      tpu.enqueue_indirect_dma source(%dma_start3A_48 : memref<10000x128xf32, #tpu.memory_space<hbm>>) target(%arg17 : memref<80x128xf32, #tpu.memory_space<vmem>>) offsets(%arg9 : memref<80xi32, #tpu.memory_space<vmem>>) semaphore(%arg22 : memref<!tpu.dma_semaphore, #tpu.memory_space<semaphore_mem>>)
      "tpu.region"() ({
        %run_scoped3A = tpu.sem_alloc : memref<!tpu.dma_semaphore, #tpu.memory_space<semaphore_mem>>
        %dma_start3A_60 = arith.constant 0 : i32
        %dma_start3A_61 = arith.constant 0 : i32
        %dma_start3A_62 = tpu.memref_slice %arg19[%dma_start3A_60, %dma_start3A_61] : memref<10240x128xf32, #tpu.memory_space<vmem_shared>> -> memref<10240x128xf32, #tpu.memory_space<vmem_shared>>
        tpu.enqueue_indirect_dma source(%arg16 : memref<80x128xf32, #tpu.memory_space<vmem>>) target(%dma_start3A_62 : memref<10240x128xf32, #tpu.memory_space<vmem_shared>>) offsets(%arg12 : memref<80xi32, #tpu.memory_space<vmem>>) semaphore(%run_scoped3A : memref<!tpu.dma_semaphore, #tpu.memory_space<semaphore_mem>>) {add = true}
        %dma_wait3A_63 = arith.constant 0 : i32
        %dma_wait3A_64 = arith.constant 0 : i32
        %dma_wait3A_65 = tpu.memref_slice %arg19[%dma_wait3A_63, %dma_wait3A_64] : memref<10240x128xf32, #tpu.memory_space<vmem_shared>> -> memref<10240x128xf32, #tpu.memory_space<vmem_shared>>
        tpu.wait_indirect_dma semaphore(%run_scoped3A : memref<!tpu.dma_semaphore, #tpu.memory_space<semaphore_mem>>) src(%arg16 : memref<80x128xf32, #tpu.memory_space<vmem>>) dst(%dma_wait3A_65 : memref<10240x128xf32, #tpu.memory_space<vmem_shared>>)
        tpu.yield
      }) : () -> ()
      %add3A_49 = arith.constant 240 : i32
      %add3A_50 = arith.addi %add3A_29, %add3A_49 : i32
      "tpu.region"() ({
        %run_scoped3A = tpu.sem_alloc : memref<!tpu.dma_semaphore, #tpu.memory_space<semaphore_mem>>
        %dma_start3A_60 = tpu.memref_slice %arg3[%add3A_50] : memref<320000xi32, #tpu.memory_space<hbm>> -> memref<80xi32, #tpu.memory_space<hbm>>
        %dma_start3A_61 = tpu.memref_slice %arg3[%add3A_50] : memref<320000xi32, #tpu.memory_space<hbm>> -> memref<80xi32, #tpu.memory_space<hbm>>
        tpu.enqueue_dma source(%dma_start3A_61 : memref<80xi32, #tpu.memory_space<hbm>>) target(%arg10 : memref<80xi32, #tpu.memory_space<vmem>>) target_semaphore(%run_scoped3A : memref<!tpu.dma_semaphore, #tpu.memory_space<semaphore_mem>>)
        %dma_wait3A_62 = tpu.memref_slice %arg3[%add3A_50] : memref<320000xi32, #tpu.memory_space<hbm>> -> memref<80xi32, #tpu.memory_space<hbm>>
        %dma_wait3A_63 = tpu.memref_slice %arg3[%add3A_50] : memref<320000xi32, #tpu.memory_space<hbm>> -> memref<80xi32, #tpu.memory_space<hbm>>
        tpu.wait_dma2 semaphore(%run_scoped3A : memref<!tpu.dma_semaphore, #tpu.memory_space<semaphore_mem>>) src(%dma_wait3A_63 : memref<80xi32, #tpu.memory_space<hbm>>) dst(%arg10 : memref<80xi32, #tpu.memory_space<vmem>>)
        tpu.yield
      }) : () -> ()
      "tpu.region"() ({
        %run_scoped3A = tpu.sem_alloc : memref<!tpu.dma_semaphore, #tpu.memory_space<semaphore_mem>>
        %dma_start3A_60 = tpu.memref_slice %arg4[%add3A_50] : memref<320000xi32, #tpu.memory_space<hbm>> -> memref<80xi32, #tpu.memory_space<hbm>>
        %dma_start3A_61 = tpu.memref_slice %arg4[%add3A_50] : memref<320000xi32, #tpu.memory_space<hbm>> -> memref<80xi32, #tpu.memory_space<hbm>>
        tpu.enqueue_dma source(%dma_start3A_61 : memref<80xi32, #tpu.memory_space<hbm>>) target(%arg14 : memref<80xi32, #tpu.memory_space<vmem>>) target_semaphore(%run_scoped3A : memref<!tpu.dma_semaphore, #tpu.memory_space<semaphore_mem>>)
        %dma_wait3A_62 = tpu.memref_slice %arg4[%add3A_50] : memref<320000xi32, #tpu.memory_space<hbm>> -> memref<80xi32, #tpu.memory_space<hbm>>
        %dma_wait3A_63 = tpu.memref_slice %arg4[%add3A_50] : memref<320000xi32, #tpu.memory_space<hbm>> -> memref<80xi32, #tpu.memory_space<hbm>>
        tpu.wait_dma2 semaphore(%run_scoped3A : memref<!tpu.dma_semaphore, #tpu.memory_space<semaphore_mem>>) src(%dma_wait3A_63 : memref<80xi32, #tpu.memory_space<hbm>>) dst(%arg14 : memref<80xi32, #tpu.memory_space<vmem>>)
        tpu.yield
      }) : () -> ()
      %dma_wait3A_51 = arith.constant 0 : i32
      %dma_wait3A_52 = arith.constant 0 : i32
      %dma_wait3A_53 = tpu.memref_slice %arg2[%dma_wait3A_51, %dma_wait3A_52] : memref<10000x128xf32, #tpu.memory_space<hbm>> -> memref<10000x128xf32, #tpu.memory_space<hbm>>
      tpu.wait_indirect_dma semaphore(%arg22 : memref<!tpu.dma_semaphore, #tpu.memory_space<semaphore_mem>>) src(%dma_wait3A_53 : memref<10000x128xf32, #tpu.memory_space<hbm>>) dst(%arg17 : memref<80x128xf32, #tpu.memory_space<vmem>>)
      %dma_start3A_54 = arith.constant 0 : i32
      %dma_start3A_55 = arith.constant 0 : i32
      %dma_start3A_56 = tpu.memref_slice %arg2[%dma_start3A_54, %dma_start3A_55] : memref<10000x128xf32, #tpu.memory_space<hbm>> -> memref<10000x128xf32, #tpu.memory_space<hbm>>
      tpu.enqueue_indirect_dma source(%dma_start3A_56 : memref<10000x128xf32, #tpu.memory_space<hbm>>) target(%arg18 : memref<80x128xf32, #tpu.memory_space<vmem>>) offsets(%arg10 : memref<80xi32, #tpu.memory_space<vmem>>) semaphore(%arg23 : memref<!tpu.dma_semaphore, #tpu.memory_space<semaphore_mem>>)
      "tpu.region"() ({
        %run_scoped3A = tpu.sem_alloc : memref<!tpu.dma_semaphore, #tpu.memory_space<semaphore_mem>>
        %dma_start3A_60 = arith.constant 0 : i32
        %dma_start3A_61 = arith.constant 0 : i32
        %dma_start3A_62 = tpu.memref_slice %arg19[%dma_start3A_60, %dma_start3A_61] : memref<10240x128xf32, #tpu.memory_space<vmem_shared>> -> memref<10240x128xf32, #tpu.memory_space<vmem_shared>>
        tpu.enqueue_indirect_dma source(%arg17 : memref<80x128xf32, #tpu.memory_space<vmem>>) target(%dma_start3A_62 : memref<10240x128xf32, #tpu.memory_space<vmem_shared>>) offsets(%arg13 : memref<80xi32, #tpu.memory_space<vmem>>) semaphore(%run_scoped3A : memref<!tpu.dma_semaphore, #tpu.memory_space<semaphore_mem>>) {add = true}
        %dma_wait3A_63 = arith.constant 0 : i32
        %dma_wait3A_64 = arith.constant 0 : i32
        %dma_wait3A_65 = tpu.memref_slice %arg19[%dma_wait3A_63, %dma_wait3A_64] : memref<10240x128xf32, #tpu.memory_space<vmem_shared>> -> memref<10240x128xf32, #tpu.memory_space<vmem_shared>>
        tpu.wait_indirect_dma semaphore(%run_scoped3A : memref<!tpu.dma_semaphore, #tpu.memory_space<semaphore_mem>>) src(%arg17 : memref<80x128xf32, #tpu.memory_space<vmem>>) dst(%dma_wait3A_65 : memref<10240x128xf32, #tpu.memory_space<vmem_shared>>)
        tpu.yield
      }) : () -> ()
      %dma_wait3A_57 = arith.constant 0 : i32
      %dma_wait3A_58 = arith.constant 0 : i32
      %dma_wait3A_59 = tpu.memref_slice %arg2[%dma_wait3A_57, %dma_wait3A_58] : memref<10000x128xf32, #tpu.memory_space<hbm>> -> memref<10000x128xf32, #tpu.memory_space<hbm>>
      tpu.wait_indirect_dma semaphore(%arg23 : memref<!tpu.dma_semaphore, #tpu.memory_space<semaphore_mem>>) src(%dma_wait3A_59 : memref<10000x128xf32, #tpu.memory_space<hbm>>) dst(%arg18 : memref<80x128xf32, #tpu.memory_space<vmem>>)
      "tpu.region"() ({
        %run_scoped3A = tpu.sem_alloc : memref<!tpu.dma_semaphore, #tpu.memory_space<semaphore_mem>>
        %dma_start3A_60 = arith.constant 0 : i32
        %dma_start3A_61 = arith.constant 0 : i32
        %dma_start3A_62 = tpu.memref_slice %arg19[%dma_start3A_60, %dma_start3A_61] : memref<10240x128xf32, #tpu.memory_space<vmem_shared>> -> memref<10240x128xf32, #tpu.memory_space<vmem_shared>>
        tpu.enqueue_indirect_dma source(%arg18 : memref<80x128xf32, #tpu.memory_space<vmem>>) target(%dma_start3A_62 : memref<10240x128xf32, #tpu.memory_space<vmem_shared>>) offsets(%arg14 : memref<80xi32, #tpu.memory_space<vmem>>) semaphore(%run_scoped3A : memref<!tpu.dma_semaphore, #tpu.memory_space<semaphore_mem>>) {add = true}
        %dma_wait3A_63 = arith.constant 0 : i32
        %dma_wait3A_64 = arith.constant 0 : i32
        %dma_wait3A_65 = tpu.memref_slice %arg19[%dma_wait3A_63, %dma_wait3A_64] : memref<10240x128xf32, #tpu.memory_space<vmem_shared>> -> memref<10240x128xf32, #tpu.memory_space<vmem_shared>>
        tpu.wait_indirect_dma semaphore(%run_scoped3A : memref<!tpu.dma_semaphore, #tpu.memory_space<semaphore_mem>>) src(%arg18 : memref<80x128xf32, #tpu.memory_space<vmem>>) dst(%dma_wait3A_65 : memref<10240x128xf32, #tpu.memory_space<vmem_shared>>)
        tpu.yield
      }) : () -> ()
    }
    %scan3A_11 = arith.constant 31 : i32
    %add3A_12 = arith.constant 9920 : i32
    %add3A_13 = arith.addi %mul3A_2, %add3A_12 : i32
    "tpu.region"() ({
      %run_scoped3A = tpu.sem_alloc : memref<!tpu.dma_semaphore, #tpu.memory_space<semaphore_mem>>
      %dma_start3A_26 = tpu.memref_slice %arg3[%add3A_13] : memref<320000xi32, #tpu.memory_space<hbm>> -> memref<80xi32, #tpu.memory_space<hbm>>
      %dma_start3A_27 = tpu.memref_slice %arg3[%add3A_13] : memref<320000xi32, #tpu.memory_space<hbm>> -> memref<80xi32, #tpu.memory_space<hbm>>
      tpu.enqueue_dma source(%dma_start3A_27 : memref<80xi32, #tpu.memory_space<hbm>>) target(%arg7 : memref<80xi32, #tpu.memory_space<vmem>>) target_semaphore(%run_scoped3A : memref<!tpu.dma_semaphore, #tpu.memory_space<semaphore_mem>>)
      %dma_wait3A_28 = tpu.memref_slice %arg3[%add3A_13] : memref<320000xi32, #tpu.memory_space<hbm>> -> memref<80xi32, #tpu.memory_space<hbm>>
      %dma_wait3A_29 = tpu.memref_slice %arg3[%add3A_13] : memref<320000xi32, #tpu.memory_space<hbm>> -> memref<80xi32, #tpu.memory_space<hbm>>
      tpu.wait_dma2 semaphore(%run_scoped3A : memref<!tpu.dma_semaphore, #tpu.memory_space<semaphore_mem>>) src(%dma_wait3A_29 : memref<80xi32, #tpu.memory_space<hbm>>) dst(%arg7 : memref<80xi32, #tpu.memory_space<vmem>>)
      tpu.yield
    }) : () -> ()
    "tpu.region"() ({
      %run_scoped3A = tpu.sem_alloc : memref<!tpu.dma_semaphore, #tpu.memory_space<semaphore_mem>>
      %dma_start3A_26 = tpu.memref_slice %arg4[%add3A_13] : memref<320000xi32, #tpu.memory_space<hbm>> -> memref<80xi32, #tpu.memory_space<hbm>>
      %dma_start3A_27 = tpu.memref_slice %arg4[%add3A_13] : memref<320000xi32, #tpu.memory_space<hbm>> -> memref<80xi32, #tpu.memory_space<hbm>>
      tpu.enqueue_dma source(%dma_start3A_27 : memref<80xi32, #tpu.memory_space<hbm>>) target(%arg11 : memref<80xi32, #tpu.memory_space<vmem>>) target_semaphore(%run_scoped3A : memref<!tpu.dma_semaphore, #tpu.memory_space<semaphore_mem>>)
      %dma_wait3A_28 = tpu.memref_slice %arg4[%add3A_13] : memref<320000xi32, #tpu.memory_space<hbm>> -> memref<80xi32, #tpu.memory_space<hbm>>
      %dma_wait3A_29 = tpu.memref_slice %arg4[%add3A_13] : memref<320000xi32, #tpu.memory_space<hbm>> -> memref<80xi32, #tpu.memory_space<hbm>>
      tpu.wait_dma2 semaphore(%run_scoped3A : memref<!tpu.dma_semaphore, #tpu.memory_space<semaphore_mem>>) src(%dma_wait3A_29 : memref<80xi32, #tpu.memory_space<hbm>>) dst(%arg11 : memref<80xi32, #tpu.memory_space<vmem>>)
      tpu.yield
    }) : () -> ()
    %dma_start3A = arith.constant 0 : i32
    %dma_start3A_14 = arith.constant 0 : i32
    %dma_start3A_15 = tpu.memref_slice %arg2[%dma_start3A, %dma_start3A_14] : memref<10000x128xf32, #tpu.memory_space<hbm>> -> memref<10000x128xf32, #tpu.memory_space<hbm>>
    tpu.enqueue_indirect_dma source(%dma_start3A_15 : memref<10000x128xf32, #tpu.memory_space<hbm>>) target(%arg15 : memref<80x128xf32, #tpu.memory_space<vmem>>) offsets(%arg7 : memref<80xi32, #tpu.memory_space<vmem>>) semaphore(%arg20 : memref<!tpu.dma_semaphore, #tpu.memory_space<semaphore_mem>>)
    %dma_wait3A = arith.constant 0 : i32
    %dma_wait3A_16 = arith.constant 0 : i32
    %dma_wait3A_17 = tpu.memref_slice %arg2[%dma_wait3A, %dma_wait3A_16] : memref<10000x128xf32, #tpu.memory_space<hbm>> -> memref<10000x128xf32, #tpu.memory_space<hbm>>
    tpu.wait_indirect_dma semaphore(%arg20 : memref<!tpu.dma_semaphore, #tpu.memory_space<semaphore_mem>>) src(%dma_wait3A_17 : memref<10000x128xf32, #tpu.memory_space<hbm>>) dst(%arg15 : memref<80x128xf32, #tpu.memory_space<vmem>>)
    "tpu.region"() ({
      %run_scoped3A = tpu.sem_alloc : memref<!tpu.dma_semaphore, #tpu.memory_space<semaphore_mem>>
      %dma_start3A_26 = arith.constant 0 : i32
      %dma_start3A_27 = arith.constant 0 : i32
      %dma_start3A_28 = tpu.memref_slice %arg19[%dma_start3A_26, %dma_start3A_27] : memref<10240x128xf32, #tpu.memory_space<vmem_shared>> -> memref<10240x128xf32, #tpu.memory_space<vmem_shared>>
      tpu.enqueue_indirect_dma source(%arg15 : memref<80x128xf32, #tpu.memory_space<vmem>>) target(%dma_start3A_28 : memref<10240x128xf32, #tpu.memory_space<vmem_shared>>) offsets(%arg11 : memref<80xi32, #tpu.memory_space<vmem>>) semaphore(%run_scoped3A : memref<!tpu.dma_semaphore, #tpu.memory_space<semaphore_mem>>) {add = true}
      %dma_wait3A_29 = arith.constant 0 : i32
      %dma_wait3A_30 = arith.constant 0 : i32
      %dma_wait3A_31 = tpu.memref_slice %arg19[%dma_wait3A_29, %dma_wait3A_30] : memref<10240x128xf32, #tpu.memory_space<vmem_shared>> -> memref<10240x128xf32, #tpu.memory_space<vmem_shared>>
      tpu.wait_indirect_dma semaphore(%run_scoped3A : memref<!tpu.dma_semaphore, #tpu.memory_space<semaphore_mem>>) src(%arg15 : memref<80x128xf32, #tpu.memory_space<vmem>>) dst(%dma_wait3A_31 : memref<10240x128xf32, #tpu.memory_space<vmem_shared>>)
      tpu.yield
    }) : () -> ()
    %barrier3A_18 = arith.constant 0 : index
    tpu.barrier barrier_id(%barrier3A_18)
    %mul3A_19 = arith.constant 640 : i32
    %mul3A_20 = arith.muli %arg1, %mul3A_19 : i32
    %mul3A_21 = arith.constant 10240 : i32
    %mul3A_22 = arith.muli %arg0, %mul3A_21 : i32
    %mul3A_23 = arith.constant 640 : i32
    %mul3A_24 = arith.muli %arg1, %mul3A_23 : i32
    %add3A_25 = arith.addi %mul3A_22, %mul3A_24 : i32
    "tpu.region"() ({
      %run_scoped3A = tpu.sem_alloc : memref<!tpu.dma_semaphore, #tpu.memory_space<semaphore_mem>>
      %dma_start3A_26 = arith.constant 0 : i32
      %dma_start3A_27 = tpu.memref_slice %arg6[%add3A_25, %dma_start3A_26] : memref<20480x128xf32, #tpu.memory_space<hbm>> -> memref<640x128xf32, #tpu.memory_space<hbm>>
      %dma_start3A_28 = arith.constant 0 : i32
      %dma_start3A_29 = tpu.memref_slice %arg19[%mul3A_20, %dma_start3A_28] : memref<10240x128xf32, #tpu.memory_space<vmem_shared>> -> memref<640x128xf32, #tpu.memory_space<vmem_shared>>
      tpu.enqueue_dma source(%dma_start3A_29 : memref<640x128xf32, #tpu.memory_space<vmem_shared>>) target(%dma_start3A_27 : memref<640x128xf32, #tpu.memory_space<hbm>>) target_semaphore(%run_scoped3A : memref<!tpu.dma_semaphore, #tpu.memory_space<semaphore_mem>>)
      %dma_wait3A_30 = arith.constant 0 : i32
      %dma_wait3A_31 = tpu.memref_slice %arg6[%add3A_25, %dma_wait3A_30] : memref<20480x128xf32, #tpu.memory_space<hbm>> -> memref<640x128xf32, #tpu.memory_space<hbm>>
      %dma_wait3A_32 = arith.constant 0 : i32
      %dma_wait3A_33 = tpu.memref_slice %arg19[%mul3A_20, %dma_wait3A_32] : memref<10240x128xf32, #tpu.memory_space<vmem_shared>> -> memref<640x128xf32, #tpu.memory_space<vmem_shared>>
      tpu.wait_dma2 semaphore(%run_scoped3A : memref<!tpu.dma_semaphore, #tpu.memory_space<semaphore_mem>>) src(%dma_wait3A_33 : memref<640x128xf32, #tpu.memory_space<vmem_shared>>) dst(%dma_wait3A_31 : memref<640x128xf32, #tpu.memory_space<hbm>>)
      tpu.yield
    }) : () -> ()
    return
  }
}

#map = affine_map<(d0, d1) -> (0, 0)>
#map1 = affine_map<(d0, d1) -> (0)>
module attributes {stable_mosaic.version = 14 : i64} {
  func.func @k(%arg0: i32, %arg1: i32, %arg2: memref<10000x128xf32, #tpu.memory_space<hbm>>, %arg3: memref<320000xi32, #tpu.memory_space<hbm>>, %arg4: memref<320000xi32, #tpu.memory_space<hbm>>, %arg5: memref<10240x128xf32, #tpu.memory_space<hbm>>, %arg6: memref<20480x128xf32, #tpu.memory_space<hbm>>, %arg7: memref<80xi32, #tpu.memory_space<vmem>>, %arg8: memref<80xi32, #tpu.memory_space<vmem>>, %arg9: memref<80xi32, #tpu.memory_space<vmem>>, %arg10: memref<80xi32, #tpu.memory_space<vmem>>, %arg11: memref<80xi32, #tpu.memory_space<vmem>>, %arg12: memref<80xi32, #tpu.memory_space<vmem>>, %arg13: memref<80xi32, #tpu.memory_space<vmem>>, %arg14: memref<80xi32, #tpu.memory_space<vmem>>, %arg15: memref<80x128xf32, #tpu.memory_space<vmem>>, %arg16: memref<80x128xf32, #tpu.memory_space<vmem>>, %arg17: memref<80x128xf32, #tpu.memory_space<vmem>>, %arg18: memref<80x128xf32, #tpu.memory_space<vmem>>, %arg19: memref<10240x128xf32, #tpu.memory_space<vmem_shared>>, %arg20: memref<!tpu.dma_semaphore, #tpu.memory_space<semaphore_mem>>, %arg21: memref<!tpu.dma_semaphore, #tpu.memory_space<semaphore_mem>>, %arg22: memref<!tpu.dma_semaphore, #tpu.memory_space<semaphore_mem>>, %arg23: memref<!tpu.dma_semaphore, #tpu.memory_space<semaphore_mem>>) attributes {dimension_semantics = [#tpu.dimension_semantics<core_parallel>, #tpu.dimension_semantics<subcore_parallel>], iteration_bounds = array<i64: 2, 16>, scalar_prefetch = 0 : i64, scratch_operands = 17 : i64, tpu.core_type = #tpu.core_type<sc_vector_subcore>, window_params = [{transform_indices = #map}, {transform_indices = #map1}, {transform_indices = #map1}, {transform_indices = #map}, {transform_indices = #map}]} {
    %mul3A = arith.constant 16 : i32
    %mul3A_0 = arith.muli %arg0, %mul3A : i32
    %add3A = arith.addi %mul3A_0, %arg1 : i32
    %mul3A_1 = arith.constant 10000 : i32
    %mul3A_2 = arith.muli %add3A, %mul3A_1 : i32
    %mul3A_3 = arith.constant 640 : i32
    %mul3A_4 = arith.muli %arg1, %mul3A_3 : i32
    %mul3A_5 = arith.constant 640 : i32
    %mul3A_6 = arith.muli %arg1, %mul3A_5 : i32
    "tpu.region"() ({
      %run_scoped3A = tpu.sem_alloc : memref<!tpu.dma_semaphore, #tpu.memory_space<semaphore_mem>>
      %dma_start3A_26 = arith.constant 0 : i32
      %dma_start3A_27 = tpu.memref_slice %arg19[%mul3A_6, %dma_start3A_26] : memref<10240x128xf32, #tpu.memory_space<vmem_shared>> -> memref<640x128xf32, #tpu.memory_space<vmem_shared>>
      %dma_start3A_28 = arith.constant 0 : i32
      %dma_start3A_29 = tpu.memref_slice %arg5[%mul3A_4, %dma_start3A_28] : memref<10240x128xf32, #tpu.memory_space<hbm>> -> memref<640x128xf32, #tpu.memory_space<hbm>>
      tpu.enqueue_dma source(%dma_start3A_29 : memref<640x128xf32, #tpu.memory_space<hbm>>) target(%dma_start3A_27 : memref<640x128xf32, #tpu.memory_space<vmem_shared>>) target_semaphore(%run_scoped3A : memref<!tpu.dma_semaphore, #tpu.memory_space<semaphore_mem>>)
      %dma_wait3A_30 = arith.constant 0 : i32
      %dma_wait3A_31 = tpu.memref_slice %arg19[%mul3A_6, %dma_wait3A_30] : memref<10240x128xf32, #tpu.memory_space<vmem_shared>> -> memref<640x128xf32, #tpu.memory_space<vmem_shared>>
      %dma_wait3A_32 = arith.constant 0 : i32
      %dma_wait3A_33 = tpu.memref_slice %arg5[%mul3A_4, %dma_wait3A_32] : memref<10240x128xf32, #tpu.memory_space<hbm>> -> memref<640x128xf32, #tpu.memory_space<hbm>>
      tpu.wait_dma2 semaphore(%run_scoped3A : memref<!tpu.dma_semaphore, #tpu.memory_space<semaphore_mem>>) src(%dma_wait3A_33 : memref<640x128xf32, #tpu.memory_space<hbm>>) dst(%dma_wait3A_31 : memref<640x128xf32, #tpu.memory_space<vmem_shared>>)
      tpu.yield
    }) : () -> ()
    %barrier3A = arith.constant 0 : index
    tpu.barrier barrier_id(%barrier3A)
    %scan3A = arith.constant 0 : i32
    %scan3A_7 = arith.constant 0 : i32
    %scan3A_8 = arith.constant 31 : i32
    %scan3A_9 = arith.addi %scan3A_7, %scan3A_8 : i32
    %scan3A_10 = arith.constant 1 : i32
    scf.for %scan3A_26 = %scan3A_7 to %scan3A_9 step %scan3A_10  : i32 {
      %mul3A_27 = arith.constant 320 : i32
      %mul3A_28 = arith.muli %scan3A_26, %mul3A_27 : i32
      %add3A_29 = arith.addi %mul3A_2, %mul3A_28 : i32
      "tpu.region"() ({
        %run_scoped3A = tpu.sem_alloc : memref<!tpu.dma_semaphore, #tpu.memory_space<semaphore_mem>>
        %dma_start3A_60 = tpu.memref_slice %arg3[%add3A_29] : memref<320000xi32, #tpu.memory_space<hbm>> -> memref<80xi32, #tpu.memory_space<hbm>>
        %dma_start3A_61 = tpu.memref_slice %arg3[%add3A_29] : memref<320000xi32, #tpu.memory_space<hbm>> -> memref<80xi32, #tpu.memory_space<hbm>>
        tpu.enqueue_dma source(%dma_start3A_61 : memref<80xi32, #tpu.memory_space<hbm>>) target(%arg7 : memref<80xi32, #tpu.memory_space<vmem>>) target_semaphore(%run_scoped3A : memref<!tpu.dma_semaphore, #tpu.memory_space<semaphore_mem>>)
        %dma_wait3A_62 = tpu.memref_slice %arg3[%add3A_29] : memref<320000xi32, #tpu.memory_space<hbm>> -> memref<80xi32, #tpu.memory_space<hbm>>
        %dma_wait3A_63 = tpu.memref_slice %arg3[%add3A_29] : memref<320000xi32, #tpu.memory_space<hbm>> -> memref<80xi32, #tpu.memory_space<hbm>>
        tpu.wait_dma2 semaphore(%run_scoped3A : memref<!tpu.dma_semaphore, #tpu.memory_space<semaphore_mem>>) src(%dma_wait3A_63 : memref<80xi32, #tpu.memory_space<hbm>>) dst(%arg7 : memref<80xi32, #tpu.memory_space<vmem>>)
        tpu.yield
      }) : () -> ()
      "tpu.region"() ({
        %run_scoped3A = tpu.sem_alloc : memref<!tpu.dma_semaphore, #tpu.memory_space<semaphore_mem>>
        %dma_start3A_60 = tpu.memref_slice %arg4[%add3A_29] : memref<320000xi32, #tpu.memory_space<hbm>> -> memref<80xi32, #tpu.memory_space<hbm>>
        %dma_start3A_61 = tpu.memref_slice %arg4[%add3A_29] : memref<320000xi32, #tpu.memory_space<hbm>> -> memref<80xi32, #tpu.memory_space<hbm>>
        tpu.enqueue_dma source(%dma_start3A_61 : memref<80xi32, #tpu.memory_space<hbm>>) target(%arg11 : memref<80xi32, #tpu.memory_space<vmem>>) target_semaphore(%run_scoped3A : memref<!tpu.dma_semaphore, #tpu.memory_space<semaphore_mem>>)
        %dma_wait3A_62 = tpu.memref_slice %arg4[%add3A_29] : memref<320000xi32, #tpu.memory_space<hbm>> -> memref<80xi32, #tpu.memory_space<hbm>>
        %dma_wait3A_63 = tpu.memref_slice %arg4[%add3A_29] : memref<320000xi32, #tpu.memory_space<hbm>> -> memref<80xi32, #tpu.memory_space<hbm>>
        tpu.wait_dma2 semaphore(%run_scoped3A : memref<!tpu.dma_semaphore, #tpu.memory_space<semaphore_mem>>) src(%dma_wait3A_63 : memref<80xi32, #tpu.memory_space<hbm>>) dst(%arg11 : memref<80xi32, #tpu.memory_space<vmem>>)
        tpu.yield
      }) : () -> ()
      %dma_start3A_30 = arith.constant 0 : i32
      %dma_start3A_31 = arith.constant 0 : i32
      %dma_start3A_32 = tpu.memref_slice %arg2[%dma_start3A_30, %dma_start3A_31] : memref<10000x128xf32, #tpu.memory_space<hbm>> -> memref<10000x128xf32, #tpu.memory_space<hbm>>
      tpu.enqueue_indirect_dma source(%dma_start3A_32 : memref<10000x128xf32, #tpu.memory_space<hbm>>) target(%arg15 : memref<80x128xf32, #tpu.memory_space<vmem>>) offsets(%arg7 : memref<80xi32, #tpu.memory_space<vmem>>) semaphore(%arg20 : memref<!tpu.dma_semaphore, #tpu.memory_space<semaphore_mem>>)
      %add3A_33 = arith.constant 80 : i32
      %add3A_34 = arith.addi %add3A_29, %add3A_33 : i32
      "tpu.region"() ({
        %run_scoped3A = tpu.sem_alloc : memref<!tpu.dma_semaphore, #tpu.memory_space<semaphore_mem>>
        %dma_start3A_60 = tpu.memref_slice %arg3[%add3A_34] : memref<320000xi32, #tpu.memory_space<hbm>> -> memref<80xi32, #tpu.memory_space<hbm>>
        %dma_start3A_61 = tpu.memref_slice %arg3[%add3A_34] : memref<320000xi32, #tpu.memory_space<hbm>> -> memref<80xi32, #tpu.memory_space<hbm>>
        tpu.enqueue_dma source(%dma_start3A_61 : memref<80xi32, #tpu.memory_space<hbm>>) target(%arg8 : memref<80xi32, #tpu.memory_space<vmem>>) target_semaphore(%run_scoped3A : memref<!tpu.dma_semaphore, #tpu.memory_space<semaphore_mem>>)
        %dma_wait3A_62 = tpu.memref_slice %arg3[%add3A_34] : memref<320000xi32, #tpu.memory_space<hbm>> -> memref<80xi32, #tpu.memory_space<hbm>>
        %dma_wait3A_63 = tpu.memref_slice %arg3[%add3A_34] : memref<320000xi32, #tpu.memory_space<hbm>> -> memref<80xi32, #tpu.memory_space<hbm>>
        tpu.wait_dma2 semaphore(%run_scoped3A : memref<!tpu.dma_semaphore, #tpu.memory_space<semaphore_mem>>) src(%dma_wait3A_63 : memref<80xi32, #tpu.memory_space<hbm>>) dst(%arg8 : memref<80xi32, #tpu.memory_space<vmem>>)
        tpu.yield
      }) : () -> ()
      "tpu.region"() ({
        %run_scoped3A = tpu.sem_alloc : memref<!tpu.dma_semaphore, #tpu.memory_space<semaphore_mem>>
        %dma_start3A_60 = tpu.memref_slice %arg4[%add3A_34] : memref<320000xi32, #tpu.memory_space<hbm>> -> memref<80xi32, #tpu.memory_space<hbm>>
        %dma_start3A_61 = tpu.memref_slice %arg4[%add3A_34] : memref<320000xi32, #tpu.memory_space<hbm>> -> memref<80xi32, #tpu.memory_space<hbm>>
        tpu.enqueue_dma source(%dma_start3A_61 : memref<80xi32, #tpu.memory_space<hbm>>) target(%arg12 : memref<80xi32, #tpu.memory_space<vmem>>) target_semaphore(%run_scoped3A : memref<!tpu.dma_semaphore, #tpu.memory_space<semaphore_mem>>)
        %dma_wait3A_62 = tpu.memref_slice %arg4[%add3A_34] : memref<320000xi32, #tpu.memory_space<hbm>> -> memref<80xi32, #tpu.memory_space<hbm>>
        %dma_wait3A_63 = tpu.memref_slice %arg4[%add3A_34] : memref<320000xi32, #tpu.memory_space<hbm>> -> memref<80xi32, #tpu.memory_space<hbm>>
        tpu.wait_dma2 semaphore(%run_scoped3A : memref<!tpu.dma_semaphore, #tpu.memory_space<semaphore_mem>>) src(%dma_wait3A_63 : memref<80xi32, #tpu.memory_space<hbm>>) dst(%arg12 : memref<80xi32, #tpu.memory_space<vmem>>)
        tpu.yield
      }) : () -> ()
      %dma_wait3A_35 = arith.constant 0 : i32
      %dma_wait3A_36 = arith.constant 0 : i32
      %dma_wait3A_37 = tpu.memref_slice %arg2[%dma_wait3A_35, %dma_wait3A_36] : memref<10000x128xf32, #tpu.memory_space<hbm>> -> memref<10000x128xf32, #tpu.memory_space<hbm>>
      tpu.wait_indirect_dma semaphore(%arg20 : memref<!tpu.dma_semaphore, #tpu.memory_space<semaphore_mem>>) src(%dma_wait3A_37 : memref<10000x128xf32, #tpu.memory_space<hbm>>) dst(%arg15 : memref<80x128xf32, #tpu.memory_space<vmem>>)
      %dma_start3A_38 = arith.constant 0 : i32
      %dma_start3A_39 = arith.constant 0 : i32
      %dma_start3A_40 = tpu.memref_slice %arg2[%dma_start3A_38, %dma_start3A_39] : memref<10000x128xf32, #tpu.memory_space<hbm>> -> memref<10000x128xf32, #tpu.memory_space<hbm>>
      tpu.enqueue_indirect_dma source(%dma_start3A_40 : memref<10000x128xf32, #tpu.memory_space<hbm>>) target(%arg16 : memref<80x128xf32, #tpu.memory_space<vmem>>) offsets(%arg8 : memref<80xi32, #tpu.memory_space<vmem>>) semaphore(%arg21 : memref<!tpu.dma_semaphore, #tpu.memory_space<semaphore_mem>>)
      "tpu.region"() ({
        %run_scoped3A = tpu.sem_alloc : memref<!tpu.dma_semaphore, #tpu.memory_space<semaphore_mem>>
        %dma_start3A_60 = arith.constant 0 : i32
        %dma_start3A_61 = arith.constant 0 : i32
        %dma_start3A_62 = tpu.memref_slice %arg19[%dma_start3A_60, %dma_start3A_61] : memref<10240x128xf32, #tpu.memory_space<vmem_shared>> -> memref<10240x128xf32, #tpu.memory_space<vmem_shared>>
        tpu.enqueue_indirect_dma source(%arg15 : memref<80x128xf32, #tpu.memory_space<vmem>>) target(%dma_start3A_62 : memref<10240x128xf32, #tpu.memory_space<vmem_shared>>) offsets(%arg11 : memref<80xi32, #tpu.memory_space<vmem>>) semaphore(%run_scoped3A : memref<!tpu.dma_semaphore, #tpu.memory_space<semaphore_mem>>) {add = true}
        %dma_wait3A_63 = arith.constant 0 : i32
        %dma_wait3A_64 = arith.constant 0 : i32
        %dma_wait3A_65 = tpu.memref_slice %arg19[%dma_wait3A_63, %dma_wait3A_64] : memref<10240x128xf32, #tpu.memory_space<vmem_shared>> -> memref<10240x128xf32, #tpu.memory_space<vmem_shared>>
        tpu.wait_indirect_dma semaphore(%run_scoped3A : memref<!tpu.dma_semaphore, #tpu.memory_space<semaphore_mem>>) src(%arg15 : memref<80x128xf32, #tpu.memory_space<vmem>>) dst(%dma_wait3A_65 : memref<10240x128xf32, #tpu.memory_space<vmem_shared>>)
        tpu.yield
      }) : () -> ()
      %add3A_41 = arith.constant 160 : i32
      %add3A_42 = arith.addi %add3A_29, %add3A_41 : i32
      "tpu.region"() ({
        %run_scoped3A = tpu.sem_alloc : memref<!tpu.dma_semaphore, #tpu.memory_space<semaphore_mem>>
        %dma_start3A_60 = tpu.memref_slice %arg3[%add3A_42] : memref<320000xi32, #tpu.memory_space<hbm>> -> memref<80xi32, #tpu.memory_space<hbm>>
        %dma_start3A_61 = tpu.memref_slice %arg3[%add3A_42] : memref<320000xi32, #tpu.memory_space<hbm>> -> memref<80xi32, #tpu.memory_space<hbm>>
        tpu.enqueue_dma source(%dma_start3A_61 : memref<80xi32, #tpu.memory_space<hbm>>) target(%arg9 : memref<80xi32, #tpu.memory_space<vmem>>) target_semaphore(%run_scoped3A : memref<!tpu.dma_semaphore, #tpu.memory_space<semaphore_mem>>)
        %dma_wait3A_62 = tpu.memref_slice %arg3[%add3A_42] : memref<320000xi32, #tpu.memory_space<hbm>> -> memref<80xi32, #tpu.memory_space<hbm>>
        %dma_wait3A_63 = tpu.memref_slice %arg3[%add3A_42] : memref<320000xi32, #tpu.memory_space<hbm>> -> memref<80xi32, #tpu.memory_space<hbm>>
        tpu.wait_dma2 semaphore(%run_scoped3A : memref<!tpu.dma_semaphore, #tpu.memory_space<semaphore_mem>>) src(%dma_wait3A_63 : memref<80xi32, #tpu.memory_space<hbm>>) dst(%arg9 : memref<80xi32, #tpu.memory_space<vmem>>)
        tpu.yield
      }) : () -> ()
      "tpu.region"() ({
        %run_scoped3A = tpu.sem_alloc : memref<!tpu.dma_semaphore, #tpu.memory_space<semaphore_mem>>
        %dma_start3A_60 = tpu.memref_slice %arg4[%add3A_42] : memref<320000xi32, #tpu.memory_space<hbm>> -> memref<80xi32, #tpu.memory_space<hbm>>
        %dma_start3A_61 = tpu.memref_slice %arg4[%add3A_42] : memref<320000xi32, #tpu.memory_space<hbm>> -> memref<80xi32, #tpu.memory_space<hbm>>
        tpu.enqueue_dma source(%dma_start3A_61 : memref<80xi32, #tpu.memory_space<hbm>>) target(%arg13 : memref<80xi32, #tpu.memory_space<vmem>>) target_semaphore(%run_scoped3A : memref<!tpu.dma_semaphore, #tpu.memory_space<semaphore_mem>>)
        %dma_wait3A_62 = tpu.memref_slice %arg4[%add3A_42] : memref<320000xi32, #tpu.memory_space<hbm>> -> memref<80xi32, #tpu.memory_space<hbm>>
        %dma_wait3A_63 = tpu.memref_slice %arg4[%add3A_42] : memref<320000xi32, #tpu.memory_space<hbm>> -> memref<80xi32, #tpu.memory_space<hbm>>
        tpu.wait_dma2 semaphore(%run_scoped3A : memref<!tpu.dma_semaphore, #tpu.memory_space<semaphore_mem>>) src(%dma_wait3A_63 : memref<80xi32, #tpu.memory_space<hbm>>) dst(%arg13 : memref<80xi32, #tpu.memory_space<vmem>>)
        tpu.yield
      }) : () -> ()
      %dma_wait3A_43 = arith.constant 0 : i32
      %dma_wait3A_44 = arith.constant 0 : i32
      %dma_wait3A_45 = tpu.memref_slice %arg2[%dma_wait3A_43, %dma_wait3A_44] : memref<10000x128xf32, #tpu.memory_space<hbm>> -> memref<10000x128xf32, #tpu.memory_space<hbm>>
      tpu.wait_indirect_dma semaphore(%arg21 : memref<!tpu.dma_semaphore, #tpu.memory_space<semaphore_mem>>) src(%dma_wait3A_45 : memref<10000x128xf32, #tpu.memory_space<hbm>>) dst(%arg16 : memref<80x128xf32, #tpu.memory_space<vmem>>)
      %dma_start3A_46 = arith.constant 0 : i32
      %dma_start3A_47 = arith.constant 0 : i32
      %dma_start3A_48 = tpu.memref_slice %arg2[%dma_start3A_46, %dma_start3A_47] : memref<10000x128xf32, #tpu.memory_space<hbm>> -> memref<10000x128xf32, #tpu.memory_space<hbm>>
      tpu.enqueue_indirect_dma source(%dma_start3A_48 : memref<10000x128xf32, #tpu.memory_space<hbm>>) target(%arg17 : memref<80x128xf32, #tpu.memory_space<vmem>>) offsets(%arg9 : memref<80xi32, #tpu.memory_space<vmem>>) semaphore(%arg22 : memref<!tpu.dma_semaphore, #tpu.memory_space<semaphore_mem>>)
      "tpu.region"() ({
        %run_scoped3A = tpu.sem_alloc : memref<!tpu.dma_semaphore, #tpu.memory_space<semaphore_mem>>
        %dma_start3A_60 = arith.constant 0 : i32
        %dma_start3A_61 = arith.constant 0 : i32
        %dma_start3A_62 = tpu.memref_slice %arg19[%dma_start3A_60, %dma_start3A_61] : memref<10240x128xf32, #tpu.memory_space<vmem_shared>> -> memref<10240x128xf32, #tpu.memory_space<vmem_shared>>
        tpu.enqueue_indirect_dma source(%arg16 : memref<80x128xf32, #tpu.memory_space<vmem>>) target(%dma_start3A_62 : memref<10240x128xf32, #tpu.memory_space<vmem_shared>>) offsets(%arg12 : memref<80xi32, #tpu.memory_space<vmem>>) semaphore(%run_scoped3A : memref<!tpu.dma_semaphore, #tpu.memory_space<semaphore_mem>>) {add = true}
        %dma_wait3A_63 = arith.constant 0 : i32
        %dma_wait3A_64 = arith.constant 0 : i32
        %dma_wait3A_65 = tpu.memref_slice %arg19[%dma_wait3A_63, %dma_wait3A_64] : memref<10240x128xf32, #tpu.memory_space<vmem_shared>> -> memref<10240x128xf32, #tpu.memory_space<vmem_shared>>
        tpu.wait_indirect_dma semaphore(%run_scoped3A : memref<!tpu.dma_semaphore, #tpu.memory_space<semaphore_mem>>) src(%arg16 : memref<80x128xf32, #tpu.memory_space<vmem>>) dst(%dma_wait3A_65 : memref<10240x128xf32, #tpu.memory_space<vmem_shared>>)
        tpu.yield
      }) : () -> ()
      %add3A_49 = arith.constant 240 : i32
      %add3A_50 = arith.addi %add3A_29, %add3A_49 : i32
      "tpu.region"() ({
        %run_scoped3A = tpu.sem_alloc : memref<!tpu.dma_semaphore, #tpu.memory_space<semaphore_mem>>
        %dma_start3A_60 = tpu.memref_slice %arg3[%add3A_50] : memref<320000xi32, #tpu.memory_space<hbm>> -> memref<80xi32, #tpu.memory_space<hbm>>
        %dma_start3A_61 = tpu.memref_slice %arg3[%add3A_50] : memref<320000xi32, #tpu.memory_space<hbm>> -> memref<80xi32, #tpu.memory_space<hbm>>
        tpu.enqueue_dma source(%dma_start3A_61 : memref<80xi32, #tpu.memory_space<hbm>>) target(%arg10 : memref<80xi32, #tpu.memory_space<vmem>>) target_semaphore(%run_scoped3A : memref<!tpu.dma_semaphore, #tpu.memory_space<semaphore_mem>>)
        %dma_wait3A_62 = tpu.memref_slice %arg3[%add3A_50] : memref<320000xi32, #tpu.memory_space<hbm>> -> memref<80xi32, #tpu.memory_space<hbm>>
        %dma_wait3A_63 = tpu.memref_slice %arg3[%add3A_50] : memref<320000xi32, #tpu.memory_space<hbm>> -> memref<80xi32, #tpu.memory_space<hbm>>
        tpu.wait_dma2 semaphore(%run_scoped3A : memref<!tpu.dma_semaphore, #tpu.memory_space<semaphore_mem>>) src(%dma_wait3A_63 : memref<80xi32, #tpu.memory_space<hbm>>) dst(%arg10 : memref<80xi32, #tpu.memory_space<vmem>>)
        tpu.yield
      }) : () -> ()
      "tpu.region"() ({
        %run_scoped3A = tpu.sem_alloc : memref<!tpu.dma_semaphore, #tpu.memory_space<semaphore_mem>>
        %dma_start3A_60 = tpu.memref_slice %arg4[%add3A_50] : memref<320000xi32, #tpu.memory_space<hbm>> -> memref<80xi32, #tpu.memory_space<hbm>>
        %dma_start3A_61 = tpu.memref_slice %arg4[%add3A_50] : memref<320000xi32, #tpu.memory_space<hbm>> -> memref<80xi32, #tpu.memory_space<hbm>>
        tpu.enqueue_dma source(%dma_start3A_61 : memref<80xi32, #tpu.memory_space<hbm>>) target(%arg14 : memref<80xi32, #tpu.memory_space<vmem>>) target_semaphore(%run_scoped3A : memref<!tpu.dma_semaphore, #tpu.memory_space<semaphore_mem>>)
        %dma_wait3A_62 = tpu.memref_slice %arg4[%add3A_50] : memref<320000xi32, #tpu.memory_space<hbm>> -> memref<80xi32, #tpu.memory_space<hbm>>
        %dma_wait3A_63 = tpu.memref_slice %arg4[%add3A_50] : memref<320000xi32, #tpu.memory_space<hbm>> -> memref<80xi32, #tpu.memory_space<hbm>>
        tpu.wait_dma2 semaphore(%run_scoped3A : memref<!tpu.dma_semaphore, #tpu.memory_space<semaphore_mem>>) src(%dma_wait3A_63 : memref<80xi32, #tpu.memory_space<hbm>>) dst(%arg14 : memref<80xi32, #tpu.memory_space<vmem>>)
        tpu.yield
      }) : () -> ()
      %dma_wait3A_51 = arith.constant 0 : i32
      %dma_wait3A_52 = arith.constant 0 : i32
      %dma_wait3A_53 = tpu.memref_slice %arg2[%dma_wait3A_51, %dma_wait3A_52] : memref<10000x128xf32, #tpu.memory_space<hbm>> -> memref<10000x128xf32, #tpu.memory_space<hbm>>
      tpu.wait_indirect_dma semaphore(%arg22 : memref<!tpu.dma_semaphore, #tpu.memory_space<semaphore_mem>>) src(%dma_wait3A_53 : memref<10000x128xf32, #tpu.memory_space<hbm>>) dst(%arg17 : memref<80x128xf32, #tpu.memory_space<vmem>>)
      %dma_start3A_54 = arith.constant 0 : i32
      %dma_start3A_55 = arith.constant 0 : i32
      %dma_start3A_56 = tpu.memref_slice %arg2[%dma_start3A_54, %dma_start3A_55] : memref<10000x128xf32, #tpu.memory_space<hbm>> -> memref<10000x128xf32, #tpu.memory_space<hbm>>
      tpu.enqueue_indirect_dma source(%dma_start3A_56 : memref<10000x128xf32, #tpu.memory_space<hbm>>) target(%arg18 : memref<80x128xf32, #tpu.memory_space<vmem>>) offsets(%arg10 : memref<80xi32, #tpu.memory_space<vmem>>) semaphore(%arg23 : memref<!tpu.dma_semaphore, #tpu.memory_space<semaphore_mem>>)
      "tpu.region"() ({
        %run_scoped3A = tpu.sem_alloc : memref<!tpu.dma_semaphore, #tpu.memory_space<semaphore_mem>>
        %dma_start3A_60 = arith.constant 0 : i32
        %dma_start3A_61 = arith.constant 0 : i32
        %dma_start3A_62 = tpu.memref_slice %arg19[%dma_start3A_60, %dma_start3A_61] : memref<10240x128xf32, #tpu.memory_space<vmem_shared>> -> memref<10240x128xf32, #tpu.memory_space<vmem_shared>>
        tpu.enqueue_indirect_dma source(%arg17 : memref<80x128xf32, #tpu.memory_space<vmem>>) target(%dma_start3A_62 : memref<10240x128xf32, #tpu.memory_space<vmem_shared>>) offsets(%arg13 : memref<80xi32, #tpu.memory_space<vmem>>) semaphore(%run_scoped3A : memref<!tpu.dma_semaphore, #tpu.memory_space<semaphore_mem>>) {add = true}
        %dma_wait3A_63 = arith.constant 0 : i32
        %dma_wait3A_64 = arith.constant 0 : i32
        %dma_wait3A_65 = tpu.memref_slice %arg19[%dma_wait3A_63, %dma_wait3A_64] : memref<10240x128xf32, #tpu.memory_space<vmem_shared>> -> memref<10240x128xf32, #tpu.memory_space<vmem_shared>>
        tpu.wait_indirect_dma semaphore(%run_scoped3A : memref<!tpu.dma_semaphore, #tpu.memory_space<semaphore_mem>>) src(%arg17 : memref<80x128xf32, #tpu.memory_space<vmem>>) dst(%dma_wait3A_65 : memref<10240x128xf32, #tpu.memory_space<vmem_shared>>)
        tpu.yield
      }) : () -> ()
      %dma_wait3A_57 = arith.constant 0 : i32
      %dma_wait3A_58 = arith.constant 0 : i32
      %dma_wait3A_59 = tpu.memref_slice %arg2[%dma_wait3A_57, %dma_wait3A_58] : memref<10000x128xf32, #tpu.memory_space<hbm>> -> memref<10000x128xf32, #tpu.memory_space<hbm>>
      tpu.wait_indirect_dma semaphore(%arg23 : memref<!tpu.dma_semaphore, #tpu.memory_space<semaphore_mem>>) src(%dma_wait3A_59 : memref<10000x128xf32, #tpu.memory_space<hbm>>) dst(%arg18 : memref<80x128xf32, #tpu.memory_space<vmem>>)
      "tpu.region"() ({
        %run_scoped3A = tpu.sem_alloc : memref<!tpu.dma_semaphore, #tpu.memory_space<semaphore_mem>>
        %dma_start3A_60 = arith.constant 0 : i32
        %dma_start3A_61 = arith.constant 0 : i32
        %dma_start3A_62 = tpu.memref_slice %arg19[%dma_start3A_60, %dma_start3A_61] : memref<10240x128xf32, #tpu.memory_space<vmem_shared>> -> memref<10240x128xf32, #tpu.memory_space<vmem_shared>>
        tpu.enqueue_indirect_dma source(%arg18 : memref<80x128xf32, #tpu.memory_space<vmem>>) target(%dma_start3A_62 : memref<10240x128xf32, #tpu.memory_space<vmem_shared>>) offsets(%arg14 : memref<80xi32, #tpu.memory_space<vmem>>) semaphore(%run_scoped3A : memref<!tpu.dma_semaphore, #tpu.memory_space<semaphore_mem>>) {add = true}
        %dma_wait3A_63 = arith.constant 0 : i32
        %dma_wait3A_64 = arith.constant 0 : i32
        %dma_wait3A_65 = tpu.memref_slice %arg19[%dma_wait3A_63, %dma_wait3A_64] : memref<10240x128xf32, #tpu.memory_space<vmem_shared>> -> memref<10240x128xf32, #tpu.memory_space<vmem_shared>>
        tpu.wait_indirect_dma semaphore(%run_scoped3A : memref<!tpu.dma_semaphore, #tpu.memory_space<semaphore_mem>>) src(%arg18 : memref<80x128xf32, #tpu.memory_space<vmem>>) dst(%dma_wait3A_65 : memref<10240x128xf32, #tpu.memory_space<vmem_shared>>)
        tpu.yield
      }) : () -> ()
    }
    %scan3A_11 = arith.constant 31 : i32
    %add3A_12 = arith.constant 9920 : i32
    %add3A_13 = arith.addi %mul3A_2, %add3A_12 : i32
    "tpu.region"() ({
      %run_scoped3A = tpu.sem_alloc : memref<!tpu.dma_semaphore, #tpu.memory_space<semaphore_mem>>
      %dma_start3A_26 = tpu.memref_slice %arg3[%add3A_13] : memref<320000xi32, #tpu.memory_space<hbm>> -> memref<80xi32, #tpu.memory_space<hbm>>
      %dma_start3A_27 = tpu.memref_slice %arg3[%add3A_13] : memref<320000xi32, #tpu.memory_space<hbm>> -> memref<80xi32, #tpu.memory_space<hbm>>
      tpu.enqueue_dma source(%dma_start3A_27 : memref<80xi32, #tpu.memory_space<hbm>>) target(%arg7 : memref<80xi32, #tpu.memory_space<vmem>>) target_semaphore(%run_scoped3A : memref<!tpu.dma_semaphore, #tpu.memory_space<semaphore_mem>>)
      %dma_wait3A_28 = tpu.memref_slice %arg3[%add3A_13] : memref<320000xi32, #tpu.memory_space<hbm>> -> memref<80xi32, #tpu.memory_space<hbm>>
      %dma_wait3A_29 = tpu.memref_slice %arg3[%add3A_13] : memref<320000xi32, #tpu.memory_space<hbm>> -> memref<80xi32, #tpu.memory_space<hbm>>
      tpu.wait_dma2 semaphore(%run_scoped3A : memref<!tpu.dma_semaphore, #tpu.memory_space<semaphore_mem>>) src(%dma_wait3A_29 : memref<80xi32, #tpu.memory_space<hbm>>) dst(%arg7 : memref<80xi32, #tpu.memory_space<vmem>>)
      tpu.yield
    }) : () -> ()
    "tpu.region"() ({
      %run_scoped3A = tpu.sem_alloc : memref<!tpu.dma_semaphore, #tpu.memory_space<semaphore_mem>>
      %dma_start3A_26 = tpu.memref_slice %arg4[%add3A_13] : memref<320000xi32, #tpu.memory_space<hbm>> -> memref<80xi32, #tpu.memory_space<hbm>>
      %dma_start3A_27 = tpu.memref_slice %arg4[%add3A_13] : memref<320000xi32, #tpu.memory_space<hbm>> -> memref<80xi32, #tpu.memory_space<hbm>>
      tpu.enqueue_dma source(%dma_start3A_27 : memref<80xi32, #tpu.memory_space<hbm>>) target(%arg11 : memref<80xi32, #tpu.memory_space<vmem>>) target_semaphore(%run_scoped3A : memref<!tpu.dma_semaphore, #tpu.memory_space<semaphore_mem>>)
      %dma_wait3A_28 = tpu.memref_slice %arg4[%add3A_13] : memref<320000xi32, #tpu.memory_space<hbm>> -> memref<80xi32, #tpu.memory_space<hbm>>
      %dma_wait3A_29 = tpu.memref_slice %arg4[%add3A_13] : memref<320000xi32, #tpu.memory_space<hbm>> -> memref<80xi32, #tpu.memory_space<hbm>>
      tpu.wait_dma2 semaphore(%run_scoped3A : memref<!tpu.dma_semaphore, #tpu.memory_space<semaphore_mem>>) src(%dma_wait3A_29 : memref<80xi32, #tpu.memory_space<hbm>>) dst(%arg11 : memref<80xi32, #tpu.memory_space<vmem>>)
      tpu.yield
    }) : () -> ()
    %dma_start3A = arith.constant 0 : i32
    %dma_start3A_14 = arith.constant 0 : i32
    %dma_start3A_15 = tpu.memref_slice %arg2[%dma_start3A, %dma_start3A_14] : memref<10000x128xf32, #tpu.memory_space<hbm>> -> memref<10000x128xf32, #tpu.memory_space<hbm>>
    tpu.enqueue_indirect_dma source(%dma_start3A_15 : memref<10000x128xf32, #tpu.memory_space<hbm>>) target(%arg15 : memref<80x128xf32, #tpu.memory_space<vmem>>) offsets(%arg7 : memref<80xi32, #tpu.memory_space<vmem>>) semaphore(%arg20 : memref<!tpu.dma_semaphore, #tpu.memory_space<semaphore_mem>>)
    %dma_wait3A = arith.constant 0 : i32
    %dma_wait3A_16 = arith.constant 0 : i32
    %dma_wait3A_17 = tpu.memref_slice %arg2[%dma_wait3A, %dma_wait3A_16] : memref<10000x128xf32, #tpu.memory_space<hbm>> -> memref<10000x128xf32, #tpu.memory_space<hbm>>
    tpu.wait_indirect_dma semaphore(%arg20 : memref<!tpu.dma_semaphore, #tpu.memory_space<semaphore_mem>>) src(%dma_wait3A_17 : memref<10000x128xf32, #tpu.memory_space<hbm>>) dst(%arg15 : memref<80x128xf32, #tpu.memory_space<vmem>>)
    "tpu.region"() ({
      %run_scoped3A = tpu.sem_alloc : memref<!tpu.dma_semaphore, #tpu.memory_space<semaphore_mem>>
      %dma_start3A_26 = arith.constant 0 : i32
      %dma_start3A_27 = arith.constant 0 : i32
      %dma_start3A_28 = tpu.memref_slice %arg19[%dma_start3A_26, %dma_start3A_27] : memref<10240x128xf32, #tpu.memory_space<vmem_shared>> -> memref<10240x128xf32, #tpu.memory_space<vmem_shared>>
      tpu.enqueue_indirect_dma source(%arg15 : memref<80x128xf32, #tpu.memory_space<vmem>>) target(%dma_start3A_28 : memref<10240x128xf32, #tpu.memory_space<vmem_shared>>) offsets(%arg11 : memref<80xi32, #tpu.memory_space<vmem>>) semaphore(%run_scoped3A : memref<!tpu.dma_semaphore, #tpu.memory_space<semaphore_mem>>) {add = true}
      %dma_wait3A_29 = arith.constant 0 : i32
      %dma_wait3A_30 = arith.constant 0 : i32
      %dma_wait3A_31 = tpu.memref_slice %arg19[%dma_wait3A_29, %dma_wait3A_30] : memref<10240x128xf32, #tpu.memory_space<vmem_shared>> -> memref<10240x128xf32, #tpu.memory_space<vmem_shared>>
      tpu.wait_indirect_dma semaphore(%run_scoped3A : memref<!tpu.dma_semaphore, #tpu.memory_space<semaphore_mem>>) src(%arg15 : memref<80x128xf32, #tpu.memory_space<vmem>>) dst(%dma_wait3A_31 : memref<10240x128xf32, #tpu.memory_space<vmem_shared>>)
      tpu.yield
    }) : () -> ()
    %barrier3A_18 = arith.constant 0 : index
    tpu.barrier barrier_id(%barrier3A_18)
    %mul3A_19 = arith.constant 640 : i32
    %mul3A_20 = arith.muli %arg1, %mul3A_19 : i32
    %mul3A_21 = arith.constant 10240 : i32
    %mul3A_22 = arith.muli %arg0, %mul3A_21 : i32
    %mul3A_23 = arith.constant 640 : i32
    %mul3A_24 = arith.muli %arg1, %mul3A_23 : i32
    %add3A_25 = arith.addi %mul3A_22, %mul3A_24 : i32
    "tpu.region"() ({
      %run_scoped3A = tpu.sem_alloc : memref<!tpu.dma_semaphore, #tpu.memory_space<semaphore_mem>>
      %dma_start3A_26 = arith.constant 0 : i32
      %dma_start3A_27 = tpu.memref_slice %arg6[%add3A_25, %dma_start3A_26] : memref<20480x128xf32, #tpu.memory_space<hbm>> -> memref<640x128xf32, #tpu.memory_space<hbm>>
      %dma_start3A_28 = arith.constant 0 : i32
      %dma_start3A_29 = tpu.memref_slice %arg19[%mul3A_20, %dma_start3A_28] : memref<10240x128xf32, #tpu.memory_space<vmem_shared>> -> memref<640x128xf32, #tpu.memory_space<vmem_shared>>
      tpu.enqueue_dma source(%dma_start3A_29 : memref<640x128xf32, #tpu.memory_space<vmem_shared>>) target(%dma_start3A_27 : memref<640x128xf32, #tpu.memory_space<hbm>>) target_semaphore(%run_scoped3A : memref<!tpu.dma_semaphore, #tpu.memory_space<semaphore_mem>>)
      %dma_wait3A_30 = arith.constant 0 : i32
      %dma_wait3A_31 = tpu.memref_slice %arg6[%add3A_25, %dma_wait3A_30] : memref<20480x128xf32, #tpu.memory_space<hbm>> -> memref<640x128xf32, #tpu.memory_space<hbm>>
      %dma_wait3A_32 = arith.constant 0 : i32
      %dma_wait3A_33 = tpu.memref_slice %arg19[%mul3A_20, %dma_wait3A_32] : memref<10240x128xf32, #tpu.memory_space<vmem_shared>> -> memref<640x128xf32, #tpu.memory_space<vmem_shared>>
      tpu.wait_dma2 semaphore(%run_scoped3A : memref<!tpu.dma_semaphore, #tpu.memory_space<semaphore_mem>>) src(%dma_wait3A_33 : memref<640x128xf32, #tpu.memory_space<vmem_shared>>) dst(%dma_wait3A_31 : memref<640x128xf32, #tpu.memory_space<hbm>>)
      tpu.yield
    }) : () -> ()
    return
  }
}

#map = affine_map<(d0, d1) -> (0, 0)>
#map1 = affine_map<(d0, d1) -> (0)>
module attributes {stable_mosaic.version = 14 : i64} {
  func.func @k(%arg0: i32, %arg1: i32, %arg2: memref<10000x128xf32, #tpu.memory_space<hbm>>, %arg3: memref<320000xi32, #tpu.memory_space<hbm>>, %arg4: memref<320000xi32, #tpu.memory_space<hbm>>, %arg5: memref<10240x128xf32, #tpu.memory_space<hbm>>, %arg6: memref<20480x128xf32, #tpu.memory_space<hbm>>, %arg7: memref<80xi32, #tpu.memory_space<vmem>>, %arg8: memref<80xi32, #tpu.memory_space<vmem>>, %arg9: memref<80xi32, #tpu.memory_space<vmem>>, %arg10: memref<80xi32, #tpu.memory_space<vmem>>, %arg11: memref<80xi32, #tpu.memory_space<vmem>>, %arg12: memref<80xi32, #tpu.memory_space<vmem>>, %arg13: memref<80xi32, #tpu.memory_space<vmem>>, %arg14: memref<80xi32, #tpu.memory_space<vmem>>, %arg15: memref<80x128xf32, #tpu.memory_space<vmem>>, %arg16: memref<80x128xf32, #tpu.memory_space<vmem>>, %arg17: memref<80x128xf32, #tpu.memory_space<vmem>>, %arg18: memref<80x128xf32, #tpu.memory_space<vmem>>, %arg19: memref<10240x128xf32, #tpu.memory_space<vmem_shared>>, %arg20: memref<!tpu.dma_semaphore, #tpu.memory_space<semaphore_mem>>, %arg21: memref<!tpu.dma_semaphore, #tpu.memory_space<semaphore_mem>>, %arg22: memref<!tpu.dma_semaphore, #tpu.memory_space<semaphore_mem>>, %arg23: memref<!tpu.dma_semaphore, #tpu.memory_space<semaphore_mem>>) attributes {dimension_semantics = [#tpu.dimension_semantics<core_parallel>, #tpu.dimension_semantics<subcore_parallel>], iteration_bounds = array<i64: 2, 16>, scalar_prefetch = 0 : i64, scratch_operands = 17 : i64, tpu.core_type = #tpu.core_type<sc_vector_subcore>, window_params = [{transform_indices = #map}, {transform_indices = #map1}, {transform_indices = #map1}, {transform_indices = #map}, {transform_indices = #map}]} {
    %mul3A = arith.constant 16 : i32
    %mul3A_0 = arith.muli %arg0, %mul3A : i32
    %add3A = arith.addi %mul3A_0, %arg1 : i32
    %mul3A_1 = arith.constant 10000 : i32
    %mul3A_2 = arith.muli %add3A, %mul3A_1 : i32
    %mul3A_3 = arith.constant 640 : i32
    %mul3A_4 = arith.muli %arg1, %mul3A_3 : i32
    %mul3A_5 = arith.constant 640 : i32
    %mul3A_6 = arith.muli %arg1, %mul3A_5 : i32
    "tpu.region"() ({
      %run_scoped3A = tpu.sem_alloc : memref<!tpu.dma_semaphore, #tpu.memory_space<semaphore_mem>>
      %dma_start3A_26 = arith.constant 0 : i32
      %dma_start3A_27 = tpu.memref_slice %arg19[%mul3A_6, %dma_start3A_26] : memref<10240x128xf32, #tpu.memory_space<vmem_shared>> -> memref<640x128xf32, #tpu.memory_space<vmem_shared>>
      %dma_start3A_28 = arith.constant 0 : i32
      %dma_start3A_29 = tpu.memref_slice %arg5[%mul3A_4, %dma_start3A_28] : memref<10240x128xf32, #tpu.memory_space<hbm>> -> memref<640x128xf32, #tpu.memory_space<hbm>>
      tpu.enqueue_dma source(%dma_start3A_29 : memref<640x128xf32, #tpu.memory_space<hbm>>) target(%dma_start3A_27 : memref<640x128xf32, #tpu.memory_space<vmem_shared>>) target_semaphore(%run_scoped3A : memref<!tpu.dma_semaphore, #tpu.memory_space<semaphore_mem>>)
      %dma_wait3A_30 = arith.constant 0 : i32
      %dma_wait3A_31 = tpu.memref_slice %arg19[%mul3A_6, %dma_wait3A_30] : memref<10240x128xf32, #tpu.memory_space<vmem_shared>> -> memref<640x128xf32, #tpu.memory_space<vmem_shared>>
      %dma_wait3A_32 = arith.constant 0 : i32
      %dma_wait3A_33 = tpu.memref_slice %arg5[%mul3A_4, %dma_wait3A_32] : memref<10240x128xf32, #tpu.memory_space<hbm>> -> memref<640x128xf32, #tpu.memory_space<hbm>>
      tpu.wait_dma2 semaphore(%run_scoped3A : memref<!tpu.dma_semaphore, #tpu.memory_space<semaphore_mem>>) src(%dma_wait3A_33 : memref<640x128xf32, #tpu.memory_space<hbm>>) dst(%dma_wait3A_31 : memref<640x128xf32, #tpu.memory_space<vmem_shared>>)
      tpu.yield
    }) : () -> ()
    %barrier3A = arith.constant 0 : index
    tpu.barrier barrier_id(%barrier3A)
    %scan3A = arith.constant 0 : i32
    %scan3A_7 = arith.constant 0 : i32
    %scan3A_8 = arith.constant 31 : i32
    %scan3A_9 = arith.addi %scan3A_7, %scan3A_8 : i32
    %scan3A_10 = arith.constant 1 : i32
    scf.for %scan3A_26 = %scan3A_7 to %scan3A_9 step %scan3A_10  : i32 {
      %mul3A_27 = arith.constant 320 : i32
      %mul3A_28 = arith.muli %scan3A_26, %mul3A_27 : i32
      %add3A_29 = arith.addi %mul3A_2, %mul3A_28 : i32
      "tpu.region"() ({
        %run_scoped3A = tpu.sem_alloc : memref<!tpu.dma_semaphore, #tpu.memory_space<semaphore_mem>>
        %dma_start3A_60 = tpu.memref_slice %arg3[%add3A_29] : memref<320000xi32, #tpu.memory_space<hbm>> -> memref<80xi32, #tpu.memory_space<hbm>>
        %dma_start3A_61 = tpu.memref_slice %arg3[%add3A_29] : memref<320000xi32, #tpu.memory_space<hbm>> -> memref<80xi32, #tpu.memory_space<hbm>>
        tpu.enqueue_dma source(%dma_start3A_61 : memref<80xi32, #tpu.memory_space<hbm>>) target(%arg7 : memref<80xi32, #tpu.memory_space<vmem>>) target_semaphore(%run_scoped3A : memref<!tpu.dma_semaphore, #tpu.memory_space<semaphore_mem>>)
        %dma_wait3A_62 = tpu.memref_slice %arg3[%add3A_29] : memref<320000xi32, #tpu.memory_space<hbm>> -> memref<80xi32, #tpu.memory_space<hbm>>
        %dma_wait3A_63 = tpu.memref_slice %arg3[%add3A_29] : memref<320000xi32, #tpu.memory_space<hbm>> -> memref<80xi32, #tpu.memory_space<hbm>>
        tpu.wait_dma2 semaphore(%run_scoped3A : memref<!tpu.dma_semaphore, #tpu.memory_space<semaphore_mem>>) src(%dma_wait3A_63 : memref<80xi32, #tpu.memory_space<hbm>>) dst(%arg7 : memref<80xi32, #tpu.memory_space<vmem>>)
        tpu.yield
      }) : () -> ()
      "tpu.region"() ({
        %run_scoped3A = tpu.sem_alloc : memref<!tpu.dma_semaphore, #tpu.memory_space<semaphore_mem>>
        %dma_start3A_60 = tpu.memref_slice %arg4[%add3A_29] : memref<320000xi32, #tpu.memory_space<hbm>> -> memref<80xi32, #tpu.memory_space<hbm>>
        %dma_start3A_61 = tpu.memref_slice %arg4[%add3A_29] : memref<320000xi32, #tpu.memory_space<hbm>> -> memref<80xi32, #tpu.memory_space<hbm>>
        tpu.enqueue_dma source(%dma_start3A_61 : memref<80xi32, #tpu.memory_space<hbm>>) target(%arg11 : memref<80xi32, #tpu.memory_space<vmem>>) target_semaphore(%run_scoped3A : memref<!tpu.dma_semaphore, #tpu.memory_space<semaphore_mem>>)
        %dma_wait3A_62 = tpu.memref_slice %arg4[%add3A_29] : memref<320000xi32, #tpu.memory_space<hbm>> -> memref<80xi32, #tpu.memory_space<hbm>>
        %dma_wait3A_63 = tpu.memref_slice %arg4[%add3A_29] : memref<320000xi32, #tpu.memory_space<hbm>> -> memref<80xi32, #tpu.memory_space<hbm>>
        tpu.wait_dma2 semaphore(%run_scoped3A : memref<!tpu.dma_semaphore, #tpu.memory_space<semaphore_mem>>) src(%dma_wait3A_63 : memref<80xi32, #tpu.memory_space<hbm>>) dst(%arg11 : memref<80xi32, #tpu.memory_space<vmem>>)
        tpu.yield
      }) : () -> ()
      %dma_start3A_30 = arith.constant 0 : i32
      %dma_start3A_31 = arith.constant 0 : i32
      %dma_start3A_32 = tpu.memref_slice %arg2[%dma_start3A_30, %dma_start3A_31] : memref<10000x128xf32, #tpu.memory_space<hbm>> -> memref<10000x128xf32, #tpu.memory_space<hbm>>
      tpu.enqueue_indirect_dma source(%dma_start3A_32 : memref<10000x128xf32, #tpu.memory_space<hbm>>) target(%arg15 : memref<80x128xf32, #tpu.memory_space<vmem>>) offsets(%arg7 : memref<80xi32, #tpu.memory_space<vmem>>) semaphore(%arg20 : memref<!tpu.dma_semaphore, #tpu.memory_space<semaphore_mem>>)
      %add3A_33 = arith.constant 80 : i32
      %add3A_34 = arith.addi %add3A_29, %add3A_33 : i32
      "tpu.region"() ({
        %run_scoped3A = tpu.sem_alloc : memref<!tpu.dma_semaphore, #tpu.memory_space<semaphore_mem>>
        %dma_start3A_60 = tpu.memref_slice %arg3[%add3A_34] : memref<320000xi32, #tpu.memory_space<hbm>> -> memref<80xi32, #tpu.memory_space<hbm>>
        %dma_start3A_61 = tpu.memref_slice %arg3[%add3A_34] : memref<320000xi32, #tpu.memory_space<hbm>> -> memref<80xi32, #tpu.memory_space<hbm>>
        tpu.enqueue_dma source(%dma_start3A_61 : memref<80xi32, #tpu.memory_space<hbm>>) target(%arg8 : memref<80xi32, #tpu.memory_space<vmem>>) target_semaphore(%run_scoped3A : memref<!tpu.dma_semaphore, #tpu.memory_space<semaphore_mem>>)
        %dma_wait3A_62 = tpu.memref_slice %arg3[%add3A_34] : memref<320000xi32, #tpu.memory_space<hbm>> -> memref<80xi32, #tpu.memory_space<hbm>>
        %dma_wait3A_63 = tpu.memref_slice %arg3[%add3A_34] : memref<320000xi32, #tpu.memory_space<hbm>> -> memref<80xi32, #tpu.memory_space<hbm>>
        tpu.wait_dma2 semaphore(%run_scoped3A : memref<!tpu.dma_semaphore, #tpu.memory_space<semaphore_mem>>) src(%dma_wait3A_63 : memref<80xi32, #tpu.memory_space<hbm>>) dst(%arg8 : memref<80xi32, #tpu.memory_space<vmem>>)
        tpu.yield
      }) : () -> ()
      "tpu.region"() ({
        %run_scoped3A = tpu.sem_alloc : memref<!tpu.dma_semaphore, #tpu.memory_space<semaphore_mem>>
        %dma_start3A_60 = tpu.memref_slice %arg4[%add3A_34] : memref<320000xi32, #tpu.memory_space<hbm>> -> memref<80xi32, #tpu.memory_space<hbm>>
        %dma_start3A_61 = tpu.memref_slice %arg4[%add3A_34] : memref<320000xi32, #tpu.memory_space<hbm>> -> memref<80xi32, #tpu.memory_space<hbm>>
        tpu.enqueue_dma source(%dma_start3A_61 : memref<80xi32, #tpu.memory_space<hbm>>) target(%arg12 : memref<80xi32, #tpu.memory_space<vmem>>) target_semaphore(%run_scoped3A : memref<!tpu.dma_semaphore, #tpu.memory_space<semaphore_mem>>)
        %dma_wait3A_62 = tpu.memref_slice %arg4[%add3A_34] : memref<320000xi32, #tpu.memory_space<hbm>> -> memref<80xi32, #tpu.memory_space<hbm>>
        %dma_wait3A_63 = tpu.memref_slice %arg4[%add3A_34] : memref<320000xi32, #tpu.memory_space<hbm>> -> memref<80xi32, #tpu.memory_space<hbm>>
        tpu.wait_dma2 semaphore(%run_scoped3A : memref<!tpu.dma_semaphore, #tpu.memory_space<semaphore_mem>>) src(%dma_wait3A_63 : memref<80xi32, #tpu.memory_space<hbm>>) dst(%arg12 : memref<80xi32, #tpu.memory_space<vmem>>)
        tpu.yield
      }) : () -> ()
      %dma_wait3A_35 = arith.constant 0 : i32
      %dma_wait3A_36 = arith.constant 0 : i32
      %dma_wait3A_37 = tpu.memref_slice %arg2[%dma_wait3A_35, %dma_wait3A_36] : memref<10000x128xf32, #tpu.memory_space<hbm>> -> memref<10000x128xf32, #tpu.memory_space<hbm>>
      tpu.wait_indirect_dma semaphore(%arg20 : memref<!tpu.dma_semaphore, #tpu.memory_space<semaphore_mem>>) src(%dma_wait3A_37 : memref<10000x128xf32, #tpu.memory_space<hbm>>) dst(%arg15 : memref<80x128xf32, #tpu.memory_space<vmem>>)
      %dma_start3A_38 = arith.constant 0 : i32
      %dma_start3A_39 = arith.constant 0 : i32
      %dma_start3A_40 = tpu.memref_slice %arg2[%dma_start3A_38, %dma_start3A_39] : memref<10000x128xf32, #tpu.memory_space<hbm>> -> memref<10000x128xf32, #tpu.memory_space<hbm>>
      tpu.enqueue_indirect_dma source(%dma_start3A_40 : memref<10000x128xf32, #tpu.memory_space<hbm>>) target(%arg16 : memref<80x128xf32, #tpu.memory_space<vmem>>) offsets(%arg8 : memref<80xi32, #tpu.memory_space<vmem>>) semaphore(%arg21 : memref<!tpu.dma_semaphore, #tpu.memory_space<semaphore_mem>>)
      "tpu.region"() ({
        %run_scoped3A = tpu.sem_alloc : memref<!tpu.dma_semaphore, #tpu.memory_space<semaphore_mem>>
        %dma_start3A_60 = arith.constant 0 : i32
        %dma_start3A_61 = arith.constant 0 : i32
        %dma_start3A_62 = tpu.memref_slice %arg19[%dma_start3A_60, %dma_start3A_61] : memref<10240x128xf32, #tpu.memory_space<vmem_shared>> -> memref<10240x128xf32, #tpu.memory_space<vmem_shared>>
        tpu.enqueue_indirect_dma source(%arg15 : memref<80x128xf32, #tpu.memory_space<vmem>>) target(%dma_start3A_62 : memref<10240x128xf32, #tpu.memory_space<vmem_shared>>) offsets(%arg11 : memref<80xi32, #tpu.memory_space<vmem>>) semaphore(%run_scoped3A : memref<!tpu.dma_semaphore, #tpu.memory_space<semaphore_mem>>) {add = true}
        %dma_wait3A_63 = arith.constant 0 : i32
        %dma_wait3A_64 = arith.constant 0 : i32
        %dma_wait3A_65 = tpu.memref_slice %arg19[%dma_wait3A_63, %dma_wait3A_64] : memref<10240x128xf32, #tpu.memory_space<vmem_shared>> -> memref<10240x128xf32, #tpu.memory_space<vmem_shared>>
        tpu.wait_indirect_dma semaphore(%run_scoped3A : memref<!tpu.dma_semaphore, #tpu.memory_space<semaphore_mem>>) src(%arg15 : memref<80x128xf32, #tpu.memory_space<vmem>>) dst(%dma_wait3A_65 : memref<10240x128xf32, #tpu.memory_space<vmem_shared>>)
        tpu.yield
      }) : () -> ()
      %add3A_41 = arith.constant 160 : i32
      %add3A_42 = arith.addi %add3A_29, %add3A_41 : i32
      "tpu.region"() ({
        %run_scoped3A = tpu.sem_alloc : memref<!tpu.dma_semaphore, #tpu.memory_space<semaphore_mem>>
        %dma_start3A_60 = tpu.memref_slice %arg3[%add3A_42] : memref<320000xi32, #tpu.memory_space<hbm>> -> memref<80xi32, #tpu.memory_space<hbm>>
        %dma_start3A_61 = tpu.memref_slice %arg3[%add3A_42] : memref<320000xi32, #tpu.memory_space<hbm>> -> memref<80xi32, #tpu.memory_space<hbm>>
        tpu.enqueue_dma source(%dma_start3A_61 : memref<80xi32, #tpu.memory_space<hbm>>) target(%arg9 : memref<80xi32, #tpu.memory_space<vmem>>) target_semaphore(%run_scoped3A : memref<!tpu.dma_semaphore, #tpu.memory_space<semaphore_mem>>)
        %dma_wait3A_62 = tpu.memref_slice %arg3[%add3A_42] : memref<320000xi32, #tpu.memory_space<hbm>> -> memref<80xi32, #tpu.memory_space<hbm>>
        %dma_wait3A_63 = tpu.memref_slice %arg3[%add3A_42] : memref<320000xi32, #tpu.memory_space<hbm>> -> memref<80xi32, #tpu.memory_space<hbm>>
        tpu.wait_dma2 semaphore(%run_scoped3A : memref<!tpu.dma_semaphore, #tpu.memory_space<semaphore_mem>>) src(%dma_wait3A_63 : memref<80xi32, #tpu.memory_space<hbm>>) dst(%arg9 : memref<80xi32, #tpu.memory_space<vmem>>)
        tpu.yield
      }) : () -> ()
      "tpu.region"() ({
        %run_scoped3A = tpu.sem_alloc : memref<!tpu.dma_semaphore, #tpu.memory_space<semaphore_mem>>
        %dma_start3A_60 = tpu.memref_slice %arg4[%add3A_42] : memref<320000xi32, #tpu.memory_space<hbm>> -> memref<80xi32, #tpu.memory_space<hbm>>
        %dma_start3A_61 = tpu.memref_slice %arg4[%add3A_42] : memref<320000xi32, #tpu.memory_space<hbm>> -> memref<80xi32, #tpu.memory_space<hbm>>
        tpu.enqueue_dma source(%dma_start3A_61 : memref<80xi32, #tpu.memory_space<hbm>>) target(%arg13 : memref<80xi32, #tpu.memory_space<vmem>>) target_semaphore(%run_scoped3A : memref<!tpu.dma_semaphore, #tpu.memory_space<semaphore_mem>>)
        %dma_wait3A_62 = tpu.memref_slice %arg4[%add3A_42] : memref<320000xi32, #tpu.memory_space<hbm>> -> memref<80xi32, #tpu.memory_space<hbm>>
        %dma_wait3A_63 = tpu.memref_slice %arg4[%add3A_42] : memref<320000xi32, #tpu.memory_space<hbm>> -> memref<80xi32, #tpu.memory_space<hbm>>
        tpu.wait_dma2 semaphore(%run_scoped3A : memref<!tpu.dma_semaphore, #tpu.memory_space<semaphore_mem>>) src(%dma_wait3A_63 : memref<80xi32, #tpu.memory_space<hbm>>) dst(%arg13 : memref<80xi32, #tpu.memory_space<vmem>>)
        tpu.yield
      }) : () -> ()
      %dma_wait3A_43 = arith.constant 0 : i32
      %dma_wait3A_44 = arith.constant 0 : i32
      %dma_wait3A_45 = tpu.memref_slice %arg2[%dma_wait3A_43, %dma_wait3A_44] : memref<10000x128xf32, #tpu.memory_space<hbm>> -> memref<10000x128xf32, #tpu.memory_space<hbm>>
      tpu.wait_indirect_dma semaphore(%arg21 : memref<!tpu.dma_semaphore, #tpu.memory_space<semaphore_mem>>) src(%dma_wait3A_45 : memref<10000x128xf32, #tpu.memory_space<hbm>>) dst(%arg16 : memref<80x128xf32, #tpu.memory_space<vmem>>)
      %dma_start3A_46 = arith.constant 0 : i32
      %dma_start3A_47 = arith.constant 0 : i32
      %dma_start3A_48 = tpu.memref_slice %arg2[%dma_start3A_46, %dma_start3A_47] : memref<10000x128xf32, #tpu.memory_space<hbm>> -> memref<10000x128xf32, #tpu.memory_space<hbm>>
      tpu.enqueue_indirect_dma source(%dma_start3A_48 : memref<10000x128xf32, #tpu.memory_space<hbm>>) target(%arg17 : memref<80x128xf32, #tpu.memory_space<vmem>>) offsets(%arg9 : memref<80xi32, #tpu.memory_space<vmem>>) semaphore(%arg22 : memref<!tpu.dma_semaphore, #tpu.memory_space<semaphore_mem>>)
      "tpu.region"() ({
        %run_scoped3A = tpu.sem_alloc : memref<!tpu.dma_semaphore, #tpu.memory_space<semaphore_mem>>
        %dma_start3A_60 = arith.constant 0 : i32
        %dma_start3A_61 = arith.constant 0 : i32
        %dma_start3A_62 = tpu.memref_slice %arg19[%dma_start3A_60, %dma_start3A_61] : memref<10240x128xf32, #tpu.memory_space<vmem_shared>> -> memref<10240x128xf32, #tpu.memory_space<vmem_shared>>
        tpu.enqueue_indirect_dma source(%arg16 : memref<80x128xf32, #tpu.memory_space<vmem>>) target(%dma_start3A_62 : memref<10240x128xf32, #tpu.memory_space<vmem_shared>>) offsets(%arg12 : memref<80xi32, #tpu.memory_space<vmem>>) semaphore(%run_scoped3A : memref<!tpu.dma_semaphore, #tpu.memory_space<semaphore_mem>>) {add = true}
        %dma_wait3A_63 = arith.constant 0 : i32
        %dma_wait3A_64 = arith.constant 0 : i32
        %dma_wait3A_65 = tpu.memref_slice %arg19[%dma_wait3A_63, %dma_wait3A_64] : memref<10240x128xf32, #tpu.memory_space<vmem_shared>> -> memref<10240x128xf32, #tpu.memory_space<vmem_shared>>
        tpu.wait_indirect_dma semaphore(%run_scoped3A : memref<!tpu.dma_semaphore, #tpu.memory_space<semaphore_mem>>) src(%arg16 : memref<80x128xf32, #tpu.memory_space<vmem>>) dst(%dma_wait3A_65 : memref<10240x128xf32, #tpu.memory_space<vmem_shared>>)
        tpu.yield
      }) : () -> ()
      %add3A_49 = arith.constant 240 : i32
      %add3A_50 = arith.addi %add3A_29, %add3A_49 : i32
      "tpu.region"() ({
        %run_scoped3A = tpu.sem_alloc : memref<!tpu.dma_semaphore, #tpu.memory_space<semaphore_mem>>
        %dma_start3A_60 = tpu.memref_slice %arg3[%add3A_50] : memref<320000xi32, #tpu.memory_space<hbm>> -> memref<80xi32, #tpu.memory_space<hbm>>
        %dma_start3A_61 = tpu.memref_slice %arg3[%add3A_50] : memref<320000xi32, #tpu.memory_space<hbm>> -> memref<80xi32, #tpu.memory_space<hbm>>
        tpu.enqueue_dma source(%dma_start3A_61 : memref<80xi32, #tpu.memory_space<hbm>>) target(%arg10 : memref<80xi32, #tpu.memory_space<vmem>>) target_semaphore(%run_scoped3A : memref<!tpu.dma_semaphore, #tpu.memory_space<semaphore_mem>>)
        %dma_wait3A_62 = tpu.memref_slice %arg3[%add3A_50] : memref<320000xi32, #tpu.memory_space<hbm>> -> memref<80xi32, #tpu.memory_space<hbm>>
        %dma_wait3A_63 = tpu.memref_slice %arg3[%add3A_50] : memref<320000xi32, #tpu.memory_space<hbm>> -> memref<80xi32, #tpu.memory_space<hbm>>
        tpu.wait_dma2 semaphore(%run_scoped3A : memref<!tpu.dma_semaphore, #tpu.memory_space<semaphore_mem>>) src(%dma_wait3A_63 : memref<80xi32, #tpu.memory_space<hbm>>) dst(%arg10 : memref<80xi32, #tpu.memory_space<vmem>>)
        tpu.yield
      }) : () -> ()
      "tpu.region"() ({
        %run_scoped3A = tpu.sem_alloc : memref<!tpu.dma_semaphore, #tpu.memory_space<semaphore_mem>>
        %dma_start3A_60 = tpu.memref_slice %arg4[%add3A_50] : memref<320000xi32, #tpu.memory_space<hbm>> -> memref<80xi32, #tpu.memory_space<hbm>>
        %dma_start3A_61 = tpu.memref_slice %arg4[%add3A_50] : memref<320000xi32, #tpu.memory_space<hbm>> -> memref<80xi32, #tpu.memory_space<hbm>>
        tpu.enqueue_dma source(%dma_start3A_61 : memref<80xi32, #tpu.memory_space<hbm>>) target(%arg14 : memref<80xi32, #tpu.memory_space<vmem>>) target_semaphore(%run_scoped3A : memref<!tpu.dma_semaphore, #tpu.memory_space<semaphore_mem>>)
        %dma_wait3A_62 = tpu.memref_slice %arg4[%add3A_50] : memref<320000xi32, #tpu.memory_space<hbm>> -> memref<80xi32, #tpu.memory_space<hbm>>
        %dma_wait3A_63 = tpu.memref_slice %arg4[%add3A_50] : memref<320000xi32, #tpu.memory_space<hbm>> -> memref<80xi32, #tpu.memory_space<hbm>>
        tpu.wait_dma2 semaphore(%run_scoped3A : memref<!tpu.dma_semaphore, #tpu.memory_space<semaphore_mem>>) src(%dma_wait3A_63 : memref<80xi32, #tpu.memory_space<hbm>>) dst(%arg14 : memref<80xi32, #tpu.memory_space<vmem>>)
        tpu.yield
      }) : () -> ()
      %dma_wait3A_51 = arith.constant 0 : i32
      %dma_wait3A_52 = arith.constant 0 : i32
      %dma_wait3A_53 = tpu.memref_slice %arg2[%dma_wait3A_51, %dma_wait3A_52] : memref<10000x128xf32, #tpu.memory_space<hbm>> -> memref<10000x128xf32, #tpu.memory_space<hbm>>
      tpu.wait_indirect_dma semaphore(%arg22 : memref<!tpu.dma_semaphore, #tpu.memory_space<semaphore_mem>>) src(%dma_wait3A_53 : memref<10000x128xf32, #tpu.memory_space<hbm>>) dst(%arg17 : memref<80x128xf32, #tpu.memory_space<vmem>>)
      %dma_start3A_54 = arith.constant 0 : i32
      %dma_start3A_55 = arith.constant 0 : i32
      %dma_start3A_56 = tpu.memref_slice %arg2[%dma_start3A_54, %dma_start3A_55] : memref<10000x128xf32, #tpu.memory_space<hbm>> -> memref<10000x128xf32, #tpu.memory_space<hbm>>
      tpu.enqueue_indirect_dma source(%dma_start3A_56 : memref<10000x128xf32, #tpu.memory_space<hbm>>) target(%arg18 : memref<80x128xf32, #tpu.memory_space<vmem>>) offsets(%arg10 : memref<80xi32, #tpu.memory_space<vmem>>) semaphore(%arg23 : memref<!tpu.dma_semaphore, #tpu.memory_space<semaphore_mem>>)
      "tpu.region"() ({
        %run_scoped3A = tpu.sem_alloc : memref<!tpu.dma_semaphore, #tpu.memory_space<semaphore_mem>>
        %dma_start3A_60 = arith.constant 0 : i32
        %dma_start3A_61 = arith.constant 0 : i32
        %dma_start3A_62 = tpu.memref_slice %arg19[%dma_start3A_60, %dma_start3A_61] : memref<10240x128xf32, #tpu.memory_space<vmem_shared>> -> memref<10240x128xf32, #tpu.memory_space<vmem_shared>>
        tpu.enqueue_indirect_dma source(%arg17 : memref<80x128xf32, #tpu.memory_space<vmem>>) target(%dma_start3A_62 : memref<10240x128xf32, #tpu.memory_space<vmem_shared>>) offsets(%arg13 : memref<80xi32, #tpu.memory_space<vmem>>) semaphore(%run_scoped3A : memref<!tpu.dma_semaphore, #tpu.memory_space<semaphore_mem>>) {add = true}
        %dma_wait3A_63 = arith.constant 0 : i32
        %dma_wait3A_64 = arith.constant 0 : i32
        %dma_wait3A_65 = tpu.memref_slice %arg19[%dma_wait3A_63, %dma_wait3A_64] : memref<10240x128xf32, #tpu.memory_space<vmem_shared>> -> memref<10240x128xf32, #tpu.memory_space<vmem_shared>>
        tpu.wait_indirect_dma semaphore(%run_scoped3A : memref<!tpu.dma_semaphore, #tpu.memory_space<semaphore_mem>>) src(%arg17 : memref<80x128xf32, #tpu.memory_space<vmem>>) dst(%dma_wait3A_65 : memref<10240x128xf32, #tpu.memory_space<vmem_shared>>)
        tpu.yield
      }) : () -> ()
      %dma_wait3A_57 = arith.constant 0 : i32
      %dma_wait3A_58 = arith.constant 0 : i32
      %dma_wait3A_59 = tpu.memref_slice %arg2[%dma_wait3A_57, %dma_wait3A_58] : memref<10000x128xf32, #tpu.memory_space<hbm>> -> memref<10000x128xf32, #tpu.memory_space<hbm>>
      tpu.wait_indirect_dma semaphore(%arg23 : memref<!tpu.dma_semaphore, #tpu.memory_space<semaphore_mem>>) src(%dma_wait3A_59 : memref<10000x128xf32, #tpu.memory_space<hbm>>) dst(%arg18 : memref<80x128xf32, #tpu.memory_space<vmem>>)
      "tpu.region"() ({
        %run_scoped3A = tpu.sem_alloc : memref<!tpu.dma_semaphore, #tpu.memory_space<semaphore_mem>>
        %dma_start3A_60 = arith.constant 0 : i32
        %dma_start3A_61 = arith.constant 0 : i32
        %dma_start3A_62 = tpu.memref_slice %arg19[%dma_start3A_60, %dma_start3A_61] : memref<10240x128xf32, #tpu.memory_space<vmem_shared>> -> memref<10240x128xf32, #tpu.memory_space<vmem_shared>>
        tpu.enqueue_indirect_dma source(%arg18 : memref<80x128xf32, #tpu.memory_space<vmem>>) target(%dma_start3A_62 : memref<10240x128xf32, #tpu.memory_space<vmem_shared>>) offsets(%arg14 : memref<80xi32, #tpu.memory_space<vmem>>) semaphore(%run_scoped3A : memref<!tpu.dma_semaphore, #tpu.memory_space<semaphore_mem>>) {add = true}
        %dma_wait3A_63 = arith.constant 0 : i32
        %dma_wait3A_64 = arith.constant 0 : i32
        %dma_wait3A_65 = tpu.memref_slice %arg19[%dma_wait3A_63, %dma_wait3A_64] : memref<10240x128xf32, #tpu.memory_space<vmem_shared>> -> memref<10240x128xf32, #tpu.memory_space<vmem_shared>>
        tpu.wait_indirect_dma semaphore(%run_scoped3A : memref<!tpu.dma_semaphore, #tpu.memory_space<semaphore_mem>>) src(%arg18 : memref<80x128xf32, #tpu.memory_space<vmem>>) dst(%dma_wait3A_65 : memref<10240x128xf32, #tpu.memory_space<vmem_shared>>)
        tpu.yield
      }) : () -> ()
    }
    %scan3A_11 = arith.constant 31 : i32
    %add3A_12 = arith.constant 9920 : i32
    %add3A_13 = arith.addi %mul3A_2, %add3A_12 : i32
    "tpu.region"() ({
      %run_scoped3A = tpu.sem_alloc : memref<!tpu.dma_semaphore, #tpu.memory_space<semaphore_mem>>
      %dma_start3A_26 = tpu.memref_slice %arg3[%add3A_13] : memref<320000xi32, #tpu.memory_space<hbm>> -> memref<80xi32, #tpu.memory_space<hbm>>
      %dma_start3A_27 = tpu.memref_slice %arg3[%add3A_13] : memref<320000xi32, #tpu.memory_space<hbm>> -> memref<80xi32, #tpu.memory_space<hbm>>
      tpu.enqueue_dma source(%dma_start3A_27 : memref<80xi32, #tpu.memory_space<hbm>>) target(%arg7 : memref<80xi32, #tpu.memory_space<vmem>>) target_semaphore(%run_scoped3A : memref<!tpu.dma_semaphore, #tpu.memory_space<semaphore_mem>>)
      %dma_wait3A_28 = tpu.memref_slice %arg3[%add3A_13] : memref<320000xi32, #tpu.memory_space<hbm>> -> memref<80xi32, #tpu.memory_space<hbm>>
      %dma_wait3A_29 = tpu.memref_slice %arg3[%add3A_13] : memref<320000xi32, #tpu.memory_space<hbm>> -> memref<80xi32, #tpu.memory_space<hbm>>
      tpu.wait_dma2 semaphore(%run_scoped3A : memref<!tpu.dma_semaphore, #tpu.memory_space<semaphore_mem>>) src(%dma_wait3A_29 : memref<80xi32, #tpu.memory_space<hbm>>) dst(%arg7 : memref<80xi32, #tpu.memory_space<vmem>>)
      tpu.yield
    }) : () -> ()
    "tpu.region"() ({
      %run_scoped3A = tpu.sem_alloc : memref<!tpu.dma_semaphore, #tpu.memory_space<semaphore_mem>>
      %dma_start3A_26 = tpu.memref_slice %arg4[%add3A_13] : memref<320000xi32, #tpu.memory_space<hbm>> -> memref<80xi32, #tpu.memory_space<hbm>>
      %dma_start3A_27 = tpu.memref_slice %arg4[%add3A_13] : memref<320000xi32, #tpu.memory_space<hbm>> -> memref<80xi32, #tpu.memory_space<hbm>>
      tpu.enqueue_dma source(%dma_start3A_27 : memref<80xi32, #tpu.memory_space<hbm>>) target(%arg11 : memref<80xi32, #tpu.memory_space<vmem>>) target_semaphore(%run_scoped3A : memref<!tpu.dma_semaphore, #tpu.memory_space<semaphore_mem>>)
      %dma_wait3A_28 = tpu.memref_slice %arg4[%add3A_13] : memref<320000xi32, #tpu.memory_space<hbm>> -> memref<80xi32, #tpu.memory_space<hbm>>
      %dma_wait3A_29 = tpu.memref_slice %arg4[%add3A_13] : memref<320000xi32, #tpu.memory_space<hbm>> -> memref<80xi32, #tpu.memory_space<hbm>>
      tpu.wait_dma2 semaphore(%run_scoped3A : memref<!tpu.dma_semaphore, #tpu.memory_space<semaphore_mem>>) src(%dma_wait3A_29 : memref<80xi32, #tpu.memory_space<hbm>>) dst(%arg11 : memref<80xi32, #tpu.memory_space<vmem>>)
      tpu.yield
    }) : () -> ()
    %dma_start3A = arith.constant 0 : i32
    %dma_start3A_14 = arith.constant 0 : i32
    %dma_start3A_15 = tpu.memref_slice %arg2[%dma_start3A, %dma_start3A_14] : memref<10000x128xf32, #tpu.memory_space<hbm>> -> memref<10000x128xf32, #tpu.memory_space<hbm>>
    tpu.enqueue_indirect_dma source(%dma_start3A_15 : memref<10000x128xf32, #tpu.memory_space<hbm>>) target(%arg15 : memref<80x128xf32, #tpu.memory_space<vmem>>) offsets(%arg7 : memref<80xi32, #tpu.memory_space<vmem>>) semaphore(%arg20 : memref<!tpu.dma_semaphore, #tpu.memory_space<semaphore_mem>>)
    %dma_wait3A = arith.constant 0 : i32
    %dma_wait3A_16 = arith.constant 0 : i32
    %dma_wait3A_17 = tpu.memref_slice %arg2[%dma_wait3A, %dma_wait3A_16] : memref<10000x128xf32, #tpu.memory_space<hbm>> -> memref<10000x128xf32, #tpu.memory_space<hbm>>
    tpu.wait_indirect_dma semaphore(%arg20 : memref<!tpu.dma_semaphore, #tpu.memory_space<semaphore_mem>>) src(%dma_wait3A_17 : memref<10000x128xf32, #tpu.memory_space<hbm>>) dst(%arg15 : memref<80x128xf32, #tpu.memory_space<vmem>>)
    "tpu.region"() ({
      %run_scoped3A = tpu.sem_alloc : memref<!tpu.dma_semaphore, #tpu.memory_space<semaphore_mem>>
      %dma_start3A_26 = arith.constant 0 : i32
      %dma_start3A_27 = arith.constant 0 : i32
      %dma_start3A_28 = tpu.memref_slice %arg19[%dma_start3A_26, %dma_start3A_27] : memref<10240x128xf32, #tpu.memory_space<vmem_shared>> -> memref<10240x128xf32, #tpu.memory_space<vmem_shared>>
      tpu.enqueue_indirect_dma source(%arg15 : memref<80x128xf32, #tpu.memory_space<vmem>>) target(%dma_start3A_28 : memref<10240x128xf32, #tpu.memory_space<vmem_shared>>) offsets(%arg11 : memref<80xi32, #tpu.memory_space<vmem>>) semaphore(%run_scoped3A : memref<!tpu.dma_semaphore, #tpu.memory_space<semaphore_mem>>) {add = true}
      %dma_wait3A_29 = arith.constant 0 : i32
      %dma_wait3A_30 = arith.constant 0 : i32
      %dma_wait3A_31 = tpu.memref_slice %arg19[%dma_wait3A_29, %dma_wait3A_30] : memref<10240x128xf32, #tpu.memory_space<vmem_shared>> -> memref<10240x128xf32, #tpu.memory_space<vmem_shared>>
      tpu.wait_indirect_dma semaphore(%run_scoped3A : memref<!tpu.dma_semaphore, #tpu.memory_space<semaphore_mem>>) src(%arg15 : memref<80x128xf32, #tpu.memory_space<vmem>>) dst(%dma_wait3A_31 : memref<10240x128xf32, #tpu.memory_space<vmem_shared>>)
      tpu.yield
    }) : () -> ()
    %barrier3A_18 = arith.constant 0 : index
    tpu.barrier barrier_id(%barrier3A_18)
    %mul3A_19 = arith.constant 640 : i32
    %mul3A_20 = arith.muli %arg1, %mul3A_19 : i32
    %mul3A_21 = arith.constant 10240 : i32
    %mul3A_22 = arith.muli %arg0, %mul3A_21 : i32
    %mul3A_23 = arith.constant 640 : i32
    %mul3A_24 = arith.muli %arg1, %mul3A_23 : i32
    %add3A_25 = arith.addi %mul3A_22, %mul3A_24 : i32
    "tpu.region"() ({
      %run_scoped3A = tpu.sem_alloc : memref<!tpu.dma_semaphore, #tpu.memory_space<semaphore_mem>>
      %dma_start3A_26 = arith.constant 0 : i32
      %dma_start3A_27 = tpu.memref_slice %arg6[%add3A_25, %dma_start3A_26] : memref<20480x128xf32, #tpu.memory_space<hbm>> -> memref<640x128xf32, #tpu.memory_space<hbm>>
      %dma_start3A_28 = arith.constant 0 : i32
      %dma_start3A_29 = tpu.memref_slice %arg19[%mul3A_20, %dma_start3A_28] : memref<10240x128xf32, #tpu.memory_space<vmem_shared>> -> memref<640x128xf32, #tpu.memory_space<vmem_shared>>
      tpu.enqueue_dma source(%dma_start3A_29 : memref<640x128xf32, #tpu.memory_space<vmem_shared>>) target(%dma_start3A_27 : memref<640x128xf32, #tpu.memory_space<hbm>>) target_semaphore(%run_scoped3A : memref<!tpu.dma_semaphore, #tpu.memory_space<semaphore_mem>>)
      %dma_wait3A_30 = arith.constant 0 : i32
      %dma_wait3A_31 = tpu.memref_slice %arg6[%add3A_25, %dma_wait3A_30] : memref<20480x128xf32, #tpu.memory_space<hbm>> -> memref<640x128xf32, #tpu.memory_space<hbm>>
      %dma_wait3A_32 = arith.constant 0 : i32
      %dma_wait3A_33 = tpu.memref_slice %arg19[%mul3A_20, %dma_wait3A_32] : memref<10240x128xf32, #tpu.memory_space<vmem_shared>> -> memref<640x128xf32, #tpu.memory_space<vmem_shared>>
      tpu.wait_dma2 semaphore(%run_scoped3A : memref<!tpu.dma_semaphore, #tpu.memory_space<semaphore_mem>>) src(%dma_wait3A_33 : memref<640x128xf32, #tpu.memory_space<vmem_shared>>) dst(%dma_wait3A_31 : memref<640x128xf32, #tpu.memory_space<hbm>>)
      tpu.yield
    }) : () -> ()
    return
  }
}

module attributes {stable_mosaic.version = 14 : i64} {
  func.func @body(%arg0: memref<20480x128xf32, #tpu.memory_space<vmem>>, %arg1: memref<10000x128xf32, #tpu.memory_space<vmem>>, %arg2: memref<128x128xf32, #tpu.memory_space<vmem>>, %arg3: memref<10000x1xf32, #tpu.memory_space<vmem>>, %arg4: memref<10000x128xf32, #tpu.memory_space<vmem>>) attributes {dimension_semantics = [], scalar_prefetch = 0 : i64, scratch_operands = 0 : i64, tpu.core_type = #tpu.core_type<tc>} {
    %get3A = arith.constant 0 : index
    %get3A_0 = arith.constant 0 : index
    %get3A_1 = vector.load %arg0[%get3A, %get3A_0] : memref<20480x128xf32, #tpu.memory_space<vmem>>, vector<10000x1xf32>
    %get3A_2 = arith.constant 10240 : index
    %get3A_3 = arith.constant 0 : index
    %get3A_4 = vector.load %arg0[%get3A_2, %get3A_3] : memref<20480x128xf32, #tpu.memory_space<vmem>>, vector<10000x1xf32>
    %add3A = arith.addf %get3A_1, %get3A_4 : vector<10000x1xf32>
    %add3A_5 = arith.constant 1.000000e+00 : f32
    %add3A_6 = vector.broadcast %add3A_5 : f32 to vector<10000x1xf32>
    %add3A_7 = arith.addf %add3A, %add3A_6 : vector<10000x1xf32>
    %rsqrt3A = math.rsqrt %add3A_7 : vector<10000x1xf32>
    %swap3A = arith.constant 0 : index
    %swap3A_8 = arith.constant 0 : index
    %swap3A_9 = vector.load %arg3[%swap3A, %swap3A_8] : memref<10000x1xf32, #tpu.memory_space<vmem>>, vector<10000x1xf32>
    tpu.vector_store %arg3[%swap3A, %swap3A_8], %rsqrt3A {strides = array<i32>} : memref<10000x1xf32, #tpu.memory_space<vmem>>, vector<10000x1xf32>,
    %get3A_10 = arith.constant 0 : index
    %get3A_11 = arith.constant 0 : index
    %get3A_12 = vector.load %arg1[%get3A_10, %get3A_11] : memref<10000x128xf32, #tpu.memory_space<vmem>>, vector<10000x128xf32>
    %get3A_13 = arith.constant 0 : index
    %get3A_14 = arith.constant 0 : index
    %get3A_15 = vector.load %arg2[%get3A_13, %get3A_14] : memref<128x128xf32, #tpu.memory_space<vmem>>, vector<128x128xf32>
    %dot_general3A = arith.constant dense<0.000000e+00> : vector<10000x128xf32>
    %dot_general3A_16 = tpu.matmul %get3A_12, %get3A_15, %dot_general3A {dimension_numbers = #tpu.dot_dimension_numbers<[1], [0], [0], [1], [0, 0, 1, 1], [], []>, transpose_lhs_hint = false} : vector<10000x128xf32>, vector<128x128xf32>, vector<10000x128xf32> -> vector<10000x128xf32>
    %mul3A = vector.broadcast %rsqrt3A : vector<10000x1xf32> to vector<10000x128xf32>
    %mul3A_17 = arith.mulf %dot_general3A_16, %mul3A : vector<10000x128xf32>
    %swap3A_18 = arith.constant 0 : index
    %swap3A_19 = arith.constant 0 : index
    %swap3A_20 = vector.load %arg4[%swap3A_18, %swap3A_19] : memref<10000x128xf32, #tpu.memory_space<vmem>>, vector<10000x128xf32>
    tpu.vector_store %arg4[%swap3A_18, %swap3A_19], %mul3A_17 {strides = array<i32>} : memref<10000x128xf32, #tpu.memory_space<vmem>>, vector<10000x128xf32>,
    return
  }
}

module attributes {stable_mosaic.version = 14 : i64} {
  func.func @body(%arg0: memref<20480x128xf32, #tpu.memory_space<vmem>>, %arg1: memref<10000x128xf32, #tpu.memory_space<vmem>>, %arg2: memref<10000x1xf32, #tpu.memory_space<vmem>>, %arg3: memref<1x128xf32, #tpu.memory_space<vmem>>, %arg4: memref<128x256xf32, #tpu.memory_space<vmem>>, %arg5: memref<10000x256xf32, #tpu.memory_space<vmem>>) attributes {dimension_semantics = [], scalar_prefetch = 0 : i64, scratch_operands = 0 : i64, tpu.core_type = #tpu.core_type<tc>} {
    %get3A = arith.constant 0 : index
    %get3A_0 = arith.constant 0 : index
    %get3A_1 = vector.load %arg0[%get3A, %get3A_0] : memref<20480x128xf32, #tpu.memory_space<vmem>>, vector<10000x128xf32>
    %get3A_2 = arith.constant 10240 : index
    %get3A_3 = arith.constant 0 : index
    %get3A_4 = vector.load %arg0[%get3A_2, %get3A_3] : memref<20480x128xf32, #tpu.memory_space<vmem>>, vector<10000x128xf32>
    %add3A = arith.addf %get3A_1, %get3A_4 : vector<10000x128xf32>
    %get3A_5 = arith.constant 0 : index
    %get3A_6 = arith.constant 0 : index
    %get3A_7 = vector.load %arg2[%get3A_5, %get3A_6] : memref<10000x1xf32, #tpu.memory_space<vmem>>, vector<10000x1xf32>
    %get3A_8 = arith.constant 0 : index
    %get3A_9 = arith.constant 0 : index
    %get3A_10 = vector.load %arg1[%get3A_8, %get3A_9] : memref<10000x128xf32, #tpu.memory_space<vmem>>, vector<10000x128xf32>
    %add3A_11 = arith.addf %add3A, %get3A_10 : vector<10000x128xf32>
    %mul3A = vector.broadcast %get3A_7 : vector<10000x1xf32> to vector<10000x128xf32>
    %mul3A_12 = arith.mulf %mul3A, %add3A_11 : vector<10000x128xf32>
    %get3A_13 = arith.constant 0 : index
    %get3A_14 = arith.constant 0 : index
    %get3A_15 = vector.load %arg3[%get3A_13, %get3A_14] : memref<1x128xf32, #tpu.memory_space<vmem>>, vector<1x128xf32>
    %add3A_16 = vector.broadcast %get3A_15 : vector<1x128xf32> to vector<10000x128xf32>
    %add3A_17 = arith.addf %mul3A_12, %add3A_16 : vector<10000x128xf32>
    %ge3A = arith.constant 0.000000e+00 : f32
    %ge3A_18 = vector.broadcast %ge3A : f32 to vector<10000x128xf32>
    %ge3A_19 = arith.cmpf oge, %add3A_17, %ge3A_18 : vector<10000x128xf32>
    %mul3A_20 = arith.constant 1.000000e-01 : f32
    %mul3A_21 = vector.broadcast %mul3A_20 : f32 to vector<10000x128xf32>
    %mul3A_22 = arith.mulf %mul3A_21, %add3A_17 : vector<10000x128xf32>
    %select_n3A = arith.select %ge3A_19, %add3A_17, %mul3A_22 : vector<10000x128xi1>, vector<10000x128xf32>
    %get3A_23 = arith.constant 0 : index
    %get3A_24 = arith.constant 0 : index
    %get3A_25 = vector.load %arg4[%get3A_23, %get3A_24] : memref<128x256xf32, #tpu.memory_space<vmem>>, vector<128x256xf32>
    %dot_general3A = arith.constant dense<0.000000e+00> : vector<10000x256xf32>
    %dot_general3A_26 = tpu.matmul %select_n3A, %get3A_25, %dot_general3A {dimension_numbers = #tpu.dot_dimension_numbers<[1], [0], [0], [1], [0, 0, 1, 1], [], []>, transpose_lhs_hint = false} : vector<10000x128xf32>, vector<128x256xf32>, vector<10000x256xf32> -> vector<10000x256xf32>
    %mul3A_27 = vector.broadcast %get3A_7 : vector<10000x1xf32> to vector<10000x256xf32>
    %mul3A_28 = arith.mulf %dot_general3A_26, %mul3A_27 : vector<10000x256xf32>
    %swap3A = arith.constant 0 : index
    %swap3A_29 = arith.constant 0 : index
    %swap3A_30 = vector.load %arg5[%swap3A, %swap3A_29] : memref<10000x256xf32, #tpu.memory_space<vmem>>, vector<10000x256xf32>
    tpu.vector_store %arg5[%swap3A, %swap3A_29], %mul3A_28 {strides = array<i32>} : memref<10000x256xf32, #tpu.memory_space<vmem>>, vector<10000x256xf32>,
    return
  }
}

module attributes {stable_mosaic.version = 14 : i64} {
  func.func @body(%arg0: memref<20480x128xf32, #tpu.memory_space<vmem>>, %arg1: memref<20480x128xf32, #tpu.memory_space<vmem>>, %arg2: memref<10000x256xf32, #tpu.memory_space<vmem>>, %arg3: memref<10000x1xf32, #tpu.memory_space<vmem>>, %arg4: memref<1x256xf32, #tpu.memory_space<vmem>>, %arg5: memref<256x128xf32, #tpu.memory_space<vmem>>, %arg6: memref<10000x128xf32, #tpu.memory_space<vmem>>) attributes {dimension_semantics = [], scalar_prefetch = 0 : i64, scratch_operands = 0 : i64, tpu.core_type = #tpu.core_type<tc>} {
    %get3A = arith.constant 0 : index
    %get3A_0 = arith.constant 0 : index
    %get3A_1 = vector.load %arg0[%get3A, %get3A_0] : memref<20480x128xf32, #tpu.memory_space<vmem>>, vector<10000x128xf32>
    %get3A_2 = arith.constant 10240 : index
    %get3A_3 = arith.constant 0 : index
    %get3A_4 = vector.load %arg0[%get3A_2, %get3A_3] : memref<20480x128xf32, #tpu.memory_space<vmem>>, vector<10000x128xf32>
    %add3A = arith.addf %get3A_1, %get3A_4 : vector<10000x128xf32>
    %get3A_5 = arith.constant 0 : index
    %get3A_6 = arith.constant 0 : index
    %get3A_7 = vector.load %arg1[%get3A_5, %get3A_6] : memref<20480x128xf32, #tpu.memory_space<vmem>>, vector<10000x128xf32>
    %get3A_8 = arith.constant 10240 : index
    %get3A_9 = arith.constant 0 : index
    %get3A_10 = vector.load %arg1[%get3A_8, %get3A_9] : memref<20480x128xf32, #tpu.memory_space<vmem>>, vector<10000x128xf32>
    %add3A_11 = arith.addf %get3A_7, %get3A_10 : vector<10000x128xf32>
    %concatenate3A = tpu.concatenate %add3A, %add3A_11 in 1 : vector<10000x128xf32>, vector<10000x128xf32> -> vector<10000x256xf32>
    %get3A_12 = arith.constant 0 : index
    %get3A_13 = arith.constant 0 : index
    %get3A_14 = vector.load %arg3[%get3A_12, %get3A_13] : memref<10000x1xf32, #tpu.memory_space<vmem>>, vector<10000x1xf32>
    %get3A_15 = arith.constant 0 : index
    %get3A_16 = arith.constant 0 : index
    %get3A_17 = vector.load %arg2[%get3A_15, %get3A_16] : memref<10000x256xf32, #tpu.memory_space<vmem>>, vector<10000x256xf32>
    %add3A_18 = arith.addf %concatenate3A, %get3A_17 : vector<10000x256xf32>
    %mul3A = vector.broadcast %get3A_14 : vector<10000x1xf32> to vector<10000x256xf32>
    %mul3A_19 = arith.mulf %mul3A, %add3A_18 : vector<10000x256xf32>
    %get3A_20 = arith.constant 0 : index
    %get3A_21 = arith.constant 0 : index
    %get3A_22 = vector.load %arg4[%get3A_20, %get3A_21] : memref<1x256xf32, #tpu.memory_space<vmem>>, vector<1x256xf32>
    %add3A_23 = vector.broadcast %get3A_22 : vector<1x256xf32> to vector<10000x256xf32>
    %add3A_24 = arith.addf %mul3A_19, %add3A_23 : vector<10000x256xf32>
    %ge3A = arith.constant 0.000000e+00 : f32
    %ge3A_25 = vector.broadcast %ge3A : f32 to vector<10000x256xf32>
    %ge3A_26 = arith.cmpf oge, %add3A_24, %ge3A_25 : vector<10000x256xf32>
    %mul3A_27 = arith.constant 1.000000e-01 : f32
    %mul3A_28 = vector.broadcast %mul3A_27 : f32 to vector<10000x256xf32>
    %mul3A_29 = arith.mulf %mul3A_28, %add3A_24 : vector<10000x256xf32>
    %select_n3A = arith.select %ge3A_26, %add3A_24, %mul3A_29 : vector<10000x256xi1>, vector<10000x256xf32>
    %get3A_30 = arith.constant 0 : index
    %get3A_31 = arith.constant 0 : index
    %get3A_32 = vector.load %arg5[%get3A_30, %get3A_31] : memref<256x128xf32, #tpu.memory_space<vmem>>, vector<256x128xf32>
    %dot_general3A = arith.constant dense<0.000000e+00> : vector<10000x128xf32>
    %dot_general3A_33 = tpu.matmul %select_n3A, %get3A_32, %dot_general3A {dimension_numbers = #tpu.dot_dimension_numbers<[1], [0], [0], [1], [0, 0, 1, 1], [], []>, transpose_lhs_hint = false} : vector<10000x256xf32>, vector<256x128xf32>, vector<10000x128xf32> -> vector<10000x128xf32>
    %mul3A_34 = vector.broadcast %get3A_14 : vector<10000x1xf32> to vector<10000x128xf32>
    %mul3A_35 = arith.mulf %dot_general3A_33, %mul3A_34 : vector<10000x128xf32>
    %swap3A = arith.constant 0 : index
    %swap3A_36 = arith.constant 0 : index
    %swap3A_37 = vector.load %arg6[%swap3A, %swap3A_36] : memref<10000x128xf32, #tpu.memory_space<vmem>>, vector<10000x128xf32>
    tpu.vector_store %arg6[%swap3A, %swap3A_36], %mul3A_35 {strides = array<i32>} : memref<10000x128xf32, #tpu.memory_space<vmem>>, vector<10000x128xf32>,
    return
  }
}

module attributes {stable_mosaic.version = 14 : i64} {
  func.func @body(%arg0: memref<20480x128xf32, #tpu.memory_space<vmem>>, %arg1: memref<10000x128xf32, #tpu.memory_space<vmem>>, %arg2: memref<10000x1xf32, #tpu.memory_space<vmem>>, %arg3: memref<1x128xf32, #tpu.memory_space<vmem>>, %arg4: memref<10000x128xf32, #tpu.memory_space<vmem>>) attributes {dimension_semantics = [], scalar_prefetch = 0 : i64, scratch_operands = 0 : i64, tpu.core_type = #tpu.core_type<tc>} {
    %get3A = arith.constant 0 : index
    %get3A_0 = arith.constant 0 : index
    %get3A_1 = vector.load %arg0[%get3A, %get3A_0] : memref<20480x128xf32, #tpu.memory_space<vmem>>, vector<10000x128xf32>
    %get3A_2 = arith.constant 10240 : index
    %get3A_3 = arith.constant 0 : index
    %get3A_4 = vector.load %arg0[%get3A_2, %get3A_3] : memref<20480x128xf32, #tpu.memory_space<vmem>>, vector<10000x128xf32>
    %add3A = arith.addf %get3A_1, %get3A_4 : vector<10000x128xf32>
    %get3A_5 = arith.constant 0 : index
    %get3A_6 = arith.constant 0 : index
    %get3A_7 = vector.load %arg2[%get3A_5, %get3A_6] : memref<10000x1xf32, #tpu.memory_space<vmem>>, vector<10000x1xf32>
    %get3A_8 = arith.constant 0 : index
    %get3A_9 = arith.constant 0 : index
    %get3A_10 = vector.load %arg1[%get3A_8, %get3A_9] : memref<10000x128xf32, #tpu.memory_space<vmem>>, vector<10000x128xf32>
    %add3A_11 = arith.addf %add3A, %get3A_10 : vector<10000x128xf32>
    %mul3A = vector.broadcast %get3A_7 : vector<10000x1xf32> to vector<10000x128xf32>
    %mul3A_12 = arith.mulf %mul3A, %add3A_11 : vector<10000x128xf32>
    %get3A_13 = arith.constant 0 : index
    %get3A_14 = arith.constant 0 : index
    %get3A_15 = vector.load %arg3[%get3A_13, %get3A_14] : memref<1x128xf32, #tpu.memory_space<vmem>>, vector<1x128xf32>
    %add3A_16 = vector.broadcast %get3A_15 : vector<1x128xf32> to vector<10000x128xf32>
    %add3A_17 = arith.addf %mul3A_12, %add3A_16 : vector<10000x128xf32>
    %ge3A = arith.constant 0.000000e+00 : f32
    %ge3A_18 = vector.broadcast %ge3A : f32 to vector<10000x128xf32>
    %ge3A_19 = arith.cmpf oge, %add3A_17, %ge3A_18 : vector<10000x128xf32>
    %mul3A_20 = arith.constant 1.000000e-01 : f32
    %mul3A_21 = vector.broadcast %mul3A_20 : f32 to vector<10000x128xf32>
    %mul3A_22 = arith.mulf %mul3A_21, %add3A_17 : vector<10000x128xf32>
    %select_n3A = arith.select %ge3A_19, %add3A_17, %mul3A_22 : vector<10000x128xi1>, vector<10000x128xf32>
    %swap3A = arith.constant 0 : index
    %swap3A_23 = arith.constant 0 : index
    %swap3A_24 = vector.load %arg4[%swap3A, %swap3A_23] : memref<10000x128xf32, #tpu.memory_space<vmem>>, vector<10000x128xf32>
    tpu.vector_store %arg4[%swap3A, %swap3A_23], %select_n3A {strides = array<i32>} : memref<10000x128xf32, #tpu.memory_space<vmem>>, vector<10000x128xf32>,
    return
  }
}

module attributes {stable_mosaic.version = 14 : i64} {
  func.func @body(%arg0: memref<250x5120xf32, #tpu.memory_space<vmem>>, %arg1: memref<5120x512xf32, #tpu.memory_space<vmem>>, %arg2: memref<1x512xf32, #tpu.memory_space<vmem>>, %arg3: memref<512x128xf32, #tpu.memory_space<vmem>>, %arg4: memref<1x128xf32, #tpu.memory_space<vmem>>, %arg5: memref<128x1xf32, #tpu.memory_space<vmem>>, %arg6: memref<1x1xf32, #tpu.memory_space<vmem>>, %arg7: memref<250x1xf32, #tpu.memory_space<vmem>>) attributes {dimension_semantics = [], scalar_prefetch = 0 : i64, scratch_operands = 0 : i64, tpu.core_type = #tpu.core_type<tc>} {
    %get3A = arith.constant 0 : index
    %get3A_0 = arith.constant 0 : index
    %get3A_1 = vector.load %arg0[%get3A, %get3A_0] : memref<250x5120xf32, #tpu.memory_space<vmem>>, vector<250x5120xf32>
    %get3A_2 = arith.constant 0 : index
    %get3A_3 = arith.constant 0 : index
    %get3A_4 = vector.load %arg1[%get3A_2, %get3A_3] : memref<5120x512xf32, #tpu.memory_space<vmem>>, vector<5120x512xf32>
    %dot_general3A = arith.constant dense<0.000000e+00> : vector<250x512xf32>
    %dot_general3A_5 = tpu.matmul %get3A_1, %get3A_4, %dot_general3A {dimension_numbers = #tpu.dot_dimension_numbers<[1], [0], [0], [1], [0, 0, 1, 1], [], []>, transpose_lhs_hint = false} : vector<250x5120xf32>, vector<5120x512xf32>, vector<250x512xf32> -> vector<250x512xf32>
    %get3A_6 = arith.constant 0 : index
    %get3A_7 = arith.constant 0 : index
    %get3A_8 = vector.load %arg2[%get3A_6, %get3A_7] : memref<1x512xf32, #tpu.memory_space<vmem>>, vector<1x512xf32>
    %add3A = vector.broadcast %get3A_8 : vector<1x512xf32> to vector<250x512xf32>
    %add3A_9 = arith.addf %dot_general3A_5, %add3A : vector<250x512xf32>
    %ge3A = arith.constant 0.000000e+00 : f32
    %ge3A_10 = vector.broadcast %ge3A : f32 to vector<250x512xf32>
    %ge3A_11 = arith.cmpf oge, %add3A_9, %ge3A_10 : vector<250x512xf32>
    %mul3A = arith.constant 1.000000e-01 : f32
    %mul3A_12 = vector.broadcast %mul3A : f32 to vector<250x512xf32>
    %mul3A_13 = arith.mulf %mul3A_12, %add3A_9 : vector<250x512xf32>
    %select_n3A = arith.select %ge3A_11, %add3A_9, %mul3A_13 : vector<250x512xi1>, vector<250x512xf32>
    %get3A_14 = arith.constant 0 : index
    %get3A_15 = arith.constant 0 : index
    %get3A_16 = vector.load %arg3[%get3A_14, %get3A_15] : memref<512x128xf32, #tpu.memory_space<vmem>>, vector<512x128xf32>
    %dot_general3A_17 = arith.constant dense<0.000000e+00> : vector<250x128xf32>
    %dot_general3A_18 = tpu.matmul %select_n3A, %get3A_16, %dot_general3A_17 {dimension_numbers = #tpu.dot_dimension_numbers<[1], [0], [0], [1], [0, 0, 1, 1], [], []>, transpose_lhs_hint = false} : vector<250x512xf32>, vector<512x128xf32>, vector<250x128xf32> -> vector<250x128xf32>
    %get3A_19 = arith.constant 0 : index
    %get3A_20 = arith.constant 0 : index
    %get3A_21 = vector.load %arg4[%get3A_19, %get3A_20] : memref<1x128xf32, #tpu.memory_space<vmem>>, vector<1x128xf32>
    %add3A_22 = vector.broadcast %get3A_21 : vector<1x128xf32> to vector<250x128xf32>
    %add3A_23 = arith.addf %dot_general3A_18, %add3A_22 : vector<250x128xf32>
    %ge3A_24 = arith.constant 0.000000e+00 : f32
    %ge3A_25 = vector.broadcast %ge3A_24 : f32 to vector<250x128xf32>
    %ge3A_26 = arith.cmpf oge, %add3A_23, %ge3A_25 : vector<250x128xf32>
    %mul3A_27 = arith.constant 1.000000e-01 : f32
    %mul3A_28 = vector.broadcast %mul3A_27 : f32 to vector<250x128xf32>
    %mul3A_29 = arith.mulf %mul3A_28, %add3A_23 : vector<250x128xf32>
    %select_n3A_30 = arith.select %ge3A_26, %add3A_23, %mul3A_29 : vector<250x128xi1>, vector<250x128xf32>
    %get3A_31 = arith.constant 0 : index
    %get3A_32 = arith.constant 0 : index
    %get3A_33 = vector.load %arg5[%get3A_31, %get3A_32] : memref<128x1xf32, #tpu.memory_space<vmem>>, vector<128x1xf32>
    %dot_general3A_34 = arith.constant dense<0.000000e+00> : vector<250x1xf32>
    %dot_general3A_35 = tpu.matmul %select_n3A_30, %get3A_33, %dot_general3A_34 {dimension_numbers = #tpu.dot_dimension_numbers<[1], [0], [0], [1], [0, 0, 1, 1], [], []>, transpose_lhs_hint = false} : vector<250x128xf32>, vector<128x1xf32>, vector<250x1xf32> -> vector<250x1xf32>
    %get3A_36 = arith.constant 0 : index
    %get3A_37 = arith.constant 0 : index
    %get3A_38 = vector.load %arg6[%get3A_36, %get3A_37] : memref<1x1xf32, #tpu.memory_space<vmem>>, vector<1x1xf32>
    %add3A_39 = vector.broadcast %get3A_38 : vector<1x1xf32> to vector<250x1xf32>
    %add3A_40 = arith.addf %dot_general3A_35, %add3A_39 : vector<250x1xf32>
    %neg3A = arith.constant 0.000000e+00 : f32
    %neg3A_41 = vector.broadcast %neg3A : f32 to vector<250x1xf32>
    %neg3A_42 = arith.subf %neg3A_41, %add3A_40 : vector<250x1xf32>
    %exp3A = math.exp %neg3A_42 : vector<250x1xf32>
    %add3A_43 = arith.constant 1.000000e+00 : f32
    %add3A_44 = vector.broadcast %add3A_43 : f32 to vector<250x1xf32>
    %add3A_45 = arith.addf %add3A_44, %exp3A : vector<250x1xf32>
    %div3A = arith.constant 1.000000e+00 : f32
    %div3A_46 = vector.broadcast %div3A : f32 to vector<250x1xf32>
    %div3A_47 = arith.divf %div3A_46, %add3A_45 : vector<250x1xf32>
    %swap3A = arith.constant 0 : index
    %swap3A_48 = arith.constant 0 : index
    %swap3A_49 = vector.load %arg7[%swap3A, %swap3A_48] : memref<250x1xf32, #tpu.memory_space<vmem>>, vector<250x1xf32>
    tpu.vector_store %arg7[%swap3A, %swap3A_48], %div3A_47 {strides = array<i32>} : memref<250x1xf32, #tpu.memory_space<vmem>>, vector<250x1xf32>,
    return
  }
}

</mosaic_0001>

<sc_bundles>
// kernel: kernel.12.cloned.1.call-start
scs
__scs_entry_jumppad:
0x0: {  	(pc) =	sbr.rel $0x88, $3  }
0x1: {  	(tag) =	ssettag $0x0;
	lr =	simm.s32 $0x1  }
0x2: {  	[smem:$0x3F93] =	sst lr;
	_ =	strace $0xD0000000  }
0x3: {  	_ = 	snop  }
0x4: {  	_ = 	snop  }
0x5: {  	_ = 	snop  }
0x6: {  	_ = 	snop  }
0x7: {  	_ = 	snop  }
__scs_overlays_trampoline_lowered:
0x8: {  	[smem:$0x3FA2] =	sst s0  }
0x9: {  	[smem:$0x3FA3] =	sst s1  }
0xa: {  	[smem:$0x3FA4] =	sst s2  }
0xb: {  	[smem:$0x3FA5] =	sst s3  }
0xc: {  	[smem:$0x3FA6] =	sst s4  }
0xd: {  	[smem:$0x3FA7] =	sst s5  }
0xe: {  	[smem:$0x3FA8] =	sst s6  }
0xf: {  	[smem:$0x3FA9] =	sst s7  }
0x10: {  	[smem:$0x3FAA] =	sst s8  }
0x11: {  	[smem:$0x3FAB] =	sst s9;
	s0 =	simm.s32 @!p0 $0x0  }
0x12: {  	s1 =	sld [smem:$0x3F91];
	s0 =	simm.s32 @p0 $0x1  }
0x13: {  	[smem:$0x3FAC] =	sst s0;
	s0 =	simm.s32 @!p1 $0x0  }
0x14: {  	s2 =	sld [smem:$0x3F90];
	s0 =	simm.s32 @p1 $0x1  }
0x15: {  	[smem:$0x3FAD] =	sst s0;
	s0 =	simm.s32 @!p2 $0x0  }
0x16: {  	s3 =	sld [smem:$0x3FDB];
	s0 =	simm.s32 @p2 $0x1  }
0x17: {  	s4 =	simm.s32 $0x1BF5;
	[smem:$0x3FAF] =	sst s0  }
0x18: {  	s0 =	sld [smem:$0x3F92];
	_ =	swait.ge [sflag:s4], $0x0  }
0x19: {  	s7 =	sld [smem:$0x3F93]  }
0x1a: {  	s8 =	sadd.s32 $0xFFFFE003, lr  }
0x1b: {  	s9 =	sadd.s32 $0xFFFFFEF7, lr;
	s5 =	simm.s32 $0xFFFFFFFF;
	p2 =	slt.u32 s8, $0xFFFFF086  }
0x1c: {  	p1 =	slt.u32 s9, $0xF7A;
	s5 =	simm.s32 @!p2 $0x0  }
0x1d: {  	s5 =	simm.s32 @p1 $0x1;
	p0 =	seq.s32 s7, s2  }
0x1e: {  	s7 =	smul.u32 @!p0 $0xF7A, s2;
	p2 =	seq.s32 @!p0 s5, $0x0  }
0x1f: {  	s9 =	smul.u32 $0xF7A, s1;
	s8 =	simm.s32 @!p0 $0x1BF5;
	p2 =	por !p2, p0  }
0x20: {  	[sflag:s8] =	ssyncset.s32 @!p0 $0xFFFFF086;
	s6 =	sadd.s32 @!p0 s3, s7;
	s7 =	simm.s32 @!p0 $0x108  }
0x21: {  	s3 =	sadd.s32 s3, s9;
	s6 =	sadd.s32 @!p0 $0x88, s6;
	s7 =	simm.s32 @p2 $0x1082  }
0x22: {  	[simem:s7], [sflag:s8] =	dma.local @!p0 [hbm:s6], $0xF7A  }
0x23: {  	s9 =	sor.u32 $0xD0000000, s2;
	s6 =	simm.s32 $0x108;
	_ =	swait.ge @!p0 [sflag:s8], $0x0  }
0x24: {  	s3 =	sadd.s32 $0x88, s3;
	s6 =	simm.s32 @!p1 $0x1082;
	[sflag:s4] =	ssyncset.s32 $0xFFFFF086  }
0x25: {  	[simem:s6], [sflag:s4] =	dma.local [hbm:s3], $0xF7A  }
0x26: {  	[smem:$0x3F93] =	sst s1;
	(tag) =	ssettag s2;
	_ =	strace s9  }
0x27: {  	s1 =	sld [smem:$0x3FA3]  }
0x28: {  	s2 =	sld [smem:$0x3FA4]  }
0x29: {  	s4 =	sld [smem:$0x3FA6]  }
0x2a: {  	p0 =	seq.s32 s5, $0x0;
	s5 =	sld [smem:$0x3FA7]  }
0x2b: {  	s6 =	sld [smem:$0x3FA8]  }
0x2c: {  	s7 =	sld [smem:$0x3FA9]  }
0x2d: {  	s3 =	simm.s32 $0x108;
	s8 =	sld [smem:$0x3FAA]  }
0x2e: {  	s3 =	simm.s32 @!p0 $0x1082;
	s9 =	sld [smem:$0x3FAB]  }
0x2f: {  	lr =	sadd.s32 s0, s3;
	s0 =	sld [smem:$0x3FA2]  }
0x30: {  	s3 =	sld [smem:$0x3FA5]  }
0x31: {  	[smem:$0x3FAE] =	sst s10  }
0x32: {  	s10 =	sld [smem:$0x3FAC];
	_ =	sdelay $0x3  }
0x33: {  	p0 =	seq.s32 s10, $0x1;
	s10 =	sld [smem:$0x3FAE];
	_ =	sdelay $0x3  }
0x34: {  	[smem:$0x3FAE] =	sst s10  }
0x35: {  	s10 =	sld [smem:$0x3FAD];
	_ =	sdelay $0x3  }
0x36: {  	p1 =	seq.s32 s10, $0x1;
	s10 =	sld [smem:$0x3FAE];
	_ =	sdelay $0x3  }
0x37: {  	[smem:$0x3FAE] =	sst s10  }
0x38: {  	s10 =	sld [smem:$0x3FAF]  }
0x39: {  	_ = 	snop;
	(pc) =	sbr.ind lr, $3  }
0x3a: {  	_ = 	snop  }
0x3b: {  	_ = 	snop  }
0x3c: {  	p2 =	seq.s32 s10, $0x1;
	s10 =	sld [smem:$0x3FAE]  }
0x3d: {  	_ =	shalt  }
0x3e: {  	_ =	shalt  }
0x3f: {  	_ =	shalt  }
0x40: {  	_ =	shalt  }
0x41: {  	_ =	shalt  }
0x42: {  	_ =	shalt  }
0x43: {  	_ =	shalt  }
0x44: {  	_ =	shalt  }
0x45: {  	_ =	shalt  }
0x46: {  	_ =	shalt  }
0x47: {  	_ =	shalt  }
0x48: {  	_ =	shalt  }
0x49: {  	_ =	shalt  }
0x4a: {  	_ =	shalt  }
0x4b: {  	_ =	shalt  }
0x4c: {  	_ =	shalt  }
0x4d: {  	_ =	shalt  }
0x4e: {  	_ =	shalt  }
0x4f: {  	_ =	shalt  }
0x50: {  	_ =	shalt  }
0x51: {  	_ =	shalt  }
0x52: {  	_ =	shalt  }
0x53: {  	_ =	shalt  }
0x54: {  	_ =	shalt  }
0x55: {  	_ =	shalt  }
0x56: {  	_ =	shalt  }
0x57: {  	_ =	shalt  }
0x58: {  	_ =	shalt  }
0x59: {  	_ =	shalt  }
0x5a: {  	_ =	shalt  }
0x5b: {  	_ =	shalt  }
0x5c: {  	_ =	shalt  }
0x5d: {  	_ =	shalt  }
0x5e: {  	_ =	shalt  }
0x5f: {  	_ =	shalt  }
0x60: {  	_ =	shalt  }
0x61: {  	_ =	shalt  }
0x62: {  	_ =	shalt  }
0x63: {  	_ =	shalt  }
0x64: {  	_ =	shalt  }
0x65: {  	_ =	shalt  }
0x66: {  	_ =	shalt  }
0x67: {  	_ =	shalt  }
0x68: {  	_ =	shalt  }
0x69: {  	_ =	shalt  }
0x6a: {  	_ =	shalt  }
0x6b: {  	_ =	shalt  }
0x6c: {  	_ =	shalt  }
0x6d: {  	_ =	shalt  }
0x6e: {  	_ =	shalt  }
0x6f: {  	_ =	shalt  }
0x70: {  	_ =	shalt  }
0x71: {  	_ =	shalt  }
0x72: {  	_ =	shalt  }
0x73: {  	_ =	shalt  }
0x74: {  	_ =	shalt  }
0x75: {  	_ =	shalt  }
0x76: {  	_ =	shalt  }
0x77: {  	_ =	shalt  }
0x78: {  	_ =	shalt  }
0x79: {  	_ =	shalt  }
0x7a: {  	_ =	shalt  }
0x7b: {  	_ =	shalt  }
0x7c: {  	_ =	shalt  }
0x7d: {  	_ =	shalt  }
0x7e: {  	_ =	shalt  }
0x7f: {  	_ =	shalt  }
0x80: {  	_ =	shalt  }
0x81: {  	_ =	shalt  }
0x82: {  	_ =	shalt  }
0x83: {  	_ =	shalt  }
0x84: {  	_ =	shalt  }
0x85: {  	_ =	shalt  }
0x86: {  	_ =	shalt  }
0x87: {  	_ =	shalt  }
.Lfunc_end0:
.L_simem_size_0:
called_computation_lowered:
.L_overlay_start_0:
0x88: {  	s2 =	sld [smem:$0x3FD9]  }
0x89: {  	s3 =	sld [smem:$0x3FFE];
	_ =	sdelay $0x1  }
0x8a: {  	s1 =	srdreg.scid  }
0x8b: {  	s0 =	sand.u32 $0x1, s1  }
0x8c: {  	s16 =	sshll.u32 s0, $0xA;
	s2 =	sadd.s32 s3, s2  }
0x8d: {  	s2 =	sadd.s32 s2, s16  }
0x8e: {  	[smem:$0x3FBA] =	sst s2  }
0x8f: {  	_ = 	snop  }
0x90: {  	(tm) =	ssettm $0x1  }
0x91: {  	s17 =	sld [smem:$0x3FFB];
	_ =	sdelay $0x3  }
0x92: {  	_ =	strace s17  }
0x93: {  	s2 =	sld [smem:$0x3FFC];
	_ =	sdelay $0x3  }
0x94: {  	_ =	strace s2  }
0x95: {  	s2 =	sld [smem:$0x3FFD];
	_ =	sdelay $0x3  }
0x96: {  	_ =	strace s2  }
0x97: {  	_ =	strace $0x8FFFFFFF  }
0x98: {  	s18 =	sld [smem:$0x3FDB];
	_ =	sdelay $0x1  }
0x99: {  	s19 =	simm.s32 $_scs_section_size  }
0x9a: {  	s4 =	simm.s32 $_size__tile_overlayer_lowered;
	s5 =	simm.s32 $_tile_overlayer_lowered  }
0x9b: {  	s22 =	simm.s32 $0x1BFF;
	s21 =	sshll.u32 s5, $0x1;
	s2 =	sadd.s32 s19, s18  }
0x9c: {  	s6 =	simm.s32 $0x0;
	s20 =	sshll.u32 s4, $0x1;
	s4 =	sadd.s32 s21, s2  }
0x9d: {  	[timem:s6], [sflag:s22] =	dma.local [hbm:s4], s20  }
0x9e: {  	_ =	swait.ge [sflag:s22], s20  }
0x9f: {  	s3 =	ssub.s32 $0x0, s20;
	[sflag:s22] =	ssyncset.done $0x0  }
0xa0: {  	[sflag:s22] =	ssyncadd.s32 s3;
	_ =	sdelay $0x1  }
0xa1: {  	s23 =	simm.s32 $0x1B8B  }
0xa2: {  	_ =	swait.ge [sflag:s23], $0x1  }
0xa3: {  	[sflag:s23] =	ssyncset.done $0x0  }
0xa4: {  	s25 =	simm.s32 $0x1B8E;
	s24 =	sld [smem:$0x3FFE];
	[sflag:s23] =	ssyncadd.s32 $0xFFFFFFFF  }
0xa5: {  	s26 =	simm.s32 $execute0_lowered;
	[smem:$0x3FD2] =	sst s25  }
0xa6: {  	s4 =	sshll.u32 s26, $0x1;
	_ =	strace $0x80000046;
	[dreg:$0x1] =	wrdreg $0xFFFFFFFF  }
0xa7: {  	s28 =	simm.s32 $_size_execute0_lowered;
	s2 =	sadd.s32 s2, s4;
	[dreg:$0x0] =	wrdreg $0x0  }
0xa8: {  	s4 =	sshll.u32 s28, $0x1;
	[dreg:$0x2] =	wrdreg s2  }
0xa9: {  	[dreg:$0x3] =	wrdreg s4  }
0xaa: {  	[dreg:$0x4] =	wrdreg $0xC0  }
0xab: {  	_ =	task [dreg:s6], $0x5FFFF  }
0xac: {  	[dreg:$0x1] =	wrdreg $0xFFFFFFFF  }
0xad: {  	[dreg:$0x0] =	wrdreg $0x60  }
0xae: {  	[dreg:$0x2] =	wrdreg s24  }
0xaf: {  	[dreg:$0x3] =	wrdreg $0xA4000  }
0xb0: {  	[dreg:$0x4] =	wrdreg $0x9  }
0xb1: {  	_ =	task.clear_ibuf [dreg:s6], $0x5FFFF;
	_ =	strace $0x90000046  }
0xb2: {  	s29 =	simm.s32 $0x9;
	_ =	strace $0x80000048  }
0xb3: {  	_ =	swait.ge [sflag:s29], $0x1  }
0xb4: {  	[sflag:s29] =	ssyncadd.s32 $0xFFFFFFFF  }
0xb5: {  	_ =	strace $0x90000048  }
0xb6: {  	_ =	sfence  }
0xb7: {  	s30 =	sld [smem:$0x0];
	_ =	sdelay $0x2  }
0xb8: {  	s31 =	sshll.u32 s1, $0xD;
	s1 =	sshrl.u32 s1, $0x2  }
0xb9: {  	s3 =	sand.u32 $0x4000, s31;
	s1 =	sadd.s32 s1, s30  }
0xba: {  	s0 =	sor.u32 s3, s0;
	s1 =	sshll.u32 s1, $0x11  }
0xbb: {  	s0 =	sor.u32 s1, s0  }
0xbc: {  	s0 =	sadd.s32 $0x8F2B, s0  }
0xbd: {  	[sflag:s0] =	ssyncadd.remote.s32 $0x1  }
0xbe: {  	_ =	sfence.sel $0xFFFF  }
0xbf: {  	[dreg:$0x0] =	wrdreg $0xFFFFFFFF;
	(pc) =	sbr.abs _section_cstart, $3  }
0xc0: {  	[dreg:$0x1] =	wrdreg $0xFFFFFFFF  }
0xc1: {  	_ =	task.clear_ibuf [dreg:s6], $0x2FFFF;
	_ =	strace $0x9FFFFFFF  }
0xc2: {  	(tm) =	ssettm $0x7FFFFFFF  }
0xc3: {  	_ =	shalt  }
tec
execute0_lowered:
.L_overlay_start_1:
0x0: {  	(tag) =	ssettag $0x1  }
0x1: {  	s0 =	rddreg [dreg:$0x0]  }
0x2: {  	s2 =	rddreg [dreg:$0x1]  }
0x3: {  	s3 =	simm.s32 $0x0;
	s12 =	stileid.u32;
	s1 =	srdreg.scid  }
0x4: {  	s28 =	simm.s32 $0x380;
	s29 =	simm.s32 $0x3;
	s30 =	simm.s32 $0x7C00  }
0x5: {  	s31 =	simm.s32 $0x4;
	[smem:$0x7FF] =	sst s3;
	s5 =	smul.u32 $0x2800, s12  }
0x6: {  	s1 =	sand.u32 $0x1, s1;
	s4 =	sadd.s32 $0x40000, s0;
	s11 =	smul.u32 $0x50000, s12  }
0x7: {  	s8 =	sadd.s32 $0xE200, s0;
	s9 =	sadd.s32 $0x4400, s0;
	s14 =	smul.u32 $0x2710, s12  }
0x8: {  	s15 =	sshll.u32 s12, $0x6;
	_ =	strace $0x80000047;
	s6 =	smul.u32 $0x28000, s1  }
0x9: {  	s25 =	sshll.u32 s1, $0x4;
	s10 =	ssub.s32 $0x2, s1;
	s1 =	smul.u32 $0x27100, s1  }
0xa: {  	s7 =	sadd.s32 s5, s0;
	s26 =	sshrl.u32 s10, $0x1;
	s13 =	sshrl.u32 s11, $0x2  }
0xb: {  	s5 =	sadd.s32 s5, s6;
	s6 =	sor.u32 s12, s25;
	s7 =	sadd.s32 $0x18000, s7  }
0xc: {  	s1 =	sadd.s32 s14, s1;
	s14 =	simm.s32 $0x5;
	s0 =	sadd.s32 s5, s0  }
0xd: {  	s6 =	smul.u32 $0x2710, s6;
	s5 =	ssub.s32 s10, s26;
	s10 =	sadd.s32 s13, s2  }
0xe: {  	[dreg:$0xa] =	wrdreg s7;
	s7 =	sor.u32 $0x1C05, s15;
	s17 =	sshrl.u32 s1, $0x3  }
0xf: {  	s19 =	sadd.s32 $0xF0, s1;
	s22 =	sadd.s32 $0xA0, s1;
	s1 =	sadd.s32 $0x50, s1  }
0x10: {  	s15 =	simm.s32 $0x200;
	[dreg:$0x9] =	wrdreg s10;
	s10 =	sadd.s32 $0x67200, s0  }
0x11: {  	s11 =	smax.u32 s5, $0x1;
	s18 =	sadd.s32 s17, s9;
	s0 =	sadd.s32 s17, s8  }
0x12: {  	s20 =	sshrl.u32 s19, $0x3;
	s24 =	sshrl.u32 s22, $0x3;
	s1 =	sshrl.u32 s1, $0x3  }
0x13: {  	s17 =	simm.s32 $0x400;
	s19 =	simm.s32 $0x280;
	[dreg:$0x3] =	wrdreg s18  }
0x14: {  	s22 =	simm.s32 $0x100;
	s6 =	sshrl.u32 s6, $0x3;
	[dreg:$0x4] =	wrdreg s0  }
0x15: {  	s21 =	sadd.s32 s20, s9;
	s23 =	sadd.s32 s20, s8;
	s25 =	sadd.s32 s24, s9  }
0x16: {  	s26 =	sadd.s32 s24, s8;
	s12 =	sadd.s32 s1, s9;
	[dreg:$0x5] =	wrdreg s21  }
0x17: {  	s13 =	sadd.s32 s1, s8;
	s18 =	simm.s32 $0x80;
	[dreg:$0x6] =	wrdreg s23  }
0x18: {  	s20 =	simm.s32 $0x1;
	s24 =	simm.s32 $0x2;
	[dreg:$0x7] =	wrdreg s25  }
0x19: {  	s0 =	simm.s32 $0x0;
	s6 =	sadd.s32 $0x4D8, s6;
	[dreg:$0x8] =	wrdreg s26  }
0x1a: {  	s21 =	simm.s32 $0x2C00;
	s23 =	simm.s32 $0x300;
	s16 =	sadd.s32 s8, s6  }
0x1b: {  	s25 =	simm.s32 $0x5400;
	s6 =	sadd.s32 s9, s6;
	[dreg:$0xb] =	wrdreg s16  }
0x1c: {  	s26 =	simm.s32 $0x180;
	[dreg:$0xc] =	wrdreg s6;
	s16 =	simm.s32 $0x50  }
.LBB2_1:
0x1d: {  	s1 =	rddreg [dreg:$0x9]  }
0x1e: {  	s5 =	rddreg [dreg:$0xa];
	s1 =	sshrl.u32 s1, $0x3  }
0x1f: {  	[spmem:s1], [sflag:s7] =	dma.local [hbm:s5], $0x2800  }
0x20: {  	_ =	swait.ge [sflag:s14], $0x2800  }
0x21: {  	[sflag:s14] =	ssyncset.done $0x0  }
0x22: {  	[sflag:s14] =	ssyncadd.s32 $0xFFFFD800  }
0x23: {  	[bflag:$0x0] =	sbarrier.arrive $0xFFFF  }
0x24: {  	s8 =	rddreg [dreg:$0x4]  }
0x25: {  	s5 =	sadd.s32 $0x0, s8  }
0x26: {  	[tilespmem:s3], [sflag:$0x5] =	stream.linear.gather [hbm4b:s5+s3], $0x50, $0x38;
	[tilespmem:$0x1E400] =	vst v63  }
0x27: {  	_ =	swait.ge [sflag:s14], $0x50  }
0x28: {  	s9 =	rddreg [dreg:$0x3];
	[sflag:s14] =	ssyncset.done $0x0  }
0x29: {  	[sflag:s14] =	ssyncadd.s32 $0xFFFFFFB0;
	s5 =	sadd.s32 $0x0, s9  }
0x2a: {  	[tilespmem:s15], [sflag:$0x5] =	stream.linear.gather [hbm4b:s5+s3], $0x50, $0x38;
	[tilespmem:$0x1E400] =	vst v63  }
0x2b: {  	_ =	swait.ge [sflag:s14], $0x50  }
0x2c: {  	[sflag:s14] =	ssyncset.done $0x0  }
0x2d: {  	[sflag:s14] =	ssyncadd.s32 $0xFFFFFFB0  }
0x2e: {  	[tilespmem:s17], [sflag:$0x1] =	stream.indirect.gather [hbm4b:s4+s16], $0x80, s3, s16, $0xb8;
	[tilespmem:$0x1E400] =	vst v63  }
0x2f: {  	s6 =	sadd.s32 $0x0, s13  }
0x30: {  	[tilespmem:s18], [sflag:$0x5] =	stream.linear.gather [hbm4b:s6+s3], $0x50, $0x38;
	[tilespmem:$0x1E400] =	vst v63  }
0x31: {  	_ =	swait.ge [sflag:s14], $0x50  }
0x32: {  	[sflag:s14] =	ssyncset.done $0x0  }
0x33: {  	s8 =	sadd.s32 $0x0, s12;
	[sflag:s14] =	ssyncadd.s32 $0xFFFFFFB0  }
0x34: {  	[tilespmem:s19], [sflag:$0x5] =	stream.linear.gather [hbm4b:s8+s3], $0x50, $0x38;
	[tilespmem:$0x1E400] =	vst v63  }
0x35: {  	_ =	swait.ge [sflag:s14], $0x50  }
0x36: {  	[sflag:s14] =	ssyncset.done $0x0  }
0x37: {  	[sflag:s14] =	ssyncadd.s32 $0xFFFFFFB0  }
0x38: {  	_ =	swait.ge [sflag:s20], $0x2800  }
0x39: {  	[sflag:s20] =	ssyncset.done $0x0  }
0x3a: {  	[sflag:s20] =	ssyncadd.s32 $0xFFFFD800  }
0x3b: {  	[tilespmem:s21], [sflag:$0x2] =	stream.indirect.gather [hbm4b:s4+s16], $0x80, s18, s16, $0xb8;
	[tilespmem:$0x1E400] =	vst v63  }
0x3c: {  	_ = 	snop  }
0x3d: {  	[spmem:s2] =	stream.indirect.scatter.add.f32 [tilespmem:s17], [sflag:$0x5], $0x80, s15, s16, $0xb8;
	[tilespmem:$0x1E400] =	vst v63  }
0x3e: {  	_ =	swait.ge [sflag:s14], $0x2800  }
0x3f: {  	s9 =	rddreg [dreg:$0x8];
	[sflag:s14] =	ssyncset.done $0x0  }
0x40: {  	[sflag:s14] =	ssyncadd.s32 $0xFFFFD800;
	s5 =	sadd.s32 $0x0, s9  }
0x41: {  	[tilespmem:s22], [sflag:$0x5] =	stream.linear.gather [hbm4b:s5+s3], $0x50, $0x38;
	[tilespmem:$0x1E400] =	vst v63  }
0x42: {  	_ =	swait.ge [sflag:s14], $0x50  }
0x43: {  	s6 =	rddreg [dreg:$0x7];
	[sflag:s14] =	ssyncset.done $0x0  }
0x44: {  	[sflag:s14] =	ssyncadd.s32 $0xFFFFFFB0;
	s5 =	sadd.s32 $0x0, s6  }
0x45: {  	[tilespmem:s23], [sflag:$0x5] =	stream.linear.gather [hbm4b:s5+s3], $0x50, $0x38;
	[tilespmem:$0x1E400] =	vst v63  }
0x46: {  	_ =	swait.ge [sflag:s14], $0x50  }
0x47: {  	[sflag:s14] =	ssyncset.done $0x0  }
0x48: {  	[sflag:s14] =	ssyncadd.s32 $0xFFFFFFB0  }
0x49: {  	_ =	swait.ge [sflag:s24], $0x2800  }
0x4a: {  	[sflag:s24] =	ssyncset.done $0x0  }
0x4b: {  	[sflag:s24] =	ssyncadd.s32 $0xFFFFD800  }
0x4c: {  	[tilespmem:s25], [sflag:$0x3] =	stream.indirect.gather [hbm4b:s4+s16], $0x80, s22, s16, $0xb8;
	[tilespmem:$0x1E400] =	vst v63  }
0x4d: {  	_ = 	snop  }
0x4e: {  	[spmem:s2] =	stream.indirect.scatter.add.f32 [tilespmem:s21], [sflag:$0x5], $0x80, s19, s16, $0xb8;
	[tilespmem:$0x1E400] =	vst v63  }
0x4f: {  	_ =	swait.ge [sflag:s14], $0x2800  }
0x50: {  	s8 =	rddreg [dreg:$0x6];
	[sflag:s14] =	ssyncset.done $0x0  }
0x51: {  	[sflag:s14] =	ssyncadd.s32 $0xFFFFD800;
	s5 =	sadd.s32 $0x0, s8  }
0x52: {  	[tilespmem:s26], [sflag:$0x5] =	stream.linear.gather [hbm4b:s5+s3], $0x50, $0x38;
	[tilespmem:$0x1E400] =	vst v63  }
0x53: {  	_ =	swait.ge [sflag:s14], $0x50  }
0x54: {  	s9 =	rddreg [dreg:$0x5];
	[sflag:s14] =	ssyncset.done $0x0  }
0x55: {  	[sflag:s14] =	ssyncadd.s32 $0xFFFFFFB0;
	s5 =	sadd.s32 $0x0, s9  }
0x56: {  	[tilespmem:s28], [sflag:$0x5] =	stream.linear.gather [hbm4b:s5+s3], $0x50, $0x38;
	[tilespmem:$0x1E400] =	vst v63  }
0x57: {  	_ =	swait.ge [sflag:s14], $0x50  }
0x58: {  	[sflag:s14] =	ssyncset.done $0x0  }
0x59: {  	[sflag:s14] =	ssyncadd.s32 $0xFFFFFFB0  }
0x5a: {  	_ =	swait.ge [sflag:s29], $0x2800  }
0x5b: {  	[sflag:s29] =	ssyncset.done $0x0  }
0x5c: {  	[sflag:s29] =	ssyncadd.s32 $0xFFFFD800  }
0x5d: {  	[tilespmem:s30], [sflag:$0x4] =	stream.indirect.gather [hbm4b:s4+s16], $0x80, s26, s16, $0xb8;
	[tilespmem:$0x1E400] =	vst v63  }
0x5e: {  	_ = 	snop  }
0x5f: {  	[spmem:s2] =	stream.indirect.scatter.add.f32 [tilespmem:s25], [sflag:$0x5], $0x80, s23, s16, $0xb8;
	[tilespmem:$0x1E400] =	vst v63  }
0x60: {  	_ =	swait.ge [sflag:s14], $0x2800  }
0x61: {  	[sflag:s14] =	ssyncset.done $0x0  }
0x62: {  	[sflag:s14] =	ssyncadd.s32 $0xFFFFD800  }
0x63: {  	_ =	swait.ge [sflag:s31], $0x2800  }
0x64: {  	[sflag:s31] =	ssyncset.done $0x0  }
0x65: {  	[sflag:s31] =	ssyncadd.s32 $0xFFFFD800  }
0x66: {  	[spmem:s2] =	stream.indirect.scatter.add.f32 [tilespmem:s30], [sflag:$0x5], $0x80, s28, s16, $0xb8;
	[tilespmem:$0x1E400] =	vst v63  }
0x67: {  	s6 =	simm.s32 $0x50;
	_ =	swait.ge [sflag:s14], $0x2800  }
0x68: {  	s5 =	simm.s32 $0x28;
	s9 =	rddreg [dreg:$0x4];
	[sflag:s14] =	ssyncset.done $0x0  }
.LBB2_2:
0x69: {  	[sflag:s14] =	ssyncadd.s32 $0xFFFFD800;
	s9 =	sadd.s32 s5, s9  }
0x6a: {  	[tilespmem:s3], [sflag:$0x5] =	stream.linear.gather [hbm4b:s9+s3], $0x50, $0x38;
	[tilespmem:$0x1E400] =	vst v63  }
0x6b: {  	_ =	swait.ge [sflag:s14], $0x50  }
0x6c: {  	s9 =	rddreg [dreg:$0x3];
	[sflag:s14] =	ssyncset.done $0x0  }
0x6d: {  	[sflag:s14] =	ssyncadd.s32 $0xFFFFFFB0;
	s9 =	sadd.s32 s5, s9  }
0x6e: {  	[tilespmem:s15], [sflag:$0x5] =	stream.linear.gather [hbm4b:s9+s3], $0x50, $0x38;
	[tilespmem:$0x1E400] =	vst v63  }
0x6f: {  	_ =	swait.ge [sflag:s14], $0x50  }
0x70: {  	[sflag:s14] =	ssyncset.done $0x0  }
0x71: {  	[sflag:s14] =	ssyncadd.s32 $0xFFFFFFB0  }
0x72: {  	[tilespmem:s17], [sflag:$0x1] =	stream.indirect.gather [hbm4b:s4+s16], $0x80, s3, s16, $0xb8;
	[tilespmem:$0x1E400] =	vst v63  }
0x73: {  	s9 =	sadd.s32 s5, s13  }
0x74: {  	[tilespmem:s18], [sflag:$0x5] =	stream.linear.gather [hbm4b:s9+s3], $0x50, $0x38;
	[tilespmem:$0x1E400] =	vst v63  }
0x75: {  	_ =	swait.ge [sflag:s14], $0x50  }
0x76: {  	[sflag:s14] =	ssyncset.done $0x0  }
0x77: {  	s9 =	sadd.s32 s5, s12;
	[sflag:s14] =	ssyncadd.s32 $0xFFFFFFB0  }
0x78: {  	[tilespmem:s19], [sflag:$0x5] =	stream.linear.gather [hbm4b:s9+s3], $0x50, $0x38;
	[tilespmem:$0x1E400] =	vst v63  }
0x79: {  	_ =	swait.ge [sflag:s14], $0x50  }
0x7a: {  	[sflag:s14] =	ssyncset.done $0x0  }
0x7b: {  	[sflag:s14] =	ssyncadd.s32 $0xFFFFFFB0  }
0x7c: {  	_ =	swait.ge [sflag:s20], $0x2800  }
0x7d: {  	[sflag:s20] =	ssyncset.done $0x0  }
0x7e: {  	[sflag:s20] =	ssyncadd.s32 $0xFFFFD800  }
0x7f: {  	[tilespmem:s21], [sflag:$0x2] =	stream.indirect.gather [hbm4b:s4+s16], $0x80, s18, s16, $0xb8;
	[tilespmem:$0x1E400] =	vst v63  }
0x80: {  	_ = 	snop  }
0x81: {  	[spmem:s2] =	stream.indirect.scatter.add.f32 [tilespmem:s17], [sflag:$0x5], $0x80, s15, s16, $0xb8;
	[tilespmem:$0x1E400] =	vst v63  }
0x82: {  	_ =	swait.ge [sflag:s14], $0x2800  }
0x83: {  	s9 =	rddreg [dreg:$0x8];
	[sflag:s14] =	ssyncset.done $0x0  }
0x84: {  	[sflag:s14] =	ssyncadd.s32 $0xFFFFD800;
	s9 =	sadd.s32 s5, s9  }
0x85: {  	[tilespmem:s22], [sflag:$0x5] =	stream.linear.gather [hbm4b:s9+s3], $0x50, $0x38;
	[tilespmem:$0x1E400] =	vst v63  }
0x86: {  	_ =	swait.ge [sflag:s14], $0x50  }
0x87: {  	s9 =	rddreg [dreg:$0x7];
	[sflag:s14] =	ssyncset.done $0x0  }
0x88: {  	[sflag:s14] =	ssyncadd.s32 $0xFFFFFFB0;
	s9 =	sadd.s32 s5, s9  }
0x89: {  	[tilespmem:s23], [sflag:$0x5] =	stream.linear.gather [hbm4b:s9+s3], $0x50, $0x38;
	[tilespmem:$0x1E400] =	vst v63  }
0x8a: {  	_ =	swait.ge [sflag:s14], $0x50  }
0x8b: {  	[sflag:s14] =	ssyncset.done $0x0  }
0x8c: {  	[sflag:s14] =	ssyncadd.s32 $0xFFFFFFB0  }
0x8d: {  	_ =	swait.ge [sflag:s24], $0x2800  }
0x8e: {  	[sflag:s24] =	ssyncset.done $0x0  }
0x8f: {  	[sflag:s24] =	ssyncadd.s32 $0xFFFFD800  }
0x90: {  	[tilespmem:s25], [sflag:$0x3] =	stream.indirect.gather [hbm4b:s4+s16], $0x80, s22, s16, $0xb8;
	[tilespmem:$0x1E400] =	vst v63  }
0x91: {  	_ = 	snop  }
0x92: {  	[spmem:s2] =	stream.indirect.scatter.add.f32 [tilespmem:s21], [sflag:$0x5], $0x80, s19, s16, $0xb8;
	[tilespmem:$0x1E400] =	vst v63  }
0x93: {  	_ =	swait.ge [sflag:s14], $0x2800  }
0x94: {  	s9 =	rddreg [dreg:$0x6];
	[sflag:s14] =	ssyncset.done $0x0  }
0x95: {  	[sflag:s14] =	ssyncadd.s32 $0xFFFFD800;
	s9 =	sadd.s32 s5, s9  }
0x96: {  	[tilespmem:s26], [sflag:$0x5] =	stream.linear.gather [hbm4b:s9+s3], $0x50, $0x38;
	[tilespmem:$0x1E400] =	vst v63  }
0x97: {  	_ =	swait.ge [sflag:s14], $0x50  }
0x98: {  	s9 =	rddreg [dreg:$0x5];
	[sflag:s14] =	ssyncset.done $0x0  }
0x99: {  	[sflag:s14] =	ssyncadd.s32 $0xFFFFFFB0;
	s9 =	sadd.s32 s5, s9  }
0x9a: {  	[tilespmem:s28], [sflag:$0x5] =	stream.linear.gather [hbm4b:s9+s3], $0x50, $0x38;
	[tilespmem:$0x1E400] =	vst v63  }
0x9b: {  	_ =	swait.ge [sflag:s14], $0x50  }
0x9c: {  	[sflag:s14] =	ssyncset.done $0x0  }
0x9d: {  	[sflag:s14] =	ssyncadd.s32 $0xFFFFFFB0  }
0x9e: {  	_ =	swait.ge [sflag:s29], $0x2800  }
0x9f: {  	[sflag:s29] =	ssyncset.done $0x0  }
0xa0: {  	[sflag:s29] =	ssyncadd.s32 $0xFFFFD800  }
0xa1: {  	[tilespmem:s30], [sflag:$0x4] =	stream.indirect.gather [hbm4b:s4+s16], $0x80, s26, s16, $0xb8;
	[tilespmem:$0x1E400] =	vst v63  }
0xa2: {  	_ = 	snop  }
0xa3: {  	[spmem:s2] =	stream.indirect.scatter.add.f32 [tilespmem:s25], [sflag:$0x5], $0x80, s23, s16, $0xb8;
	[tilespmem:$0x1E400] =	vst v63  }
0xa4: {  	_ =	swait.ge [sflag:s14], $0x2800  }
0xa5: {  	[sflag:s14] =	ssyncset.done $0x0  }
0xa6: {  	[sflag:s14] =	ssyncadd.s32 $0xFFFFD800  }
0xa7: {  	p0 =	sne.s32 s6, $0x4B0;
	_ =	swait.ge [sflag:s31], $0x2800  }
.Ltmp0:
0xa8: {  	[sflag:s31] =	ssyncset.done $0x0;
	(pc) =	sbr.rel @p0 .LBB2_2-.Ltmp0, $4  }
0xa9: {  	[sflag:s31] =	ssyncadd.s32 $0xFFFFD800  }
0xaa: {  	[spmem:s2] =	stream.indirect.scatter.add.f32 [tilespmem:s30], [sflag:$0x5], $0x80, s28, s16, $0xb8;
	[tilespmem:$0x1E400] =	vst v63  }
0xab: {  	s8 =	smov.u32 s6;
	s6 =	sadd.s32 $0x28, s6;
	_ =	swait.ge [sflag:s14], $0x2800  }
0xac: {  	s5 =	smov.u32 s8;
	s9 =	rddreg [dreg:$0x4];
	[sflag:s14] =	ssyncset.done $0x0  }
0xad: {  	[sflag:s14] =	ssyncadd.s32 $0xFFFFD800;
	s6 =	sadd.s32 s5, s9  }
0xae: {  	[tilespmem:s3], [sflag:$0x5] =	stream.linear.gather [hbm4b:s6+s3], $0x50, $0x38;
	[tilespmem:$0x1E400] =	vst v63  }
0xaf: {  	_ =	swait.ge [sflag:s14], $0x50  }
0xb0: {  	s9 =	rddreg [dreg:$0x3];
	[sflag:s14] =	ssyncset.done $0x0  }
0xb1: {  	[sflag:s14] =	ssyncadd.s32 $0xFFFFFFB0;
	s6 =	sadd.s32 s5, s9  }
0xb2: {  	[tilespmem:s15], [sflag:$0x5] =	stream.linear.gather [hbm4b:s6+s3], $0x50, $0x38;
	[tilespmem:$0x1E400] =	vst v63  }
0xb3: {  	_ =	swait.ge [sflag:s14], $0x50  }
0xb4: {  	[sflag:s14] =	ssyncset.done $0x0  }
0xb5: {  	[sflag:s14] =	ssyncadd.s32 $0xFFFFFFB0  }
0xb6: {  	[tilespmem:s17], [sflag:$0x1] =	stream.indirect.gather [hbm4b:s4+s16], $0x80, s3, s16, $0xb8;
	[tilespmem:$0x1E400] =	vst v63  }
0xb7: {  	s8 =	sadd.s32 s5, s13  }
0xb8: {  	[tilespmem:s18], [sflag:$0x5] =	stream.linear.gather [hbm4b:s8+s3], $0x50, $0x38;
	[tilespmem:$0x1E400] =	vst v63  }
0xb9: {  	_ =	swait.ge [sflag:s14], $0x50  }
0xba: {  	[sflag:s14] =	ssyncset.done $0x0  }
0xbb: {  	s9 =	sadd.s32 s5, s12;
	[sflag:s14] =	ssyncadd.s32 $0xFFFFFFB0  }
0xbc: {  	[tilespmem:s19], [sflag:$0x5] =	stream.linear.gather [hbm4b:s9+s3], $0x50, $0x38;
	[tilespmem:$0x1E400] =	vst v63  }
0xbd: {  	_ =	swait.ge [sflag:s14], $0x50  }
0xbe: {  	[sflag:s14] =	ssyncset.done $0x0  }
0xbf: {  	[sflag:s14] =	ssyncadd.s32 $0xFFFFFFB0  }
0xc0: {  	_ =	swait.ge [sflag:s20], $0x2800  }
0xc1: {  	[sflag:s20] =	ssyncset.done $0x0  }
0xc2: {  	[sflag:s20] =	ssyncadd.s32 $0xFFFFD800  }
0xc3: {  	[tilespmem:s21], [sflag:$0x2] =	stream.indirect.gather [hbm4b:s4+s16], $0x80, s18, s16, $0xb8;
	[tilespmem:$0x1E400] =	vst v63  }
0xc4: {  	_ = 	snop  }
0xc5: {  	[spmem:s2] =	stream.indirect.scatter.add.f32 [tilespmem:s17], [sflag:$0x5], $0x80, s15, s16, $0xb8;
	[tilespmem:$0x1E400] =	vst v63  }
0xc6: {  	_ =	swait.ge [sflag:s14], $0x2800  }
0xc7: {  	s8 =	rddreg [dreg:$0x8];
	[sflag:s14] =	ssyncset.done $0x0  }
0xc8: {  	[sflag:s14] =	ssyncadd.s32 $0xFFFFD800;
	s6 =	sadd.s32 s5, s8  }
0xc9: {  	[tilespmem:s22], [sflag:$0x5] =	stream.linear.gather [hbm4b:s6+s3], $0x50, $0x38;
	[tilespmem:$0x1E400] =	vst v63  }
0xca: {  	_ =	swait.ge [sflag:s14], $0x50  }
0xcb: {  	s9 =	rddreg [dreg:$0x7];
	[sflag:s14] =	ssyncset.done $0x0  }
0xcc: {  	[sflag:s14] =	ssyncadd.s32 $0xFFFFFFB0;
	s6 =	sadd.s32 s5, s9  }
0xcd: {  	[tilespmem:s23], [sflag:$0x5] =	stream.linear.gather [hbm4b:s6+s3], $0x50, $0x38;
	[tilespmem:$0x1E400] =	vst v63  }
0xce: {  	_ =	swait.ge [sflag:s14], $0x50  }
0xcf: {  	[sflag:s14] =	ssyncset.done $0x0  }
0xd0: {  	[sflag:s14] =	ssyncadd.s32 $0xFFFFFFB0  }
0xd1: {  	_ =	swait.ge [sflag:s24], $0x2800  }
0xd2: {  	[sflag:s24] =	ssyncset.done $0x0  }
0xd3: {  	[sflag:s24] =	ssyncadd.s32 $0xFFFFD800  }
0xd4: {  	[tilespmem:s25], [sflag:$0x3] =	stream.indirect.gather [hbm4b:s4+s16], $0x80, s22, s16, $0xb8;
	[tilespmem:$0x1E400] =	vst v63  }
0xd5: {  	_ = 	snop  }
0xd6: {  	[spmem:s2] =	stream.indirect.scatter.add.f32 [tilespmem:s21], [sflag:$0x5], $0x80, s19, s16, $0xb8;
	[tilespmem:$0x1E400] =	vst v63  }
0xd7: {  	_ =	swait.ge [sflag:s14], $0x2800  }
0xd8: {  	s8 =	rddreg [dreg:$0x6];
	[sflag:s14] =	ssyncset.done $0x0  }
0xd9: {  	[sflag:s14] =	ssyncadd.s32 $0xFFFFD800;
	s6 =	sadd.s32 s5, s8  }
0xda: {  	[tilespmem:s26], [sflag:$0x5] =	stream.linear.gather [hbm4b:s6+s3], $0x50, $0x38;
	[tilespmem:$0x1E400] =	vst v63  }
0xdb: {  	_ =	swait.ge [sflag:s14], $0x50  }
0xdc: {  	s9 =	rddreg [dreg:$0x5];
	[sflag:s14] =	ssyncset.done $0x0  }
0xdd: {  	s6 =	sadd.s32 s5, s9;
	[sflag:s14] =	ssyncadd.s32 $0xFFFFFFB0  }
0xde: {  	[tilespmem:s28], [sflag:$0x5] =	stream.linear.gather [hbm4b:s6+s3], $0x50, $0x38;
	[tilespmem:$0x1E400] =	vst v63  }
0xdf: {  	_ =	swait.ge [sflag:s14], $0x50  }
0xe0: {  	[sflag:s14] =	ssyncset.done $0x0  }
0xe1: {  	[sflag:s14] =	ssyncadd.s32 $0xFFFFFFB0  }
0xe2: {  	_ =	swait.ge [sflag:s29], $0x2800  }
0xe3: {  	[sflag:s29] =	ssyncset.done $0x0  }
0xe4: {  	[sflag:s29] =	ssyncadd.s32 $0xFFFFD800  }
0xe5: {  	[tilespmem:s30], [sflag:$0x4] =	stream.indirect.gather [hbm4b:s4+s16], $0x80, s26, s16, $0xb8;
	[tilespmem:$0x1E400] =	vst v63  }
0xe6: {  	_ = 	snop  }
0xe7: {  	[spmem:s2] =	stream.indirect.scatter.add.f32 [tilespmem:s25], [sflag:$0x5], $0x80, s23, s16, $0xb8;
	[tilespmem:$0x1E400] =	vst v63  }
0xe8: {  	_ =	swait.ge [sflag:s14], $0x2800  }
0xe9: {  	[sflag:s14] =	ssyncset.done $0x0  }
0xea: {  	[sflag:s14] =	ssyncadd.s32 $0xFFFFD800  }
0xeb: {  	_ =	swait.ge [sflag:s31], $0x2800  }
0xec: {  	[sflag:s31] =	ssyncset.done $0x0  }
0xed: {  	[sflag:s31] =	ssyncadd.s32 $0xFFFFD800  }
0xee: {  	[spmem:s2] =	stream.indirect.scatter.add.f32 [tilespmem:s30], [sflag:$0x5], $0x80, s28, s16, $0xb8;
	[tilespmem:$0x1E400] =	vst v63  }
0xef: {  	_ =	swait.ge [sflag:s14], $0x2800  }
0xf0: {  	[sflag:s14] =	ssyncset.done $0x0  }
0xf1: {  	s8 =	rddreg [dreg:$0xb];
	[sflag:s14] =	ssyncadd.s32 $0xFFFFD800  }
0xf2: {  	[tilespmem:s3], [sflag:$0x5] =	stream.linear.gather [hbm4b:s8+s3], $0x50, $0x38;
	[tilespmem:$0x1E400] =	vst v63  }
0xf3: {  	_ =	swait.ge [sflag:s14], $0x50  }
0xf4: {  	[sflag:s14] =	ssyncset.done $0x0  }
0xf5: {  	s9 =	rddreg [dreg:$0xc];
	[sflag:s14] =	ssyncadd.s32 $0xFFFFFFB0  }
0xf6: {  	[tilespmem:s15], [sflag:$0x5] =	stream.linear.gather [hbm4b:s9+s3], $0x50, $0x38;
	[tilespmem:$0x1E400] =	vst v63  }
0xf7: {  	_ =	swait.ge [sflag:s14], $0x50  }
0xf8: {  	[sflag:s14] =	ssyncset.done $0x0  }
0xf9: {  	[sflag:s14] =	ssyncadd.s32 $0xFFFFFFB0  }
0xfa: {  	[tilespmem:s17], [sflag:$0x1] =	stream.indirect.gather [hbm4b:s4+s16], $0x80, s3, s16, $0xb8;
	[tilespmem:$0x1E400] =	vst v63  }
0xfb: {  	_ =	swait.ge [sflag:s20], $0x2800  }
0xfc: {  	[sflag:s20] =	ssyncset.done $0x0  }
0xfd: {  	[sflag:s20] =	ssyncadd.s32 $0xFFFFD800  }
0xfe: {  	[spmem:s2] =	stream.indirect.scatter.add.f32 [tilespmem:s17], [sflag:$0x5], $0x80, s15, s16, $0xb8;
	[tilespmem:$0x1E400] =	vst v63  }
0xff: {  	_ =	swait.ge [sflag:s14], $0x2800  }
0x100: {  	s0 =	sadd.s32 $0x1, s0;
	[sflag:s14] =	ssyncset.done $0x0  }
0x101: {  	p0 =	sne.s32 s0, s11;
	[sflag:s14] =	ssyncadd.s32 $0xFFFFD800  }
.Ltmp1:
0x102: {  	[bflag:$0x0] =	sbarrier.arrive $0xFFFF;
	(pc) =	sbr.rel @p0 .LBB2_1-.Ltmp1, $4  }
0x103: {  	[hbm:s10], [sflag:s7] =	dma.local [spmem:s1], $0x2800  }
0x104: {  	_ =	swait.ge [sflag:s14], $0x2800  }
0x105: {  	[sflag:s14] =	ssyncset.done $0x0  }
0x106: {  	[sflag:s14] =	ssyncadd.s32 $0xFFFFD800  }
0x107: {  	_ =	sfence.sel $0x180000  }
0x108: {  	[bflag:$0x0] =	sbarrier.arrive $0xFFFF  }
0x109: {  	_ =	strace $0x90000047  }
0x10a: {  	s0 =	stileid.u32;
	[bflag:$0x2] =	sbarrier.arrive $0xFFFF  }
0x10b: {  	p0 =	sne.s32 s0, $0x0;
	s0 =	rddreg [dreg:$0x2]  }
0x10c: {  	s0 =	sadd.s32 @!p0 $0x100000, s0  }
0x10d: {  	[sflag:s0] =	ssyncadd.tile.s32 @!p0 $0x1;
	_ =	shalt  }
.Lfunc_end2:
_tile_overlayer_lowered:
.L_overlay_start_2:
0x10e: {  	(tag) =	ssettag $0x2  }
0x10f: {  	s0 =	rddreg [dreg:$0x0];
	s2 =	stileid.u32  }
0x110: {  	s1 =	rddreg [dreg:$0x1];
	p0 =	sne.s32 s2, $0x0  }
0x111: {  	s3 =	rddreg [dreg:$0x2];
	[bflag:$0x3] =	sbarrier.arrive $0xFFFF;
	s2 =	simm.s32 @!p0 $0x1C05  }
0x112: {  	[timem:s3], [sflag:s2] =	dma.local @!p0 [hbm:s0], s1  }
0x113: {  	s0 =	simm.s32 @!p0 $0x5  }
0x114: {  	_ =	swait.ge @!p0 [sflag:s0], s1  }
0x115: {  	s1 =	ssub.s32 @!p0 $0x0, s1;
	[sflag:s0] =	ssyncset.done @!p0 $0x0  }
0x116: {  	[sflag:s0] =	ssyncadd.s32 @!p0 s1  }
0x117: {  	[bflag:$0x3] =	sbarrier.arrive $0xFFFF  }
0x118: {  	_ =	shalt  }

// kernel: kernel.15.cloned.1.call-start
scs
__scs_entry_jumppad:
0x0: {  	(pc) =	sbr.rel $0x88, $3  }
0x1: {  	(tag) =	ssettag $0x0;
	lr =	simm.s32 $0x1  }
0x2: {  	[smem:$0x3F93] =	sst lr;
	_ =	strace $0xD0000000  }
0x3: {  	_ = 	snop  }
0x4: {  	_ = 	snop  }
0x5: {  	_ = 	snop  }
0x6: {  	_ = 	snop  }
0x7: {  	_ = 	snop  }
__scs_overlays_trampoline_lowered:
0x8: {  	[smem:$0x3FA2] =	sst s0  }
0x9: {  	[smem:$0x3FA3] =	sst s1  }
0xa: {  	[smem:$0x3FA4] =	sst s2  }
0xb: {  	[smem:$0x3FA5] =	sst s3  }
0xc: {  	[smem:$0x3FA6] =	sst s4  }
0xd: {  	[smem:$0x3FA7] =	sst s5  }
0xe: {  	[smem:$0x3FA8] =	sst s6  }
0xf: {  	[smem:$0x3FA9] =	sst s7  }
0x10: {  	[smem:$0x3FAA] =	sst s8  }
0x11: {  	[smem:$0x3FAB] =	sst s9;
	s0 =	simm.s32 @!p0 $0x0  }
0x12: {  	s1 =	sld [smem:$0x3F91];
	s0 =	simm.s32 @p0 $0x1  }
0x13: {  	[smem:$0x3FAC] =	sst s0;
	s0 =	simm.s32 @!p1 $0x0  }
0x14: {  	s2 =	sld [smem:$0x3F90];
	s0 =	simm.s32 @p1 $0x1  }
0x15: {  	[smem:$0x3FAD] =	sst s0;
	s0 =	simm.s32 @!p2 $0x0  }
0x16: {  	s3 =	sld [smem:$0x3FDB];
	s0 =	simm.s32 @p2 $0x1  }
0x17: {  	s4 =	simm.s32 $0x1BF5;
	[smem:$0x3FAF] =	sst s0  }
0x18: {  	s0 =	sld [smem:$0x3F92];
	_ =	swait.ge [sflag:s4], $0x0  }
0x19: {  	s7 =	sld [smem:$0x3F93]  }
0x1a: {  	s8 =	sadd.s32 $0xFFFFE003, lr  }
0x1b: {  	s9 =	sadd.s32 $0xFFFFFEF7, lr;
	s5 =	simm.s32 $0xFFFFFFFF;
	p2 =	slt.u32 s8, $0xFFFFF086  }
0x1c: {  	p1 =	slt.u32 s9, $0xF7A;
	s5 =	simm.s32 @!p2 $0x0  }
0x1d: {  	s5 =	simm.s32 @p1 $0x1;
	p0 =	seq.s32 s7, s2  }
0x1e: {  	s7 =	smul.u32 @!p0 $0xF7A, s2;
	p2 =	seq.s32 @!p0 s5, $0x0  }
0x1f: {  	s9 =	smul.u32 $0xF7A, s1;
	s8 =	simm.s32 @!p0 $0x1BF5;
	p2 =	por !p2, p0  }
0x20: {  	[sflag:s8] =	ssyncset.s32 @!p0 $0xFFFFF086;
	s6 =	sadd.s32 @!p0 s3, s7;
	s7 =	simm.s32 @!p0 $0x108  }
0x21: {  	s3 =	sadd.s32 s3, s9;
	s6 =	sadd.s32 @!p0 $0x88, s6;
	s7 =	simm.s32 @p2 $0x1082  }
0x22: {  	[simem:s7], [sflag:s8] =	dma.local @!p0 [hbm:s6], $0xF7A  }
0x23: {  	s9 =	sor.u32 $0xD0000000, s2;
	s6 =	simm.s32 $0x108;
	_ =	swait.ge @!p0 [sflag:s8], $0x0  }
0x24: {  	s3 =	sadd.s32 $0x88, s3;
	s6 =	simm.s32 @!p1 $0x1082;
	[sflag:s4] =	ssyncset.s32 $0xFFFFF086  }
0x25: {  	[simem:s6], [sflag:s4] =	dma.local [hbm:s3], $0xF7A  }
0x26: {  	[smem:$0x3F93] =	sst s1;
	(tag) =	ssettag s2;
	_ =	strace s9  }
0x27: {  	s1 =	sld [smem:$0x3FA3]  }
0x28: {  	s2 =	sld [smem:$0x3FA4]  }
0x29: {  	s4 =	sld [smem:$0x3FA6]  }
0x2a: {  	p0 =	seq.s32 s5, $0x0;
	s5 =	sld [smem:$0x3FA7]  }
0x2b: {  	s6 =	sld [smem:$0x3FA8]  }
0x2c: {  	s7 =	sld [smem:$0x3FA9]  }
0x2d: {  	s3 =	simm.s32 $0x108;
	s8 =	sld [smem:$0x3FAA]  }
0x2e: {  	s3 =	simm.s32 @!p0 $0x1082;
	s9 =	sld [smem:$0x3FAB]  }
0x2f: {  	lr =	sadd.s32 s0, s3;
	s0 =	sld [smem:$0x3FA2]  }
0x30: {  	s3 =	sld [smem:$0x3FA5]  }
0x31: {  	[smem:$0x3FAE] =	sst s10  }
0x32: {  	s10 =	sld [smem:$0x3FAC];
	_ =	sdelay $0x3  }
0x33: {  	p0 =	seq.s32 s10, $0x1;
	s10 =	sld [smem:$0x3FAE];
	_ =	sdelay $0x3  }
0x34: {  	[smem:$0x3FAE] =	sst s10  }
0x35: {  	s10 =	sld [smem:$0x3FAD];
	_ =	sdelay $0x3  }
0x36: {  	p1 =	seq.s32 s10, $0x1;
	s10 =	sld [smem:$0x3FAE];
	_ =	sdelay $0x3  }
0x37: {  	[smem:$0x3FAE] =	sst s10  }
0x38: {  	s10 =	sld [smem:$0x3FAF]  }
0x39: {  	_ = 	snop;
	(pc) =	sbr.ind lr, $3  }
0x3a: {  	_ = 	snop  }
0x3b: {  	_ = 	snop  }
0x3c: {  	p2 =	seq.s32 s10, $0x1;
	s10 =	sld [smem:$0x3FAE]  }
0x3d: {  	_ =	shalt  }
0x3e: {  	_ =	shalt  }
0x3f: {  	_ =	shalt  }
0x40: {  	_ =	shalt  }
0x41: {  	_ =	shalt  }
0x42: {  	_ =	shalt  }
0x43: {  	_ =	shalt  }
0x44: {  	_ =	shalt  }
0x45: {  	_ =	shalt  }
0x46: {  	_ =	shalt  }
0x47: {  	_ =	shalt  }
0x48: {  	_ =	shalt  }
0x49: {  	_ =	shalt  }
0x4a: {  	_ =	shalt  }
0x4b: {  	_ =	shalt  }
0x4c: {  	_ =	shalt  }
0x4d: {  	_ =	shalt  }
0x4e: {  	_ =	shalt  }
0x4f: {  	_ =	shalt  }
0x50: {  	_ =	shalt  }
0x51: {  	_ =	shalt  }
0x52: {  	_ =	shalt  }
0x53: {  	_ =	shalt  }
0x54: {  	_ =	shalt  }
0x55: {  	_ =	shalt  }
0x56: {  	_ =	shalt  }
0x57: {  	_ =	shalt  }
0x58: {  	_ =	shalt  }
0x59: {  	_ =	shalt  }
0x5a: {  	_ =	shalt  }
0x5b: {  	_ =	shalt  }
0x5c: {  	_ =	shalt  }
0x5d: {  	_ =	shalt  }
0x5e: {  	_ =	shalt  }
0x5f: {  	_ =	shalt  }
0x60: {  	_ =	shalt  }
0x61: {  	_ =	shalt  }
0x62: {  	_ =	shalt  }
0x63: {  	_ =	shalt  }
0x64: {  	_ =	shalt  }
0x65: {  	_ =	shalt  }
0x66: {  	_ =	shalt  }
0x67: {  	_ =	shalt  }
0x68: {  	_ =	shalt  }
0x69: {  	_ =	shalt  }
0x6a: {  	_ =	shalt  }
0x6b: {  	_ =	shalt  }
0x6c: {  	_ =	shalt  }
0x6d: {  	_ =	shalt  }
0x6e: {  	_ =	shalt  }
0x6f: {  	_ =	shalt  }
0x70: {  	_ =	shalt  }
0x71: {  	_ =	shalt  }
0x72: {  	_ =	shalt  }
0x73: {  	_ =	shalt  }
0x74: {  	_ =	shalt  }
0x75: {  	_ =	shalt  }
0x76: {  	_ =	shalt  }
0x77: {  	_ =	shalt  }
0x78: {  	_ =	shalt  }
0x79: {  	_ =	shalt  }
0x7a: {  	_ =	shalt  }
0x7b: {  	_ =	shalt  }
0x7c: {  	_ =	shalt  }
0x7d: {  	_ =	shalt  }
0x7e: {  	_ =	shalt  }
0x7f: {  	_ =	shalt  }
0x80: {  	_ =	shalt  }
0x81: {  	_ =	shalt  }
0x82: {  	_ =	shalt  }
0x83: {  	_ =	shalt  }
0x84: {  	_ =	shalt  }
0x85: {  	_ =	shalt  }
0x86: {  	_ =	shalt  }
0x87: {  	_ =	shalt  }
.Lfunc_end0:
.L_simem_size_0:
called_computation.1_lowered:
.L_overlay_start_0:
0x88: {  	s2 =	sld [smem:$0x3FD9]  }
0x89: {  	s3 =	sld [smem:$0x3FFE];
	_ =	sdelay $0x1  }
0x8a: {  	s1 =	srdreg.scid  }
0x8b: {  	s0 =	sand.u32 $0x1, s1  }
0x8c: {  	s16 =	sshll.u32 s0, $0xA;
	s2 =	sadd.s32 s3, s2  }
0x8d: {  	s2 =	sadd.s32 s2, s16  }
0x8e: {  	[smem:$0x3FBA] =	sst s2  }
0x8f: {  	_ = 	snop  }
0x90: {  	(tm) =	ssettm $0x1  }
0x91: {  	s17 =	sld [smem:$0x3FFB];
	_ =	sdelay $0x3  }
0x92: {  	_ =	strace s17  }
0x93: {  	s2 =	sld [smem:$0x3FFC];
	_ =	sdelay $0x3  }
0x94: {  	_ =	strace s2  }
0x95: {  	s2 =	sld [smem:$0x3FFD];
	_ =	sdelay $0x3  }
0x96: {  	_ =	strace s2  }
0x97: {  	_ =	strace $0x8FFFFFFF  }
0x98: {  	s18 =	sld [smem:$0x3FDB];
	_ =	sdelay $0x1  }
0x99: {  	s19 =	simm.s32 $_scs_section_size  }
0x9a: {  	s4 =	simm.s32 $_size__tile_overlayer_lowered;
	s5 =	simm.s32 $_tile_overlayer_lowered  }
0x9b: {  	s22 =	simm.s32 $0x1BFF;
	s21 =	sshll.u32 s5, $0x1;
	s2 =	sadd.s32 s19, s18  }
0x9c: {  	s6 =	simm.s32 $0x0;
	s20 =	sshll.u32 s4, $0x1;
	s4 =	sadd.s32 s21, s2  }
0x9d: {  	[timem:s6], [sflag:s22] =	dma.local [hbm:s4], s20  }
0x9e: {  	_ =	swait.ge [sflag:s22], s20  }
0x9f: {  	s3 =	ssub.s32 $0x0, s20;
	[sflag:s22] =	ssyncset.done $0x0  }
0xa0: {  	[sflag:s22] =	ssyncadd.s32 s3;
	_ =	sdelay $0x1  }
0xa1: {  	s23 =	simm.s32 $0x1B8B  }
0xa2: {  	_ =	swait.ge [sflag:s23], $0x1  }
0xa3: {  	[sflag:s23] =	ssyncset.done $0x0  }
0xa4: {  	s25 =	simm.s32 $0x1B8E;
	s24 =	sld [smem:$0x3FFE];
	[sflag:s23] =	ssyncadd.s32 $0xFFFFFFFF  }
0xa5: {  	s26 =	simm.s32 $execute0_lowered;
	[smem:$0x3FD2] =	sst s25  }
0xa6: {  	s4 =	sshll.u32 s26, $0x1;
	_ =	strace $0x80000049;
	[dreg:$0x1] =	wrdreg $0xFFFFFFFF  }
0xa7: {  	s28 =	simm.s32 $_size_execute0_lowered;
	s2 =	sadd.s32 s2, s4;
	[dreg:$0x0] =	wrdreg $0x0  }
0xa8: {  	s4 =	sshll.u32 s28, $0x1;
	[dreg:$0x2] =	wrdreg s2  }
0xa9: {  	[dreg:$0x3] =	wrdreg s4  }
0xaa: {  	[dreg:$0x4] =	wrdreg $0xC0  }
0xab: {  	_ =	task [dreg:s6], $0x5FFFF  }
0xac: {  	[dreg:$0x1] =	wrdreg $0xFFFFFFFF  }
0xad: {  	[dreg:$0x0] =	wrdreg $0x60  }
0xae: {  	[dreg:$0x2] =	wrdreg s24  }
0xaf: {  	[dreg:$0x3] =	wrdreg $0xA4000  }
0xb0: {  	[dreg:$0x4] =	wrdreg $0x9  }
0xb1: {  	_ =	task.clear_ibuf [dreg:s6], $0x5FFFF;
	_ =	strace $0x90000049  }
0xb2: {  	s29 =	simm.s32 $0x9;
	_ =	strace $0x8000004B  }
0xb3: {  	_ =	swait.ge [sflag:s29], $0x1  }
0xb4: {  	[sflag:s29] =	ssyncadd.s32 $0xFFFFFFFF  }
0xb5: {  	_ =	strace $0x9000004B  }
0xb6: {  	_ =	sfence  }
0xb7: {  	s30 =	sld [smem:$0x0];
	_ =	sdelay $0x2  }
0xb8: {  	s31 =	sshll.u32 s1, $0xD;
	s1 =	sshrl.u32 s1, $0x2  }
0xb9: {  	s3 =	sand.u32 $0x4000, s31;
	s1 =	sadd.s32 s1, s30  }
0xba: {  	s0 =	sor.u32 s3, s0;
	s1 =	sshll.u32 s1, $0x11  }
0xbb: {  	s0 =	sor.u32 s1, s0  }
0xbc: {  	s0 =	sadd.s32 $0x8F2B, s0  }
0xbd: {  	[sflag:s0] =	ssyncadd.remote.s32 $0x1  }
0xbe: {  	_ =	sfence.sel $0xFFFF  }
0xbf: {  	[dreg:$0x0] =	wrdreg $0xFFFFFFFF;
	(pc) =	sbr.abs _section_cstart, $3  }
0xc0: {  	[dreg:$0x1] =	wrdreg $0xFFFFFFFF  }
0xc1: {  	_ =	task.clear_ibuf [dreg:s6], $0x2FFFF;
	_ =	strace $0x9FFFFFFF  }
0xc2: {  	(tm) =	ssettm $0x7FFFFFFF  }
0xc3: {  	_ =	shalt  }
tec
execute0_lowered:
.L_overlay_start_1:
0x0: {  	(tag) =	ssettag $0x1  }
0x1: {  	s0 =	rddreg [dreg:$0x0]  }
0x2: {  	s2 =	rddreg [dreg:$0x1]  }
0x3: {  	s3 =	simm.s32 $0x0;
	s12 =	stileid.u32;
	s1 =	srdreg.scid  }
0x4: {  	s28 =	simm.s32 $0x380;
	s29 =	simm.s32 $0x3;
	s30 =	simm.s32 $0x7C00  }
0x5: {  	s31 =	simm.s32 $0x4;
	[smem:$0x7FF] =	sst s3;
	s5 =	smul.u32 $0x2800, s12  }
0x6: {  	s1 =	sand.u32 $0x1, s1;
	s4 =	sadd.s32 $0x40000, s0;
	s11 =	smul.u32 $0x50000, s12  }
0x7: {  	s8 =	sadd.s32 $0xE200, s0;
	s9 =	sadd.s32 $0x4400, s0;
	s14 =	smul.u32 $0x2710, s12  }
0x8: {  	s15 =	sshll.u32 s12, $0x6;
	_ =	strace $0x8000004A;
	s6 =	smul.u32 $0x28000, s1  }
0x9: {  	s25 =	sshll.u32 s1, $0x4;
	s10 =	ssub.s32 $0x2, s1;
	s1 =	smul.u32 $0x27100, s1  }
0xa: {  	s7 =	sadd.s32 s5, s0;
	s26 =	sshrl.u32 s10, $0x1;
	s13 =	sshrl.u32 s11, $0x2  }
0xb: {  	s5 =	sadd.s32 s5, s6;
	s6 =	sor.u32 s12, s25;
	s7 =	sadd.s32 $0x18000, s7  }
0xc: {  	s1 =	sadd.s32 s14, s1;
	s14 =	simm.s32 $0x5;
	s0 =	sadd.s32 s5, s0  }
0xd: {  	s6 =	smul.u32 $0x2710, s6;
	s5 =	ssub.s32 s10, s26;
	s10 =	sadd.s32 s13, s2  }
0xe: {  	[dreg:$0xa] =	wrdreg s7;
	s7 =	sor.u32 $0x1C05, s15;
	s17 =	sshrl.u32 s1, $0x3  }
0xf: {  	s19 =	sadd.s32 $0xF0, s1;
	s22 =	sadd.s32 $0xA0, s1;
	s1 =	sadd.s32 $0x50, s1  }
0x10: {  	s15 =	simm.s32 $0x200;
	[dreg:$0x9] =	wrdreg s10;
	s10 =	sadd.s32 $0x8E400, s0  }
0x11: {  	s11 =	smax.u32 s5, $0x1;
	s18 =	sadd.s32 s17, s9;
	s0 =	sadd.s32 s17, s8  }
0x12: {  	s20 =	sshrl.u32 s19, $0x3;
	s24 =	sshrl.u32 s22, $0x3;
	s1 =	sshrl.u32 s1, $0x3  }
0x13: {  	s17 =	simm.s32 $0x400;
	s19 =	simm.s32 $0x280;
	[dreg:$0x3] =	wrdreg s18  }
0x14: {  	s22 =	simm.s32 $0x100;
	s6 =	sshrl.u32 s6, $0x3;
	[dreg:$0x4] =	wrdreg s0  }
0x15: {  	s21 =	sadd.s32 s20, s9;
	s23 =	sadd.s32 s20, s8;
	s25 =	sadd.s32 s24, s9  }
0x16: {  	s26 =	sadd.s32 s24, s8;
	s12 =	sadd.s32 s1, s9;
	[dreg:$0x5] =	wrdreg s21  }
0x17: {  	s13 =	sadd.s32 s1, s8;
	s18 =	simm.s32 $0x80;
	[dreg:$0x6] =	wrdreg s23  }
0x18: {  	s20 =	simm.s32 $0x1;
	s24 =	simm.s32 $0x2;
	[dreg:$0x7] =	wrdreg s25  }
0x19: {  	s0 =	simm.s32 $0x0;
	s6 =	sadd.s32 $0x4D8, s6;
	[dreg:$0x8] =	wrdreg s26  }
0x1a: {  	s21 =	simm.s32 $0x2C00;
	s23 =	simm.s32 $0x300;
	s16 =	sadd.s32 s8, s6  }
0x1b: {  	s25 =	simm.s32 $0x5400;
	s6 =	sadd.s32 s9, s6;
	[dreg:$0xb] =	wrdreg s16  }
0x1c: {  	s26 =	simm.s32 $0x180;
	[dreg:$0xc] =	wrdreg s6;
	s16 =	simm.s32 $0x50  }
.LBB2_1:
0x1d: {  	s1 =	rddreg [dreg:$0x9]  }
0x1e: {  	s5 =	rddreg [dreg:$0xa];
	s1 =	sshrl.u32 s1, $0x3  }
0x1f: {  	[spmem:s1], [sflag:s7] =	dma.local [hbm:s5], $0x2800  }
0x20: {  	_ =	swait.ge [sflag:s14], $0x2800  }
0x21: {  	[sflag:s14] =	ssyncset.done $0x0  }
0x22: {  	[sflag:s14] =	ssyncadd.s32 $0xFFFFD800  }
0x23: {  	[bflag:$0x0] =	sbarrier.arrive $0xFFFF  }
0x24: {  	s8 =	rddreg [dreg:$0x4]  }
0x25: {  	s5 =	sadd.s32 $0x0, s8  }
0x26: {  	[tilespmem:s3], [sflag:$0x5] =	stream.linear.gather [hbm4b:s5+s3], $0x50, $0x38;
	[tilespmem:$0x1E400] =	vst v63  }
0x27: {  	_ =	swait.ge [sflag:s14], $0x50  }
0x28: {  	s9 =	rddreg [dreg:$0x3];
	[sflag:s14] =	ssyncset.done $0x0  }
0x29: {  	[sflag:s14] =	ssyncadd.s32 $0xFFFFFFB0;
	s5 =	sadd.s32 $0x0, s9  }
0x2a: {  	[tilespmem:s15], [sflag:$0x5] =	stream.linear.gather [hbm4b:s5+s3], $0x50, $0x38;
	[tilespmem:$0x1E400] =	vst v63  }
0x2b: {  	_ =	swait.ge [sflag:s14], $0x50  }
0x2c: {  	[sflag:s14] =	ssyncset.done $0x0  }
0x2d: {  	[sflag:s14] =	ssyncadd.s32 $0xFFFFFFB0  }
0x2e: {  	[tilespmem:s17], [sflag:$0x1] =	stream.indirect.gather [hbm4b:s4+s16], $0x80, s3, s16, $0xb8;
	[tilespmem:$0x1E400] =	vst v63  }
0x2f: {  	s6 =	sadd.s32 $0x0, s13  }
0x30: {  	[tilespmem:s18], [sflag:$0x5] =	stream.linear.gather [hbm4b:s6+s3], $0x50, $0x38;
	[tilespmem:$0x1E400] =	vst v63  }
0x31: {  	_ =	swait.ge [sflag:s14], $0x50  }
0x32: {  	[sflag:s14] =	ssyncset.done $0x0  }
0x33: {  	s8 =	sadd.s32 $0x0, s12;
	[sflag:s14] =	ssyncadd.s32 $0xFFFFFFB0  }
0x34: {  	[tilespmem:s19], [sflag:$0x5] =	stream.linear.gather [hbm4b:s8+s3], $0x50, $0x38;
	[tilespmem:$0x1E400] =	vst v63  }
0x35: {  	_ =	swait.ge [sflag:s14], $0x50  }
0x36: {  	[sflag:s14] =	ssyncset.done $0x0  }
0x37: {  	[sflag:s14] =	ssyncadd.s32 $0xFFFFFFB0  }
0x38: {  	_ =	swait.ge [sflag:s20], $0x2800  }
0x39: {  	[sflag:s20] =	ssyncset.done $0x0  }
0x3a: {  	[sflag:s20] =	ssyncadd.s32 $0xFFFFD800  }
0x3b: {  	[tilespmem:s21], [sflag:$0x2] =	stream.indirect.gather [hbm4b:s4+s16], $0x80, s18, s16, $0xb8;
	[tilespmem:$0x1E400] =	vst v63  }
0x3c: {  	_ = 	snop  }
0x3d: {  	[spmem:s2] =	stream.indirect.scatter.add.f32 [tilespmem:s17], [sflag:$0x5], $0x80, s15, s16, $0xb8;
	[tilespmem:$0x1E400] =	vst v63  }
0x3e: {  	_ =	swait.ge [sflag:s14], $0x2800  }
0x3f: {  	s9 =	rddreg [dreg:$0x8];
	[sflag:s14] =	ssyncset.done $0x0  }
0x40: {  	[sflag:s14] =	ssyncadd.s32 $0xFFFFD800;
	s5 =	sadd.s32 $0x0, s9  }
0x41: {  	[tilespmem:s22], [sflag:$0x5] =	stream.linear.gather [hbm4b:s5+s3], $0x50, $0x38;
	[tilespmem:$0x1E400] =	vst v63  }
0x42: {  	_ =	swait.ge [sflag:s14], $0x50  }
0x43: {  	s6 =	rddreg [dreg:$0x7];
	[sflag:s14] =	ssyncset.done $0x0  }
0x44: {  	[sflag:s14] =	ssyncadd.s32 $0xFFFFFFB0;
	s5 =	sadd.s32 $0x0, s6  }
0x45: {  	[tilespmem:s23], [sflag:$0x5] =	stream.linear.gather [hbm4b:s5+s3], $0x50, $0x38;
	[tilespmem:$0x1E400] =	vst v63  }
0x46: {  	_ =	swait.ge [sflag:s14], $0x50  }
0x47: {  	[sflag:s14] =	ssyncset.done $0x0  }
0x48: {  	[sflag:s14] =	ssyncadd.s32 $0xFFFFFFB0  }
0x49: {  	_ =	swait.ge [sflag:s24], $0x2800  }
0x4a: {  	[sflag:s24] =	ssyncset.done $0x0  }
0x4b: {  	[sflag:s24] =	ssyncadd.s32 $0xFFFFD800  }
0x4c: {  	[tilespmem:s25], [sflag:$0x3] =	stream.indirect.gather [hbm4b:s4+s16], $0x80, s22, s16, $0xb8;
	[tilespmem:$0x1E400] =	vst v63  }
0x4d: {  	_ = 	snop  }
0x4e: {  	[spmem:s2] =	stream.indirect.scatter.add.f32 [tilespmem:s21], [sflag:$0x5], $0x80, s19, s16, $0xb8;
	[tilespmem:$0x1E400] =	vst v63  }
0x4f: {  	_ =	swait.ge [sflag:s14], $0x2800  }
0x50: {  	s8 =	rddreg [dreg:$0x6];
	[sflag:s14] =	ssyncset.done $0x0  }
0x51: {  	[sflag:s14] =	ssyncadd.s32 $0xFFFFD800;
	s5 =	sadd.s32 $0x0, s8  }
0x52: {  	[tilespmem:s26], [sflag:$0x5] =	stream.linear.gather [hbm4b:s5+s3], $0x50, $0x38;
	[tilespmem:$0x1E400] =	vst v63  }
0x53: {  	_ =	swait.ge [sflag:s14], $0x50  }
0x54: {  	s9 =	rddreg [dreg:$0x5];
	[sflag:s14] =	ssyncset.done $0x0  }
0x55: {  	[sflag:s14] =	ssyncadd.s32 $0xFFFFFFB0;
	s5 =	sadd.s32 $0x0, s9  }
0x56: {  	[tilespmem:s28], [sflag:$0x5] =	stream.linear.gather [hbm4b:s5+s3], $0x50, $0x38;
	[tilespmem:$0x1E400] =	vst v63  }
0x57: {  	_ =	swait.ge [sflag:s14], $0x50  }
0x58: {  	[sflag:s14] =	ssyncset.done $0x0  }
0x59: {  	[sflag:s14] =	ssyncadd.s32 $0xFFFFFFB0  }
0x5a: {  	_ =	swait.ge [sflag:s29], $0x2800  }
0x5b: {  	[sflag:s29] =	ssyncset.done $0x0  }
0x5c: {  	[sflag:s29] =	ssyncadd.s32 $0xFFFFD800  }
0x5d: {  	[tilespmem:s30], [sflag:$0x4] =	stream.indirect.gather [hbm4b:s4+s16], $0x80, s26, s16, $0xb8;
	[tilespmem:$0x1E400] =	vst v63  }
0x5e: {  	_ = 	snop  }
0x5f: {  	[spmem:s2] =	stream.indirect.scatter.add.f32 [tilespmem:s25], [sflag:$0x5], $0x80, s23, s16, $0xb8;
	[tilespmem:$0x1E400] =	vst v63  }
0x60: {  	_ =	swait.ge [sflag:s14], $0x2800  }
0x61: {  	[sflag:s14] =	ssyncset.done $0x0  }
0x62: {  	[sflag:s14] =	ssyncadd.s32 $0xFFFFD800  }
0x63: {  	_ =	swait.ge [sflag:s31], $0x2800  }
0x64: {  	[sflag:s31] =	ssyncset.done $0x0  }
0x65: {  	[sflag:s31] =	ssyncadd.s32 $0xFFFFD800  }
0x66: {  	[spmem:s2] =	stream.indirect.scatter.add.f32 [tilespmem:s30], [sflag:$0x5], $0x80, s28, s16, $0xb8;
	[tilespmem:$0x1E400] =	vst v63  }
0x67: {  	s6 =	simm.s32 $0x50;
	_ =	swait.ge [sflag:s14], $0x2800  }
0x68: {  	s5 =	simm.s32 $0x28;
	s9 =	rddreg [dreg:$0x4];
	[sflag:s14] =	ssyncset.done $0x0  }
.LBB2_2:
0x69: {  	[sflag:s14] =	ssyncadd.s32 $0xFFFFD800;
	s9 =	sadd.s32 s5, s9  }
0x6a: {  	[tilespmem:s3], [sflag:$0x5] =	stream.linear.gather [hbm4b:s9+s3], $0x50, $0x38;
	[tilespmem:$0x1E400] =	vst v63  }
0x6b: {  	_ =	swait.ge [sflag:s14], $0x50  }
0x6c: {  	s9 =	rddreg [dreg:$0x3];
	[sflag:s14] =	ssyncset.done $0x0  }
0x6d: {  	[sflag:s14] =	ssyncadd.s32 $0xFFFFFFB0;
	s9 =	sadd.s32 s5, s9  }
0x6e: {  	[tilespmem:s15], [sflag:$0x5] =	stream.linear.gather [hbm4b:s9+s3], $0x50, $0x38;
	[tilespmem:$0x1E400] =	vst v63  }
0x6f: {  	_ =	swait.ge [sflag:s14], $0x50  }
0x70: {  	[sflag:s14] =	ssyncset.done $0x0  }
0x71: {  	[sflag:s14] =	ssyncadd.s32 $0xFFFFFFB0  }
0x72: {  	[tilespmem:s17], [sflag:$0x1] =	stream.indirect.gather [hbm4b:s4+s16], $0x80, s3, s16, $0xb8;
	[tilespmem:$0x1E400] =	vst v63  }
0x73: {  	s9 =	sadd.s32 s5, s13  }
0x74: {  	[tilespmem:s18], [sflag:$0x5] =	stream.linear.gather [hbm4b:s9+s3], $0x50, $0x38;
	[tilespmem:$0x1E400] =	vst v63  }
0x75: {  	_ =	swait.ge [sflag:s14], $0x50  }
0x76: {  	[sflag:s14] =	ssyncset.done $0x0  }
0x77: {  	s9 =	sadd.s32 s5, s12;
	[sflag:s14] =	ssyncadd.s32 $0xFFFFFFB0  }
0x78: {  	[tilespmem:s19], [sflag:$0x5] =	stream.linear.gather [hbm4b:s9+s3], $0x50, $0x38;
	[tilespmem:$0x1E400] =	vst v63  }
0x79: {  	_ =	swait.ge [sflag:s14], $0x50  }
0x7a: {  	[sflag:s14] =	ssyncset.done $0x0  }
0x7b: {  	[sflag:s14] =	ssyncadd.s32 $0xFFFFFFB0  }
0x7c: {  	_ =	swait.ge [sflag:s20], $0x2800  }
0x7d: {  	[sflag:s20] =	ssyncset.done $0x0  }
0x7e: {  	[sflag:s20] =	ssyncadd.s32 $0xFFFFD800  }
0x7f: {  	[tilespmem:s21], [sflag:$0x2] =	stream.indirect.gather [hbm4b:s4+s16], $0x80, s18, s16, $0xb8;
	[tilespmem:$0x1E400] =	vst v63  }
0x80: {  	_ = 	snop  }
0x81: {  	[spmem:s2] =	stream.indirect.scatter.add.f32 [tilespmem:s17], [sflag:$0x5], $0x80, s15, s16, $0xb8;
	[tilespmem:$0x1E400] =	vst v63  }
0x82: {  	_ =	swait.ge [sflag:s14], $0x2800  }
0x83: {  	s9 =	rddreg [dreg:$0x8];
	[sflag:s14] =	ssyncset.done $0x0  }
0x84: {  	[sflag:s14] =	ssyncadd.s32 $0xFFFFD800;
	s9 =	sadd.s32 s5, s9  }
0x85: {  	[tilespmem:s22], [sflag:$0x5] =	stream.linear.gather [hbm4b:s9+s3], $0x50, $0x38;
	[tilespmem:$0x1E400] =	vst v63  }
0x86: {  	_ =	swait.ge [sflag:s14], $0x50  }
0x87: {  	s9 =	rddreg [dreg:$0x7];
	[sflag:s14] =	ssyncset.done $0x0  }
0x88: {  	[sflag:s14] =	ssyncadd.s32 $0xFFFFFFB0;
	s9 =	sadd.s32 s5, s9  }
0x89: {  	[tilespmem:s23], [sflag:$0x5] =	stream.linear.gather [hbm4b:s9+s3], $0x50, $0x38;
	[tilespmem:$0x1E400] =	vst v63  }
0x8a: {  	_ =	swait.ge [sflag:s14], $0x50  }
0x8b: {  	[sflag:s14] =	ssyncset.done $0x0  }
0x8c: {  	[sflag:s14] =	ssyncadd.s32 $0xFFFFFFB0  }
0x8d: {  	_ =	swait.ge [sflag:s24], $0x2800  }
0x8e: {  	[sflag:s24] =	ssyncset.done $0x0  }
0x8f: {  	[sflag:s24] =	ssyncadd.s32 $0xFFFFD800  }
0x90: {  	[tilespmem:s25], [sflag:$0x3] =	stream.indirect.gather [hbm4b:s4+s16], $0x80, s22, s16, $0xb8;
	[tilespmem:$0x1E400] =	vst v63  }
0x91: {  	_ = 	snop  }
0x92: {  	[spmem:s2] =	stream.indirect.scatter.add.f32 [tilespmem:s21], [sflag:$0x5], $0x80, s19, s16, $0xb8;
	[tilespmem:$0x1E400] =	vst v63  }
0x93: {  	_ =	swait.ge [sflag:s14], $0x2800  }
0x94: {  	s9 =	rddreg [dreg:$0x6];
	[sflag:s14] =	ssyncset.done $0x0  }
0x95: {  	[sflag:s14] =	ssyncadd.s32 $0xFFFFD800;
	s9 =	sadd.s32 s5, s9  }
0x96: {  	[tilespmem:s26], [sflag:$0x5] =	stream.linear.gather [hbm4b:s9+s3], $0x50, $0x38;
	[tilespmem:$0x1E400] =	vst v63  }
0x97: {  	_ =	swait.ge [sflag:s14], $0x50  }
0x98: {  	s9 =	rddreg [dreg:$0x5];
	[sflag:s14] =	ssyncset.done $0x0  }
0x99: {  	[sflag:s14] =	ssyncadd.s32 $0xFFFFFFB0;
	s9 =	sadd.s32 s5, s9  }
0x9a: {  	[tilespmem:s28], [sflag:$0x5] =	stream.linear.gather [hbm4b:s9+s3], $0x50, $0x38;
	[tilespmem:$0x1E400] =	vst v63  }
0x9b: {  	_ =	swait.ge [sflag:s14], $0x50  }
0x9c: {  	[sflag:s14] =	ssyncset.done $0x0  }
0x9d: {  	[sflag:s14] =	ssyncadd.s32 $0xFFFFFFB0  }
0x9e: {  	_ =	swait.ge [sflag:s29], $0x2800  }
0x9f: {  	[sflag:s29] =	ssyncset.done $0x0  }
0xa0: {  	[sflag:s29] =	ssyncadd.s32 $0xFFFFD800  }
0xa1: {  	[tilespmem:s30], [sflag:$0x4] =	stream.indirect.gather [hbm4b:s4+s16], $0x80, s26, s16, $0xb8;
	[tilespmem:$0x1E400] =	vst v63  }
0xa2: {  	_ = 	snop  }
0xa3: {  	[spmem:s2] =	stream.indirect.scatter.add.f32 [tilespmem:s25], [sflag:$0x5], $0x80, s23, s16, $0xb8;
	[tilespmem:$0x1E400] =	vst v63  }
0xa4: {  	_ =	swait.ge [sflag:s14], $0x2800  }
0xa5: {  	[sflag:s14] =	ssyncset.done $0x0  }
0xa6: {  	[sflag:s14] =	ssyncadd.s32 $0xFFFFD800  }
0xa7: {  	p0 =	sne.s32 s6, $0x4B0;
	_ =	swait.ge [sflag:s31], $0x2800  }
.Ltmp0:
0xa8: {  	[sflag:s31] =	ssyncset.done $0x0;
	(pc) =	sbr.rel @p0 .LBB2_2-.Ltmp0, $4  }
0xa9: {  	[sflag:s31] =	ssyncadd.s32 $0xFFFFD800  }
0xaa: {  	[spmem:s2] =	stream.indirect.scatter.add.f32 [tilespmem:s30], [sflag:$0x5], $0x80, s28, s16, $0xb8;
	[tilespmem:$0x1E400] =	vst v63  }
0xab: {  	s8 =	smov.u32 s6;
	s6 =	sadd.s32 $0x28, s6;
	_ =	swait.ge [sflag:s14], $0x2800  }
0xac: {  	s5 =	smov.u32 s8;
	s9 =	rddreg [dreg:$0x4];
	[sflag:s14] =	ssyncset.done $0x0  }
0xad: {  	[sflag:s14] =	ssyncadd.s32 $0xFFFFD800;
	s6 =	sadd.s32 s5, s9  }
0xae: {  	[tilespmem:s3], [sflag:$0x5] =	stream.linear.gather [hbm4b:s6+s3], $0x50, $0x38;
	[tilespmem:$0x1E400] =	vst v63  }
0xaf: {  	_ =	swait.ge [sflag:s14], $0x50  }
0xb0: {  	s9 =	rddreg [dreg:$0x3];
	[sflag:s14] =	ssyncset.done $0x0  }
0xb1: {  	[sflag:s14] =	ssyncadd.s32 $0xFFFFFFB0;
	s6 =	sadd.s32 s5, s9  }
0xb2: {  	[tilespmem:s15], [sflag:$0x5] =	stream.linear.gather [hbm4b:s6+s3], $0x50, $0x38;
	[tilespmem:$0x1E400] =	vst v63  }
0xb3: {  	_ =	swait.ge [sflag:s14], $0x50  }
0xb4: {  	[sflag:s14] =	ssyncset.done $0x0  }
0xb5: {  	[sflag:s14] =	ssyncadd.s32 $0xFFFFFFB0  }
0xb6: {  	[tilespmem:s17], [sflag:$0x1] =	stream.indirect.gather [hbm4b:s4+s16], $0x80, s3, s16, $0xb8;
	[tilespmem:$0x1E400] =	vst v63  }
0xb7: {  	s8 =	sadd.s32 s5, s13  }
0xb8: {  	[tilespmem:s18], [sflag:$0x5] =	stream.linear.gather [hbm4b:s8+s3], $0x50, $0x38;
	[tilespmem:$0x1E400] =	vst v63  }
0xb9: {  	_ =	swait.ge [sflag:s14], $0x50  }
0xba: {  	[sflag:s14] =	ssyncset.done $0x0  }
0xbb: {  	s9 =	sadd.s32 s5, s12;
	[sflag:s14] =	ssyncadd.s32 $0xFFFFFFB0  }
0xbc: {  	[tilespmem:s19], [sflag:$0x5] =	stream.linear.gather [hbm4b:s9+s3], $0x50, $0x38;
	[tilespmem:$0x1E400] =	vst v63  }
0xbd: {  	_ =	swait.ge [sflag:s14], $0x50  }
0xbe: {  	[sflag:s14] =	ssyncset.done $0x0  }
0xbf: {  	[sflag:s14] =	ssyncadd.s32 $0xFFFFFFB0  }
0xc0: {  	_ =	swait.ge [sflag:s20], $0x2800  }
0xc1: {  	[sflag:s20] =	ssyncset.done $0x0  }
0xc2: {  	[sflag:s20] =	ssyncadd.s32 $0xFFFFD800  }
0xc3: {  	[tilespmem:s21], [sflag:$0x2] =	stream.indirect.gather [hbm4b:s4+s16], $0x80, s18, s16, $0xb8;
	[tilespmem:$0x1E400] =	vst v63  }
0xc4: {  	_ = 	snop  }
0xc5: {  	[spmem:s2] =	stream.indirect.scatter.add.f32 [tilespmem:s17], [sflag:$0x5], $0x80, s15, s16, $0xb8;
	[tilespmem:$0x1E400] =	vst v63  }
0xc6: {  	_ =	swait.ge [sflag:s14], $0x2800  }
0xc7: {  	s8 =	rddreg [dreg:$0x8];
	[sflag:s14] =	ssyncset.done $0x0  }
0xc8: {  	[sflag:s14] =	ssyncadd.s32 $0xFFFFD800;
	s6 =	sadd.s32 s5, s8  }
0xc9: {  	[tilespmem:s22], [sflag:$0x5] =	stream.linear.gather [hbm4b:s6+s3], $0x50, $0x38;
	[tilespmem:$0x1E400] =	vst v63  }
0xca: {  	_ =	swait.ge [sflag:s14], $0x50  }
0xcb: {  	s9 =	rddreg [dreg:$0x7];
	[sflag:s14] =	ssyncset.done $0x0  }
0xcc: {  	[sflag:s14] =	ssyncadd.s32 $0xFFFFFFB0;
	s6 =	sadd.s32 s5, s9  }
0xcd: {  	[tilespmem:s23], [sflag:$0x5] =	stream.linear.gather [hbm4b:s6+s3], $0x50, $0x38;
	[tilespmem:$0x1E400] =	vst v63  }
0xce: {  	_ =	swait.ge [sflag:s14], $0x50  }
0xcf: {  	[sflag:s14] =	ssyncset.done $0x0  }
0xd0: {  	[sflag:s14] =	ssyncadd.s32 $0xFFFFFFB0  }
0xd1: {  	_ =	swait.ge [sflag:s24], $0x2800  }
0xd2: {  	[sflag:s24] =	ssyncset.done $0x0  }
0xd3: {  	[sflag:s24] =	ssyncadd.s32 $0xFFFFD800  }
0xd4: {  	[tilespmem:s25], [sflag:$0x3] =	stream.indirect.gather [hbm4b:s4+s16], $0x80, s22, s16, $0xb8;
	[tilespmem:$0x1E400] =	vst v63  }
0xd5: {  	_ = 	snop  }
0xd6: {  	[spmem:s2] =	stream.indirect.scatter.add.f32 [tilespmem:s21], [sflag:$0x5], $0x80, s19, s16, $0xb8;
	[tilespmem:$0x1E400] =	vst v63  }
0xd7: {  	_ =	swait.ge [sflag:s14], $0x2800  }
0xd8: {  	s8 =	rddreg [dreg:$0x6];
	[sflag:s14] =	ssyncset.done $0x0  }
0xd9: {  	[sflag:s14] =	ssyncadd.s32 $0xFFFFD800;
	s6 =	sadd.s32 s5, s8  }
0xda: {  	[tilespmem:s26], [sflag:$0x5] =	stream.linear.gather [hbm4b:s6+s3], $0x50, $0x38;
	[tilespmem:$0x1E400] =	vst v63  }
0xdb: {  	_ =	swait.ge [sflag:s14], $0x50  }
0xdc: {  	s9 =	rddreg [dreg:$0x5];
	[sflag:s14] =	ssyncset.done $0x0  }
0xdd: {  	s6 =	sadd.s32 s5, s9;
	[sflag:s14] =	ssyncadd.s32 $0xFFFFFFB0  }
0xde: {  	[tilespmem:s28], [sflag:$0x5] =	stream.linear.gather [hbm4b:s6+s3], $0x50, $0x38;
	[tilespmem:$0x1E400] =	vst v63  }
0xdf: {  	_ =	swait.ge [sflag:s14], $0x50  }
0xe0: {  	[sflag:s14] =	ssyncset.done $0x0  }
0xe1: {  	[sflag:s14] =	ssyncadd.s32 $0xFFFFFFB0  }
0xe2: {  	_ =	swait.ge [sflag:s29], $0x2800  }
0xe3: {  	[sflag:s29] =	ssyncset.done $0x0  }
0xe4: {  	[sflag:s29] =	ssyncadd.s32 $0xFFFFD800  }
0xe5: {  	[tilespmem:s30], [sflag:$0x4] =	stream.indirect.gather [hbm4b:s4+s16], $0x80, s26, s16, $0xb8;
	[tilespmem:$0x1E400] =	vst v63  }
0xe6: {  	_ = 	snop  }
0xe7: {  	[spmem:s2] =	stream.indirect.scatter.add.f32 [tilespmem:s25], [sflag:$0x5], $0x80, s23, s16, $0xb8;
	[tilespmem:$0x1E400] =	vst v63  }
0xe8: {  	_ =	swait.ge [sflag:s14], $0x2800  }
0xe9: {  	[sflag:s14] =	ssyncset.done $0x0  }
0xea: {  	[sflag:s14] =	ssyncadd.s32 $0xFFFFD800  }
0xeb: {  	_ =	swait.ge [sflag:s31], $0x2800  }
0xec: {  	[sflag:s31] =	ssyncset.done $0x0  }
0xed: {  	[sflag:s31] =	ssyncadd.s32 $0xFFFFD800  }
0xee: {  	[spmem:s2] =	stream.indirect.scatter.add.f32 [tilespmem:s30], [sflag:$0x5], $0x80, s28, s16, $0xb8;
	[tilespmem:$0x1E400] =	vst v63  }
0xef: {  	_ =	swait.ge [sflag:s14], $0x2800  }
0xf0: {  	[sflag:s14] =	ssyncset.done $0x0  }
0xf1: {  	s8 =	rddreg [dreg:$0xb];
	[sflag:s14] =	ssyncadd.s32 $0xFFFFD800  }
0xf2: {  	[tilespmem:s3], [sflag:$0x5] =	stream.linear.gather [hbm4b:s8+s3], $0x50, $0x38;
	[tilespmem:$0x1E400] =	vst v63  }
0xf3: {  	_ =	swait.ge [sflag:s14], $0x50  }
0xf4: {  	[sflag:s14] =	ssyncset.done $0x0  }
0xf5: {  	s9 =	rddreg [dreg:$0xc];
	[sflag:s14] =	ssyncadd.s32 $0xFFFFFFB0  }
0xf6: {  	[tilespmem:s15], [sflag:$0x5] =	stream.linear.gather [hbm4b:s9+s3], $0x50, $0x38;
	[tilespmem:$0x1E400] =	vst v63  }
0xf7: {  	_ =	swait.ge [sflag:s14], $0x50  }
0xf8: {  	[sflag:s14] =	ssyncset.done $0x0  }
0xf9: {  	[sflag:s14] =	ssyncadd.s32 $0xFFFFFFB0  }
0xfa: {  	[tilespmem:s17], [sflag:$0x1] =	stream.indirect.gather [hbm4b:s4+s16], $0x80, s3, s16, $0xb8;
	[tilespmem:$0x1E400] =	vst v63  }
0xfb: {  	_ =	swait.ge [sflag:s20], $0x2800  }
0xfc: {  	[sflag:s20] =	ssyncset.done $0x0  }
0xfd: {  	[sflag:s20] =	ssyncadd.s32 $0xFFFFD800  }
0xfe: {  	[spmem:s2] =	stream.indirect.scatter.add.f32 [tilespmem:s17], [sflag:$0x5], $0x80, s15, s16, $0xb8;
	[tilespmem:$0x1E400] =	vst v63  }
0xff: {  	_ =	swait.ge [sflag:s14], $0x2800  }
0x100: {  	s0 =	sadd.s32 $0x1, s0;
	[sflag:s14] =	ssyncset.done $0x0  }
0x101: {  	p0 =	sne.s32 s0, s11;
	[sflag:s14] =	ssyncadd.s32 $0xFFFFD800  }
.Ltmp1:
0x102: {  	[bflag:$0x0] =	sbarrier.arrive $0xFFFF;
	(pc) =	sbr.rel @p0 .LBB2_1-.Ltmp1, $4  }
0x103: {  	[hbm:s10], [sflag:s7] =	dma.local [spmem:s1], $0x2800  }
0x104: {  	_ =	swait.ge [sflag:s14], $0x2800  }
0x105: {  	[sflag:s14] =	ssyncset.done $0x0  }
0x106: {  	[sflag:s14] =	ssyncadd.s32 $0xFFFFD800  }
0x107: {  	_ =	sfence.sel $0x180000  }
0x108: {  	[bflag:$0x0] =	sbarrier.arrive $0xFFFF  }
0x109: {  	_ =	strace $0x9000004A  }
0x10a: {  	s0 =	stileid.u32;
	[bflag:$0x2] =	sbarrier.arrive $0xFFFF  }
0x10b: {  	p0 =	sne.s32 s0, $0x0;
	s0 =	rddreg [dreg:$0x2]  }
0x10c: {  	s0 =	sadd.s32 @!p0 $0x100000, s0  }
0x10d: {  	[sflag:s0] =	ssyncadd.tile.s32 @!p0 $0x1;
	_ =	shalt  }
.Lfunc_end2:
_tile_overlayer_lowered:
.L_overlay_start_2:
0x10e: {  	(tag) =	ssettag $0x2  }
0x10f: {  	s0 =	rddreg [dreg:$0x0];
	s2 =	stileid.u32  }
0x110: {  	s1 =	rddreg [dreg:$0x1];
	p0 =	sne.s32 s2, $0x0  }
0x111: {  	s3 =	rddreg [dreg:$0x2];
	[bflag:$0x3] =	sbarrier.arrive $0xFFFF;
	s2 =	simm.s32 @!p0 $0x1C05  }
0x112: {  	[timem:s3], [sflag:s2] =	dma.local @!p0 [hbm:s0], s1  }
0x113: {  	s0 =	simm.s32 @!p0 $0x5  }
0x114: {  	_ =	swait.ge @!p0 [sflag:s0], s1  }
0x115: {  	s1 =	ssub.s32 @!p0 $0x0, s1;
	[sflag:s0] =	ssyncset.done @!p0 $0x0  }
0x116: {  	[sflag:s0] =	ssyncadd.s32 @!p0 s1  }
0x117: {  	[bflag:$0x3] =	sbarrier.arrive $0xFFFF  }
0x118: {  	_ =	shalt  }

// kernel: kernel.18.cloned.1.call-start
scs
__scs_entry_jumppad:
0x0: {  	(pc) =	sbr.rel $0x88, $3  }
0x1: {  	(tag) =	ssettag $0x0;
	lr =	simm.s32 $0x1  }
0x2: {  	[smem:$0x3F93] =	sst lr;
	_ =	strace $0xD0000000  }
0x3: {  	_ = 	snop  }
0x4: {  	_ = 	snop  }
0x5: {  	_ = 	snop  }
0x6: {  	_ = 	snop  }
0x7: {  	_ = 	snop  }
__scs_overlays_trampoline_lowered:
0x8: {  	[smem:$0x3FA2] =	sst s0  }
0x9: {  	[smem:$0x3FA3] =	sst s1  }
0xa: {  	[smem:$0x3FA4] =	sst s2  }
0xb: {  	[smem:$0x3FA5] =	sst s3  }
0xc: {  	[smem:$0x3FA6] =	sst s4  }
0xd: {  	[smem:$0x3FA7] =	sst s5  }
0xe: {  	[smem:$0x3FA8] =	sst s6  }
0xf: {  	[smem:$0x3FA9] =	sst s7  }
0x10: {  	[smem:$0x3FAA] =	sst s8  }
0x11: {  	[smem:$0x3FAB] =	sst s9;
	s0 =	simm.s32 @!p0 $0x0  }
0x12: {  	s1 =	sld [smem:$0x3F91];
	s0 =	simm.s32 @p0 $0x1  }
0x13: {  	[smem:$0x3FAC] =	sst s0;
	s0 =	simm.s32 @!p1 $0x0  }
0x14: {  	s2 =	sld [smem:$0x3F90];
	s0 =	simm.s32 @p1 $0x1  }
0x15: {  	[smem:$0x3FAD] =	sst s0;
	s0 =	simm.s32 @!p2 $0x0  }
0x16: {  	s3 =	sld [smem:$0x3FDB];
	s0 =	simm.s32 @p2 $0x1  }
0x17: {  	s4 =	simm.s32 $0x1BF5;
	[smem:$0x3FAF] =	sst s0  }
0x18: {  	s0 =	sld [smem:$0x3F92];
	_ =	swait.ge [sflag:s4], $0x0  }
0x19: {  	s7 =	sld [smem:$0x3F93]  }
0x1a: {  	s8 =	sadd.s32 $0xFFFFE003, lr  }
0x1b: {  	s9 =	sadd.s32 $0xFFFFFEF7, lr;
	s5 =	simm.s32 $0xFFFFFFFF;
	p2 =	slt.u32 s8, $0xFFFFF086  }
0x1c: {  	p1 =	slt.u32 s9, $0xF7A;
	s5 =	simm.s32 @!p2 $0x0  }
0x1d: {  	s5 =	simm.s32 @p1 $0x1;
	p0 =	seq.s32 s7, s2  }
0x1e: {  	s7 =	smul.u32 @!p0 $0xF7A, s2;
	p2 =	seq.s32 @!p0 s5, $0x0  }
0x1f: {  	s9 =	smul.u32 $0xF7A, s1;
	s8 =	simm.s32 @!p0 $0x1BF5;
	p2 =	por !p2, p0  }
0x20: {  	[sflag:s8] =	ssyncset.s32 @!p0 $0xFFFFF086;
	s6 =	sadd.s32 @!p0 s3, s7;
	s7 =	simm.s32 @!p0 $0x108  }
0x21: {  	s3 =	sadd.s32 s3, s9;
	s6 =	sadd.s32 @!p0 $0x88, s6;
	s7 =	simm.s32 @p2 $0x1082  }
0x22: {  	[simem:s7], [sflag:s8] =	dma.local @!p0 [hbm:s6], $0xF7A  }
0x23: {  	s9 =	sor.u32 $0xD0000000, s2;
	s6 =	simm.s32 $0x108;
	_ =	swait.ge @!p0 [sflag:s8], $0x0  }
0x24: {  	s3 =	sadd.s32 $0x88, s3;
	s6 =	simm.s32 @!p1 $0x1082;
	[sflag:s4] =	ssyncset.s32 $0xFFFFF086  }
0x25: {  	[simem:s6], [sflag:s4] =	dma.local [hbm:s3], $0xF7A  }
0x26: {  	[smem:$0x3F93] =	sst s1;
	(tag) =	ssettag s2;
	_ =	strace s9  }
0x27: {  	s1 =	sld [smem:$0x3FA3]  }
0x28: {  	s2 =	sld [smem:$0x3FA4]  }
0x29: {  	s4 =	sld [smem:$0x3FA6]  }
0x2a: {  	p0 =	seq.s32 s5, $0x0;
	s5 =	sld [smem:$0x3FA7]  }
0x2b: {  	s6 =	sld [smem:$0x3FA8]  }
0x2c: {  	s7 =	sld [smem:$0x3FA9]  }
0x2d: {  	s3 =	simm.s32 $0x108;
	s8 =	sld [smem:$0x3FAA]  }
0x2e: {  	s3 =	simm.s32 @!p0 $0x1082;
	s9 =	sld [smem:$0x3FAB]  }
0x2f: {  	lr =	sadd.s32 s0, s3;
	s0 =	sld [smem:$0x3FA2]  }
0x30: {  	s3 =	sld [smem:$0x3FA5]  }
0x31: {  	[smem:$0x3FAE] =	sst s10  }
0x32: {  	s10 =	sld [smem:$0x3FAC];
	_ =	sdelay $0x3  }
0x33: {  	p0 =	seq.s32 s10, $0x1;
	s10 =	sld [smem:$0x3FAE];
	_ =	sdelay $0x3  }
0x34: {  	[smem:$0x3FAE] =	sst s10  }
0x35: {  	s10 =	sld [smem:$0x3FAD];
	_ =	sdelay $0x3  }
0x36: {  	p1 =	seq.s32 s10, $0x1;
	s10 =	sld [smem:$0x3FAE];
	_ =	sdelay $0x3  }
0x37: {  	[smem:$0x3FAE] =	sst s10  }
0x38: {  	s10 =	sld [smem:$0x3FAF]  }
0x39: {  	_ = 	snop;
	(pc) =	sbr.ind lr, $3  }
0x3a: {  	_ = 	snop  }
0x3b: {  	_ = 	snop  }
0x3c: {  	p2 =	seq.s32 s10, $0x1;
	s10 =	sld [smem:$0x3FAE]  }
0x3d: {  	_ =	shalt  }
0x3e: {  	_ =	shalt  }
0x3f: {  	_ =	shalt  }
0x40: {  	_ =	shalt  }
0x41: {  	_ =	shalt  }
0x42: {  	_ =	shalt  }
0x43: {  	_ =	shalt  }
0x44: {  	_ =	shalt  }
0x45: {  	_ =	shalt  }
0x46: {  	_ =	shalt  }
0x47: {  	_ =	shalt  }
0x48: {  	_ =	shalt  }
0x49: {  	_ =	shalt  }
0x4a: {  	_ =	shalt  }
0x4b: {  	_ =	shalt  }
0x4c: {  	_ =	shalt  }
0x4d: {  	_ =	shalt  }
0x4e: {  	_ =	shalt  }
0x4f: {  	_ =	shalt  }
0x50: {  	_ =	shalt  }
0x51: {  	_ =	shalt  }
0x52: {  	_ =	shalt  }
0x53: {  	_ =	shalt  }
0x54: {  	_ =	shalt  }
0x55: {  	_ =	shalt  }
0x56: {  	_ =	shalt  }
0x57: {  	_ =	shalt  }
0x58: {  	_ =	shalt  }
0x59: {  	_ =	shalt  }
0x5a: {  	_ =	shalt  }
0x5b: {  	_ =	shalt  }
0x5c: {  	_ =	shalt  }
0x5d: {  	_ =	shalt  }
0x5e: {  	_ =	shalt  }
0x5f: {  	_ =	shalt  }
0x60: {  	_ =	shalt  }
0x61: {  	_ =	shalt  }
0x62: {  	_ =	shalt  }
0x63: {  	_ =	shalt  }
0x64: {  	_ =	shalt  }
0x65: {  	_ =	shalt  }
0x66: {  	_ =	shalt  }
0x67: {  	_ =	shalt  }
0x68: {  	_ =	shalt  }
0x69: {  	_ =	shalt  }
0x6a: {  	_ =	shalt  }
0x6b: {  	_ =	shalt  }
0x6c: {  	_ =	shalt  }
0x6d: {  	_ =	shalt  }
0x6e: {  	_ =	shalt  }
0x6f: {  	_ =	shalt  }
0x70: {  	_ =	shalt  }
0x71: {  	_ =	shalt  }
0x72: {  	_ =	shalt  }
0x73: {  	_ =	shalt  }
0x74: {  	_ =	shalt  }
0x75: {  	_ =	shalt  }
0x76: {  	_ =	shalt  }
0x77: {  	_ =	shalt  }
0x78: {  	_ =	shalt  }
0x79: {  	_ =	shalt  }
0x7a: {  	_ =	shalt  }
0x7b: {  	_ =	shalt  }
0x7c: {  	_ =	shalt  }
0x7d: {  	_ =	shalt  }
0x7e: {  	_ =	shalt  }
0x7f: {  	_ =	shalt  }
0x80: {  	_ =	shalt  }
0x81: {  	_ =	shalt  }
0x82: {  	_ =	shalt  }
0x83: {  	_ =	shalt  }
0x84: {  	_ =	shalt  }
0x85: {  	_ =	shalt  }
0x86: {  	_ =	shalt  }
0x87: {  	_ =	shalt  }
.Lfunc_end0:
.L_simem_size_0:
called_computation.2_lowered:
.L_overlay_start_0:
0x88: {  	s2 =	sld [smem:$0x3FD9]  }
0x89: {  	s3 =	sld [smem:$0x3FFE];
	_ =	sdelay $0x1  }
0x8a: {  	s1 =	srdreg.scid  }
0x8b: {  	s0 =	sand.u32 $0x1, s1  }
0x8c: {  	s17 =	sshll.u32 s0, $0xA;
	s2 =	sadd.s32 s3, s2  }
0x8d: {  	s2 =	sadd.s32 s2, s17  }
0x8e: {  	[smem:$0x3FBA] =	sst s2  }
0x8f: {  	_ = 	snop  }
0x90: {  	(tm) =	ssettm $0x1  }
0x91: {  	s18 =	sld [smem:$0x3FFB];
	_ =	sdelay $0x3  }
0x92: {  	_ =	strace s18  }
0x93: {  	s2 =	sld [smem:$0x3FFC];
	_ =	sdelay $0x3  }
0x94: {  	_ =	strace s2  }
0x95: {  	s2 =	sld [smem:$0x3FFD];
	_ =	sdelay $0x3  }
0x96: {  	_ =	strace s2  }
0x97: {  	_ =	strace $0x8FFFFFFF  }
0x98: {  	s19 =	sld [smem:$0x3FDB];
	_ =	sdelay $0x1  }
0x99: {  	s20 =	simm.s32 $_scs_section_size  }
0x9a: {  	s4 =	simm.s32 $_size__tile_overlayer_lowered;
	s5 =	simm.s32 $_tile_overlayer_lowered  }
0x9b: {  	s6 =	simm.s32 $0x1BFF;
	s21 =	sshll.u32 s5, $0x1;
	s3 =	sadd.s32 s20, s19  }
0x9c: {  	s22 =	simm.s32 $0x0;
	s4 =	sshll.u32 s4, $0x1;
	s5 =	sadd.s32 s21, s3  }
0x9d: {  	[timem:s22], [sflag:s6] =	dma.local [hbm:s5], s4  }
0x9e: {  	_ =	swait.ge [sflag:s6], s4  }
0x9f: {  	s4 =	ssub.s32 $0x0, s4;
	[sflag:s6] =	ssyncset.done $0x0  }
0xa0: {  	[sflag:s6] =	ssyncadd.s32 s4;
	_ =	sdelay $0x1  }
0xa1: {  	s23 =	simm.s32 $0x1B8B  }
0xa2: {  	_ =	swait.ge [sflag:s23], $0x1  }
0xa3: {  	[sflag:s23] =	ssyncset.done $0x0  }
0xa4: {  	[sflag:s23] =	ssyncadd.s32 $0xFFFFFFFF  }
0xa5: {  	s4 =	sld [smem:$0x0]  }
0xa6: {  	s5 =	sand.u32 $0xFFFFFFFE, s1  }
0xa7: {  	p0 =	sne.s32 s1, s5  }
0xa8: {  	s5 =	sshll.u32 @p0 s5, $0xE  }
0xa9: {  	s5 =	sadd.s32 @p0 $0x11B8D, s5;
	s6 =	sshll.u32 @p0 s4, $0x11  }
0xaa: {  	s5 =	sor.u32 @p0 s6, s5  }
0xab: {  	[sflag:s5] =	ssyncadd.remote.s32 @p0 $0x1;
	_ =	sdelay $0x1  }
0xac: {  	s5 =	simm.s32 @p0 $0x1B8D  }
0xad: {  	_ =	swait.eq @p0 [sflag:s5], $0x1  }
0xae: {  	[sflag:s5] =	ssyncadd.s32 @p0 $0xFFFFFFFF  }
0xaf: {  	s6 =	sshll.u32 @!p0 s1, $0xE  }
0xb0: {  	s6 =	sor.u32 @!p0 $0x4000, s6;
	s5 =	simm.s32 @!p0 $0x1B8D  }
0xb1: {  	s4 =	sshll.u32 @!p0 s4, $0x11;
	s6 =	sadd.s32 @!p0 $0x11B8D, s6;
	_ =	swait.eq @!p0 [sflag:s5], $0x1  }
0xb2: {  	s4 =	sor.u32 @!p0 s4, s6;
	[sflag:s5] =	ssyncadd.s32 @!p0 $0xFFFFFFFF  }
0xb3: {  	s25 =	simm.s32 $0x1B8E;
	s24 =	sld [smem:$0x3FFE];
	[sflag:s4] =	ssyncadd.remote.s32 @!p0 $0x1  }
0xb4: {  	s26 =	simm.s32 $execute0_lowered;
	[smem:$0x3FD2] =	sst s25  }
0xb5: {  	s5 =	sshll.u32 s26, $0x1;
	_ =	strace $0x8000004F;
	[dreg:$0x1] =	wrdreg $0xFFFFFFFF  }
0xb6: {  	s28 =	simm.s32 $_size_execute0_lowered;
	s3 =	sadd.s32 s3, s5;
	[dreg:$0x0] =	wrdreg $0x0  }
0xb7: {  	s5 =	sshll.u32 s28, $0x1;
	[dreg:$0x2] =	wrdreg s3  }
0xb8: {  	[dreg:$0x3] =	wrdreg s5  }
0xb9: {  	[dreg:$0x4] =	wrdreg $0xC0  }
0xba: {  	_ =	task [dreg:s22], $0x5FFFF  }
0xbb: {  	[dreg:$0x1] =	wrdreg $0xFFFFFFFF  }
0xbc: {  	[dreg:$0x0] =	wrdreg $0x60  }
0xbd: {  	[dreg:$0x2] =	wrdreg s24  }
0xbe: {  	[dreg:$0x3] =	wrdreg $0xA4000  }
0xbf: {  	[dreg:$0x4] =	wrdreg $0x9  }
0xc0: {  	_ =	task.clear_ibuf [dreg:s22], $0x5FFFF;
	_ =	strace $0x9000004F  }
0xc1: {  	s29 =	simm.s32 $0x9;
	_ =	strace $0x80000051  }
0xc2: {  	_ =	swait.ge [sflag:s29], $0x1  }
0xc3: {  	[sflag:s29] =	ssyncadd.s32 $0xFFFFFFFF  }
0xc4: {  	_ =	strace $0x90000051  }
0xc5: {  	_ =	sfence  }
0xc6: {  	s30 =	sld [smem:$0x0];
	_ =	sdelay $0x2  }
0xc7: {  	s31 =	sshll.u32 s1, $0xD;
	s1 =	sshrl.u32 s1, $0x2  }
0xc8: {  	s4 =	sand.u32 $0x4000, s31;
	s1 =	sadd.s32 s1, s30  }
0xc9: {  	s0 =	sor.u32 s4, s0;
	s1 =	sshll.u32 s1, $0x11  }
0xca: {  	s0 =	sor.u32 s1, s0  }
0xcb: {  	s0 =	sadd.s32 $0x8F2B, s0  }
0xcc: {  	[sflag:s0] =	ssyncadd.remote.s32 $0x1  }
0xcd: {  	_ =	sfence.sel $0xFFFF  }
0xce: {  	[dreg:$0x0] =	wrdreg $0xFFFFFFFF;
	(pc) =	sbr.abs _section_cstart, $3  }
0xcf: {  	[dreg:$0x1] =	wrdreg $0xFFFFFFFF  }
0xd0: {  	_ =	task.clear_ibuf [dreg:s22], $0x2FFFF;
	_ =	strace $0x9FFFFFFF  }
0xd1: {  	(tm) =	ssettm $0x7FFFFFFF  }
tec
execute0_lowered:
.L_overlay_start_1:
0x0: {  	(tag) =	ssettag $0x1  }
0x1: {  	s0 =	rddreg [dreg:$0x0]  }
0x2: {  	s2 =	rddreg [dreg:$0x1]  }
0x3: {  	s3 =	simm.s32 $0x0;
	s12 =	stileid.u32;
	s1 =	srdreg.scid  }
0x4: {  	s28 =	simm.s32 $0x380;
	s29 =	simm.s32 $0x3;
	s30 =	simm.s32 $0x7C00  }
0x5: {  	s31 =	simm.s32 $0x4;
	[smem:$0x7FF] =	sst s3;
	s5 =	smul.u32 $0x2800, s12  }
0x6: {  	s1 =	sand.u32 $0x1, s1;
	s4 =	sadd.s32 $0x8E400, s0;
	s11 =	smul.u32 $0x50000, s12  }
0x7: {  	s8 =	sadd.s32 $0xE200, s0;
	s9 =	sadd.s32 $0x4400, s0;
	s14 =	smul.u32 $0x2710, s12  }
0x8: {  	s15 =	sshll.u32 s12, $0x6;
	_ =	strace $0x80000050;
	s6 =	smul.u32 $0x28000, s1  }
0x9: {  	s25 =	sshll.u32 s1, $0x4;
	s10 =	ssub.s32 $0x2, s1;
	s1 =	smul.u32 $0x27100, s1  }
0xa: {  	s7 =	sadd.s32 s5, s0;
	s26 =	sshrl.u32 s10, $0x1;
	s13 =	sshrl.u32 s11, $0x2  }
0xb: {  	s5 =	sadd.s32 s5, s6;
	s6 =	sor.u32 s12, s25;
	s7 =	sadd.s32 $0x18000, s7  }
0xc: {  	s1 =	sadd.s32 s14, s1;
	s14 =	simm.s32 $0x5;
	s0 =	sadd.s32 s5, s0  }
0xd: {  	s6 =	smul.u32 $0x2710, s6;
	s5 =	ssub.s32 s10, s26;
	s10 =	sadd.s32 s13, s2  }
0xe: {  	[dreg:$0xa] =	wrdreg s7;
	s7 =	sor.u32 $0x1C05, s15;
	s17 =	sshrl.u32 s1, $0x3  }
0xf: {  	s19 =	sadd.s32 $0xF0, s1;
	s22 =	sadd.s32 $0xA0, s1;
	s1 =	sadd.s32 $0x50, s1  }
0x10: {  	s15 =	simm.s32 $0x200;
	[dreg:$0x9] =	wrdreg s10;
	s10 =	sadd.s32 $0x105600, s0  }
0x11: {  	s11 =	smax.u32 s5, $0x1;
	s18 =	sadd.s32 s17, s9;
	s0 =	sadd.s32 s17, s8  }
0x12: {  	s20 =	sshrl.u32 s19, $0x3;
	s24 =	sshrl.u32 s22, $0x3;
	s1 =	sshrl.u32 s1, $0x3  }
0x13: {  	s17 =	simm.s32 $0x400;
	s19 =	simm.s32 $0x280;
	[dreg:$0x3] =	wrdreg s18  }
0x14: {  	s22 =	simm.s32 $0x100;
	s6 =	sshrl.u32 s6, $0x3;
	[dreg:$0x4] =	wrdreg s0  }
0x15: {  	s21 =	sadd.s32 s20, s9;
	s23 =	sadd.s32 s20, s8;
	s25 =	sadd.s32 s24, s9  }
0x16: {  	s26 =	sadd.s32 s24, s8;
	s12 =	sadd.s32 s1, s9;
	[dreg:$0x5] =	wrdreg s21  }
0x17: {  	s13 =	sadd.s32 s1, s8;
	s18 =	simm.s32 $0x80;
	[dreg:$0x6] =	wrdreg s23  }
0x18: {  	s20 =	simm.s32 $0x1;
	s24 =	simm.s32 $0x2;
	[dreg:$0x7] =	wrdreg s25  }
0x19: {  	s0 =	simm.s32 $0x0;
	s6 =	sadd.s32 $0x4D8, s6;
	[dreg:$0x8] =	wrdreg s26  }
0x1a: {  	s21 =	simm.s32 $0x2C00;
	s23 =	simm.s32 $0x300;
	s16 =	sadd.s32 s8, s6  }
0x1b: {  	s25 =	simm.s32 $0x5400;
	s6 =	sadd.s32 s9, s6;
	[dreg:$0xb] =	wrdreg s16  }
0x1c: {  	s26 =	simm.s32 $0x180;
	[dreg:$0xc] =	wrdreg s6;
	s16 =	simm.s32 $0x50  }
.LBB2_1:
0x1d: {  	s1 =	rddreg [dreg:$0x9]  }
0x1e: {  	s5 =	rddreg [dreg:$0xa];
	s1 =	sshrl.u32 s1, $0x3  }
0x1f: {  	[spmem:s1], [sflag:s7] =	dma.local [hbm:s5], $0x2800  }
0x20: {  	_ =	swait.ge [sflag:s14], $0x2800  }
0x21: {  	[sflag:s14] =	ssyncset.done $0x0  }
0x22: {  	[sflag:s14] =	ssyncadd.s32 $0xFFFFD800  }
0x23: {  	[bflag:$0x0] =	sbarrier.arrive $0xFFFF  }
0x24: {  	s8 =	rddreg [dreg:$0x4]  }
0x25: {  	s5 =	sadd.s32 $0x0, s8  }
0x26: {  	[tilespmem:s3], [sflag:$0x5] =	stream.linear.gather [hbm4b:s5+s3], $0x50, $0x38;
	[tilespmem:$0x1E400] =	vst v63  }
0x27: {  	_ =	swait.ge [sflag:s14], $0x50  }
0x28: {  	s9 =	rddreg [dreg:$0x3];
	[sflag:s14] =	ssyncset.done $0x0  }
0x29: {  	[sflag:s14] =	ssyncadd.s32 $0xFFFFFFB0;
	s5 =	sadd.s32 $0x0, s9  }
0x2a: {  	[tilespmem:s15], [sflag:$0x5] =	stream.linear.gather [hbm4b:s5+s3], $0x50, $0x38;
	[tilespmem:$0x1E400] =	vst v63  }
0x2b: {  	_ =	swait.ge [sflag:s14], $0x50  }
0x2c: {  	[sflag:s14] =	ssyncset.done $0x0  }
0x2d: {  	[sflag:s14] =	ssyncadd.s32 $0xFFFFFFB0  }
0x2e: {  	[tilespmem:s17], [sflag:$0x1] =	stream.indirect.gather [hbm4b:s4+s16], $0x80, s3, s16, $0xb8;
	[tilespmem:$0x1E400] =	vst v63  }
0x2f: {  	s6 =	sadd.s32 $0x0, s13  }
0x30: {  	[tilespmem:s18], [sflag:$0x5] =	stream.linear.gather [hbm4b:s6+s3], $0x50, $0x38;
	[tilespmem:$0x1E400] =	vst v63  }
0x31: {  	_ =	swait.ge [sflag:s14], $0x50  }
0x32: {  	[sflag:s14] =	ssyncset.done $0x0  }
0x33: {  	s8 =	sadd.s32 $0x0, s12;
	[sflag:s14] =	ssyncadd.s32 $0xFFFFFFB0  }
0x34: {  	[tilespmem:s19], [sflag:$0x5] =	stream.linear.gather [hbm4b:s8+s3], $0x50, $0x38;
	[tilespmem:$0x1E400] =	vst v63  }
0x35: {  	_ =	swait.ge [sflag:s14], $0x50  }
0x36: {  	[sflag:s14] =	ssyncset.done $0x0  }
0x37: {  	[sflag:s14] =	ssyncadd.s32 $0xFFFFFFB0  }
0x38: {  	_ =	swait.ge [sflag:s20], $0x2800  }
0x39: {  	[sflag:s20] =	ssyncset.done $0x0  }
0x3a: {  	[sflag:s20] =	ssyncadd.s32 $0xFFFFD800  }
0x3b: {  	[tilespmem:s21], [sflag:$0x2] =	stream.indirect.gather [hbm4b:s4+s16], $0x80, s18, s16, $0xb8;
	[tilespmem:$0x1E400] =	vst v63  }
0x3c: {  	_ = 	snop  }
0x3d: {  	[spmem:s2] =	stream.indirect.scatter.add.f32 [tilespmem:s17], [sflag:$0x5], $0x80, s15, s16, $0xb8;
	[tilespmem:$0x1E400] =	vst v63  }
0x3e: {  	_ =	swait.ge [sflag:s14], $0x2800  }
0x3f: {  	s9 =	rddreg [dreg:$0x8];
	[sflag:s14] =	ssyncset.done $0x0  }
0x40: {  	[sflag:s14] =	ssyncadd.s32 $0xFFFFD800;
	s5 =	sadd.s32 $0x0, s9  }
0x41: {  	[tilespmem:s22], [sflag:$0x5] =	stream.linear.gather [hbm4b:s5+s3], $0x50, $0x38;
	[tilespmem:$0x1E400] =	vst v63  }
0x42: {  	_ =	swait.ge [sflag:s14], $0x50  }
0x43: {  	s6 =	rddreg [dreg:$0x7];
	[sflag:s14] =	ssyncset.done $0x0  }
0x44: {  	[sflag:s14] =	ssyncadd.s32 $0xFFFFFFB0;
	s5 =	sadd.s32 $0x0, s6  }
0x45: {  	[tilespmem:s23], [sflag:$0x5] =	stream.linear.gather [hbm4b:s5+s3], $0x50, $0x38;
	[tilespmem:$0x1E400] =	vst v63  }
0x46: {  	_ =	swait.ge [sflag:s14], $0x50  }
0x47: {  	[sflag:s14] =	ssyncset.done $0x0  }
0x48: {  	[sflag:s14] =	ssyncadd.s32 $0xFFFFFFB0  }
0x49: {  	_ =	swait.ge [sflag:s24], $0x2800  }
0x4a: {  	[sflag:s24] =	ssyncset.done $0x0  }
0x4b: {  	[sflag:s24] =	ssyncadd.s32 $0xFFFFD800  }
0x4c: {  	[tilespmem:s25], [sflag:$0x3] =	stream.indirect.gather [hbm4b:s4+s16], $0x80, s22, s16, $0xb8;
	[tilespmem:$0x1E400] =	vst v63  }
0x4d: {  	_ = 	snop  }
0x4e: {  	[spmem:s2] =	stream.indirect.scatter.add.f32 [tilespmem:s21], [sflag:$0x5], $0x80, s19, s16, $0xb8;
	[tilespmem:$0x1E400] =	vst v63  }
0x4f: {  	_ =	swait.ge [sflag:s14], $0x2800  }
0x50: {  	s8 =	rddreg [dreg:$0x6];
	[sflag:s14] =	ssyncset.done $0x0  }
0x51: {  	[sflag:s14] =	ssyncadd.s32 $0xFFFFD800;
	s5 =	sadd.s32 $0x0, s8  }
0x52: {  	[tilespmem:s26], [sflag:$0x5] =	stream.linear.gather [hbm4b:s5+s3], $0x50, $0x38;
	[tilespmem:$0x1E400] =	vst v63  }
0x53: {  	_ =	swait.ge [sflag:s14], $0x50  }
0x54: {  	s9 =	rddreg [dreg:$0x5];
	[sflag:s14] =	ssyncset.done $0x0  }
0x55: {  	[sflag:s14] =	ssyncadd.s32 $0xFFFFFFB0;
	s5 =	sadd.s32 $0x0, s9  }
0x56: {  	[tilespmem:s28], [sflag:$0x5] =	stream.linear.gather [hbm4b:s5+s3], $0x50, $0x38;
	[tilespmem:$0x1E400] =	vst v63  }
0x57: {  	_ =	swait.ge [sflag:s14], $0x50  }
0x58: {  	[sflag:s14] =	ssyncset.done $0x0  }
0x59: {  	[sflag:s14] =	ssyncadd.s32 $0xFFFFFFB0  }
0x5a: {  	_ =	swait.ge [sflag:s29], $0x2800  }
0x5b: {  	[sflag:s29] =	ssyncset.done $0x0  }
0x5c: {  	[sflag:s29] =	ssyncadd.s32 $0xFFFFD800  }
0x5d: {  	[tilespmem:s30], [sflag:$0x4] =	stream.indirect.gather [hbm4b:s4+s16], $0x80, s26, s16, $0xb8;
	[tilespmem:$0x1E400] =	vst v63  }
0x5e: {  	_ = 	snop  }
0x5f: {  	[spmem:s2] =	stream.indirect.scatter.add.f32 [tilespmem:s25], [sflag:$0x5], $0x80, s23, s16, $0xb8;
	[tilespmem:$0x1E400] =	vst v63  }
0x60: {  	_ =	swait.ge [sflag:s14], $0x2800  }
0x61: {  	[sflag:s14] =	ssyncset.done $0x0  }
0x62: {  	[sflag:s14] =	ssyncadd.s32 $0xFFFFD800  }
0x63: {  	_ =	swait.ge [sflag:s31], $0x2800  }
0x64: {  	[sflag:s31] =	ssyncset.done $0x0  }
0x65: {  	[sflag:s31] =	ssyncadd.s32 $0xFFFFD800  }
0x66: {  	[spmem:s2] =	stream.indirect.scatter.add.f32 [tilespmem:s30], [sflag:$0x5], $0x80, s28, s16, $0xb8;
	[tilespmem:$0x1E400] =	vst v63  }
0x67: {  	s6 =	simm.s32 $0x50;
	_ =	swait.ge [sflag:s14], $0x2800  }
0x68: {  	s5 =	simm.s32 $0x28;
	s9 =	rddreg [dreg:$0x4];
	[sflag:s14] =	ssyncset.done $0x0  }
.LBB2_2:
0x69: {  	[sflag:s14] =	ssyncadd.s32 $0xFFFFD800;
	s9 =	sadd.s32 s5, s9  }
0x6a: {  	[tilespmem:s3], [sflag:$0x5] =	stream.linear.gather [hbm4b:s9+s3], $0x50, $0x38;
	[tilespmem:$0x1E400] =	vst v63  }
0x6b: {  	_ =	swait.ge [sflag:s14], $0x50  }
0x6c: {  	s9 =	rddreg [dreg:$0x3];
	[sflag:s14] =	ssyncset.done $0x0  }
0x6d: {  	[sflag:s14] =	ssyncadd.s32 $0xFFFFFFB0;
	s9 =	sadd.s32 s5, s9  }
0x6e: {  	[tilespmem:s15], [sflag:$0x5] =	stream.linear.gather [hbm4b:s9+s3], $0x50, $0x38;
	[tilespmem:$0x1E400] =	vst v63  }
0x6f: {  	_ =	swait.ge [sflag:s14], $0x50  }
0x70: {  	[sflag:s14] =	ssyncset.done $0x0  }
0x71: {  	[sflag:s14] =	ssyncadd.s32 $0xFFFFFFB0  }
0x72: {  	[tilespmem:s17], [sflag:$0x1] =	stream.indirect.gather [hbm4b:s4+s16], $0x80, s3, s16, $0xb8;
	[tilespmem:$0x1E400] =	vst v63  }
0x73: {  	s9 =	sadd.s32 s5, s13  }
0x74: {  	[tilespmem:s18], [sflag:$0x5] =	stream.linear.gather [hbm4b:s9+s3], $0x50, $0x38;
	[tilespmem:$0x1E400] =	vst v63  }
0x75: {  	_ =	swait.ge [sflag:s14], $0x50  }
0x76: {  	[sflag:s14] =	ssyncset.done $0x0  }
0x77: {  	s9 =	sadd.s32 s5, s12;
	[sflag:s14] =	ssyncadd.s32 $0xFFFFFFB0  }
0x78: {  	[tilespmem:s19], [sflag:$0x5] =	stream.linear.gather [hbm4b:s9+s3], $0x50, $0x38;
	[tilespmem:$0x1E400] =	vst v63  }
0x79: {  	_ =	swait.ge [sflag:s14], $0x50  }
0x7a: {  	[sflag:s14] =	ssyncset.done $0x0  }
0x7b: {  	[sflag:s14] =	ssyncadd.s32 $0xFFFFFFB0  }
0x7c: {  	_ =	swait.ge [sflag:s20], $0x2800  }
0x7d: {  	[sflag:s20] =	ssyncset.done $0x0  }
0x7e: {  	[sflag:s20] =	ssyncadd.s32 $0xFFFFD800  }
0x7f: {  	[tilespmem:s21], [sflag:$0x2] =	stream.indirect.gather [hbm4b:s4+s16], $0x80, s18, s16, $0xb8;
	[tilespmem:$0x1E400] =	vst v63  }
0x80: {  	_ = 	snop  }
0x81: {  	[spmem:s2] =	stream.indirect.scatter.add.f32 [tilespmem:s17], [sflag:$0x5], $0x80, s15, s16, $0xb8;
	[tilespmem:$0x1E400] =	vst v63  }
0x82: {  	_ =	swait.ge [sflag:s14], $0x2800  }
0x83: {  	s9 =	rddreg [dreg:$0x8];
	[sflag:s14] =	ssyncset.done $0x0  }
0x84: {  	[sflag:s14] =	ssyncadd.s32 $0xFFFFD800;
	s9 =	sadd.s32 s5, s9  }
0x85: {  	[tilespmem:s22], [sflag:$0x5] =	stream.linear.gather [hbm4b:s9+s3], $0x50, $0x38;
	[tilespmem:$0x1E400] =	vst v63  }
0x86: {  	_ =	swait.ge [sflag:s14], $0x50  }
0x87: {  	s9 =	rddreg [dreg:$0x7];
	[sflag:s14] =	ssyncset.done $0x0  }
0x88: {  	[sflag:s14] =	ssyncadd.s32 $0xFFFFFFB0;
	s9 =	sadd.s32 s5, s9  }
0x89: {  	[tilespmem:s23], [sflag:$0x5] =	stream.linear.gather [hbm4b:s9+s3], $0x50, $0x38;
	[tilespmem:$0x1E400] =	vst v63  }
0x8a: {  	_ =	swait.ge [sflag:s14], $0x50  }
0x8b: {  	[sflag:s14] =	ssyncset.done $0x0  }
0x8c: {  	[sflag:s14] =	ssyncadd.s32 $0xFFFFFFB0  }
0x8d: {  	_ =	swait.ge [sflag:s24], $0x2800  }
0x8e: {  	[sflag:s24] =	ssyncset.done $0x0  }
0x8f: {  	[sflag:s24] =	ssyncadd.s32 $0xFFFFD800  }
0x90: {  	[tilespmem:s25], [sflag:$0x3] =	stream.indirect.gather [hbm4b:s4+s16], $0x80, s22, s16, $0xb8;
	[tilespmem:$0x1E400] =	vst v63  }
0x91: {  	_ = 	snop  }
0x92: {  	[spmem:s2] =	stream.indirect.scatter.add.f32 [tilespmem:s21], [sflag:$0x5], $0x80, s19, s16, $0xb8;
	[tilespmem:$0x1E400] =	vst v63  }
0x93: {  	_ =	swait.ge [sflag:s14], $0x2800  }
0x94: {  	s9 =	rddreg [dreg:$0x6];
	[sflag:s14] =	ssyncset.done $0x0  }
0x95: {  	[sflag:s14] =	ssyncadd.s32 $0xFFFFD800;
	s9 =	sadd.s32 s5, s9  }
0x96: {  	[tilespmem:s26], [sflag:$0x5] =	stream.linear.gather [hbm4b:s9+s3], $0x50, $0x38;
	[tilespmem:$0x1E400] =	vst v63  }
0x97: {  	_ =	swait.ge [sflag:s14], $0x50  }
0x98: {  	s9 =	rddreg [dreg:$0x5];
	[sflag:s14] =	ssyncset.done $0x0  }
0x99: {  	[sflag:s14] =	ssyncadd.s32 $0xFFFFFFB0;
	s9 =	sadd.s32 s5, s9  }
0x9a: {  	[tilespmem:s28], [sflag:$0x5] =	stream.linear.gather [hbm4b:s9+s3], $0x50, $0x38;
	[tilespmem:$0x1E400] =	vst v63  }
0x9b: {  	_ =	swait.ge [sflag:s14], $0x50  }
0x9c: {  	[sflag:s14] =	ssyncset.done $0x0  }
0x9d: {  	[sflag:s14] =	ssyncadd.s32 $0xFFFFFFB0  }
0x9e: {  	_ =	swait.ge [sflag:s29], $0x2800  }
0x9f: {  	[sflag:s29] =	ssyncset.done $0x0  }
0xa0: {  	[sflag:s29] =	ssyncadd.s32 $0xFFFFD800  }
0xa1: {  	[tilespmem:s30], [sflag:$0x4] =	stream.indirect.gather [hbm4b:s4+s16], $0x80, s26, s16, $0xb8;
	[tilespmem:$0x1E400] =	vst v63  }
0xa2: {  	_ = 	snop  }
0xa3: {  	[spmem:s2] =	stream.indirect.scatter.add.f32 [tilespmem:s25], [sflag:$0x5], $0x80, s23, s16, $0xb8;
	[tilespmem:$0x1E400] =	vst v63  }
0xa4: {  	_ =	swait.ge [sflag:s14], $0x2800  }
0xa5: {  	[sflag:s14] =	ssyncset.done $0x0  }
0xa6: {  	[sflag:s14] =	ssyncadd.s32 $0xFFFFD800  }
0xa7: {  	p0 =	sne.s32 s6, $0x4B0;
	_ =	swait.ge [sflag:s31], $0x2800  }
.Ltmp0:
0xa8: {  	[sflag:s31] =	ssyncset.done $0x0;
	(pc) =	sbr.rel @p0 .LBB2_2-.Ltmp0, $4  }
0xa9: {  	[sflag:s31] =	ssyncadd.s32 $0xFFFFD800  }
0xaa: {  	[spmem:s2] =	stream.indirect.scatter.add.f32 [tilespmem:s30], [sflag:$0x5], $0x80, s28, s16, $0xb8;
	[tilespmem:$0x1E400] =	vst v63  }
0xab: {  	s8 =	smov.u32 s6;
	s6 =	sadd.s32 $0x28, s6;
	_ =	swait.ge [sflag:s14], $0x2800  }
0xac: {  	s5 =	smov.u32 s8;
	s9 =	rddreg [dreg:$0x4];
	[sflag:s14] =	ssyncset.done $0x0  }
0xad: {  	[sflag:s14] =	ssyncadd.s32 $0xFFFFD800;
	s6 =	sadd.s32 s5, s9  }
0xae: {  	[tilespmem:s3], [sflag:$0x5] =	stream.linear.gather [hbm4b:s6+s3], $0x50, $0x38;
	[tilespmem:$0x1E400] =	vst v63  }
0xaf: {  	_ =	swait.ge [sflag:s14], $0x50  }
0xb0: {  	s9 =	rddreg [dreg:$0x3];
	[sflag:s14] =	ssyncset.done $0x0  }
0xb1: {  	[sflag:s14] =	ssyncadd.s32 $0xFFFFFFB0;
	s6 =	sadd.s32 s5, s9  }
0xb2: {  	[tilespmem:s15], [sflag:$0x5] =	stream.linear.gather [hbm4b:s6+s3], $0x50, $0x38;
	[tilespmem:$0x1E400] =	vst v63  }
0xb3: {  	_ =	swait.ge [sflag:s14], $0x50  }
0xb4: {  	[sflag:s14] =	ssyncset.done $0x0  }
0xb5: {  	[sflag:s14] =	ssyncadd.s32 $0xFFFFFFB0  }
0xb6: {  	[tilespmem:s17], [sflag:$0x1] =	stream.indirect.gather [hbm4b:s4+s16], $0x80, s3, s16, $0xb8;
	[tilespmem:$0x1E400] =	vst v63  }
0xb7: {  	s8 =	sadd.s32 s5, s13  }
0xb8: {  	[tilespmem:s18], [sflag:$0x5] =	stream.linear.gather [hbm4b:s8+s3], $0x50, $0x38;
	[tilespmem:$0x1E400] =	vst v63  }
0xb9: {  	_ =	swait.ge [sflag:s14], $0x50  }
0xba: {  	[sflag:s14] =	ssyncset.done $0x0  }
0xbb: {  	s9 =	sadd.s32 s5, s12;
	[sflag:s14] =	ssyncadd.s32 $0xFFFFFFB0  }
0xbc: {  	[tilespmem:s19], [sflag:$0x5] =	stream.linear.gather [hbm4b:s9+s3], $0x50, $0x38;
	[tilespmem:$0x1E400] =	vst v63  }
0xbd: {  	_ =	swait.ge [sflag:s14], $0x50  }
0xbe: {  	[sflag:s14] =	ssyncset.done $0x0  }
0xbf: {  	[sflag:s14] =	ssyncadd.s32 $0xFFFFFFB0  }
0xc0: {  	_ =	swait.ge [sflag:s20], $0x2800  }
0xc1: {  	[sflag:s20] =	ssyncset.done $0x0  }
0xc2: {  	[sflag:s20] =	ssyncadd.s32 $0xFFFFD800  }
0xc3: {  	[tilespmem:s21], [sflag:$0x2] =	stream.indirect.gather [hbm4b:s4+s16], $0x80, s18, s16, $0xb8;
	[tilespmem:$0x1E400] =	vst v63  }
0xc4: {  	_ = 	snop  }
0xc5: {  	[spmem:s2] =	stream.indirect.scatter.add.f32 [tilespmem:s17], [sflag:$0x5], $0x80, s15, s16, $0xb8;
	[tilespmem:$0x1E400] =	vst v63  }
0xc6: {  	_ =	swait.ge [sflag:s14], $0x2800  }
0xc7: {  	s8 =	rddreg [dreg:$0x8];
	[sflag:s14] =	ssyncset.done $0x0  }
0xc8: {  	[sflag:s14] =	ssyncadd.s32 $0xFFFFD800;
	s6 =	sadd.s32 s5, s8  }
0xc9: {  	[tilespmem:s22], [sflag:$0x5] =	stream.linear.gather [hbm4b:s6+s3], $0x50, $0x38;
	[tilespmem:$0x1E400] =	vst v63  }
0xca: {  	_ =	swait.ge [sflag:s14], $0x50  }
0xcb: {  	s9 =	rddreg [dreg:$0x7];
	[sflag:s14] =	ssyncset.done $0x0  }
0xcc: {  	[sflag:s14] =	ssyncadd.s32 $0xFFFFFFB0;
	s6 =	sadd.s32 s5, s9  }
0xcd: {  	[tilespmem:s23], [sflag:$0x5] =	stream.linear.gather [hbm4b:s6+s3], $0x50, $0x38;
	[tilespmem:$0x1E400] =	vst v63  }
0xce: {  	_ =	swait.ge [sflag:s14], $0x50  }
0xcf: {  	[sflag:s14] =	ssyncset.done $0x0  }
0xd0: {  	[sflag:s14] =	ssyncadd.s32 $0xFFFFFFB0  }
0xd1: {  	_ =	swait.ge [sflag:s24], $0x2800  }
0xd2: {  	[sflag:s24] =	ssyncset.done $0x0  }
0xd3: {  	[sflag:s24] =	ssyncadd.s32 $0xFFFFD800  }
0xd4: {  	[tilespmem:s25], [sflag:$0x3] =	stream.indirect.gather [hbm4b:s4+s16], $0x80, s22, s16, $0xb8;
	[tilespmem:$0x1E400] =	vst v63  }
0xd5: {  	_ = 	snop  }
0xd6: {  	[spmem:s2] =	stream.indirect.scatter.add.f32 [tilespmem:s21], [sflag:$0x5], $0x80, s19, s16, $0xb8;
	[tilespmem:$0x1E400] =	vst v63  }
0xd7: {  	_ =	swait.ge [sflag:s14], $0x2800  }
0xd8: {  	s8 =	rddreg [dreg:$0x6];
	[sflag:s14] =	ssyncset.done $0x0  }
0xd9: {  	[sflag:s14] =	ssyncadd.s32 $0xFFFFD800;
	s6 =	sadd.s32 s5, s8  }
0xda: {  	[tilespmem:s26], [sflag:$0x5] =	stream.linear.gather [hbm4b:s6+s3], $0x50, $0x38;
	[tilespmem:$0x1E400] =	vst v63  }
0xdb: {  	_ =	swait.ge [sflag:s14], $0x50  }
0xdc: {  	s9 =	rddreg [dreg:$0x5];
	[sflag:s14] =	ssyncset.done $0x0  }
0xdd: {  	s6 =	sadd.s32 s5, s9;
	[sflag:s14] =	ssyncadd.s32 $0xFFFFFFB0  }
0xde: {  	[tilespmem:s28], [sflag:$0x5] =	stream.linear.gather [hbm4b:s6+s3], $0x50, $0x38;
	[tilespmem:$0x1E400] =	vst v63  }
0xdf: {  	_ =	swait.ge [sflag:s14], $0x50  }
0xe0: {  	[sflag:s14] =	ssyncset.done $0x0  }
0xe1: {  	[sflag:s14] =	ssyncadd.s32 $0xFFFFFFB0  }
0xe2: {  	_ =	swait.ge [sflag:s29], $0x2800  }
0xe3: {  	[sflag:s29] =	ssyncset.done $0x0  }
0xe4: {  	[sflag:s29] =	ssyncadd.s32 $0xFFFFD800  }
0xe5: {  	[tilespmem:s30], [sflag:$0x4] =	stream.indirect.gather [hbm4b:s4+s16], $0x80, s26, s16, $0xb8;
	[tilespmem:$0x1E400] =	vst v63  }
0xe6: {  	_ = 	snop  }
0xe7: {  	[spmem:s2] =	stream.indirect.scatter.add.f32 [tilespmem:s25], [sflag:$0x5], $0x80, s23, s16, $0xb8;
	[tilespmem:$0x1E400] =	vst v63  }
0xe8: {  	_ =	swait.ge [sflag:s14], $0x2800  }
0xe9: {  	[sflag:s14] =	ssyncset.done $0x0  }
0xea: {  	[sflag:s14] =	ssyncadd.s32 $0xFFFFD800  }
0xeb: {  	_ =	swait.ge [sflag:s31], $0x2800  }
0xec: {  	[sflag:s31] =	ssyncset.done $0x0  }
0xed: {  	[sflag:s31] =	ssyncadd.s32 $0xFFFFD800  }
0xee: {  	[spmem:s2] =	stream.indirect.scatter.add.f32 [tilespmem:s30], [sflag:$0x5], $0x80, s28, s16, $0xb8;
	[tilespmem:$0x1E400] =	vst v63  }
0xef: {  	_ =	swait.ge [sflag:s14], $0x2800  }
0xf0: {  	[sflag:s14] =	ssyncset.done $0x0  }
0xf1: {  	s8 =	rddreg [dreg:$0xb];
	[sflag:s14] =	ssyncadd.s32 $0xFFFFD800  }
0xf2: {  	[tilespmem:s3], [sflag:$0x5] =	stream.linear.gather [hbm4b:s8+s3], $0x50, $0x38;
	[tilespmem:$0x1E400] =	vst v63  }
0xf3: {  	_ =	swait.ge [sflag:s14], $0x50  }
0xf4: {  	[sflag:s14] =	ssyncset.done $0x0  }
0xf5: {  	s9 =	rddreg [dreg:$0xc];
	[sflag:s14] =	ssyncadd.s32 $0xFFFFFFB0  }
0xf6: {  	[tilespmem:s15], [sflag:$0x5] =	stream.linear.gather [hbm4b:s9+s3], $0x50, $0x38;
	[tilespmem:$0x1E400] =	vst v63  }
0xf7: {  	_ =	swait.ge [sflag:s14], $0x50  }
0xf8: {  	[sflag:s14] =	ssyncset.done $0x0  }
0xf9: {  	[sflag:s14] =	ssyncadd.s32 $0xFFFFFFB0  }
0xfa: {  	[tilespmem:s17], [sflag:$0x1] =	stream.indirect.gather [hbm4b:s4+s16], $0x80, s3, s16, $0xb8;
	[tilespmem:$0x1E400] =	vst v63  }
0xfb: {  	_ =	swait.ge [sflag:s20], $0x2800  }
0xfc: {  	[sflag:s20] =	ssyncset.done $0x0  }
0xfd: {  	[sflag:s20] =	ssyncadd.s32 $0xFFFFD800  }
0xfe: {  	[spmem:s2] =	stream.indirect.scatter.add.f32 [tilespmem:s17], [sflag:$0x5], $0x80, s15, s16, $0xb8;
	[tilespmem:$0x1E400] =	vst v63  }
0xff: {  	_ =	swait.ge [sflag:s14], $0x2800  }
0x100: {  	s0 =	sadd.s32 $0x1, s0;
	[sflag:s14] =	ssyncset.done $0x0  }
0x101: {  	p0 =	sne.s32 s0, s11;
	[sflag:s14] =	ssyncadd.s32 $0xFFFFD800  }
.Ltmp1:
0x102: {  	[bflag:$0x0] =	sbarrier.arrive $0xFFFF;
	(pc) =	sbr.rel @p0 .LBB2_1-.Ltmp1, $4  }
0x103: {  	[hbm:s10], [sflag:s7] =	dma.local [spmem:s1], $0x2800  }
0x104: {  	_ =	swait.ge [sflag:s14], $0x2800  }
0x105: {  	[sflag:s14] =	ssyncset.done $0x0  }
0x106: {  	[sflag:s14] =	ssyncadd.s32 $0xFFFFD800  }
0x107: {  	_ =	sfence.sel $0x180000  }
0x108: {  	[bflag:$0x0] =	sbarrier.arrive $0xFFFF  }
0x109: {  	_ =	strace $0x90000050  }
0x10a: {  	s0 =	stileid.u32;
	[bflag:$0x2] =	sbarrier.arrive $0xFFFF  }
0x10b: {  	p0 =	sne.s32 s0, $0x0;
	s0 =	rddreg [dreg:$0x2]  }
0x10c: {  	s0 =	sadd.s32 @!p0 $0x100000, s0  }
0x10d: {  	[sflag:s0] =	ssyncadd.tile.s32 @!p0 $0x1;
	_ =	shalt  }
.Lfunc_end2:
_tile_overlayer_lowered:
.L_overlay_start_2:
0x10e: {  	(tag) =	ssettag $0x2  }
0x10f: {  	s0 =	rddreg [dreg:$0x0];
	s2 =	stileid.u32  }
0x110: {  	s1 =	rddreg [dreg:$0x1];
	p0 =	sne.s32 s2, $0x0  }
0x111: {  	s3 =	rddreg [dreg:$0x2];
	[bflag:$0x3] =	sbarrier.arrive $0xFFFF;
	s2 =	simm.s32 @!p0 $0x1C05  }
0x112: {  	[timem:s3], [sflag:s2] =	dma.local @!p0 [hbm:s0], s1  }
0x113: {  	s0 =	simm.s32 @!p0 $0x5  }
0x114: {  	_ =	swait.ge @!p0 [sflag:s0], s1  }
0x115: {  	s1 =	ssub.s32 @!p0 $0x0, s1;
	[sflag:s0] =	ssyncset.done @!p0 $0x0  }
0x116: {  	[sflag:s0] =	ssyncadd.s32 @!p0 s1  }
0x117: {  	[bflag:$0x3] =	sbarrier.arrive $0xFFFF  }
0x118: {  	_ =	shalt  }

// kernel: kernel.21.cloned.1.call-start
scs
__scs_entry_jumppad:
0x0: {  	(pc) =	sbr.rel $0x88, $3  }
0x1: {  	(tag) =	ssettag $0x0;
	lr =	simm.s32 $0x1  }
0x2: {  	[smem:$0x3F93] =	sst lr;
	_ =	strace $0xD0000000  }
0x3: {  	_ = 	snop  }
0x4: {  	_ = 	snop  }
0x5: {  	_ = 	snop  }
0x6: {  	_ = 	snop  }
0x7: {  	_ = 	snop  }
__scs_overlays_trampoline_lowered:
0x8: {  	[smem:$0x3FA2] =	sst s0  }
0x9: {  	[smem:$0x3FA3] =	sst s1  }
0xa: {  	[smem:$0x3FA4] =	sst s2  }
0xb: {  	[smem:$0x3FA5] =	sst s3  }
0xc: {  	[smem:$0x3FA6] =	sst s4  }
0xd: {  	[smem:$0x3FA7] =	sst s5  }
0xe: {  	[smem:$0x3FA8] =	sst s6  }
0xf: {  	[smem:$0x3FA9] =	sst s7  }
0x10: {  	[smem:$0x3FAA] =	sst s8  }
0x11: {  	[smem:$0x3FAB] =	sst s9;
	s0 =	simm.s32 @!p0 $0x0  }
0x12: {  	s1 =	sld [smem:$0x3F91];
	s0 =	simm.s32 @p0 $0x1  }
0x13: {  	[smem:$0x3FAC] =	sst s0;
	s0 =	simm.s32 @!p1 $0x0  }
0x14: {  	s2 =	sld [smem:$0x3F90];
	s0 =	simm.s32 @p1 $0x1  }
0x15: {  	[smem:$0x3FAD] =	sst s0;
	s0 =	simm.s32 @!p2 $0x0  }
0x16: {  	s3 =	sld [smem:$0x3FDB];
	s0 =	simm.s32 @p2 $0x1  }
0x17: {  	s4 =	simm.s32 $0x1BF5;
	[smem:$0x3FAF] =	sst s0  }
0x18: {  	s0 =	sld [smem:$0x3F92];
	_ =	swait.ge [sflag:s4], $0x0  }
0x19: {  	s7 =	sld [smem:$0x3F93]  }
0x1a: {  	s8 =	sadd.s32 $0xFFFFE003, lr  }
0x1b: {  	s9 =	sadd.s32 $0xFFFFFEF7, lr;
	s5 =	simm.s32 $0xFFFFFFFF;
	p2 =	slt.u32 s8, $0xFFFFF086  }
0x1c: {  	p1 =	slt.u32 s9, $0xF7A;
	s5 =	simm.s32 @!p2 $0x0  }
0x1d: {  	s5 =	simm.s32 @p1 $0x1;
	p0 =	seq.s32 s7, s2  }
0x1e: {  	s7 =	smul.u32 @!p0 $0xF7A, s2;
	p2 =	seq.s32 @!p0 s5, $0x0  }
0x1f: {  	s9 =	smul.u32 $0xF7A, s1;
	s8 =	simm.s32 @!p0 $0x1BF5;
	p2 =	por !p2, p0  }
0x20: {  	[sflag:s8] =	ssyncset.s32 @!p0 $0xFFFFF086;
	s6 =	sadd.s32 @!p0 s3, s7;
	s7 =	simm.s32 @!p0 $0x108  }
0x21: {  	s3 =	sadd.s32 s3, s9;
	s6 =	sadd.s32 @!p0 $0x88, s6;
	s7 =	simm.s32 @p2 $0x1082  }
0x22: {  	[simem:s7], [sflag:s8] =	dma.local @!p0 [hbm:s6], $0xF7A  }
0x23: {  	s9 =	sor.u32 $0xD0000000, s2;
	s6 =	simm.s32 $0x108;
	_ =	swait.ge @!p0 [sflag:s8], $0x0  }
0x24: {  	s3 =	sadd.s32 $0x88, s3;
	s6 =	simm.s32 @!p1 $0x1082;
	[sflag:s4] =	ssyncset.s32 $0xFFFFF086  }
0x25: {  	[simem:s6], [sflag:s4] =	dma.local [hbm:s3], $0xF7A  }
0x26: {  	[smem:$0x3F93] =	sst s1;
	(tag) =	ssettag s2;
	_ =	strace s9  }
0x27: {  	s1 =	sld [smem:$0x3FA3]  }
0x28: {  	s2 =	sld [smem:$0x3FA4]  }
0x29: {  	s4 =	sld [smem:$0x3FA6]  }
0x2a: {  	p0 =	seq.s32 s5, $0x0;
	s5 =	sld [smem:$0x3FA7]  }
0x2b: {  	s6 =	sld [smem:$0x3FA8]  }
0x2c: {  	s7 =	sld [smem:$0x3FA9]  }
0x2d: {  	s3 =	simm.s32 $0x108;
	s8 =	sld [smem:$0x3FAA]  }
0x2e: {  	s3 =	simm.s32 @!p0 $0x1082;
	s9 =	sld [smem:$0x3FAB]  }
0x2f: {  	lr =	sadd.s32 s0, s3;
	s0 =	sld [smem:$0x3FA2]  }
0x30: {  	s3 =	sld [smem:$0x3FA5]  }
0x31: {  	[smem:$0x3FAE] =	sst s10  }
0x32: {  	s10 =	sld [smem:$0x3FAC];
	_ =	sdelay $0x3  }
0x33: {  	p0 =	seq.s32 s10, $0x1;
	s10 =	sld [smem:$0x3FAE];
	_ =	sdelay $0x3  }
0x34: {  	[smem:$0x3FAE] =	sst s10  }
0x35: {  	s10 =	sld [smem:$0x3FAD];
	_ =	sdelay $0x3  }
0x36: {  	p1 =	seq.s32 s10, $0x1;
	s10 =	sld [smem:$0x3FAE];
	_ =	sdelay $0x3  }
0x37: {  	[smem:$0x3FAE] =	sst s10  }
0x38: {  	s10 =	sld [smem:$0x3FAF]  }
0x39: {  	_ = 	snop;
	(pc) =	sbr.ind lr, $3  }
0x3a: {  	_ = 	snop  }
0x3b: {  	_ = 	snop  }
0x3c: {  	p2 =	seq.s32 s10, $0x1;
	s10 =	sld [smem:$0x3FAE]  }
0x3d: {  	_ =	shalt  }
0x3e: {  	_ =	shalt  }
0x3f: {  	_ =	shalt  }
0x40: {  	_ =	shalt  }
0x41: {  	_ =	shalt  }
0x42: {  	_ =	shalt  }
0x43: {  	_ =	shalt  }
0x44: {  	_ =	shalt  }
0x45: {  	_ =	shalt  }
0x46: {  	_ =	shalt  }
0x47: {  	_ =	shalt  }
0x48: {  	_ =	shalt  }
0x49: {  	_ =	shalt  }
0x4a: {  	_ =	shalt  }
0x4b: {  	_ =	shalt  }
0x4c: {  	_ =	shalt  }
0x4d: {  	_ =	shalt  }
0x4e: {  	_ =	shalt  }
0x4f: {  	_ =	shalt  }
0x50: {  	_ =	shalt  }
0x51: {  	_ =	shalt  }
0x52: {  	_ =	shalt  }
0x53: {  	_ =	shalt  }
0x54: {  	_ =	shalt  }
0x55: {  	_ =	shalt  }
0x56: {  	_ =	shalt  }
0x57: {  	_ =	shalt  }
0x58: {  	_ =	shalt  }
0x59: {  	_ =	shalt  }
0x5a: {  	_ =	shalt  }
0x5b: {  	_ =	shalt  }
0x5c: {  	_ =	shalt  }
0x5d: {  	_ =	shalt  }
0x5e: {  	_ =	shalt  }
0x5f: {  	_ =	shalt  }
0x60: {  	_ =	shalt  }
0x61: {  	_ =	shalt  }
0x62: {  	_ =	shalt  }
0x63: {  	_ =	shalt  }
0x64: {  	_ =	shalt  }
0x65: {  	_ =	shalt  }
0x66: {  	_ =	shalt  }
0x67: {  	_ =	shalt  }
0x68: {  	_ =	shalt  }
0x69: {  	_ =	shalt  }
0x6a: {  	_ =	shalt  }
0x6b: {  	_ =	shalt  }
0x6c: {  	_ =	shalt  }
0x6d: {  	_ =	shalt  }
0x6e: {  	_ =	shalt  }
0x6f: {  	_ =	shalt  }
0x70: {  	_ =	shalt  }
0x71: {  	_ =	shalt  }
0x72: {  	_ =	shalt  }
0x73: {  	_ =	shalt  }
0x74: {  	_ =	shalt  }
0x75: {  	_ =	shalt  }
0x76: {  	_ =	shalt  }
0x77: {  	_ =	shalt  }
0x78: {  	_ =	shalt  }
0x79: {  	_ =	shalt  }
0x7a: {  	_ =	shalt  }
0x7b: {  	_ =	shalt  }
0x7c: {  	_ =	shalt  }
0x7d: {  	_ =	shalt  }
0x7e: {  	_ =	shalt  }
0x7f: {  	_ =	shalt  }
0x80: {  	_ =	shalt  }
0x81: {  	_ =	shalt  }
0x82: {  	_ =	shalt  }
0x83: {  	_ =	shalt  }
0x84: {  	_ =	shalt  }
0x85: {  	_ =	shalt  }
0x86: {  	_ =	shalt  }
0x87: {  	_ =	shalt  }
.Lfunc_end0:
.L_simem_size_0:
called_computation.3_lowered:
.L_overlay_start_0:
0x88: {  	s2 =	sld [smem:$0x3FD9]  }
0x89: {  	s3 =	sld [smem:$0x3FFE];
	_ =	sdelay $0x1  }
0x8a: {  	s1 =	srdreg.scid  }
0x8b: {  	s0 =	sand.u32 $0x1, s1  }
0x8c: {  	s16 =	sshll.u32 s0, $0xA;
	s2 =	sadd.s32 s3, s2  }
0x8d: {  	s2 =	sadd.s32 s2, s16  }
0x8e: {  	[smem:$0x3FBA] =	sst s2  }
0x8f: {  	_ = 	snop  }
0x90: {  	(tm) =	ssettm $0x1  }
0x91: {  	s17 =	sld [smem:$0x3FFB];
	_ =	sdelay $0x3  }
0x92: {  	_ =	strace s17  }
0x93: {  	s2 =	sld [smem:$0x3FFC];
	_ =	sdelay $0x3  }
0x94: {  	_ =	strace s2  }
0x95: {  	s2 =	sld [smem:$0x3FFD];
	_ =	sdelay $0x3  }
0x96: {  	_ =	strace s2  }
0x97: {  	_ =	strace $0x8FFFFFFF  }
0x98: {  	s18 =	sld [smem:$0x3FDB];
	_ =	sdelay $0x1  }
0x99: {  	s19 =	simm.s32 $_scs_section_size  }
0x9a: {  	s4 =	simm.s32 $_size__tile_overlayer_lowered;
	s5 =	simm.s32 $_tile_overlayer_lowered  }
0x9b: {  	s22 =	simm.s32 $0x1BFF;
	s21 =	sshll.u32 s5, $0x1;
	s2 =	sadd.s32 s19, s18  }
0x9c: {  	s6 =	simm.s32 $0x0;
	s20 =	sshll.u32 s4, $0x1;
	s4 =	sadd.s32 s21, s2  }
0x9d: {  	[timem:s6], [sflag:s22] =	dma.local [hbm:s4], s20  }
0x9e: {  	_ =	swait.ge [sflag:s22], s20  }
0x9f: {  	s3 =	ssub.s32 $0x0, s20;
	[sflag:s22] =	ssyncset.done $0x0  }
0xa0: {  	[sflag:s22] =	ssyncadd.s32 s3;
	_ =	sdelay $0x1  }
0xa1: {  	s23 =	simm.s32 $0x1B8B  }
0xa2: {  	_ =	swait.ge [sflag:s23], $0x1  }
0xa3: {  	[sflag:s23] =	ssyncset.done $0x0  }
0xa4: {  	s25 =	simm.s32 $0x1B8E;
	s24 =	sld [smem:$0x3FFE];
	[sflag:s23] =	ssyncadd.s32 $0xFFFFFFFF  }
0xa5: {  	s26 =	simm.s32 $execute0_lowered;
	[smem:$0x3FD2] =	sst s25  }
0xa6: {  	s4 =	sshll.u32 s26, $0x1;
	_ =	strace $0x8000004C;
	[dreg:$0x1] =	wrdreg $0xFFFFFFFF  }
0xa7: {  	s28 =	simm.s32 $_size_execute0_lowered;
	s2 =	sadd.s32 s2, s4;
	[dreg:$0x0] =	wrdreg $0x0  }
0xa8: {  	s4 =	sshll.u32 s28, $0x1;
	[dreg:$0x2] =	wrdreg s2  }
0xa9: {  	[dreg:$0x3] =	wrdreg s4  }
0xaa: {  	[dreg:$0x4] =	wrdreg $0xC0  }
0xab: {  	_ =	task [dreg:s6], $0x5FFFF  }
0xac: {  	[dreg:$0x1] =	wrdreg $0xFFFFFFFF  }
0xad: {  	[dreg:$0x0] =	wrdreg $0x60  }
0xae: {  	[dreg:$0x2] =	wrdreg s24  }
0xaf: {  	[dreg:$0x3] =	wrdreg $0xA4000  }
0xb0: {  	[dreg:$0x4] =	wrdreg $0xA  }
0xb1: {  	_ =	task.clear_ibuf [dreg:s6], $0x5FFFF;
	_ =	strace $0x9000004C  }
0xb2: {  	s29 =	simm.s32 $0xA;
	_ =	strace $0x8000004E  }
0xb3: {  	_ =	swait.ge [sflag:s29], $0x1  }
0xb4: {  	[sflag:s29] =	ssyncadd.s32 $0xFFFFFFFF  }
0xb5: {  	_ =	strace $0x9000004E  }
0xb6: {  	_ =	sfence  }
0xb7: {  	s30 =	sld [smem:$0x0];
	_ =	sdelay $0x2  }
0xb8: {  	s31 =	sshll.u32 s1, $0xD;
	s1 =	sshrl.u32 s1, $0x2  }
0xb9: {  	s3 =	sand.u32 $0x4000, s31;
	s1 =	sadd.s32 s1, s30  }
0xba: {  	s0 =	sor.u32 s3, s0;
	s1 =	sshll.u32 s1, $0x11  }
0xbb: {  	s0 =	sor.u32 s1, s0  }
0xbc: {  	s0 =	sadd.s32 $0x8F2B, s0  }
0xbd: {  	[sflag:s0] =	ssyncadd.remote.s32 $0x1  }
0xbe: {  	_ =	sfence.sel $0xFFFF  }
0xbf: {  	[dreg:$0x0] =	wrdreg $0xFFFFFFFF;
	(pc) =	sbr.abs _section_cstart, $3  }
0xc0: {  	[dreg:$0x1] =	wrdreg $0xFFFFFFFF  }
0xc1: {  	_ =	task.clear_ibuf [dreg:s6], $0x2FFFF;
	_ =	strace $0x9FFFFFFF  }
0xc2: {  	(tm) =	ssettm $0x7FFFFFFF  }
0xc3: {  	_ =	shalt  }
tec
execute0_lowered:
.L_overlay_start_1:
0x0: {  	(tag) =	ssettag $0x1  }
0x1: {  	s0 =	rddreg [dreg:$0x0]  }
0x2: {  	s2 =	rddreg [dreg:$0x1]  }
0x3: {  	s3 =	simm.s32 $0x0;
	s12 =	stileid.u32;
	s1 =	srdreg.scid  }
0x4: {  	s28 =	simm.s32 $0x380;
	s29 =	simm.s32 $0x3;
	s30 =	simm.s32 $0x7C00  }
0x5: {  	s31 =	simm.s32 $0x4;
	[smem:$0x7FF] =	sst s3;
	s5 =	smul.u32 $0x2800, s12  }
0x6: {  	s1 =	sand.u32 $0x1, s1;
	s4 =	sadd.s32 $0x40000, s0;
	s11 =	smul.u32 $0x50000, s12  }
0x7: {  	s8 =	sadd.s32 $0xE200, s0;
	s9 =	sadd.s32 $0x4400, s0;
	s14 =	smul.u32 $0x2710, s12  }
0x8: {  	s15 =	sshll.u32 s12, $0x6;
	_ =	strace $0x8000004D;
	s6 =	smul.u32 $0x28000, s1  }
0x9: {  	s25 =	sshll.u32 s1, $0x4;
	s10 =	ssub.s32 $0x2, s1;
	s1 =	smul.u32 $0x27100, s1  }
0xa: {  	s7 =	sadd.s32 s5, s0;
	s26 =	sshrl.u32 s10, $0x1;
	s13 =	sshrl.u32 s11, $0x2  }
0xb: {  	s5 =	sadd.s32 s5, s6;
	s6 =	sor.u32 s12, s25;
	s7 =	sadd.s32 $0x18000, s7  }
0xc: {  	s1 =	sadd.s32 s14, s1;
	s14 =	simm.s32 $0x5;
	s0 =	sadd.s32 s5, s0  }
0xd: {  	s6 =	smul.u32 $0x2710, s6;
	s5 =	ssub.s32 s10, s26;
	s10 =	sadd.s32 s13, s2  }
0xe: {  	[dreg:$0xa] =	wrdreg s7;
	s7 =	sor.u32 $0x1C05, s15;
	s17 =	sshrl.u32 s1, $0x3  }
0xf: {  	s19 =	sadd.s32 $0xF0, s1;
	s22 =	sadd.s32 $0xA0, s1;
	s1 =	sadd.s32 $0x50, s1  }
0x10: {  	s15 =	simm.s32 $0x200;
	[dreg:$0x9] =	wrdreg s10;
	s10 =	sadd.s32 $0xB5600, s0  }
0x11: {  	s11 =	smax.u32 s5, $0x1;
	s18 =	sadd.s32 s17, s9;
	s0 =	sadd.s32 s17, s8  }
0x12: {  	s20 =	sshrl.u32 s19, $0x3;
	s24 =	sshrl.u32 s22, $0x3;
	s1 =	sshrl.u32 s1, $0x3  }
0x13: {  	s17 =	simm.s32 $0x400;
	s19 =	simm.s32 $0x280;
	[dreg:$0x3] =	wrdreg s18  }
0x14: {  	s22 =	simm.s32 $0x100;
	s6 =	sshrl.u32 s6, $0x3;
	[dreg:$0x4] =	wrdreg s0  }
0x15: {  	s21 =	sadd.s32 s20, s9;
	s23 =	sadd.s32 s20, s8;
	s25 =	sadd.s32 s24, s9  }
0x16: {  	s26 =	sadd.s32 s24, s8;
	s12 =	sadd.s32 s1, s9;
	[dreg:$0x5] =	wrdreg s21  }
0x17: {  	s13 =	sadd.s32 s1, s8;
	s18 =	simm.s32 $0x80;
	[dreg:$0x6] =	wrdreg s23  }
0x18: {  	s20 =	simm.s32 $0x1;
	s24 =	simm.s32 $0x2;
	[dreg:$0x7] =	wrdreg s25  }
0x19: {  	s0 =	simm.s32 $0x0;
	s6 =	sadd.s32 $0x4D8, s6;
	[dreg:$0x8] =	wrdreg s26  }
0x1a: {  	s21 =	simm.s32 $0x2C00;
	s23 =	simm.s32 $0x300;
	s16 =	sadd.s32 s8, s6  }
0x1b: {  	s25 =	simm.s32 $0x5400;
	s6 =	sadd.s32 s9, s6;
	[dreg:$0xb] =	wrdreg s16  }
0x1c: {  	s26 =	simm.s32 $0x180;
	[dreg:$0xc] =	wrdreg s6;
	s16 =	simm.s32 $0x50  }
.LBB2_1:
0x1d: {  	s1 =	rddreg [dreg:$0x9]  }
0x1e: {  	s5 =	rddreg [dreg:$0xa];
	s1 =	sshrl.u32 s1, $0x3  }
0x1f: {  	[spmem:s1], [sflag:s7] =	dma.local [hbm:s5], $0x2800  }
0x20: {  	_ =	swait.ge [sflag:s14], $0x2800  }
0x21: {  	[sflag:s14] =	ssyncset.done $0x0  }
0x22: {  	[sflag:s14] =	ssyncadd.s32 $0xFFFFD800  }
0x23: {  	[bflag:$0x0] =	sbarrier.arrive $0xFFFF  }
0x24: {  	s8 =	rddreg [dreg:$0x4]  }
0x25: {  	s5 =	sadd.s32 $0x0, s8  }
0x26: {  	[tilespmem:s3], [sflag:$0x5] =	stream.linear.gather [hbm4b:s5+s3], $0x50, $0x38;
	[tilespmem:$0x1E400] =	vst v63  }
0x27: {  	_ =	swait.ge [sflag:s14], $0x50  }
0x28: {  	s9 =	rddreg [dreg:$0x3];
	[sflag:s14] =	ssyncset.done $0x0  }
0x29: {  	[sflag:s14] =	ssyncadd.s32 $0xFFFFFFB0;
	s5 =	sadd.s32 $0x0, s9  }
0x2a: {  	[tilespmem:s15], [sflag:$0x5] =	stream.linear.gather [hbm4b:s5+s3], $0x50, $0x38;
	[tilespmem:$0x1E400] =	vst v63  }
0x2b: {  	_ =	swait.ge [sflag:s14], $0x50  }
0x2c: {  	[sflag:s14] =	ssyncset.done $0x0  }
0x2d: {  	[sflag:s14] =	ssyncadd.s32 $0xFFFFFFB0  }
0x2e: {  	[tilespmem:s17], [sflag:$0x1] =	stream.indirect.gather [hbm4b:s4+s16], $0x80, s3, s16, $0xb8;
	[tilespmem:$0x1E400] =	vst v63  }
0x2f: {  	s6 =	sadd.s32 $0x0, s13  }
0x30: {  	[tilespmem:s18], [sflag:$0x5] =	stream.linear.gather [hbm4b:s6+s3], $0x50, $0x38;
	[tilespmem:$0x1E400] =	vst v63  }
0x31: {  	_ =	swait.ge [sflag:s14], $0x50  }
0x32: {  	[sflag:s14] =	ssyncset.done $0x0  }
0x33: {  	s8 =	sadd.s32 $0x0, s12;
	[sflag:s14] =	ssyncadd.s32 $0xFFFFFFB0  }
0x34: {  	[tilespmem:s19], [sflag:$0x5] =	stream.linear.gather [hbm4b:s8+s3], $0x50, $0x38;
	[tilespmem:$0x1E400] =	vst v63  }
0x35: {  	_ =	swait.ge [sflag:s14], $0x50  }
0x36: {  	[sflag:s14] =	ssyncset.done $0x0  }
0x37: {  	[sflag:s14] =	ssyncadd.s32 $0xFFFFFFB0  }
0x38: {  	_ =	swait.ge [sflag:s20], $0x2800  }
0x39: {  	[sflag:s20] =	ssyncset.done $0x0  }
0x3a: {  	[sflag:s20] =	ssyncadd.s32 $0xFFFFD800  }
0x3b: {  	[tilespmem:s21], [sflag:$0x2] =	stream.indirect.gather [hbm4b:s4+s16], $0x80, s18, s16, $0xb8;
	[tilespmem:$0x1E400] =	vst v63  }
0x3c: {  	_ = 	snop  }
0x3d: {  	[spmem:s2] =	stream.indirect.scatter.add.f32 [tilespmem:s17], [sflag:$0x5], $0x80, s15, s16, $0xb8;
	[tilespmem:$0x1E400] =	vst v63  }
0x3e: {  	_ =	swait.ge [sflag:s14], $0x2800  }
0x3f: {  	s9 =	rddreg [dreg:$0x8];
	[sflag:s14] =	ssyncset.done $0x0  }
0x40: {  	[sflag:s14] =	ssyncadd.s32 $0xFFFFD800;
	s5 =	sadd.s32 $0x0, s9  }
0x41: {  	[tilespmem:s22], [sflag:$0x5] =	stream.linear.gather [hbm4b:s5+s3], $0x50, $0x38;
	[tilespmem:$0x1E400] =	vst v63  }
0x42: {  	_ =	swait.ge [sflag:s14], $0x50  }
0x43: {  	s6 =	rddreg [dreg:$0x7];
	[sflag:s14] =	ssyncset.done $0x0  }
0x44: {  	[sflag:s14] =	ssyncadd.s32 $0xFFFFFFB0;
	s5 =	sadd.s32 $0x0, s6  }
0x45: {  	[tilespmem:s23], [sflag:$0x5] =	stream.linear.gather [hbm4b:s5+s3], $0x50, $0x38;
	[tilespmem:$0x1E400] =	vst v63  }
0x46: {  	_ =	swait.ge [sflag:s14], $0x50  }
0x47: {  	[sflag:s14] =	ssyncset.done $0x0  }
0x48: {  	[sflag:s14] =	ssyncadd.s32 $0xFFFFFFB0  }
0x49: {  	_ =	swait.ge [sflag:s24], $0x2800  }
0x4a: {  	[sflag:s24] =	ssyncset.done $0x0  }
0x4b: {  	[sflag:s24] =	ssyncadd.s32 $0xFFFFD800  }
0x4c: {  	[tilespmem:s25], [sflag:$0x3] =	stream.indirect.gather [hbm4b:s4+s16], $0x80, s22, s16, $0xb8;
	[tilespmem:$0x1E400] =	vst v63  }
0x4d: {  	_ = 	snop  }
0x4e: {  	[spmem:s2] =	stream.indirect.scatter.add.f32 [tilespmem:s21], [sflag:$0x5], $0x80, s19, s16, $0xb8;
	[tilespmem:$0x1E400] =	vst v63  }
0x4f: {  	_ =	swait.ge [sflag:s14], $0x2800  }
0x50: {  	s8 =	rddreg [dreg:$0x6];
	[sflag:s14] =	ssyncset.done $0x0  }
0x51: {  	[sflag:s14] =	ssyncadd.s32 $0xFFFFD800;
	s5 =	sadd.s32 $0x0, s8  }
0x52: {  	[tilespmem:s26], [sflag:$0x5] =	stream.linear.gather [hbm4b:s5+s3], $0x50, $0x38;
	[tilespmem:$0x1E400] =	vst v63  }
0x53: {  	_ =	swait.ge [sflag:s14], $0x50  }
0x54: {  	s9 =	rddreg [dreg:$0x5];
	[sflag:s14] =	ssyncset.done $0x0  }
0x55: {  	[sflag:s14] =	ssyncadd.s32 $0xFFFFFFB0;
	s5 =	sadd.s32 $0x0, s9  }
0x56: {  	[tilespmem:s28], [sflag:$0x5] =	stream.linear.gather [hbm4b:s5+s3], $0x50, $0x38;
	[tilespmem:$0x1E400] =	vst v63  }
0x57: {  	_ =	swait.ge [sflag:s14], $0x50  }
0x58: {  	[sflag:s14] =	ssyncset.done $0x0  }
0x59: {  	[sflag:s14] =	ssyncadd.s32 $0xFFFFFFB0  }
0x5a: {  	_ =	swait.ge [sflag:s29], $0x2800  }
0x5b: {  	[sflag:s29] =	ssyncset.done $0x0  }
0x5c: {  	[sflag:s29] =	ssyncadd.s32 $0xFFFFD800  }
0x5d: {  	[tilespmem:s30], [sflag:$0x4] =	stream.indirect.gather [hbm4b:s4+s16], $0x80, s26, s16, $0xb8;
	[tilespmem:$0x1E400] =	vst v63  }
0x5e: {  	_ = 	snop  }
0x5f: {  	[spmem:s2] =	stream.indirect.scatter.add.f32 [tilespmem:s25], [sflag:$0x5], $0x80, s23, s16, $0xb8;
	[tilespmem:$0x1E400] =	vst v63  }
0x60: {  	_ =	swait.ge [sflag:s14], $0x2800  }
0x61: {  	[sflag:s14] =	ssyncset.done $0x0  }
0x62: {  	[sflag:s14] =	ssyncadd.s32 $0xFFFFD800  }
0x63: {  	_ =	swait.ge [sflag:s31], $0x2800  }
0x64: {  	[sflag:s31] =	ssyncset.done $0x0  }
0x65: {  	[sflag:s31] =	ssyncadd.s32 $0xFFFFD800  }
0x66: {  	[spmem:s2] =	stream.indirect.scatter.add.f32 [tilespmem:s30], [sflag:$0x5], $0x80, s28, s16, $0xb8;
	[tilespmem:$0x1E400] =	vst v63  }
0x67: {  	s6 =	simm.s32 $0x50;
	_ =	swait.ge [sflag:s14], $0x2800  }
0x68: {  	s5 =	simm.s32 $0x28;
	s9 =	rddreg [dreg:$0x4];
	[sflag:s14] =	ssyncset.done $0x0  }
.LBB2_2:
0x69: {  	[sflag:s14] =	ssyncadd.s32 $0xFFFFD800;
	s9 =	sadd.s32 s5, s9  }
0x6a: {  	[tilespmem:s3], [sflag:$0x5] =	stream.linear.gather [hbm4b:s9+s3], $0x50, $0x38;
	[tilespmem:$0x1E400] =	vst v63  }
0x6b: {  	_ =	swait.ge [sflag:s14], $0x50  }
0x6c: {  	s9 =	rddreg [dreg:$0x3];
	[sflag:s14] =	ssyncset.done $0x0  }
0x6d: {  	[sflag:s14] =	ssyncadd.s32 $0xFFFFFFB0;
	s9 =	sadd.s32 s5, s9  }
0x6e: {  	[tilespmem:s15], [sflag:$0x5] =	stream.linear.gather [hbm4b:s9+s3], $0x50, $0x38;
	[tilespmem:$0x1E400] =	vst v63  }
0x6f: {  	_ =	swait.ge [sflag:s14], $0x50  }
0x70: {  	[sflag:s14] =	ssyncset.done $0x0  }
0x71: {  	[sflag:s14] =	ssyncadd.s32 $0xFFFFFFB0  }
0x72: {  	[tilespmem:s17], [sflag:$0x1] =	stream.indirect.gather [hbm4b:s4+s16], $0x80, s3, s16, $0xb8;
	[tilespmem:$0x1E400] =	vst v63  }
0x73: {  	s9 =	sadd.s32 s5, s13  }
0x74: {  	[tilespmem:s18], [sflag:$0x5] =	stream.linear.gather [hbm4b:s9+s3], $0x50, $0x38;
	[tilespmem:$0x1E400] =	vst v63  }
0x75: {  	_ =	swait.ge [sflag:s14], $0x50  }
0x76: {  	[sflag:s14] =	ssyncset.done $0x0  }
0x77: {  	s9 =	sadd.s32 s5, s12;
	[sflag:s14] =	ssyncadd.s32 $0xFFFFFFB0  }
0x78: {  	[tilespmem:s19], [sflag:$0x5] =	stream.linear.gather [hbm4b:s9+s3], $0x50, $0x38;
	[tilespmem:$0x1E400] =	vst v63  }
0x79: {  	_ =	swait.ge [sflag:s14], $0x50  }
0x7a: {  	[sflag:s14] =	ssyncset.done $0x0  }
0x7b: {  	[sflag:s14] =	ssyncadd.s32 $0xFFFFFFB0  }
0x7c: {  	_ =	swait.ge [sflag:s20], $0x2800  }
0x7d: {  	[sflag:s20] =	ssyncset.done $0x0  }
0x7e: {  	[sflag:s20] =	ssyncadd.s32 $0xFFFFD800  }
0x7f: {  	[tilespmem:s21], [sflag:$0x2] =	stream.indirect.gather [hbm4b:s4+s16], $0x80, s18, s16, $0xb8;
	[tilespmem:$0x1E400] =	vst v63  }
0x80: {  	_ = 	snop  }
0x81: {  	[spmem:s2] =	stream.indirect.scatter.add.f32 [tilespmem:s17], [sflag:$0x5], $0x80, s15, s16, $0xb8;
	[tilespmem:$0x1E400] =	vst v63  }
0x82: {  	_ =	swait.ge [sflag:s14], $0x2800  }
0x83: {  	s9 =	rddreg [dreg:$0x8];
	[sflag:s14] =	ssyncset.done $0x0  }
0x84: {  	[sflag:s14] =	ssyncadd.s32 $0xFFFFD800;
	s9 =	sadd.s32 s5, s9  }
0x85: {  	[tilespmem:s22], [sflag:$0x5] =	stream.linear.gather [hbm4b:s9+s3], $0x50, $0x38;
	[tilespmem:$0x1E400] =	vst v63  }
0x86: {  	_ =	swait.ge [sflag:s14], $0x50  }
0x87: {  	s9 =	rddreg [dreg:$0x7];
	[sflag:s14] =	ssyncset.done $0x0  }
0x88: {  	[sflag:s14] =	ssyncadd.s32 $0xFFFFFFB0;
	s9 =	sadd.s32 s5, s9  }
0x89: {  	[tilespmem:s23], [sflag:$0x5] =	stream.linear.gather [hbm4b:s9+s3], $0x50, $0x38;
	[tilespmem:$0x1E400] =	vst v63  }
0x8a: {  	_ =	swait.ge [sflag:s14], $0x50  }
0x8b: {  	[sflag:s14] =	ssyncset.done $0x0  }
0x8c: {  	[sflag:s14] =	ssyncadd.s32 $0xFFFFFFB0  }
0x8d: {  	_ =	swait.ge [sflag:s24], $0x2800  }
0x8e: {  	[sflag:s24] =	ssyncset.done $0x0  }
0x8f: {  	[sflag:s24] =	ssyncadd.s32 $0xFFFFD800  }
0x90: {  	[tilespmem:s25], [sflag:$0x3] =	stream.indirect.gather [hbm4b:s4+s16], $0x80, s22, s16, $0xb8;
	[tilespmem:$0x1E400] =	vst v63  }
0x91: {  	_ = 	snop  }
0x92: {  	[spmem:s2] =	stream.indirect.scatter.add.f32 [tilespmem:s21], [sflag:$0x5], $0x80, s19, s16, $0xb8;
	[tilespmem:$0x1E400] =	vst v63  }
0x93: {  	_ =	swait.ge [sflag:s14], $0x2800  }
0x94: {  	s9 =	rddreg [dreg:$0x6];
	[sflag:s14] =	ssyncset.done $0x0  }
0x95: {  	[sflag:s14] =	ssyncadd.s32 $0xFFFFD800;
	s9 =	sadd.s32 s5, s9  }
0x96: {  	[tilespmem:s26], [sflag:$0x5] =	stream.linear.gather [hbm4b:s9+s3], $0x50, $0x38;
	[tilespmem:$0x1E400] =	vst v63  }
0x97: {  	_ =	swait.ge [sflag:s14], $0x50  }
0x98: {  	s9 =	rddreg [dreg:$0x5];
	[sflag:s14] =	ssyncset.done $0x0  }
0x99: {  	[sflag:s14] =	ssyncadd.s32 $0xFFFFFFB0;
	s9 =	sadd.s32 s5, s9  }
0x9a: {  	[tilespmem:s28], [sflag:$0x5] =	stream.linear.gather [hbm4b:s9+s3], $0x50, $0x38;
	[tilespmem:$0x1E400] =	vst v63  }
0x9b: {  	_ =	swait.ge [sflag:s14], $0x50  }
0x9c: {  	[sflag:s14] =	ssyncset.done $0x0  }
0x9d: {  	[sflag:s14] =	ssyncadd.s32 $0xFFFFFFB0  }
0x9e: {  	_ =	swait.ge [sflag:s29], $0x2800  }
0x9f: {  	[sflag:s29] =	ssyncset.done $0x0  }
0xa0: {  	[sflag:s29] =	ssyncadd.s32 $0xFFFFD800  }
0xa1: {  	[tilespmem:s30], [sflag:$0x4] =	stream.indirect.gather [hbm4b:s4+s16], $0x80, s26, s16, $0xb8;
	[tilespmem:$0x1E400] =	vst v63  }
0xa2: {  	_ = 	snop  }
0xa3: {  	[spmem:s2] =	stream.indirect.scatter.add.f32 [tilespmem:s25], [sflag:$0x5], $0x80, s23, s16, $0xb8;
	[tilespmem:$0x1E400] =	vst v63  }
0xa4: {  	_ =	swait.ge [sflag:s14], $0x2800  }
0xa5: {  	[sflag:s14] =	ssyncset.done $0x0  }
0xa6: {  	[sflag:s14] =	ssyncadd.s32 $0xFFFFD800  }
0xa7: {  	p0 =	sne.s32 s6, $0x4B0;
	_ =	swait.ge [sflag:s31], $0x2800  }
.Ltmp0:
0xa8: {  	[sflag:s31] =	ssyncset.done $0x0;
	(pc) =	sbr.rel @p0 .LBB2_2-.Ltmp0, $4  }
0xa9: {  	[sflag:s31] =	ssyncadd.s32 $0xFFFFD800  }
0xaa: {  	[spmem:s2] =	stream.indirect.scatter.add.f32 [tilespmem:s30], [sflag:$0x5], $0x80, s28, s16, $0xb8;
	[tilespmem:$0x1E400] =	vst v63  }
0xab: {  	s8 =	smov.u32 s6;
	s6 =	sadd.s32 $0x28, s6;
	_ =	swait.ge [sflag:s14], $0x2800  }
0xac: {  	s5 =	smov.u32 s8;
	s9 =	rddreg [dreg:$0x4];
	[sflag:s14] =	ssyncset.done $0x0  }
0xad: {  	[sflag:s14] =	ssyncadd.s32 $0xFFFFD800;
	s6 =	sadd.s32 s5, s9  }
0xae: {  	[tilespmem:s3], [sflag:$0x5] =	stream.linear.gather [hbm4b:s6+s3], $0x50, $0x38;
	[tilespmem:$0x1E400] =	vst v63  }
0xaf: {  	_ =	swait.ge [sflag:s14], $0x50  }
0xb0: {  	s9 =	rddreg [dreg:$0x3];
	[sflag:s14] =	ssyncset.done $0x0  }
0xb1: {  	[sflag:s14] =	ssyncadd.s32 $0xFFFFFFB0;
	s6 =	sadd.s32 s5, s9  }
0xb2: {  	[tilespmem:s15], [sflag:$0x5] =	stream.linear.gather [hbm4b:s6+s3], $0x50, $0x38;
	[tilespmem:$0x1E400] =	vst v63  }
0xb3: {  	_ =	swait.ge [sflag:s14], $0x50  }
0xb4: {  	[sflag:s14] =	ssyncset.done $0x0  }
0xb5: {  	[sflag:s14] =	ssyncadd.s32 $0xFFFFFFB0  }
0xb6: {  	[tilespmem:s17], [sflag:$0x1] =	stream.indirect.gather [hbm4b:s4+s16], $0x80, s3, s16, $0xb8;
	[tilespmem:$0x1E400] =	vst v63  }
0xb7: {  	s8 =	sadd.s32 s5, s13  }
0xb8: {  	[tilespmem:s18], [sflag:$0x5] =	stream.linear.gather [hbm4b:s8+s3], $0x50, $0x38;
	[tilespmem:$0x1E400] =	vst v63  }
0xb9: {  	_ =	swait.ge [sflag:s14], $0x50  }
0xba: {  	[sflag:s14] =	ssyncset.done $0x0  }
0xbb: {  	s9 =	sadd.s32 s5, s12;
	[sflag:s14] =	ssyncadd.s32 $0xFFFFFFB0  }
0xbc: {  	[tilespmem:s19], [sflag:$0x5] =	stream.linear.gather [hbm4b:s9+s3], $0x50, $0x38;
	[tilespmem:$0x1E400] =	vst v63  }
0xbd: {  	_ =	swait.ge [sflag:s14], $0x50  }
0xbe: {  	[sflag:s14] =	ssyncset.done $0x0  }
0xbf: {  	[sflag:s14] =	ssyncadd.s32 $0xFFFFFFB0  }
0xc0: {  	_ =	swait.ge [sflag:s20], $0x2800  }
0xc1: {  	[sflag:s20] =	ssyncset.done $0x0  }
0xc2: {  	[sflag:s20] =	ssyncadd.s32 $0xFFFFD800  }
0xc3: {  	[tilespmem:s21], [sflag:$0x2] =	stream.indirect.gather [hbm4b:s4+s16], $0x80, s18, s16, $0xb8;
	[tilespmem:$0x1E400] =	vst v63  }
0xc4: {  	_ = 	snop  }
0xc5: {  	[spmem:s2] =	stream.indirect.scatter.add.f32 [tilespmem:s17], [sflag:$0x5], $0x80, s15, s16, $0xb8;
	[tilespmem:$0x1E400] =	vst v63  }
0xc6: {  	_ =	swait.ge [sflag:s14], $0x2800  }
0xc7: {  	s8 =	rddreg [dreg:$0x8];
	[sflag:s14] =	ssyncset.done $0x0  }
0xc8: {  	[sflag:s14] =	ssyncadd.s32 $0xFFFFD800;
	s6 =	sadd.s32 s5, s8  }
0xc9: {  	[tilespmem:s22], [sflag:$0x5] =	stream.linear.gather [hbm4b:s6+s3], $0x50, $0x38;
	[tilespmem:$0x1E400] =	vst v63  }
0xca: {  	_ =	swait.ge [sflag:s14], $0x50  }
0xcb: {  	s9 =	rddreg [dreg:$0x7];
	[sflag:s14] =	ssyncset.done $0x0  }
0xcc: {  	[sflag:s14] =	ssyncadd.s32 $0xFFFFFFB0;
	s6 =	sadd.s32 s5, s9  }
0xcd: {  	[tilespmem:s23], [sflag:$0x5] =	stream.linear.gather [hbm4b:s6+s3], $0x50, $0x38;
	[tilespmem:$0x1E400] =	vst v63  }
0xce: {  	_ =	swait.ge [sflag:s14], $0x50  }
0xcf: {  	[sflag:s14] =	ssyncset.done $0x0  }
0xd0: {  	[sflag:s14] =	ssyncadd.s32 $0xFFFFFFB0  }
0xd1: {  	_ =	swait.ge [sflag:s24], $0x2800  }
0xd2: {  	[sflag:s24] =	ssyncset.done $0x0  }
0xd3: {  	[sflag:s24] =	ssyncadd.s32 $0xFFFFD800  }
0xd4: {  	[tilespmem:s25], [sflag:$0x3] =	stream.indirect.gather [hbm4b:s4+s16], $0x80, s22, s16, $0xb8;
	[tilespmem:$0x1E400] =	vst v63  }
0xd5: {  	_ = 	snop  }
0xd6: {  	[spmem:s2] =	stream.indirect.scatter.add.f32 [tilespmem:s21], [sflag:$0x5], $0x80, s19, s16, $0xb8;
	[tilespmem:$0x1E400] =	vst v63  }
0xd7: {  	_ =	swait.ge [sflag:s14], $0x2800  }
0xd8: {  	s8 =	rddreg [dreg:$0x6];
	[sflag:s14] =	ssyncset.done $0x0  }
0xd9: {  	[sflag:s14] =	ssyncadd.s32 $0xFFFFD800;
	s6 =	sadd.s32 s5, s8  }
0xda: {  	[tilespmem:s26], [sflag:$0x5] =	stream.linear.gather [hbm4b:s6+s3], $0x50, $0x38;
	[tilespmem:$0x1E400] =	vst v63  }
0xdb: {  	_ =	swait.ge [sflag:s14], $0x50  }
0xdc: {  	s9 =	rddreg [dreg:$0x5];
	[sflag:s14] =	ssyncset.done $0x0  }
0xdd: {  	s6 =	sadd.s32 s5, s9;
	[sflag:s14] =	ssyncadd.s32 $0xFFFFFFB0  }
0xde: {  	[tilespmem:s28], [sflag:$0x5] =	stream.linear.gather [hbm4b:s6+s3], $0x50, $0x38;
	[tilespmem:$0x1E400] =	vst v63  }
0xdf: {  	_ =	swait.ge [sflag:s14], $0x50  }
0xe0: {  	[sflag:s14] =	ssyncset.done $0x0  }
0xe1: {  	[sflag:s14] =	ssyncadd.s32 $0xFFFFFFB0  }
0xe2: {  	_ =	swait.ge [sflag:s29], $0x2800  }
0xe3: {  	[sflag:s29] =	ssyncset.done $0x0  }
0xe4: {  	[sflag:s29] =	ssyncadd.s32 $0xFFFFD800  }
0xe5: {  	[tilespmem:s30], [sflag:$0x4] =	stream.indirect.gather [hbm4b:s4+s16], $0x80, s26, s16, $0xb8;
	[tilespmem:$0x1E400] =	vst v63  }
0xe6: {  	_ = 	snop  }
0xe7: {  	[spmem:s2] =	stream.indirect.scatter.add.f32 [tilespmem:s25], [sflag:$0x5], $0x80, s23, s16, $0xb8;
	[tilespmem:$0x1E400] =	vst v63  }
0xe8: {  	_ =	swait.ge [sflag:s14], $0x2800  }
0xe9: {  	[sflag:s14] =	ssyncset.done $0x0  }
0xea: {  	[sflag:s14] =	ssyncadd.s32 $0xFFFFD800  }
0xeb: {  	_ =	swait.ge [sflag:s31], $0x2800  }
0xec: {  	[sflag:s31] =	ssyncset.done $0x0  }
0xed: {  	[sflag:s31] =	ssyncadd.s32 $0xFFFFD800  }
0xee: {  	[spmem:s2] =	stream.indirect.scatter.add.f32 [tilespmem:s30], [sflag:$0x5], $0x80, s28, s16, $0xb8;
	[tilespmem:$0x1E400] =	vst v63  }
0xef: {  	_ =	swait.ge [sflag:s14], $0x2800  }
0xf0: {  	[sflag:s14] =	ssyncset.done $0x0  }
0xf1: {  	s8 =	rddreg [dreg:$0xb];
	[sflag:s14] =	ssyncadd.s32 $0xFFFFD800  }
0xf2: {  	[tilespmem:s3], [sflag:$0x5] =	stream.linear.gather [hbm4b:s8+s3], $0x50, $0x38;
	[tilespmem:$0x1E400] =	vst v63  }
0xf3: {  	_ =	swait.ge [sflag:s14], $0x50  }
0xf4: {  	[sflag:s14] =	ssyncset.done $0x0  }
0xf5: {  	s9 =	rddreg [dreg:$0xc];
	[sflag:s14] =	ssyncadd.s32 $0xFFFFFFB0  }
0xf6: {  	[tilespmem:s15], [sflag:$0x5] =	stream.linear.gather [hbm4b:s9+s3], $0x50, $0x38;
	[tilespmem:$0x1E400] =	vst v63  }
0xf7: {  	_ =	swait.ge [sflag:s14], $0x50  }
0xf8: {  	[sflag:s14] =	ssyncset.done $0x0  }
0xf9: {  	[sflag:s14] =	ssyncadd.s32 $0xFFFFFFB0  }
0xfa: {  	[tilespmem:s17], [sflag:$0x1] =	stream.indirect.gather [hbm4b:s4+s16], $0x80, s3, s16, $0xb8;
	[tilespmem:$0x1E400] =	vst v63  }
0xfb: {  	_ =	swait.ge [sflag:s20], $0x2800  }
0xfc: {  	[sflag:s20] =	ssyncset.done $0x0  }
0xfd: {  	[sflag:s20] =	ssyncadd.s32 $0xFFFFD800  }
0xfe: {  	[spmem:s2] =	stream.indirect.scatter.add.f32 [tilespmem:s17], [sflag:$0x5], $0x80, s15, s16, $0xb8;
	[tilespmem:$0x1E400] =	vst v63  }
0xff: {  	_ =	swait.ge [sflag:s14], $0x2800  }
0x100: {  	s0 =	sadd.s32 $0x1, s0;
	[sflag:s14] =	ssyncset.done $0x0  }
0x101: {  	p0 =	sne.s32 s0, s11;
	[sflag:s14] =	ssyncadd.s32 $0xFFFFD800  }
.Ltmp1:
0x102: {  	[bflag:$0x0] =	sbarrier.arrive $0xFFFF;
	(pc) =	sbr.rel @p0 .LBB2_1-.Ltmp1, $4  }
0x103: {  	[hbm:s10], [sflag:s7] =	dma.local [spmem:s1], $0x2800  }
0x104: {  	_ =	swait.ge [sflag:s14], $0x2800  }
0x105: {  	[sflag:s14] =	ssyncset.done $0x0  }
0x106: {  	[sflag:s14] =	ssyncadd.s32 $0xFFFFD800  }
0x107: {  	_ =	sfence.sel $0x180000  }
0x108: {  	[bflag:$0x0] =	sbarrier.arrive $0xFFFF  }
0x109: {  	_ =	strace $0x9000004D  }
0x10a: {  	s0 =	stileid.u32;
	[bflag:$0x2] =	sbarrier.arrive $0xFFFF  }
0x10b: {  	p0 =	sne.s32 s0, $0x0;
	s0 =	rddreg [dreg:$0x2]  }
0x10c: {  	s0 =	sadd.s32 @!p0 $0x100000, s0  }
0x10d: {  	[sflag:s0] =	ssyncadd.tile.s32 @!p0 $0x1;
	_ =	shalt  }
.Lfunc_end2:
_tile_overlayer_lowered:
.L_overlay_start_2:
0x10e: {  	(tag) =	ssettag $0x2  }
0x10f: {  	s0 =	rddreg [dreg:$0x0];
	s2 =	stileid.u32  }
0x110: {  	s1 =	rddreg [dreg:$0x1];
	p0 =	sne.s32 s2, $0x0  }
0x111: {  	s3 =	rddreg [dreg:$0x2];
	[bflag:$0x3] =	sbarrier.arrive $0xFFFF;
	s2 =	simm.s32 @!p0 $0x1C05  }
0x112: {  	[timem:s3], [sflag:s2] =	dma.local @!p0 [hbm:s0], s1  }
0x113: {  	s0 =	simm.s32 @!p0 $0x5  }
0x114: {  	_ =	swait.ge @!p0 [sflag:s0], s1  }
0x115: {  	s1 =	ssub.s32 @!p0 $0x0, s1;
	[sflag:s0] =	ssyncset.done @!p0 $0x0  }
0x116: {  	[sflag:s0] =	ssyncadd.s32 @!p0 s1  }
0x117: {  	[bflag:$0x3] =	sbarrier.arrive $0xFFFF  }
0x118: {  	_ =	shalt  }

// kernel: kernel.24.cloned.1.call-start
scs
__scs_entry_jumppad:
0x0: {  	(pc) =	sbr.rel $0x88, $3  }
0x1: {  	(tag) =	ssettag $0x0;
	lr =	simm.s32 $0x1  }
0x2: {  	[smem:$0x3F93] =	sst lr;
	_ =	strace $0xD0000000  }
0x3: {  	_ = 	snop  }
0x4: {  	_ = 	snop  }
0x5: {  	_ = 	snop  }
0x6: {  	_ = 	snop  }
0x7: {  	_ = 	snop  }
__scs_overlays_trampoline_lowered:
0x8: {  	[smem:$0x3FA2] =	sst s0  }
0x9: {  	[smem:$0x3FA3] =	sst s1  }
0xa: {  	[smem:$0x3FA4] =	sst s2  }
0xb: {  	[smem:$0x3FA5] =	sst s3  }
0xc: {  	[smem:$0x3FA6] =	sst s4  }
0xd: {  	[smem:$0x3FA7] =	sst s5  }
0xe: {  	[smem:$0x3FA8] =	sst s6  }
0xf: {  	[smem:$0x3FA9] =	sst s7  }
0x10: {  	[smem:$0x3FAA] =	sst s8  }
0x11: {  	[smem:$0x3FAB] =	sst s9;
	s0 =	simm.s32 @!p0 $0x0  }
0x12: {  	s1 =	sld [smem:$0x3F91];
	s0 =	simm.s32 @p0 $0x1  }
0x13: {  	[smem:$0x3FAC] =	sst s0;
	s0 =	simm.s32 @!p1 $0x0  }
0x14: {  	s2 =	sld [smem:$0x3F90];
	s0 =	simm.s32 @p1 $0x1  }
0x15: {  	[smem:$0x3FAD] =	sst s0;
	s0 =	simm.s32 @!p2 $0x0  }
0x16: {  	s3 =	sld [smem:$0x3FDB];
	s0 =	simm.s32 @p2 $0x1  }
0x17: {  	s4 =	simm.s32 $0x1BF5;
	[smem:$0x3FAF] =	sst s0  }
0x18: {  	s0 =	sld [smem:$0x3F92];
	_ =	swait.ge [sflag:s4], $0x0  }
0x19: {  	s7 =	sld [smem:$0x3F93]  }
0x1a: {  	s8 =	sadd.s32 $0xFFFFE003, lr  }
0x1b: {  	s9 =	sadd.s32 $0xFFFFFEF7, lr;
	s5 =	simm.s32 $0xFFFFFFFF;
	p2 =	slt.u32 s8, $0xFFFFF086  }
0x1c: {  	p1 =	slt.u32 s9, $0xF7A;
	s5 =	simm.s32 @!p2 $0x0  }
0x1d: {  	s5 =	simm.s32 @p1 $0x1;
	p0 =	seq.s32 s7, s2  }
0x1e: {  	s7 =	smul.u32 @!p0 $0xF7A, s2;
	p2 =	seq.s32 @!p0 s5, $0x0  }
0x1f: {  	s9 =	smul.u32 $0xF7A, s1;
	s8 =	simm.s32 @!p0 $0x1BF5;
	p2 =	por !p2, p0  }
0x20: {  	[sflag:s8] =	ssyncset.s32 @!p0 $0xFFFFF086;
	s6 =	sadd.s32 @!p0 s3, s7;
	s7 =	simm.s32 @!p0 $0x108  }
0x21: {  	s3 =	sadd.s32 s3, s9;
	s6 =	sadd.s32 @!p0 $0x88, s6;
	s7 =	simm.s32 @p2 $0x1082  }
0x22: {  	[simem:s7], [sflag:s8] =	dma.local @!p0 [hbm:s6], $0xF7A  }
0x23: {  	s9 =	sor.u32 $0xD0000000, s2;
	s6 =	simm.s32 $0x108;
	_ =	swait.ge @!p0 [sflag:s8], $0x0  }
0x24: {  	s3 =	sadd.s32 $0x88, s3;
	s6 =	simm.s32 @!p1 $0x1082;
	[sflag:s4] =	ssyncset.s32 $0xFFFFF086  }
0x25: {  	[simem:s6], [sflag:s4] =	dma.local [hbm:s3], $0xF7A  }
0x26: {  	[smem:$0x3F93] =	sst s1;
	(tag) =	ssettag s2;
	_ =	strace s9  }
0x27: {  	s1 =	sld [smem:$0x3FA3]  }
0x28: {  	s2 =	sld [smem:$0x3FA4]  }
0x29: {  	s4 =	sld [smem:$0x3FA6]  }
0x2a: {  	p0 =	seq.s32 s5, $0x0;
	s5 =	sld [smem:$0x3FA7]  }
0x2b: {  	s6 =	sld [smem:$0x3FA8]  }
0x2c: {  	s7 =	sld [smem:$0x3FA9]  }
0x2d: {  	s3 =	simm.s32 $0x108;
	s8 =	sld [smem:$0x3FAA]  }
0x2e: {  	s3 =	simm.s32 @!p0 $0x1082;
	s9 =	sld [smem:$0x3FAB]  }
0x2f: {  	lr =	sadd.s32 s0, s3;
	s0 =	sld [smem:$0x3FA2]  }
0x30: {  	s3 =	sld [smem:$0x3FA5]  }
0x31: {  	[smem:$0x3FAE] =	sst s10  }
0x32: {  	s10 =	sld [smem:$0x3FAC];
	_ =	sdelay $0x3  }
0x33: {  	p0 =	seq.s32 s10, $0x1;
	s10 =	sld [smem:$0x3FAE];
	_ =	sdelay $0x3  }
0x34: {  	[smem:$0x3FAE] =	sst s10  }
0x35: {  	s10 =	sld [smem:$0x3FAD];
	_ =	sdelay $0x3  }
0x36: {  	p1 =	seq.s32 s10, $0x1;
	s10 =	sld [smem:$0x3FAE];
	_ =	sdelay $0x3  }
0x37: {  	[smem:$0x3FAE] =	sst s10  }
0x38: {  	s10 =	sld [smem:$0x3FAF]  }
0x39: {  	_ = 	snop;
	(pc) =	sbr.ind lr, $3  }
0x3a: {  	_ = 	snop  }
0x3b: {  	_ = 	snop  }
0x3c: {  	p2 =	seq.s32 s10, $0x1;
	s10 =	sld [smem:$0x3FAE]  }
0x3d: {  	_ =	shalt  }
0x3e: {  	_ =	shalt  }
0x3f: {  	_ =	shalt  }
0x40: {  	_ =	shalt  }
0x41: {  	_ =	shalt  }
0x42: {  	_ =	shalt  }
0x43: {  	_ =	shalt  }
0x44: {  	_ =	shalt  }
0x45: {  	_ =	shalt  }
0x46: {  	_ =	shalt  }
0x47: {  	_ =	shalt  }
0x48: {  	_ =	shalt  }
0x49: {  	_ =	shalt  }
0x4a: {  	_ =	shalt  }
0x4b: {  	_ =	shalt  }
0x4c: {  	_ =	shalt  }
0x4d: {  	_ =	shalt  }
0x4e: {  	_ =	shalt  }
0x4f: {  	_ =	shalt  }
0x50: {  	_ =	shalt  }
0x51: {  	_ =	shalt  }
0x52: {  	_ =	shalt  }
0x53: {  	_ =	shalt  }
0x54: {  	_ =	shalt  }
0x55: {  	_ =	shalt  }
0x56: {  	_ =	shalt  }
0x57: {  	_ =	shalt  }
0x58: {  	_ =	shalt  }
0x59: {  	_ =	shalt  }
0x5a: {  	_ =	shalt  }
0x5b: {  	_ =	shalt  }
0x5c: {  	_ =	shalt  }
0x5d: {  	_ =	shalt  }
0x5e: {  	_ =	shalt  }
0x5f: {  	_ =	shalt  }
0x60: {  	_ =	shalt  }
0x61: {  	_ =	shalt  }
0x62: {  	_ =	shalt  }
0x63: {  	_ =	shalt  }
0x64: {  	_ =	shalt  }
0x65: {  	_ =	shalt  }
0x66: {  	_ =	shalt  }
0x67: {  	_ =	shalt  }
0x68: {  	_ =	shalt  }
0x69: {  	_ =	shalt  }
0x6a: {  	_ =	shalt  }
0x6b: {  	_ =	shalt  }
0x6c: {  	_ =	shalt  }
0x6d: {  	_ =	shalt  }
0x6e: {  	_ =	shalt  }
0x6f: {  	_ =	shalt  }
0x70: {  	_ =	shalt  }
0x71: {  	_ =	shalt  }
0x72: {  	_ =	shalt  }
0x73: {  	_ =	shalt  }
0x74: {  	_ =	shalt  }
0x75: {  	_ =	shalt  }
0x76: {  	_ =	shalt  }
0x77: {  	_ =	shalt  }
0x78: {  	_ =	shalt  }
0x79: {  	_ =	shalt  }
0x7a: {  	_ =	shalt  }
0x7b: {  	_ =	shalt  }
0x7c: {  	_ =	shalt  }
0x7d: {  	_ =	shalt  }
0x7e: {  	_ =	shalt  }
0x7f: {  	_ =	shalt  }
0x80: {  	_ =	shalt  }
0x81: {  	_ =	shalt  }
0x82: {  	_ =	shalt  }
0x83: {  	_ =	shalt  }
0x84: {  	_ =	shalt  }
0x85: {  	_ =	shalt  }
0x86: {  	_ =	shalt  }
0x87: {  	_ =	shalt  }
.Lfunc_end0:
.L_simem_size_0:
called_computation.4_lowered:
.L_overlay_start_0:
0x88: {  	s2 =	sld [smem:$0x3FD9]  }
0x89: {  	s3 =	sld [smem:$0x3FFE];
	_ =	sdelay $0x1  }
0x8a: {  	s1 =	srdreg.scid  }
0x8b: {  	s0 =	sand.u32 $0x1, s1  }
0x8c: {  	s16 =	sshll.u32 s0, $0xA;
	s2 =	sadd.s32 s3, s2  }
0x8d: {  	s2 =	sadd.s32 s2, s16  }
0x8e: {  	[smem:$0x3FBA] =	sst s2  }
0x8f: {  	_ = 	snop  }
0x90: {  	(tm) =	ssettm $0x1  }
0x91: {  	s17 =	sld [smem:$0x3FFB];
	_ =	sdelay $0x3  }
0x92: {  	_ =	strace s17  }
0x93: {  	s2 =	sld [smem:$0x3FFC];
	_ =	sdelay $0x3  }
0x94: {  	_ =	strace s2  }
0x95: {  	s2 =	sld [smem:$0x3FFD];
	_ =	sdelay $0x3  }
0x96: {  	_ =	strace s2  }
0x97: {  	_ =	strace $0x8FFFFFFF  }
0x98: {  	s18 =	sld [smem:$0x3FDB];
	_ =	sdelay $0x1  }
0x99: {  	s19 =	simm.s32 $_scs_section_size  }
0x9a: {  	s4 =	simm.s32 $_size__tile_overlayer_lowered;
	s5 =	simm.s32 $_tile_overlayer_lowered  }
0x9b: {  	s22 =	simm.s32 $0x1BFF;
	s21 =	sshll.u32 s5, $0x1;
	s2 =	sadd.s32 s19, s18  }
0x9c: {  	s6 =	simm.s32 $0x0;
	s20 =	sshll.u32 s4, $0x1;
	s4 =	sadd.s32 s21, s2  }
0x9d: {  	[timem:s6], [sflag:s22] =	dma.local [hbm:s4], s20  }
0x9e: {  	_ =	swait.ge [sflag:s22], s20  }
0x9f: {  	s3 =	ssub.s32 $0x0, s20;
	[sflag:s22] =	ssyncset.done $0x0  }
0xa0: {  	[sflag:s22] =	ssyncadd.s32 s3;
	_ =	sdelay $0x1  }
0xa1: {  	s23 =	simm.s32 $0x1B8B  }
0xa2: {  	_ =	swait.ge [sflag:s23], $0x1  }
0xa3: {  	[sflag:s23] =	ssyncset.done $0x0  }
0xa4: {  	s25 =	simm.s32 $0x1B8E;
	s24 =	sld [smem:$0x3FFE];
	[sflag:s23] =	ssyncadd.s32 $0xFFFFFFFF  }
0xa5: {  	s26 =	simm.s32 $execute0_lowered;
	[smem:$0x3FD2] =	sst s25  }
0xa6: {  	s4 =	sshll.u32 s26, $0x1;
	_ =	strace $0x80000052;
	[dreg:$0x1] =	wrdreg $0xFFFFFFFF  }
0xa7: {  	s28 =	simm.s32 $_size_execute0_lowered;
	s2 =	sadd.s32 s2, s4;
	[dreg:$0x0] =	wrdreg $0x0  }
0xa8: {  	s4 =	sshll.u32 s28, $0x1;
	[dreg:$0x2] =	wrdreg s2  }
0xa9: {  	[dreg:$0x3] =	wrdreg s4  }
0xaa: {  	[dreg:$0x4] =	wrdreg $0xC0  }
0xab: {  	_ =	task [dreg:s6], $0x5FFFF  }
0xac: {  	[dreg:$0x1] =	wrdreg $0xFFFFFFFF  }
0xad: {  	[dreg:$0x0] =	wrdreg $0x60  }
0xae: {  	[dreg:$0x2] =	wrdreg s24  }
0xaf: {  	[dreg:$0x3] =	wrdreg $0xA4000  }
0xb0: {  	[dreg:$0x4] =	wrdreg $0x9  }
0xb1: {  	_ =	task.clear_ibuf [dreg:s6], $0x5FFFF;
	_ =	strace $0x90000052  }
0xb2: {  	s29 =	simm.s32 $0x9;
	_ =	strace $0x80000054  }
0xb3: {  	_ =	swait.ge [sflag:s29], $0x1  }
0xb4: {  	[sflag:s29] =	ssyncadd.s32 $0xFFFFFFFF  }
0xb5: {  	_ =	strace $0x90000054  }
0xb6: {  	_ =	sfence  }
0xb7: {  	s30 =	sld [smem:$0x0];
	_ =	sdelay $0x2  }
0xb8: {  	s31 =	sshll.u32 s1, $0xD;
	s1 =	sshrl.u32 s1, $0x2  }
0xb9: {  	s3 =	sand.u32 $0x4000, s31;
	s1 =	sadd.s32 s1, s30  }
0xba: {  	s0 =	sor.u32 s3, s0;
	s1 =	sshll.u32 s1, $0x11  }
0xbb: {  	s0 =	sor.u32 s1, s0  }
0xbc: {  	s0 =	sadd.s32 $0x8F2B, s0  }
0xbd: {  	[sflag:s0] =	ssyncadd.remote.s32 $0x1  }
0xbe: {  	_ =	sfence.sel $0xFFFF  }
0xbf: {  	[dreg:$0x0] =	wrdreg $0xFFFFFFFF;
	(pc) =	sbr.abs _section_cstart, $3  }
0xc0: {  	[dreg:$0x1] =	wrdreg $0xFFFFFFFF  }
0xc1: {  	_ =	task.clear_ibuf [dreg:s6], $0x2FFFF;
	_ =	strace $0x9FFFFFFF  }
0xc2: {  	(tm) =	ssettm $0x7FFFFFFF  }
0xc3: {  	_ =	shalt  }
tec
execute0_lowered:
.L_overlay_start_1:
0x0: {  	(tag) =	ssettag $0x1  }
0x1: {  	s0 =	rddreg [dreg:$0x0]  }
0x2: {  	s2 =	rddreg [dreg:$0x1]  }
0x3: {  	s3 =	simm.s32 $0x0;
	s12 =	stileid.u32;
	s1 =	srdreg.scid  }
0x4: {  	s28 =	simm.s32 $0x380;
	s29 =	simm.s32 $0x3;
	s30 =	simm.s32 $0x7C00  }
0x5: {  	s31 =	simm.s32 $0x4;
	[smem:$0x7FF] =	sst s3;
	s5 =	smul.u32 $0x2800, s12  }
0x6: {  	s1 =	sand.u32 $0x1, s1;
	s4 =	sadd.s32 $0x40000, s0;
	s11 =	smul.u32 $0x50000, s12  }
0x7: {  	s8 =	sadd.s32 $0xE200, s0;
	s9 =	sadd.s32 $0x4400, s0;
	s14 =	smul.u32 $0x2710, s12  }
0x8: {  	s15 =	sshll.u32 s12, $0x6;
	_ =	strace $0x80000053;
	s6 =	smul.u32 $0x28000, s1  }
0x9: {  	s25 =	sshll.u32 s1, $0x4;
	s10 =	ssub.s32 $0x2, s1;
	s1 =	smul.u32 $0x27100, s1  }
0xa: {  	s7 =	sadd.s32 s5, s0;
	s26 =	sshrl.u32 s10, $0x1;
	s13 =	sshrl.u32 s11, $0x2  }
0xb: {  	s5 =	sadd.s32 s5, s6;
	s6 =	sor.u32 s12, s25;
	s7 =	sadd.s32 $0x18000, s7  }
0xc: {  	s1 =	sadd.s32 s14, s1;
	s14 =	simm.s32 $0x5;
	s0 =	sadd.s32 s5, s0  }
0xd: {  	s6 =	smul.u32 $0x2710, s6;
	s5 =	ssub.s32 s10, s26;
	s10 =	sadd.s32 s13, s2  }
0xe: {  	[dreg:$0xa] =	wrdreg s7;
	s7 =	sor.u32 $0x1C05, s15;
	s17 =	sshrl.u32 s1, $0x3  }
0xf: {  	s19 =	sadd.s32 $0xF0, s1;
	s22 =	sadd.s32 $0xA0, s1;
	s1 =	sadd.s32 $0x50, s1  }
0x10: {  	s15 =	simm.s32 $0x200;
	[dreg:$0x9] =	wrdreg s10;
	s10 =	sadd.s32 $0x8E400, s0  }
0x11: {  	s11 =	smax.u32 s5, $0x1;
	s18 =	sadd.s32 s17, s9;
	s0 =	sadd.s32 s17, s8  }
0x12: {  	s20 =	sshrl.u32 s19, $0x3;
	s24 =	sshrl.u32 s22, $0x3;
	s1 =	sshrl.u32 s1, $0x3  }
0x13: {  	s17 =	simm.s32 $0x400;
	s19 =	simm.s32 $0x280;
	[dreg:$0x3] =	wrdreg s18  }
0x14: {  	s22 =	simm.s32 $0x100;
	s6 =	sshrl.u32 s6, $0x3;
	[dreg:$0x4] =	wrdreg s0  }
0x15: {  	s21 =	sadd.s32 s20, s9;
	s23 =	sadd.s32 s20, s8;
	s25 =	sadd.s32 s24, s9  }
0x16: {  	s26 =	sadd.s32 s24, s8;
	s12 =	sadd.s32 s1, s9;
	[dreg:$0x5] =	wrdreg s21  }
0x17: {  	s13 =	sadd.s32 s1, s8;
	s18 =	simm.s32 $0x80;
	[dreg:$0x6] =	wrdreg s23  }
0x18: {  	s20 =	simm.s32 $0x1;
	s24 =	simm.s32 $0x2;
	[dreg:$0x7] =	wrdreg s25  }
0x19: {  	s0 =	simm.s32 $0x0;
	s6 =	sadd.s32 $0x4D8, s6;
	[dreg:$0x8] =	wrdreg s26  }
0x1a: {  	s21 =	simm.s32 $0x2C00;
	s23 =	simm.s32 $0x300;
	s16 =	sadd.s32 s8, s6  }
0x1b: {  	s25 =	simm.s32 $0x5400;
	s6 =	sadd.s32 s9, s6;
	[dreg:$0xb] =	wrdreg s16  }
0x1c: {  	s26 =	simm.s32 $0x180;
	[dreg:$0xc] =	wrdreg s6;
	s16 =	simm.s32 $0x50  }
.LBB2_1:
0x1d: {  	s1 =	rddreg [dreg:$0x9]  }
0x1e: {  	s5 =	rddreg [dreg:$0xa];
	s1 =	sshrl.u32 s1, $0x3  }
0x1f: {  	[spmem:s1], [sflag:s7] =	dma.local [hbm:s5], $0x2800  }
0x20: {  	_ =	swait.ge [sflag:s14], $0x2800  }
0x21: {  	[sflag:s14] =	ssyncset.done $0x0  }
0x22: {  	[sflag:s14] =	ssyncadd.s32 $0xFFFFD800  }
0x23: {  	[bflag:$0x0] =	sbarrier.arrive $0xFFFF  }
0x24: {  	s8 =	rddreg [dreg:$0x4]  }
0x25: {  	s5 =	sadd.s32 $0x0, s8  }
0x26: {  	[tilespmem:s3], [sflag:$0x5] =	stream.linear.gather [hbm4b:s5+s3], $0x50, $0x38;
	[tilespmem:$0x1E400] =	vst v63  }
0x27: {  	_ =	swait.ge [sflag:s14], $0x50  }
0x28: {  	s9 =	rddreg [dreg:$0x3];
	[sflag:s14] =	ssyncset.done $0x0  }
0x29: {  	[sflag:s14] =	ssyncadd.s32 $0xFFFFFFB0;
	s5 =	sadd.s32 $0x0, s9  }
0x2a: {  	[tilespmem:s15], [sflag:$0x5] =	stream.linear.gather [hbm4b:s5+s3], $0x50, $0x38;
	[tilespmem:$0x1E400] =	vst v63  }
0x2b: {  	_ =	swait.ge [sflag:s14], $0x50  }
0x2c: {  	[sflag:s14] =	ssyncset.done $0x0  }
0x2d: {  	[sflag:s14] =	ssyncadd.s32 $0xFFFFFFB0  }
0x2e: {  	[tilespmem:s17], [sflag:$0x1] =	stream.indirect.gather [hbm4b:s4+s16], $0x80, s3, s16, $0xb8;
	[tilespmem:$0x1E400] =	vst v63  }
0x2f: {  	s6 =	sadd.s32 $0x0, s13  }
0x30: {  	[tilespmem:s18], [sflag:$0x5] =	stream.linear.gather [hbm4b:s6+s3], $0x50, $0x38;
	[tilespmem:$0x1E400] =	vst v63  }
0x31: {  	_ =	swait.ge [sflag:s14], $0x50  }
0x32: {  	[sflag:s14] =	ssyncset.done $0x0  }
0x33: {  	s8 =	sadd.s32 $0x0, s12;
	[sflag:s14] =	ssyncadd.s32 $0xFFFFFFB0  }
0x34: {  	[tilespmem:s19], [sflag:$0x5] =	stream.linear.gather [hbm4b:s8+s3], $0x50, $0x38;
	[tilespmem:$0x1E400] =	vst v63  }
0x35: {  	_ =	swait.ge [sflag:s14], $0x50  }
0x36: {  	[sflag:s14] =	ssyncset.done $0x0  }
0x37: {  	[sflag:s14] =	ssyncadd.s32 $0xFFFFFFB0  }
0x38: {  	_ =	swait.ge [sflag:s20], $0x2800  }
0x39: {  	[sflag:s20] =	ssyncset.done $0x0  }
0x3a: {  	[sflag:s20] =	ssyncadd.s32 $0xFFFFD800  }
0x3b: {  	[tilespmem:s21], [sflag:$0x2] =	stream.indirect.gather [hbm4b:s4+s16], $0x80, s18, s16, $0xb8;
	[tilespmem:$0x1E400] =	vst v63  }
0x3c: {  	_ = 	snop  }
0x3d: {  	[spmem:s2] =	stream.indirect.scatter.add.f32 [tilespmem:s17], [sflag:$0x5], $0x80, s15, s16, $0xb8;
	[tilespmem:$0x1E400] =	vst v63  }
0x3e: {  	_ =	swait.ge [sflag:s14], $0x2800  }
0x3f: {  	s9 =	rddreg [dreg:$0x8];
	[sflag:s14] =	ssyncset.done $0x0  }
0x40: {  	[sflag:s14] =	ssyncadd.s32 $0xFFFFD800;
	s5 =	sadd.s32 $0x0, s9  }
0x41: {  	[tilespmem:s22], [sflag:$0x5] =	stream.linear.gather [hbm4b:s5+s3], $0x50, $0x38;
	[tilespmem:$0x1E400] =	vst v63  }
0x42: {  	_ =	swait.ge [sflag:s14], $0x50  }
0x43: {  	s6 =	rddreg [dreg:$0x7];
	[sflag:s14] =	ssyncset.done $0x0  }
0x44: {  	[sflag:s14] =	ssyncadd.s32 $0xFFFFFFB0;
	s5 =	sadd.s32 $0x0, s6  }
0x45: {  	[tilespmem:s23], [sflag:$0x5] =	stream.linear.gather [hbm4b:s5+s3], $0x50, $0x38;
	[tilespmem:$0x1E400] =	vst v63  }
0x46: {  	_ =	swait.ge [sflag:s14], $0x50  }
0x47: {  	[sflag:s14] =	ssyncset.done $0x0  }
0x48: {  	[sflag:s14] =	ssyncadd.s32 $0xFFFFFFB0  }
0x49: {  	_ =	swait.ge [sflag:s24], $0x2800  }
0x4a: {  	[sflag:s24] =	ssyncset.done $0x0  }
0x4b: {  	[sflag:s24] =	ssyncadd.s32 $0xFFFFD800  }
0x4c: {  	[tilespmem:s25], [sflag:$0x3] =	stream.indirect.gather [hbm4b:s4+s16], $0x80, s22, s16, $0xb8;
	[tilespmem:$0x1E400] =	vst v63  }
0x4d: {  	_ = 	snop  }
0x4e: {  	[spmem:s2] =	stream.indirect.scatter.add.f32 [tilespmem:s21], [sflag:$0x5], $0x80, s19, s16, $0xb8;
	[tilespmem:$0x1E400] =	vst v63  }
0x4f: {  	_ =	swait.ge [sflag:s14], $0x2800  }
0x50: {  	s8 =	rddreg [dreg:$0x6];
	[sflag:s14] =	ssyncset.done $0x0  }
0x51: {  	[sflag:s14] =	ssyncadd.s32 $0xFFFFD800;
	s5 =	sadd.s32 $0x0, s8  }
0x52: {  	[tilespmem:s26], [sflag:$0x5] =	stream.linear.gather [hbm4b:s5+s3], $0x50, $0x38;
	[tilespmem:$0x1E400] =	vst v63  }
0x53: {  	_ =	swait.ge [sflag:s14], $0x50  }
0x54: {  	s9 =	rddreg [dreg:$0x5];
	[sflag:s14] =	ssyncset.done $0x0  }
0x55: {  	[sflag:s14] =	ssyncadd.s32 $0xFFFFFFB0;
	s5 =	sadd.s32 $0x0, s9  }
0x56: {  	[tilespmem:s28], [sflag:$0x5] =	stream.linear.gather [hbm4b:s5+s3], $0x50, $0x38;
	[tilespmem:$0x1E400] =	vst v63  }
0x57: {  	_ =	swait.ge [sflag:s14], $0x50  }
0x58: {  	[sflag:s14] =	ssyncset.done $0x0  }
0x59: {  	[sflag:s14] =	ssyncadd.s32 $0xFFFFFFB0  }
0x5a: {  	_ =	swait.ge [sflag:s29], $0x2800  }
0x5b: {  	[sflag:s29] =	ssyncset.done $0x0  }
0x5c: {  	[sflag:s29] =	ssyncadd.s32 $0xFFFFD800  }
0x5d: {  	[tilespmem:s30], [sflag:$0x4] =	stream.indirect.gather [hbm4b:s4+s16], $0x80, s26, s16, $0xb8;
	[tilespmem:$0x1E400] =	vst v63  }
0x5e: {  	_ = 	snop  }
0x5f: {  	[spmem:s2] =	stream.indirect.scatter.add.f32 [tilespmem:s25], [sflag:$0x5], $0x80, s23, s16, $0xb8;
	[tilespmem:$0x1E400] =	vst v63  }
0x60: {  	_ =	swait.ge [sflag:s14], $0x2800  }
0x61: {  	[sflag:s14] =	ssyncset.done $0x0  }
0x62: {  	[sflag:s14] =	ssyncadd.s32 $0xFFFFD800  }
0x63: {  	_ =	swait.ge [sflag:s31], $0x2800  }
0x64: {  	[sflag:s31] =	ssyncset.done $0x0  }
0x65: {  	[sflag:s31] =	ssyncadd.s32 $0xFFFFD800  }
0x66: {  	[spmem:s2] =	stream.indirect.scatter.add.f32 [tilespmem:s30], [sflag:$0x5], $0x80, s28, s16, $0xb8;
	[tilespmem:$0x1E400] =	vst v63  }
0x67: {  	s6 =	simm.s32 $0x50;
	_ =	swait.ge [sflag:s14], $0x2800  }
0x68: {  	s5 =	simm.s32 $0x28;
	s9 =	rddreg [dreg:$0x4];
	[sflag:s14] =	ssyncset.done $0x0  }
.LBB2_2:
0x69: {  	[sflag:s14] =	ssyncadd.s32 $0xFFFFD800;
	s9 =	sadd.s32 s5, s9  }
0x6a: {  	[tilespmem:s3], [sflag:$0x5] =	stream.linear.gather [hbm4b:s9+s3], $0x50, $0x38;
	[tilespmem:$0x1E400] =	vst v63  }
0x6b: {  	_ =	swait.ge [sflag:s14], $0x50  }
0x6c: {  	s9 =	rddreg [dreg:$0x3];
	[sflag:s14] =	ssyncset.done $0x0  }
0x6d: {  	[sflag:s14] =	ssyncadd.s32 $0xFFFFFFB0;
	s9 =	sadd.s32 s5, s9  }
0x6e: {  	[tilespmem:s15], [sflag:$0x5] =	stream.linear.gather [hbm4b:s9+s3], $0x50, $0x38;
	[tilespmem:$0x1E400] =	vst v63  }
0x6f: {  	_ =	swait.ge [sflag:s14], $0x50  }
0x70: {  	[sflag:s14] =	ssyncset.done $0x0  }
0x71: {  	[sflag:s14] =	ssyncadd.s32 $0xFFFFFFB0  }
0x72: {  	[tilespmem:s17], [sflag:$0x1] =	stream.indirect.gather [hbm4b:s4+s16], $0x80, s3, s16, $0xb8;
	[tilespmem:$0x1E400] =	vst v63  }
0x73: {  	s9 =	sadd.s32 s5, s13  }
0x74: {  	[tilespmem:s18], [sflag:$0x5] =	stream.linear.gather [hbm4b:s9+s3], $0x50, $0x38;
	[tilespmem:$0x1E400] =	vst v63  }
0x75: {  	_ =	swait.ge [sflag:s14], $0x50  }
0x76: {  	[sflag:s14] =	ssyncset.done $0x0  }
0x77: {  	s9 =	sadd.s32 s5, s12;
	[sflag:s14] =	ssyncadd.s32 $0xFFFFFFB0  }
0x78: {  	[tilespmem:s19], [sflag:$0x5] =	stream.linear.gather [hbm4b:s9+s3], $0x50, $0x38;
	[tilespmem:$0x1E400] =	vst v63  }
0x79: {  	_ =	swait.ge [sflag:s14], $0x50  }
0x7a: {  	[sflag:s14] =	ssyncset.done $0x0  }
0x7b: {  	[sflag:s14] =	ssyncadd.s32 $0xFFFFFFB0  }
0x7c: {  	_ =	swait.ge [sflag:s20], $0x2800  }
0x7d: {  	[sflag:s20] =	ssyncset.done $0x0  }
0x7e: {  	[sflag:s20] =	ssyncadd.s32 $0xFFFFD800  }
0x7f: {  	[tilespmem:s21], [sflag:$0x2] =	stream.indirect.gather [hbm4b:s4+s16], $0x80, s18, s16, $0xb8;
	[tilespmem:$0x1E400] =	vst v63  }
0x80: {  	_ = 	snop  }
0x81: {  	[spmem:s2] =	stream.indirect.scatter.add.f32 [tilespmem:s17], [sflag:$0x5], $0x80, s15, s16, $0xb8;
	[tilespmem:$0x1E400] =	vst v63  }
0x82: {  	_ =	swait.ge [sflag:s14], $0x2800  }
0x83: {  	s9 =	rddreg [dreg:$0x8];
	[sflag:s14] =	ssyncset.done $0x0  }
0x84: {  	[sflag:s14] =	ssyncadd.s32 $0xFFFFD800;
	s9 =	sadd.s32 s5, s9  }
0x85: {  	[tilespmem:s22], [sflag:$0x5] =	stream.linear.gather [hbm4b:s9+s3], $0x50, $0x38;
	[tilespmem:$0x1E400] =	vst v63  }
0x86: {  	_ =	swait.ge [sflag:s14], $0x50  }
0x87: {  	s9 =	rddreg [dreg:$0x7];
	[sflag:s14] =	ssyncset.done $0x0  }
0x88: {  	[sflag:s14] =	ssyncadd.s32 $0xFFFFFFB0;
	s9 =	sadd.s32 s5, s9  }
0x89: {  	[tilespmem:s23], [sflag:$0x5] =	stream.linear.gather [hbm4b:s9+s3], $0x50, $0x38;
	[tilespmem:$0x1E400] =	vst v63  }
0x8a: {  	_ =	swait.ge [sflag:s14], $0x50  }
0x8b: {  	[sflag:s14] =	ssyncset.done $0x0  }
0x8c: {  	[sflag:s14] =	ssyncadd.s32 $0xFFFFFFB0  }
0x8d: {  	_ =	swait.ge [sflag:s24], $0x2800  }
0x8e: {  	[sflag:s24] =	ssyncset.done $0x0  }
0x8f: {  	[sflag:s24] =	ssyncadd.s32 $0xFFFFD800  }
0x90: {  	[tilespmem:s25], [sflag:$0x3] =	stream.indirect.gather [hbm4b:s4+s16], $0x80, s22, s16, $0xb8;
	[tilespmem:$0x1E400] =	vst v63  }
0x91: {  	_ = 	snop  }
0x92: {  	[spmem:s2] =	stream.indirect.scatter.add.f32 [tilespmem:s21], [sflag:$0x5], $0x80, s19, s16, $0xb8;
	[tilespmem:$0x1E400] =	vst v63  }
0x93: {  	_ =	swait.ge [sflag:s14], $0x2800  }
0x94: {  	s9 =	rddreg [dreg:$0x6];
	[sflag:s14] =	ssyncset.done $0x0  }
0x95: {  	[sflag:s14] =	ssyncadd.s32 $0xFFFFD800;
	s9 =	sadd.s32 s5, s9  }
0x96: {  	[tilespmem:s26], [sflag:$0x5] =	stream.linear.gather [hbm4b:s9+s3], $0x50, $0x38;
	[tilespmem:$0x1E400] =	vst v63  }
0x97: {  	_ =	swait.ge [sflag:s14], $0x50  }
0x98: {  	s9 =	rddreg [dreg:$0x5];
	[sflag:s14] =	ssyncset.done $0x0  }
0x99: {  	[sflag:s14] =	ssyncadd.s32 $0xFFFFFFB0;
	s9 =	sadd.s32 s5, s9  }
0x9a: {  	[tilespmem:s28], [sflag:$0x5] =	stream.linear.gather [hbm4b:s9+s3], $0x50, $0x38;
	[tilespmem:$0x1E400] =	vst v63  }
0x9b: {  	_ =	swait.ge [sflag:s14], $0x50  }
0x9c: {  	[sflag:s14] =	ssyncset.done $0x0  }
0x9d: {  	[sflag:s14] =	ssyncadd.s32 $0xFFFFFFB0  }
0x9e: {  	_ =	swait.ge [sflag:s29], $0x2800  }
0x9f: {  	[sflag:s29] =	ssyncset.done $0x0  }
0xa0: {  	[sflag:s29] =	ssyncadd.s32 $0xFFFFD800  }
0xa1: {  	[tilespmem:s30], [sflag:$0x4] =	stream.indirect.gather [hbm4b:s4+s16], $0x80, s26, s16, $0xb8;
	[tilespmem:$0x1E400] =	vst v63  }
0xa2: {  	_ = 	snop  }
0xa3: {  	[spmem:s2] =	stream.indirect.scatter.add.f32 [tilespmem:s25], [sflag:$0x5], $0x80, s23, s16, $0xb8;
	[tilespmem:$0x1E400] =	vst v63  }
0xa4: {  	_ =	swait.ge [sflag:s14], $0x2800  }
0xa5: {  	[sflag:s14] =	ssyncset.done $0x0  }
0xa6: {  	[sflag:s14] =	ssyncadd.s32 $0xFFFFD800  }
0xa7: {  	p0 =	sne.s32 s6, $0x4B0;
	_ =	swait.ge [sflag:s31], $0x2800  }
.Ltmp0:
0xa8: {  	[sflag:s31] =	ssyncset.done $0x0;
	(pc) =	sbr.rel @p0 .LBB2_2-.Ltmp0, $4  }
0xa9: {  	[sflag:s31] =	ssyncadd.s32 $0xFFFFD800  }
0xaa: {  	[spmem:s2] =	stream.indirect.scatter.add.f32 [tilespmem:s30], [sflag:$0x5], $0x80, s28, s16, $0xb8;
	[tilespmem:$0x1E400] =	vst v63  }
0xab: {  	s8 =	smov.u32 s6;
	s6 =	sadd.s32 $0x28, s6;
	_ =	swait.ge [sflag:s14], $0x2800  }
0xac: {  	s5 =	smov.u32 s8;
	s9 =	rddreg [dreg:$0x4];
	[sflag:s14] =	ssyncset.done $0x0  }
0xad: {  	[sflag:s14] =	ssyncadd.s32 $0xFFFFD800;
	s6 =	sadd.s32 s5, s9  }
0xae: {  	[tilespmem:s3], [sflag:$0x5] =	stream.linear.gather [hbm4b:s6+s3], $0x50, $0x38;
	[tilespmem:$0x1E400] =	vst v63  }
0xaf: {  	_ =	swait.ge [sflag:s14], $0x50  }
0xb0: {  	s9 =	rddreg [dreg:$0x3];
	[sflag:s14] =	ssyncset.done $0x0  }
0xb1: {  	[sflag:s14] =	ssyncadd.s32 $0xFFFFFFB0;
	s6 =	sadd.s32 s5, s9  }
0xb2: {  	[tilespmem:s15], [sflag:$0x5] =	stream.linear.gather [hbm4b:s6+s3], $0x50, $0x38;
	[tilespmem:$0x1E400] =	vst v63  }
0xb3: {  	_ =	swait.ge [sflag:s14], $0x50  }
0xb4: {  	[sflag:s14] =	ssyncset.done $0x0  }
0xb5: {  	[sflag:s14] =	ssyncadd.s32 $0xFFFFFFB0  }
0xb6: {  	[tilespmem:s17], [sflag:$0x1] =	stream.indirect.gather [hbm4b:s4+s16], $0x80, s3, s16, $0xb8;
	[tilespmem:$0x1E400] =	vst v63  }
0xb7: {  	s8 =	sadd.s32 s5, s13  }
0xb8: {  	[tilespmem:s18], [sflag:$0x5] =	stream.linear.gather [hbm4b:s8+s3], $0x50, $0x38;
	[tilespmem:$0x1E400] =	vst v63  }
0xb9: {  	_ =	swait.ge [sflag:s14], $0x50  }
0xba: {  	[sflag:s14] =	ssyncset.done $0x0  }
0xbb: {  	s9 =	sadd.s32 s5, s12;
	[sflag:s14] =	ssyncadd.s32 $0xFFFFFFB0  }
0xbc: {  	[tilespmem:s19], [sflag:$0x5] =	stream.linear.gather [hbm4b:s9+s3], $0x50, $0x38;
	[tilespmem:$0x1E400] =	vst v63  }
0xbd: {  	_ =	swait.ge [sflag:s14], $0x50  }
0xbe: {  	[sflag:s14] =	ssyncset.done $0x0  }
0xbf: {  	[sflag:s14] =	ssyncadd.s32 $0xFFFFFFB0  }
0xc0: {  	_ =	swait.ge [sflag:s20], $0x2800  }
0xc1: {  	[sflag:s20] =	ssyncset.done $0x0  }
0xc2: {  	[sflag:s20] =	ssyncadd.s32 $0xFFFFD800  }
0xc3: {  	[tilespmem:s21], [sflag:$0x2] =	stream.indirect.gather [hbm4b:s4+s16], $0x80, s18, s16, $0xb8;
	[tilespmem:$0x1E400] =	vst v63  }
0xc4: {  	_ = 	snop  }
0xc5: {  	[spmem:s2] =	stream.indirect.scatter.add.f32 [tilespmem:s17], [sflag:$0x5], $0x80, s15, s16, $0xb8;
	[tilespmem:$0x1E400] =	vst v63  }
0xc6: {  	_ =	swait.ge [sflag:s14], $0x2800  }
0xc7: {  	s8 =	rddreg [dreg:$0x8];
	[sflag:s14] =	ssyncset.done $0x0  }
0xc8: {  	[sflag:s14] =	ssyncadd.s32 $0xFFFFD800;
	s6 =	sadd.s32 s5, s8  }
0xc9: {  	[tilespmem:s22], [sflag:$0x5] =	stream.linear.gather [hbm4b:s6+s3], $0x50, $0x38;
	[tilespmem:$0x1E400] =	vst v63  }
0xca: {  	_ =	swait.ge [sflag:s14], $0x50  }
0xcb: {  	s9 =	rddreg [dreg:$0x7];
	[sflag:s14] =	ssyncset.done $0x0  }
0xcc: {  	[sflag:s14] =	ssyncadd.s32 $0xFFFFFFB0;
	s6 =	sadd.s32 s5, s9  }
0xcd: {  	[tilespmem:s23], [sflag:$0x5] =	stream.linear.gather [hbm4b:s6+s3], $0x50, $0x38;
	[tilespmem:$0x1E400] =	vst v63  }
0xce: {  	_ =	swait.ge [sflag:s14], $0x50  }
0xcf: {  	[sflag:s14] =	ssyncset.done $0x0  }
0xd0: {  	[sflag:s14] =	ssyncadd.s32 $0xFFFFFFB0  }
0xd1: {  	_ =	swait.ge [sflag:s24], $0x2800  }
0xd2: {  	[sflag:s24] =	ssyncset.done $0x0  }
0xd3: {  	[sflag:s24] =	ssyncadd.s32 $0xFFFFD800  }
0xd4: {  	[tilespmem:s25], [sflag:$0x3] =	stream.indirect.gather [hbm4b:s4+s16], $0x80, s22, s16, $0xb8;
	[tilespmem:$0x1E400] =	vst v63  }
0xd5: {  	_ = 	snop  }
0xd6: {  	[spmem:s2] =	stream.indirect.scatter.add.f32 [tilespmem:s21], [sflag:$0x5], $0x80, s19, s16, $0xb8;
	[tilespmem:$0x1E400] =	vst v63  }
0xd7: {  	_ =	swait.ge [sflag:s14], $0x2800  }
0xd8: {  	s8 =	rddreg [dreg:$0x6];
	[sflag:s14] =	ssyncset.done $0x0  }
0xd9: {  	[sflag:s14] =	ssyncadd.s32 $0xFFFFD800;
	s6 =	sadd.s32 s5, s8  }
0xda: {  	[tilespmem:s26], [sflag:$0x5] =	stream.linear.gather [hbm4b:s6+s3], $0x50, $0x38;
	[tilespmem:$0x1E400] =	vst v63  }
0xdb: {  	_ =	swait.ge [sflag:s14], $0x50  }
0xdc: {  	s9 =	rddreg [dreg:$0x5];
	[sflag:s14] =	ssyncset.done $0x0  }
0xdd: {  	s6 =	sadd.s32 s5, s9;
	[sflag:s14] =	ssyncadd.s32 $0xFFFFFFB0  }
0xde: {  	[tilespmem:s28], [sflag:$0x5] =	stream.linear.gather [hbm4b:s6+s3], $0x50, $0x38;
	[tilespmem:$0x1E400] =	vst v63  }
0xdf: {  	_ =	swait.ge [sflag:s14], $0x50  }
0xe0: {  	[sflag:s14] =	ssyncset.done $0x0  }
0xe1: {  	[sflag:s14] =	ssyncadd.s32 $0xFFFFFFB0  }
0xe2: {  	_ =	swait.ge [sflag:s29], $0x2800  }
0xe3: {  	[sflag:s29] =	ssyncset.done $0x0  }
0xe4: {  	[sflag:s29] =	ssyncadd.s32 $0xFFFFD800  }
0xe5: {  	[tilespmem:s30], [sflag:$0x4] =	stream.indirect.gather [hbm4b:s4+s16], $0x80, s26, s16, $0xb8;
	[tilespmem:$0x1E400] =	vst v63  }
0xe6: {  	_ = 	snop  }
0xe7: {  	[spmem:s2] =	stream.indirect.scatter.add.f32 [tilespmem:s25], [sflag:$0x5], $0x80, s23, s16, $0xb8;
	[tilespmem:$0x1E400] =	vst v63  }
0xe8: {  	_ =	swait.ge [sflag:s14], $0x2800  }
0xe9: {  	[sflag:s14] =	ssyncset.done $0x0  }
0xea: {  	[sflag:s14] =	ssyncadd.s32 $0xFFFFD800  }
0xeb: {  	_ =	swait.ge [sflag:s31], $0x2800  }
0xec: {  	[sflag:s31] =	ssyncset.done $0x0  }
0xed: {  	[sflag:s31] =	ssyncadd.s32 $0xFFFFD800  }
0xee: {  	[spmem:s2] =	stream.indirect.scatter.add.f32 [tilespmem:s30], [sflag:$0x5], $0x80, s28, s16, $0xb8;
	[tilespmem:$0x1E400] =	vst v63  }
0xef: {  	_ =	swait.ge [sflag:s14], $0x2800  }
0xf0: {  	[sflag:s14] =	ssyncset.done $0x0  }
0xf1: {  	s8 =	rddreg [dreg:$0xb];
	[sflag:s14] =	ssyncadd.s32 $0xFFFFD800  }
0xf2: {  	[tilespmem:s3], [sflag:$0x5] =	stream.linear.gather [hbm4b:s8+s3], $0x50, $0x38;
	[tilespmem:$0x1E400] =	vst v63  }
0xf3: {  	_ =	swait.ge [sflag:s14], $0x50  }
0xf4: {  	[sflag:s14] =	ssyncset.done $0x0  }
0xf5: {  	s9 =	rddreg [dreg:$0xc];
	[sflag:s14] =	ssyncadd.s32 $0xFFFFFFB0  }
0xf6: {  	[tilespmem:s15], [sflag:$0x5] =	stream.linear.gather [hbm4b:s9+s3], $0x50, $0x38;
	[tilespmem:$0x1E400] =	vst v63  }
0xf7: {  	_ =	swait.ge [sflag:s14], $0x50  }
0xf8: {  	[sflag:s14] =	ssyncset.done $0x0  }
0xf9: {  	[sflag:s14] =	ssyncadd.s32 $0xFFFFFFB0  }
0xfa: {  	[tilespmem:s17], [sflag:$0x1] =	stream.indirect.gather [hbm4b:s4+s16], $0x80, s3, s16, $0xb8;
	[tilespmem:$0x1E400] =	vst v63  }
0xfb: {  	_ =	swait.ge [sflag:s20], $0x2800  }
0xfc: {  	[sflag:s20] =	ssyncset.done $0x0  }
0xfd: {  	[sflag:s20] =	ssyncadd.s32 $0xFFFFD800  }
0xfe: {  	[spmem:s2] =	stream.indirect.scatter.add.f32 [tilespmem:s17], [sflag:$0x5], $0x80, s15, s16, $0xb8;
	[tilespmem:$0x1E400] =	vst v63  }
0xff: {  	_ =	swait.ge [sflag:s14], $0x2800  }
0x100: {  	s0 =	sadd.s32 $0x1, s0;
	[sflag:s14] =	ssyncset.done $0x0  }
0x101: {  	p0 =	sne.s32 s0, s11;
	[sflag:s14] =	ssyncadd.s32 $0xFFFFD800  }
.Ltmp1:
0x102: {  	[bflag:$0x0] =	sbarrier.arrive $0xFFFF;
	(pc) =	sbr.rel @p0 .LBB2_1-.Ltmp1, $4  }
0x103: {  	[hbm:s10], [sflag:s7] =	dma.local [spmem:s1], $0x2800  }
0x104: {  	_ =	swait.ge [sflag:s14], $0x2800  }
0x105: {  	[sflag:s14] =	ssyncset.done $0x0  }
0x106: {  	[sflag:s14] =	ssyncadd.s32 $0xFFFFD800  }
0x107: {  	_ =	sfence.sel $0x180000  }
0x108: {  	[bflag:$0x0] =	sbarrier.arrive $0xFFFF  }
0x109: {  	_ =	strace $0x90000053  }
0x10a: {  	s0 =	stileid.u32;
	[bflag:$0x2] =	sbarrier.arrive $0xFFFF  }
0x10b: {  	p0 =	sne.s32 s0, $0x0;
	s0 =	rddreg [dreg:$0x2]  }
0x10c: {  	s0 =	sadd.s32 @!p0 $0x100000, s0  }
0x10d: {  	[sflag:s0] =	ssyncadd.tile.s32 @!p0 $0x1;
	_ =	shalt  }
.Lfunc_end2:
_tile_overlayer_lowered:
.L_overlay_start_2:
0x10e: {  	(tag) =	ssettag $0x2  }
0x10f: {  	s0 =	rddreg [dreg:$0x0];
	s2 =	stileid.u32  }
0x110: {  	s1 =	rddreg [dreg:$0x1];
	p0 =	sne.s32 s2, $0x0  }
0x111: {  	s3 =	rddreg [dreg:$0x2];
	[bflag:$0x3] =	sbarrier.arrive $0xFFFF;
	s2 =	simm.s32 @!p0 $0x1C05  }
0x112: {  	[timem:s3], [sflag:s2] =	dma.local @!p0 [hbm:s0], s1  }
0x113: {  	s0 =	simm.s32 @!p0 $0x5  }
0x114: {  	_ =	swait.ge @!p0 [sflag:s0], s1  }
0x115: {  	s1 =	ssub.s32 @!p0 $0x0, s1;
	[sflag:s0] =	ssyncset.done @!p0 $0x0  }
0x116: {  	[sflag:s0] =	ssyncadd.s32 @!p0 s1  }
0x117: {  	[bflag:$0x3] =	sbarrier.arrive $0xFFFF  }
0x118: {  	_ =	shalt  }

</sc_bundles>
